<compile_context>
chip_gen: v7x
topology: tpu7x:2x2x1
jax: 0.10.2.dev20260603
libtpu: 0.0.44.dev20260713+nightly
codegen_flags: <defaults>
</compile_context>

<pallas_src>
import jax
import jax.numpy as jnp
from jax import lax
from jax.experimental import pallas as pl
from jax.experimental.pallas import tpu as pltpu
from jax.experimental.pallas import tpu_sc as plsc

N = 10000
E = 320000
D = 128
B = 128

NC = 2
NS = 16
DH = D // NC

CH = 128
EPT = 20480
E_PAD = NS * EPT
NCHUNK = EPT // CH
NBUF = 8
NPH = 2
CPP = NCHUNK // NPH
N_PAD = 10240
ZPT = N_PAD // NS


def _sc_agg_body(h_hbm, src_hbm, dst_hbm, out_hbm,
                 src_v, dst_v, rows, zbuf, agg_sh, gsems, ssems, zsem):
    cid = lax.axis_index("c")
    sid = lax.axis_index("s")

    with jax.named_scope("zero_stage"):
        ci = pltpu.async_copy(src_hbm.at[sid, pl.ds(0, CPP)], src_v,
                              gsems.at[0])
        cj = pltpu.async_copy(dst_hbm.at[sid, pl.ds(0, CPP)], dst_v,
                              gsems.at[1])
        def _zrow(i, carry):
            for j in range(DH // 16):
                zbuf[i, pl.ds(j * 16, 16)] = jnp.zeros((16,), jnp.float32)
            return carry
        lax.fori_loop(0, 32, _zrow, 0)
        zbase = sid * ZPT
        for r in range(ZPT // 32):
            pltpu.async_copy(zbuf, agg_sh.at[pl.ds(zbase + r * 32, 32)], zsem)
        ci.wait()
        cj.wait()
        for r in range(ZPT // 32):
            pltpu.make_async_copy(
                zbuf, agg_sh.at[pl.ds(zbase + r * 32, 32)], zsem).wait()
        plsc.subcore_barrier()

    htab = h_hbm.at[cid]

    with jax.named_scope("edges"):
        for p in range(NPH):
            if p > 0:
                pltpu.sync_copy(src_hbm.at[sid, pl.ds(p * CPP, CPP)], src_v)
                pltpu.sync_copy(dst_hbm.at[sid, pl.ds(p * CPP, CPP)], dst_v)

            def _group(q, carry):
                j = NBUF * q
                for b in range(NBUF):
                    @pl.when(q > 0)
                    def _drain():
                        pltpu.make_async_copy(
                            rows.at[b], agg_sh.at[dst_v.at[j + b]],
                            ssems.at[b]).wait()
                    pltpu.async_copy(htab.at[src_v.at[j + b]], rows.at[b],
                                     gsems.at[b])
                for b in range(NBUF):
                    pltpu.make_async_copy(
                        htab.at[src_v.at[j + b]], rows.at[b],
                        gsems.at[b]).wait()
                    pltpu.async_copy(rows.at[b], agg_sh.at[dst_v.at[j + b]],
                                     ssems.at[b], add=True)
                return carry
            lax.fori_loop(0, CPP // NBUF, _group, 0)
            for b in range(NBUF):
                pltpu.make_async_copy(
                    rows.at[b], agg_sh.at[dst_v.at[CPP - NBUF + b]],
                    ssems.at[b]).wait()

    plsc.subcore_barrier()
    with jax.named_scope("copyout"):
        obase = sid * ZPT
        pltpu.sync_copy(agg_sh.at[pl.ds(obase, ZPT)],
                        out_hbm.at[cid, pl.ds(obase, ZPT)])


@jax.jit
def _sc_agg(h_split, src_p, dst_p):
    mesh = plsc.VectorSubcoreMesh(core_axis_name="c", subcore_axis_name="s")
    f = pl.kernel(
        _sc_agg_body,
        out_type=jax.ShapeDtypeStruct((NC, N_PAD, DH), jnp.float32),
        mesh=mesh,
        compiler_params=pltpu.CompilerParams(use_tc_tiling_on_sc=False),
        scratch_types=[
            pltpu.VMEM((CPP, CH), jnp.int32),
            pltpu.VMEM((CPP, CH), jnp.int32),
            pltpu.VMEM((NBUF, CH, DH), jnp.float32),
            pltpu.VMEM((32, DH), jnp.float32),
            pltpu.VMEM_SHARED((N_PAD, DH), jnp.float32),
            pltpu.SemaphoreType.DMA((NBUF,)),
            pltpu.SemaphoreType.DMA((NBUF,)),
            pltpu.SemaphoreType.DMA,
        ],
    )
    return f(h_split, src_p, dst_p)


def _dense(p_ref, W_ref, b_ref, g_ref, be_ref):
    s = jnp.concatenate([p_ref[0, :N, :], p_ref[1, :N, :]], axis=1)
    z = jnp.dot(s, W_ref[...], preferred_element_type=jnp.float32) + b_ref[...]
    mu = jnp.mean(z, axis=0, keepdims=True)
    zc = z - mu
    var = jnp.mean(zc * zc, axis=0, keepdims=True)
    y = g_ref[...] * zc * lax.rsqrt(var + 1e-5) + be_ref[...]
    return jnp.maximum(y, 0.0)


def _split_rows(y, out_ref):
    zpad = jnp.zeros((N_PAD - N, DH), jnp.float32)
    for c in range(NC):
        out_ref[c, :N, :] = y[:, c * DH:(c + 1) * DH]
        out_ref[c, N:, :] = zpad


def _tc_dense_body(p_ref, W_ref, b_ref, g_ref, be_ref, out_ref):
    _split_rows(_dense(p_ref, W_ref, b_ref, g_ref, be_ref), out_ref)


def _tc_dense_pool_body(p_ref, W_ref, b_ref, g_ref, be_ref, batch_ref, out_ref):
    y = _dense(p_ref, W_ref, b_ref, g_ref, be_ref)
    onehot = (batch_ref[...] == lax.broadcasted_iota(jnp.int32, (1, B), 1))
    onehot = onehot.astype(jnp.float32)
    out_ref[...] = lax.dot_general(onehot, y, (((0,), (0,)), ((), ())),
                                   preferred_element_type=jnp.float32)


@jax.jit
def _tc_dense(p, W, b, g, be):
    return pl.pallas_call(
        _tc_dense_body,
        out_shape=jax.ShapeDtypeStruct((NC, N_PAD, DH), jnp.float32),
    )(p, W, b, g, be)


@jax.jit
def _tc_dense_pool(p, W, b, g, be, batch2d):
    return pl.pallas_call(
        _tc_dense_pool_body,
        out_shape=jax.ShapeDtypeStruct((B, D), jnp.float32),
    )(p, W, b, g, be, batch2d)


def kernel(x, edge_index, batch, W1, b1, g1, be1, W2, b2, g2, be2):
    src = edge_index[0]
    dst = edge_index[1]
    pad = E_PAD - E
    src_p = jnp.concatenate(
        [src, jnp.zeros((pad,), jnp.int32)]).reshape(NS, NCHUNK, CH)
    dst_p = jnp.concatenate(
        [dst, jnp.full((pad,), N, jnp.int32)]).reshape(NS, NCHUNK, CH)

    b1r, g1r, be1r = b1.reshape(1, D), g1.reshape(1, D), be1.reshape(1, D)
    b2r, g2r, be2r = b2.reshape(1, D), g2.reshape(1, D), be2.reshape(1, D)
    batch2d = batch.reshape(N, 1)

    x_split = jnp.concatenate(
        [x, jnp.zeros((N_PAD - N, D), jnp.float32)]
    ).reshape(N_PAD, NC, DH).transpose(1, 0, 2)
    p1 = _sc_agg(x_split, src_p, dst_p)
    h1 = _tc_dense(p1, W1, b1r, g1r, be1r)
    p2 = _sc_agg(h1, src_p, dst_p)
    pooled = _tc_dense_pool(p2, W2, b2r, g2r, be2r, batch2d)
    return (pooled, pooled)

# --- scband reference (transcript-rebuilt; emitter-appended) ---
"""Pipeline reference for scband-gnn-model-6047313953045 (READ-ONLY COPY).

The authoritative reference and input builder live on the scoring server;
editing this copy changes nothing except your own understanding.
"""

import jax, jax.numpy as jnp
import numpy as np

N = 10000   # nodes
E = 320000  # edges
D = 128     # input feature dim
H = 128     # hidden dim
B = 128     # graphs in batch

def setup_inputs(seed: int = 0):
    key = jax.random.key(seed)
    ks = jax.random.split(key, 12)
    x = jax.random.normal(ks[0], (N, D), dtype=jnp.float32)
    edge_index = jax.random.randint(ks[1], (2, E), 0, N, dtype=jnp.int32)
    batch = jnp.sort(jax.random.randint(ks[2], (N,), 0, B, dtype=jnp.int32))
    s1 = 1.0 / np.sqrt(D)
    s2 = 1.0 / np.sqrt(H)
    W1 = jax.random.normal(ks[3], (D, H), dtype=jnp.float32) * s1
    b1 = jnp.zeros((H,), dtype=jnp.float32)
    g1 = jnp.ones((H,), dtype=jnp.float32)
    be1 = jnp.zeros((H,), dtype=jnp.float32)
    W2 = jax.random.normal(ks[4], (H, H), dtype=jnp.float32) * s2
    b2 = jnp.zeros((H,), dtype=jnp.float32)
    g2 = jnp.ones((H,), dtype=jnp.float32)
    be2 = jnp.zeros((H,), dtype=jnp.float32)
    return {"x": x, "edge_index": edge_index, "batch": batch,
            "W1": W1, "b1": b1, "g1": g1, "be1": be1,
            "W2": W2, "b2": b2, "g2": g2, "be2": be2}

def reference(x, edge_index, batch, W1, b1, g1, be1, W2, b2, g2, be2):
    src = edge_index[0]
    dst = edge_index[1]

    def gcn_sum(h, W, b):
        # gather source node features, sum-aggregate into destination nodes, then linear
        msg = jnp.take(h, src, axis=0)
        agg = jax.ops.segment_sum(msg, dst, num_segments=N)
        return agg @ W + b

    def batchnorm(h, g, be):
        mu = jnp.mean(h, axis=0)
        var = jnp.var(h, axis=0)
        return g * (h - mu) / jnp.sqrt(var + 1e-5) + be

    # identical augmentations -> both branches compute the same encoder
    h = x
    h = jax.nn.relu(batchnorm(gcn_sum(h, W1, b1), g1, be1))
    h = jax.nn.relu(batchnorm(gcn_sum(h, W2, b2), g2, be2))
    pooled = jax.ops.segment_sum(h, batch, num_segments=B)
    return (pooled, pooled)

if __name__ == "__main__":
    import jax
    _d = setup_inputs()
    print(jax.jit(kernel)(*tuple(_d.values())))

</pallas_src>

<mosaic_0001>
#map = affine_map<(d0, d1) -> (0, 0, 0)>
module attributes {stable_mosaic.version = 14 : i64} {
  func.func @_sc_agg_body(%arg0: i32, %arg1: i32, %arg2: memref<2x10240x64xf32, #tpu.memory_space<hbm>>, %arg3: memref<16x160x128xi32, #tpu.memory_space<hbm>>, %arg4: memref<16x160x128xi32, #tpu.memory_space<hbm>>, %arg5: memref<2x10240x64xf32, #tpu.memory_space<hbm>>, %arg6: memref<80x128xi32, #tpu.memory_space<vmem>>, %arg7: memref<80x128xi32, #tpu.memory_space<vmem>>, %arg8: memref<8x128x64xf32, #tpu.memory_space<vmem>>, %arg9: memref<32x64xf32, #tpu.memory_space<vmem>>, %arg10: memref<10240x64xf32, #tpu.memory_space<vmem_shared>>, %arg11: memref<8x!tpu.dma_semaphore, #tpu.memory_space<semaphore_mem>>, %arg12: memref<8x!tpu.dma_semaphore, #tpu.memory_space<semaphore_mem>>, %arg13: memref<!tpu.dma_semaphore, #tpu.memory_space<semaphore_mem>>) attributes {dimension_semantics = [#tpu.dimension_semantics<core_parallel>, #tpu.dimension_semantics<subcore_parallel>], iteration_bounds = array<i64: 2, 16>, scalar_prefetch = 0 : i64, scratch_operands = 8 : i64, tpu.core_type = #tpu.core_type<sc_vector_subcore>, window_params = [{transform_indices = #map}, {transform_indices = #map}, {transform_indices = #map}, {transform_indices = #map}]} {
    %dma_start3A = arith.constant 0 : i32
    "tpu.trace_start"() <{level = 10 : i32, message = "zero_stage"}> : () -> ()
    %dma_start3A_0 = arith.constant 0 : i32
    %dma_start3A_1 = arith.constant 0 : i32
    %dma_start3A_2 = tpu.memref_slice %arg3[%arg1, %dma_start3A_0, %dma_start3A_1] : memref<16x160x128xi32, #tpu.memory_space<hbm>> -> memref<1x80x128xi32, #tpu.memory_space<hbm>>
    %dma_start3A_3 = tpu.memref_squeeze %dma_start3A_2 : memref<1x80x128xi32, #tpu.memory_space<hbm>> -> memref<80x128xi32, #tpu.memory_space<hbm>>
    %dma_start3A_4 = tpu.memref_slice %arg11[%dma_start3A] : memref<8x!tpu.dma_semaphore, #tpu.memory_space<semaphore_mem>> -> memref<1x!tpu.dma_semaphore, #tpu.memory_space<semaphore_mem>>
    %dma_start3A_5 = tpu.memref_squeeze %dma_start3A_4 : memref<1x!tpu.dma_semaphore, #tpu.memory_space<semaphore_mem>> -> memref<!tpu.dma_semaphore, #tpu.memory_space<semaphore_mem>>
    %dma_start3A_6 = arith.constant 0 : i32
    %dma_start3A_7 = arith.constant 0 : i32
    %dma_start3A_8 = tpu.memref_slice %arg3[%arg1, %dma_start3A_6, %dma_start3A_7] : memref<16x160x128xi32, #tpu.memory_space<hbm>> -> memref<1x80x128xi32, #tpu.memory_space<hbm>>
    %dma_start3A_9 = tpu.memref_squeeze %dma_start3A_8 : memref<1x80x128xi32, #tpu.memory_space<hbm>> -> memref<80x128xi32, #tpu.memory_space<hbm>>
    tpu.enqueue_dma source(%dma_start3A_9 : memref<80x128xi32, #tpu.memory_space<hbm>>) target(%arg6 : memref<80x128xi32, #tpu.memory_space<vmem>>) target_semaphore(%dma_start3A_5 : memref<!tpu.dma_semaphore, #tpu.memory_space<semaphore_mem>>)
    %dma_start3A_10 = arith.constant 1 : i32
    %dma_start3A_11 = arith.constant 0 : i32
    %dma_start3A_12 = arith.constant 0 : i32
    %dma_start3A_13 = tpu.memref_slice %arg4[%arg1, %dma_start3A_11, %dma_start3A_12] : memref<16x160x128xi32, #tpu.memory_space<hbm>> -> memref<1x80x128xi32, #tpu.memory_space<hbm>>
    %dma_start3A_14 = tpu.memref_squeeze %dma_start3A_13 : memref<1x80x128xi32, #tpu.memory_space<hbm>> -> memref<80x128xi32, #tpu.memory_space<hbm>>
    %dma_start3A_15 = tpu.memref_slice %arg11[%dma_start3A_10] : memref<8x!tpu.dma_semaphore, #tpu.memory_space<semaphore_mem>> -> memref<1x!tpu.dma_semaphore, #tpu.memory_space<semaphore_mem>>
    %dma_start3A_16 = tpu.memref_squeeze %dma_start3A_15 : memref<1x!tpu.dma_semaphore, #tpu.memory_space<semaphore_mem>> -> memref<!tpu.dma_semaphore, #tpu.memory_space<semaphore_mem>>
    %dma_start3A_17 = arith.constant 0 : i32
    %dma_start3A_18 = arith.constant 0 : i32
    %dma_start3A_19 = tpu.memref_slice %arg4[%arg1, %dma_start3A_17, %dma_start3A_18] : memref<16x160x128xi32, #tpu.memory_space<hbm>> -> memref<1x80x128xi32, #tpu.memory_space<hbm>>
    %dma_start3A_20 = tpu.memref_squeeze %dma_start3A_19 : memref<1x80x128xi32, #tpu.memory_space<hbm>> -> memref<80x128xi32, #tpu.memory_space<hbm>>
    tpu.enqueue_dma source(%dma_start3A_20 : memref<80x128xi32, #tpu.memory_space<hbm>>) target(%arg7 : memref<80x128xi32, #tpu.memory_space<vmem>>) target_semaphore(%dma_start3A_16 : memref<!tpu.dma_semaphore, #tpu.memory_space<semaphore_mem>>)
    %scan3A = arith.constant 0 : i32
    %scan3A_21 = arith.constant 0 : i32
    %scan3A_22 = arith.constant 32 : i32
    %scan3A_23 = arith.addi %scan3A_21, %scan3A_22 : i32
    %scan3A_24 = arith.constant 1 : i32
    scf.for %scan3A_542 = %scan3A_21 to %scan3A_23 step %scan3A_24  : i32 {
      %broadcast_in_dim3A = arith.constant 0.000000e+00 : f32
      %broadcast_in_dim3A_543 = vector.broadcast %broadcast_in_dim3A : f32 to vector<16xf32>
      %swap3A = arith.index_cast %scan3A_542 : i32 to index
      %swap3A_544 = arith.constant 0 : index
      %swap3A_545 = tpu.vector_load %arg9[%swap3A, %swap3A_544] {strides = array<i32>} : memref<32x64xf32, #tpu.memory_space<vmem>>, vector<1x16xf32>,
      %swap3A_546 = vector.shape_cast %swap3A_545 : vector<1x16xf32> to vector<16xf32>
      %swap3A_547 = vector.shape_cast %broadcast_in_dim3A_543 : vector<16xf32> to vector<1x16xf32>
      tpu.vector_store %arg9[%swap3A, %swap3A_544], %swap3A_547 {strides = array<i32>} : memref<32x64xf32, #tpu.memory_space<vmem>>, vector<1x16xf32>,
      %broadcast_in_dim3A_548 = arith.constant 0.000000e+00 : f32
      %broadcast_in_dim3A_549 = vector.broadcast %broadcast_in_dim3A_548 : f32 to vector<16xf32>
      %swap3A_550 = arith.index_cast %scan3A_542 : i32 to index
      %swap3A_551 = arith.constant 16 : index
      %swap3A_552 = tpu.vector_load %arg9[%swap3A_550, %swap3A_551] {strides = array<i32>} : memref<32x64xf32, #tpu.memory_space<vmem>>, vector<1x16xf32>,
      %swap3A_553 = vector.shape_cast %swap3A_552 : vector<1x16xf32> to vector<16xf32>
      %swap3A_554 = vector.shape_cast %broadcast_in_dim3A_549 : vector<16xf32> to vector<1x16xf32>
      tpu.vector_store %arg9[%swap3A_550, %swap3A_551], %swap3A_554 {strides = array<i32>} : memref<32x64xf32, #tpu.memory_space<vmem>>, vector<1x16xf32>,
      %broadcast_in_dim3A_555 = arith.constant 0.000000e+00 : f32
      %broadcast_in_dim3A_556 = vector.broadcast %broadcast_in_dim3A_555 : f32 to vector<16xf32>
      %swap3A_557 = arith.index_cast %scan3A_542 : i32 to index
      %swap3A_558 = arith.constant 32 : index
      %swap3A_559 = tpu.vector_load %arg9[%swap3A_557, %swap3A_558] {strides = array<i32>} : memref<32x64xf32, #tpu.memory_space<vmem>>, vector<1x16xf32>,
      %swap3A_560 = vector.shape_cast %swap3A_559 : vector<1x16xf32> to vector<16xf32>
      %swap3A_561 = vector.shape_cast %broadcast_in_dim3A_556 : vector<16xf32> to vector<1x16xf32>
      tpu.vector_store %arg9[%swap3A_557, %swap3A_558], %swap3A_561 {strides = array<i32>} : memref<32x64xf32, #tpu.memory_space<vmem>>, vector<1x16xf32>,
      %broadcast_in_dim3A_562 = arith.constant 0.000000e+00 : f32
      %broadcast_in_dim3A_563 = vector.broadcast %broadcast_in_dim3A_562 : f32 to vector<16xf32>
      %swap3A_564 = arith.index_cast %scan3A_542 : i32 to index
      %swap3A_565 = arith.constant 48 : index
      %swap3A_566 = tpu.vector_load %arg9[%swap3A_564, %swap3A_565] {strides = array<i32>} : memref<32x64xf32, #tpu.memory_space<vmem>>, vector<1x16xf32>,
      %swap3A_567 = vector.shape_cast %swap3A_566 : vector<1x16xf32> to vector<16xf32>
      %swap3A_568 = vector.shape_cast %broadcast_in_dim3A_563 : vector<16xf32> to vector<1x16xf32>
      tpu.vector_store %arg9[%swap3A_564, %swap3A_565], %swap3A_568 {strides = array<i32>} : memref<32x64xf32, #tpu.memory_space<vmem>>, vector<1x16xf32>,
    }
    %scan3A_25 = arith.constant 32 : i32
    %mul3A = arith.constant 640 : i32
    %mul3A_26 = arith.muli %arg1, %mul3A : i32
    %add3A = arith.constant 0 : i32
    %add3A_27 = arith.addi %mul3A_26, %add3A : i32
    %dma_start3A_28 = arith.constant 0 : i32
    %dma_start3A_29 = tpu.memref_slice %arg10[%add3A_27, %dma_start3A_28] : memref<10240x64xf32, #tpu.memory_space<vmem_shared>> -> memref<32x64xf32, #tpu.memory_space<vmem_shared>>
    %dma_start3A_30 = arith.constant 0 : i32
    %dma_start3A_31 = tpu.memref_slice %arg10[%add3A_27, %dma_start3A_30] : memref<10240x64xf32, #tpu.memory_space<vmem_shared>> -> memref<32x64xf32, #tpu.memory_space<vmem_shared>>
    tpu.enqueue_dma source(%arg9 : memref<32x64xf32, #tpu.memory_space<vmem>>) target(%dma_start3A_31 : memref<32x64xf32, #tpu.memory_space<vmem_shared>>) target_semaphore(%arg13 : memref<!tpu.dma_semaphore, #tpu.memory_space<semaphore_mem>>)
    %add3A_32 = arith.constant 32 : i32
    %add3A_33 = arith.addi %mul3A_26, %add3A_32 : i32
    %dma_start3A_34 = arith.constant 0 : i32
    %dma_start3A_35 = tpu.memref_slice %arg10[%add3A_33, %dma_start3A_34] : memref<10240x64xf32, #tpu.memory_space<vmem_shared>> -> memref<32x64xf32, #tpu.memory_space<vmem_shared>>
    %dma_start3A_36 = arith.constant 0 : i32
    %dma_start3A_37 = tpu.memref_slice %arg10[%add3A_33, %dma_start3A_36] : memref<10240x64xf32, #tpu.memory_space<vmem_shared>> -> memref<32x64xf32, #tpu.memory_space<vmem_shared>>
    tpu.enqueue_dma source(%arg9 : memref<32x64xf32, #tpu.memory_space<vmem>>) target(%dma_start3A_37 : memref<32x64xf32, #tpu.memory_space<vmem_shared>>) target_semaphore(%arg13 : memref<!tpu.dma_semaphore, #tpu.memory_space<semaphore_mem>>)
    %add3A_38 = arith.constant 64 : i32
    %add3A_39 = arith.addi %mul3A_26, %add3A_38 : i32
    %dma_start3A_40 = arith.constant 0 : i32
    %dma_start3A_41 = tpu.memref_slice %arg10[%add3A_39, %dma_start3A_40] : memref<10240x64xf32, #tpu.memory_space<vmem_shared>> -> memref<32x64xf32, #tpu.memory_space<vmem_shared>>
    %dma_start3A_42 = arith.constant 0 : i32
    %dma_start3A_43 = tpu.memref_slice %arg10[%add3A_39, %dma_start3A_42] : memref<10240x64xf32, #tpu.memory_space<vmem_shared>> -> memref<32x64xf32, #tpu.memory_space<vmem_shared>>
    tpu.enqueue_dma source(%arg9 : memref<32x64xf32, #tpu.memory_space<vmem>>) target(%dma_start3A_43 : memref<32x64xf32, #tpu.memory_space<vmem_shared>>) target_semaphore(%arg13 : memref<!tpu.dma_semaphore, #tpu.memory_space<semaphore_mem>>)
    %add3A_44 = arith.constant 96 : i32
    %add3A_45 = arith.addi %mul3A_26, %add3A_44 : i32
    %dma_start3A_46 = arith.constant 0 : i32
    %dma_start3A_47 = tpu.memref_slice %arg10[%add3A_45, %dma_start3A_46] : memref<10240x64xf32, #tpu.memory_space<vmem_shared>> -> memref<32x64xf32, #tpu.memory_space<vmem_shared>>
    %dma_start3A_48 = arith.constant 0 : i32
    %dma_start3A_49 = tpu.memref_slice %arg10[%add3A_45, %dma_start3A_48] : memref<10240x64xf32, #tpu.memory_space<vmem_shared>> -> memref<32x64xf32, #tpu.memory_space<vmem_shared>>
    tpu.enqueue_dma source(%arg9 : memref<32x64xf32, #tpu.memory_space<vmem>>) target(%dma_start3A_49 : memref<32x64xf32, #tpu.memory_space<vmem_shared>>) target_semaphore(%arg13 : memref<!tpu.dma_semaphore, #tpu.memory_space<semaphore_mem>>)
    %add3A_50 = arith.constant 128 : i32
    %add3A_51 = arith.addi %mul3A_26, %add3A_50 : i32
    %dma_start3A_52 = arith.constant 0 : i32
    %dma_start3A_53 = tpu.memref_slice %arg10[%add3A_51, %dma_start3A_52] : memref<10240x64xf32, #tpu.memory_space<vmem_shared>> -> memref<32x64xf32, #tpu.memory_space<vmem_shared>>
    %dma_start3A_54 = arith.constant 0 : i32
    %dma_start3A_55 = tpu.memref_slice %arg10[%add3A_51, %dma_start3A_54] : memref<10240x64xf32, #tpu.memory_space<vmem_shared>> -> memref<32x64xf32, #tpu.memory_space<vmem_shared>>
    tpu.enqueue_dma source(%arg9 : memref<32x64xf32, #tpu.memory_space<vmem>>) target(%dma_start3A_55 : memref<32x64xf32, #tpu.memory_space<vmem_shared>>) target_semaphore(%arg13 : memref<!tpu.dma_semaphore, #tpu.memory_space<semaphore_mem>>)
    %add3A_56 = arith.constant 160 : i32
    %add3A_57 = arith.addi %mul3A_26, %add3A_56 : i32
    %dma_start3A_58 = arith.constant 0 : i32
    %dma_start3A_59 = tpu.memref_slice %arg10[%add3A_57, %dma_start3A_58] : memref<10240x64xf32, #tpu.memory_space<vmem_shared>> -> memref<32x64xf32, #tpu.memory_space<vmem_shared>>
    %dma_start3A_60 = arith.constant 0 : i32
    %dma_start3A_61 = tpu.memref_slice %arg10[%add3A_57, %dma_start3A_60] : memref<10240x64xf32, #tpu.memory_space<vmem_shared>> -> memref<32x64xf32, #tpu.memory_space<vmem_shared>>
    tpu.enqueue_dma source(%arg9 : memref<32x64xf32, #tpu.memory_space<vmem>>) target(%dma_start3A_61 : memref<32x64xf32, #tpu.memory_space<vmem_shared>>) target_semaphore(%arg13 : memref<!tpu.dma_semaphore, #tpu.memory_space<semaphore_mem>>)
    %add3A_62 = arith.constant 192 : i32
    %add3A_63 = arith.addi %mul3A_26, %add3A_62 : i32
    %dma_start3A_64 = arith.constant 0 : i32
    %dma_start3A_65 = tpu.memref_slice %arg10[%add3A_63, %dma_start3A_64] : memref<10240x64xf32, #tpu.memory_space<vmem_shared>> -> memref<32x64xf32, #tpu.memory_space<vmem_shared>>
    %dma_start3A_66 = arith.constant 0 : i32
    %dma_start3A_67 = tpu.memref_slice %arg10[%add3A_63, %dma_start3A_66] : memref<10240x64xf32, #tpu.memory_space<vmem_shared>> -> memref<32x64xf32, #tpu.memory_space<vmem_shared>>
    tpu.enqueue_dma source(%arg9 : memref<32x64xf32, #tpu.memory_space<vmem>>) target(%dma_start3A_67 : memref<32x64xf32, #tpu.memory_space<vmem_shared>>) target_semaphore(%arg13 : memref<!tpu.dma_semaphore, #tpu.memory_space<semaphore_mem>>)
    %add3A_68 = arith.constant 224 : i32
    %add3A_69 = arith.addi %mul3A_26, %add3A_68 : i32
    %dma_start3A_70 = arith.constant 0 : i32
    %dma_start3A_71 = tpu.memref_slice %arg10[%add3A_69, %dma_start3A_70] : memref<10240x64xf32, #tpu.memory_space<vmem_shared>> -> memref<32x64xf32, #tpu.memory_space<vmem_shared>>
    %dma_start3A_72 = arith.constant 0 : i32
    %dma_start3A_73 = tpu.memref_slice %arg10[%add3A_69, %dma_start3A_72] : memref<10240x64xf32, #tpu.memory_space<vmem_shared>> -> memref<32x64xf32, #tpu.memory_space<vmem_shared>>
    tpu.enqueue_dma source(%arg9 : memref<32x64xf32, #tpu.memory_space<vmem>>) target(%dma_start3A_73 : memref<32x64xf32, #tpu.memory_space<vmem_shared>>) target_semaphore(%arg13 : memref<!tpu.dma_semaphore, #tpu.memory_space<semaphore_mem>>)
    %add3A_74 = arith.constant 256 : i32
    %add3A_75 = arith.addi %mul3A_26, %add3A_74 : i32
    %dma_start3A_76 = arith.constant 0 : i32
    %dma_start3A_77 = tpu.memref_slice %arg10[%add3A_75, %dma_start3A_76] : memref<10240x64xf32, #tpu.memory_space<vmem_shared>> -> memref<32x64xf32, #tpu.memory_space<vmem_shared>>
    %dma_start3A_78 = arith.constant 0 : i32
    %dma_start3A_79 = tpu.memref_slice %arg10[%add3A_75, %dma_start3A_78] : memref<10240x64xf32, #tpu.memory_space<vmem_shared>> -> memref<32x64xf32, #tpu.memory_space<vmem_shared>>
    tpu.enqueue_dma source(%arg9 : memref<32x64xf32, #tpu.memory_space<vmem>>) target(%dma_start3A_79 : memref<32x64xf32, #tpu.memory_space<vmem_shared>>) target_semaphore(%arg13 : memref<!tpu.dma_semaphore, #tpu.memory_space<semaphore_mem>>)
    %add3A_80 = arith.constant 288 : i32
    %add3A_81 = arith.addi %mul3A_26, %add3A_80 : i32
    %dma_start3A_82 = arith.constant 0 : i32
    %dma_start3A_83 = tpu.memref_slice %arg10[%add3A_81, %dma_start3A_82] : memref<10240x64xf32, #tpu.memory_space<vmem_shared>> -> memref<32x64xf32, #tpu.memory_space<vmem_shared>>
    %dma_start3A_84 = arith.constant 0 : i32
    %dma_start3A_85 = tpu.memref_slice %arg10[%add3A_81, %dma_start3A_84] : memref<10240x64xf32, #tpu.memory_space<vmem_shared>> -> memref<32x64xf32, #tpu.memory_space<vmem_shared>>
    tpu.enqueue_dma source(%arg9 : memref<32x64xf32, #tpu.memory_space<vmem>>) target(%dma_start3A_85 : memref<32x64xf32, #tpu.memory_space<vmem_shared>>) target_semaphore(%arg13 : memref<!tpu.dma_semaphore, #tpu.memory_space<semaphore_mem>>)
    %add3A_86 = arith.constant 320 : i32
    %add3A_87 = arith.addi %mul3A_26, %add3A_86 : i32
    %dma_start3A_88 = arith.constant 0 : i32
    %dma_start3A_89 = tpu.memref_slice %arg10[%add3A_87, %dma_start3A_88] : memref<10240x64xf32, #tpu.memory_space<vmem_shared>> -> memref<32x64xf32, #tpu.memory_space<vmem_shared>>
    %dma_start3A_90 = arith.constant 0 : i32
    %dma_start3A_91 = tpu.memref_slice %arg10[%add3A_87, %dma_start3A_90] : memref<10240x64xf32, #tpu.memory_space<vmem_shared>> -> memref<32x64xf32, #tpu.memory_space<vmem_shared>>
    tpu.enqueue_dma source(%arg9 : memref<32x64xf32, #tpu.memory_space<vmem>>) target(%dma_start3A_91 : memref<32x64xf32, #tpu.memory_space<vmem_shared>>) target_semaphore(%arg13 : memref<!tpu.dma_semaphore, #tpu.memory_space<semaphore_mem>>)
    %add3A_92 = arith.constant 352 : i32
    %add3A_93 = arith.addi %mul3A_26, %add3A_92 : i32
    %dma_start3A_94 = arith.constant 0 : i32
    %dma_start3A_95 = tpu.memref_slice %arg10[%add3A_93, %dma_start3A_94] : memref<10240x64xf32, #tpu.memory_space<vmem_shared>> -> memref<32x64xf32, #tpu.memory_space<vmem_shared>>
    %dma_start3A_96 = arith.constant 0 : i32
    %dma_start3A_97 = tpu.memref_slice %arg10[%add3A_93, %dma_start3A_96] : memref<10240x64xf32, #tpu.memory_space<vmem_shared>> -> memref<32x64xf32, #tpu.memory_space<vmem_shared>>
    tpu.enqueue_dma source(%arg9 : memref<32x64xf32, #tpu.memory_space<vmem>>) target(%dma_start3A_97 : memref<32x64xf32, #tpu.memory_space<vmem_shared>>) target_semaphore(%arg13 : memref<!tpu.dma_semaphore, #tpu.memory_space<semaphore_mem>>)
    %add3A_98 = arith.constant 384 : i32
    %add3A_99 = arith.addi %mul3A_26, %add3A_98 : i32
    %dma_start3A_100 = arith.constant 0 : i32
    %dma_start3A_101 = tpu.memref_slice %arg10[%add3A_99, %dma_start3A_100] : memref<10240x64xf32, #tpu.memory_space<vmem_shared>> -> memref<32x64xf32, #tpu.memory_space<vmem_shared>>
    %dma_start3A_102 = arith.constant 0 : i32
    %dma_start3A_103 = tpu.memref_slice %arg10[%add3A_99, %dma_start3A_102] : memref<10240x64xf32, #tpu.memory_space<vmem_shared>> -> memref<32x64xf32, #tpu.memory_space<vmem_shared>>
    tpu.enqueue_dma source(%arg9 : memref<32x64xf32, #tpu.memory_space<vmem>>) target(%dma_start3A_103 : memref<32x64xf32, #tpu.memory_space<vmem_shared>>) target_semaphore(%arg13 : memref<!tpu.dma_semaphore, #tpu.memory_space<semaphore_mem>>)
    %add3A_104 = arith.constant 416 : i32
    %add3A_105 = arith.addi %mul3A_26, %add3A_104 : i32
    %dma_start3A_106 = arith.constant 0 : i32
    %dma_start3A_107 = tpu.memref_slice %arg10[%add3A_105, %dma_start3A_106] : memref<10240x64xf32, #tpu.memory_space<vmem_shared>> -> memref<32x64xf32, #tpu.memory_space<vmem_shared>>
    %dma_start3A_108 = arith.constant 0 : i32
    %dma_start3A_109 = tpu.memref_slice %arg10[%add3A_105, %dma_start3A_108] : memref<10240x64xf32, #tpu.memory_space<vmem_shared>> -> memref<32x64xf32, #tpu.memory_space<vmem_shared>>
    tpu.enqueue_dma source(%arg9 : memref<32x64xf32, #tpu.memory_space<vmem>>) target(%dma_start3A_109 : memref<32x64xf32, #tpu.memory_space<vmem_shared>>) target_semaphore(%arg13 : memref<!tpu.dma_semaphore, #tpu.memory_space<semaphore_mem>>)
    %add3A_110 = arith.constant 448 : i32
    %add3A_111 = arith.addi %mul3A_26, %add3A_110 : i32
    %dma_start3A_112 = arith.constant 0 : i32
    %dma_start3A_113 = tpu.memref_slice %arg10[%add3A_111, %dma_start3A_112] : memref<10240x64xf32, #tpu.memory_space<vmem_shared>> -> memref<32x64xf32, #tpu.memory_space<vmem_shared>>
    %dma_start3A_114 = arith.constant 0 : i32
    %dma_start3A_115 = tpu.memref_slice %arg10[%add3A_111, %dma_start3A_114] : memref<10240x64xf32, #tpu.memory_space<vmem_shared>> -> memref<32x64xf32, #tpu.memory_space<vmem_shared>>
    tpu.enqueue_dma source(%arg9 : memref<32x64xf32, #tpu.memory_space<vmem>>) target(%dma_start3A_115 : memref<32x64xf32, #tpu.memory_space<vmem_shared>>) target_semaphore(%arg13 : memref<!tpu.dma_semaphore, #tpu.memory_space<semaphore_mem>>)
    %add3A_116 = arith.constant 480 : i32
    %add3A_117 = arith.addi %mul3A_26, %add3A_116 : i32
    %dma_start3A_118 = arith.constant 0 : i32
    %dma_start3A_119 = tpu.memref_slice %arg10[%add3A_117, %dma_start3A_118] : memref<10240x64xf32, #tpu.memory_space<vmem_shared>> -> memref<32x64xf32, #tpu.memory_space<vmem_shared>>
    %dma_start3A_120 = arith.constant 0 : i32
    %dma_start3A_121 = tpu.memref_slice %arg10[%add3A_117, %dma_start3A_120] : memref<10240x64xf32, #tpu.memory_space<vmem_shared>> -> memref<32x64xf32, #tpu.memory_space<vmem_shared>>
    tpu.enqueue_dma source(%arg9 : memref<32x64xf32, #tpu.memory_space<vmem>>) target(%dma_start3A_121 : memref<32x64xf32, #tpu.memory_space<vmem_shared>>) target_semaphore(%arg13 : memref<!tpu.dma_semaphore, #tpu.memory_space<semaphore_mem>>)
    %add3A_122 = arith.constant 512 : i32
    %add3A_123 = arith.addi %mul3A_26, %add3A_122 : i32
    %dma_start3A_124 = arith.constant 0 : i32
    %dma_start3A_125 = tpu.memref_slice %arg10[%add3A_123, %dma_start3A_124] : memref<10240x64xf32, #tpu.memory_space<vmem_shared>> -> memref<32x64xf32, #tpu.memory_space<vmem_shared>>
    %dma_start3A_126 = arith.constant 0 : i32
    %dma_start3A_127 = tpu.memref_slice %arg10[%add3A_123, %dma_start3A_126] : memref<10240x64xf32, #tpu.memory_space<vmem_shared>> -> memref<32x64xf32, #tpu.memory_space<vmem_shared>>
    tpu.enqueue_dma source(%arg9 : memref<32x64xf32, #tpu.memory_space<vmem>>) target(%dma_start3A_127 : memref<32x64xf32, #tpu.memory_space<vmem_shared>>) target_semaphore(%arg13 : memref<!tpu.dma_semaphore, #tpu.memory_space<semaphore_mem>>)
    %add3A_128 = arith.constant 544 : i32
    %add3A_129 = arith.addi %mul3A_26, %add3A_128 : i32
    %dma_start3A_130 = arith.constant 0 : i32
    %dma_start3A_131 = tpu.memref_slice %arg10[%add3A_129, %dma_start3A_130] : memref<10240x64xf32, #tpu.memory_space<vmem_shared>> -> memref<32x64xf32, #tpu.memory_space<vmem_shared>>
    %dma_start3A_132 = arith.constant 0 : i32
    %dma_start3A_133 = tpu.memref_slice %arg10[%add3A_129, %dma_start3A_132] : memref<10240x64xf32, #tpu.memory_space<vmem_shared>> -> memref<32x64xf32, #tpu.memory_space<vmem_shared>>
    tpu.enqueue_dma source(%arg9 : memref<32x64xf32, #tpu.memory_space<vmem>>) target(%dma_start3A_133 : memref<32x64xf32, #tpu.memory_space<vmem_shared>>) target_semaphore(%arg13 : memref<!tpu.dma_semaphore, #tpu.memory_space<semaphore_mem>>)
    %add3A_134 = arith.constant 576 : i32
    %add3A_135 = arith.addi %mul3A_26, %add3A_134 : i32
    %dma_start3A_136 = arith.constant 0 : i32
    %dma_start3A_137 = tpu.memref_slice %arg10[%add3A_135, %dma_start3A_136] : memref<10240x64xf32, #tpu.memory_space<vmem_shared>> -> memref<32x64xf32, #tpu.memory_space<vmem_shared>>
    %dma_start3A_138 = arith.constant 0 : i32
    %dma_start3A_139 = tpu.memref_slice %arg10[%add3A_135, %dma_start3A_138] : memref<10240x64xf32, #tpu.memory_space<vmem_shared>> -> memref<32x64xf32, #tpu.memory_space<vmem_shared>>
    tpu.enqueue_dma source(%arg9 : memref<32x64xf32, #tpu.memory_space<vmem>>) target(%dma_start3A_139 : memref<32x64xf32, #tpu.memory_space<vmem_shared>>) target_semaphore(%arg13 : memref<!tpu.dma_semaphore, #tpu.memory_space<semaphore_mem>>)
    %add3A_140 = arith.constant 608 : i32
    %add3A_141 = arith.addi %mul3A_26, %add3A_140 : i32
    %dma_start3A_142 = arith.constant 0 : i32
    %dma_start3A_143 = tpu.memref_slice %arg10[%add3A_141, %dma_start3A_142] : memref<10240x64xf32, #tpu.memory_space<vmem_shared>> -> memref<32x64xf32, #tpu.memory_space<vmem_shared>>
    %dma_start3A_144 = arith.constant 0 : i32
    %dma_start3A_145 = tpu.memref_slice %arg10[%add3A_141, %dma_start3A_144] : memref<10240x64xf32, #tpu.memory_space<vmem_shared>> -> memref<32x64xf32, #tpu.memory_space<vmem_shared>>
    tpu.enqueue_dma source(%arg9 : memref<32x64xf32, #tpu.memory_space<vmem>>) target(%dma_start3A_145 : memref<32x64xf32, #tpu.memory_space<vmem_shared>>) target_semaphore(%arg13 : memref<!tpu.dma_semaphore, #tpu.memory_space<semaphore_mem>>)
    %dma_wait3A = arith.constant 0 : i32
    %dma_wait3A_146 = arith.constant 0 : i32
    %dma_wait3A_147 = arith.constant 0 : i32
    %dma_wait3A_148 = tpu.memref_slice %arg3[%arg1, %dma_wait3A_146, %dma_wait3A_147] : memref<16x160x128xi32, #tpu.memory_space<hbm>> -> memref<1x80x128xi32, #tpu.memory_space<hbm>>
    %dma_wait3A_149 = tpu.memref_squeeze %dma_wait3A_148 : memref<1x80x128xi32, #tpu.memory_space<hbm>> -> memref<80x128xi32, #tpu.memory_space<hbm>>
    %dma_wait3A_150 = tpu.memref_slice %arg11[%dma_wait3A] : memref<8x!tpu.dma_semaphore, #tpu.memory_space<semaphore_mem>> -> memref<1x!tpu.dma_semaphore, #tpu.memory_space<semaphore_mem>>
    %dma_wait3A_151 = tpu.memref_squeeze %dma_wait3A_150 : memref<1x!tpu.dma_semaphore, #tpu.memory_space<semaphore_mem>> -> memref<!tpu.dma_semaphore, #tpu.memory_space<semaphore_mem>>
    %dma_wait3A_152 = arith.constant 0 : i32
    %dma_wait3A_153 = arith.constant 0 : i32
    %dma_wait3A_154 = tpu.memref_slice %arg3[%arg1, %dma_wait3A_152, %dma_wait3A_153] : memref<16x160x128xi32, #tpu.memory_space<hbm>> -> memref<1x80x128xi32, #tpu.memory_space<hbm>>
    %dma_wait3A_155 = tpu.memref_squeeze %dma_wait3A_154 : memref<1x80x128xi32, #tpu.memory_space<hbm>> -> memref<80x128xi32, #tpu.memory_space<hbm>>
    tpu.wait_dma2 semaphore(%dma_wait3A_151 : memref<!tpu.dma_semaphore, #tpu.memory_space<semaphore_mem>>) src(%dma_wait3A_155 : memref<80x128xi32, #tpu.memory_space<hbm>>) dst(%arg6 : memref<80x128xi32, #tpu.memory_space<vmem>>)
    %dma_wait3A_156 = arith.constant 1 : i32
    %dma_wait3A_157 = arith.constant 0 : i32
    %dma_wait3A_158 = arith.constant 0 : i32
    %dma_wait3A_159 = tpu.memref_slice %arg4[%arg1, %dma_wait3A_157, %dma_wait3A_158] : memref<16x160x128xi32, #tpu.memory_space<hbm>> -> memref<1x80x128xi32, #tpu.memory_space<hbm>>
    %dma_wait3A_160 = tpu.memref_squeeze %dma_wait3A_159 : memref<1x80x128xi32, #tpu.memory_space<hbm>> -> memref<80x128xi32, #tpu.memory_space<hbm>>
    %dma_wait3A_161 = tpu.memref_slice %arg11[%dma_wait3A_156] : memref<8x!tpu.dma_semaphore, #tpu.memory_space<semaphore_mem>> -> memref<1x!tpu.dma_semaphore, #tpu.memory_space<semaphore_mem>>
    %dma_wait3A_162 = tpu.memref_squeeze %dma_wait3A_161 : memref<1x!tpu.dma_semaphore, #tpu.memory_space<semaphore_mem>> -> memref<!tpu.dma_semaphore, #tpu.memory_space<semaphore_mem>>
    %dma_wait3A_163 = arith.constant 0 : i32
    %dma_wait3A_164 = arith.constant 0 : i32
    %dma_wait3A_165 = tpu.memref_slice %arg4[%arg1, %dma_wait3A_163, %dma_wait3A_164] : memref<16x160x128xi32, #tpu.memory_space<hbm>> -> memref<1x80x128xi32, #tpu.memory_space<hbm>>
    %dma_wait3A_166 = tpu.memref_squeeze %dma_wait3A_165 : memref<1x80x128xi32, #tpu.memory_space<hbm>> -> memref<80x128xi32, #tpu.memory_space<hbm>>
    tpu.wait_dma2 semaphore(%dma_wait3A_162 : memref<!tpu.dma_semaphore, #tpu.memory_space<semaphore_mem>>) src(%dma_wait3A_166 : memref<80x128xi32, #tpu.memory_space<hbm>>) dst(%arg7 : memref<80x128xi32, #tpu.memory_space<vmem>>)
    %add3A_167 = arith.constant 0 : i32
    %add3A_168 = arith.addi %mul3A_26, %add3A_167 : i32
    %dma_wait3A_169 = arith.constant 0 : i32
    %dma_wait3A_170 = tpu.memref_slice %arg10[%add3A_168, %dma_wait3A_169] : memref<10240x64xf32, #tpu.memory_space<vmem_shared>> -> memref<32x64xf32, #tpu.memory_space<vmem_shared>>
    %dma_wait3A_171 = arith.constant 0 : i32
    %dma_wait3A_172 = tpu.memref_slice %arg10[%add3A_168, %dma_wait3A_171] : memref<10240x64xf32, #tpu.memory_space<vmem_shared>> -> memref<32x64xf32, #tpu.memory_space<vmem_shared>>
    tpu.wait_dma2 semaphore(%arg13 : memref<!tpu.dma_semaphore, #tpu.memory_space<semaphore_mem>>) src(%arg9 : memref<32x64xf32, #tpu.memory_space<vmem>>) dst(%dma_wait3A_172 : memref<32x64xf32, #tpu.memory_space<vmem_shared>>)
    %add3A_173 = arith.constant 32 : i32
    %add3A_174 = arith.addi %mul3A_26, %add3A_173 : i32
    %dma_wait3A_175 = arith.constant 0 : i32
    %dma_wait3A_176 = tpu.memref_slice %arg10[%add3A_174, %dma_wait3A_175] : memref<10240x64xf32, #tpu.memory_space<vmem_shared>> -> memref<32x64xf32, #tpu.memory_space<vmem_shared>>
    %dma_wait3A_177 = arith.constant 0 : i32
    %dma_wait3A_178 = tpu.memref_slice %arg10[%add3A_174, %dma_wait3A_177] : memref<10240x64xf32, #tpu.memory_space<vmem_shared>> -> memref<32x64xf32, #tpu.memory_space<vmem_shared>>
    tpu.wait_dma2 semaphore(%arg13 : memref<!tpu.dma_semaphore, #tpu.memory_space<semaphore_mem>>) src(%arg9 : memref<32x64xf32, #tpu.memory_space<vmem>>) dst(%dma_wait3A_178 : memref<32x64xf32, #tpu.memory_space<vmem_shared>>)
    %add3A_179 = arith.constant 64 : i32
    %add3A_180 = arith.addi %mul3A_26, %add3A_179 : i32
    %dma_wait3A_181 = arith.constant 0 : i32
    %dma_wait3A_182 = tpu.memref_slice %arg10[%add3A_180, %dma_wait3A_181] : memref<10240x64xf32, #tpu.memory_space<vmem_shared>> -> memref<32x64xf32, #tpu.memory_space<vmem_shared>>
    %dma_wait3A_183 = arith.constant 0 : i32
    %dma_wait3A_184 = tpu.memref_slice %arg10[%add3A_180, %dma_wait3A_183] : memref<10240x64xf32, #tpu.memory_space<vmem_shared>> -> memref<32x64xf32, #tpu.memory_space<vmem_shared>>
    tpu.wait_dma2 semaphore(%arg13 : memref<!tpu.dma_semaphore, #tpu.memory_space<semaphore_mem>>) src(%arg9 : memref<32x64xf32, #tpu.memory_space<vmem>>) dst(%dma_wait3A_184 : memref<32x64xf32, #tpu.memory_space<vmem_shared>>)
    %add3A_185 = arith.constant 96 : i32
    %add3A_186 = arith.addi %mul3A_26, %add3A_185 : i32
    %dma_wait3A_187 = arith.constant 0 : i32
    %dma_wait3A_188 = tpu.memref_slice %arg10[%add3A_186, %dma_wait3A_187] : memref<10240x64xf32, #tpu.memory_space<vmem_shared>> -> memref<32x64xf32, #tpu.memory_space<vmem_shared>>
    %dma_wait3A_189 = arith.constant 0 : i32
    %dma_wait3A_190 = tpu.memref_slice %arg10[%add3A_186, %dma_wait3A_189] : memref<10240x64xf32, #tpu.memory_space<vmem_shared>> -> memref<32x64xf32, #tpu.memory_space<vmem_shared>>
    tpu.wait_dma2 semaphore(%arg13 : memref<!tpu.dma_semaphore, #tpu.memory_space<semaphore_mem>>) src(%arg9 : memref<32x64xf32, #tpu.memory_space<vmem>>) dst(%dma_wait3A_190 : memref<32x64xf32, #tpu.memory_space<vmem_shared>>)
    %add3A_191 = arith.constant 128 : i32
    %add3A_192 = arith.addi %mul3A_26, %add3A_191 : i32
    %dma_wait3A_193 = arith.constant 0 : i32
    %dma_wait3A_194 = tpu.memref_slice %arg10[%add3A_192, %dma_wait3A_193] : memref<10240x64xf32, #tpu.memory_space<vmem_shared>> -> memref<32x64xf32, #tpu.memory_space<vmem_shared>>
    %dma_wait3A_195 = arith.constant 0 : i32
    %dma_wait3A_196 = tpu.memref_slice %arg10[%add3A_192, %dma_wait3A_195] : memref<10240x64xf32, #tpu.memory_space<vmem_shared>> -> memref<32x64xf32, #tpu.memory_space<vmem_shared>>
    tpu.wait_dma2 semaphore(%arg13 : memref<!tpu.dma_semaphore, #tpu.memory_space<semaphore_mem>>) src(%arg9 : memref<32x64xf32, #tpu.memory_space<vmem>>) dst(%dma_wait3A_196 : memref<32x64xf32, #tpu.memory_space<vmem_shared>>)
    %add3A_197 = arith.constant 160 : i32
    %add3A_198 = arith.addi %mul3A_26, %add3A_197 : i32
    %dma_wait3A_199 = arith.constant 0 : i32
    %dma_wait3A_200 = tpu.memref_slice %arg10[%add3A_198, %dma_wait3A_199] : memref<10240x64xf32, #tpu.memory_space<vmem_shared>> -> memref<32x64xf32, #tpu.memory_space<vmem_shared>>
    %dma_wait3A_201 = arith.constant 0 : i32
    %dma_wait3A_202 = tpu.memref_slice %arg10[%add3A_198, %dma_wait3A_201] : memref<10240x64xf32, #tpu.memory_space<vmem_shared>> -> memref<32x64xf32, #tpu.memory_space<vmem_shared>>
    tpu.wait_dma2 semaphore(%arg13 : memref<!tpu.dma_semaphore, #tpu.memory_space<semaphore_mem>>) src(%arg9 : memref<32x64xf32, #tpu.memory_space<vmem>>) dst(%dma_wait3A_202 : memref<32x64xf32, #tpu.memory_space<vmem_shared>>)
    %add3A_203 = arith.constant 192 : i32
    %add3A_204 = arith.addi %mul3A_26, %add3A_203 : i32
    %dma_wait3A_205 = arith.constant 0 : i32
    %dma_wait3A_206 = tpu.memref_slice %arg10[%add3A_204, %dma_wait3A_205] : memref<10240x64xf32, #tpu.memory_space<vmem_shared>> -> memref<32x64xf32, #tpu.memory_space<vmem_shared>>
    %dma_wait3A_207 = arith.constant 0 : i32
    %dma_wait3A_208 = tpu.memref_slice %arg10[%add3A_204, %dma_wait3A_207] : memref<10240x64xf32, #tpu.memory_space<vmem_shared>> -> memref<32x64xf32, #tpu.memory_space<vmem_shared>>
    tpu.wait_dma2 semaphore(%arg13 : memref<!tpu.dma_semaphore, #tpu.memory_space<semaphore_mem>>) src(%arg9 : memref<32x64xf32, #tpu.memory_space<vmem>>) dst(%dma_wait3A_208 : memref<32x64xf32, #tpu.memory_space<vmem_shared>>)
    %add3A_209 = arith.constant 224 : i32
    %add3A_210 = arith.addi %mul3A_26, %add3A_209 : i32
    %dma_wait3A_211 = arith.constant 0 : i32
    %dma_wait3A_212 = tpu.memref_slice %arg10[%add3A_210, %dma_wait3A_211] : memref<10240x64xf32, #tpu.memory_space<vmem_shared>> -> memref<32x64xf32, #tpu.memory_space<vmem_shared>>
    %dma_wait3A_213 = arith.constant 0 : i32
    %dma_wait3A_214 = tpu.memref_slice %arg10[%add3A_210, %dma_wait3A_213] : memref<10240x64xf32, #tpu.memory_space<vmem_shared>> -> memref<32x64xf32, #tpu.memory_space<vmem_shared>>
    tpu.wait_dma2 semaphore(%arg13 : memref<!tpu.dma_semaphore, #tpu.memory_space<semaphore_mem>>) src(%arg9 : memref<32x64xf32, #tpu.memory_space<vmem>>) dst(%dma_wait3A_214 : memref<32x64xf32, #tpu.memory_space<vmem_shared>>)
    %add3A_215 = arith.constant 256 : i32
    %add3A_216 = arith.addi %mul3A_26, %add3A_215 : i32
    %dma_wait3A_217 = arith.constant 0 : i32
    %dma_wait3A_218 = tpu.memref_slice %arg10[%add3A_216, %dma_wait3A_217] : memref<10240x64xf32, #tpu.memory_space<vmem_shared>> -> memref<32x64xf32, #tpu.memory_space<vmem_shared>>
    %dma_wait3A_219 = arith.constant 0 : i32
    %dma_wait3A_220 = tpu.memref_slice %arg10[%add3A_216, %dma_wait3A_219] : memref<10240x64xf32, #tpu.memory_space<vmem_shared>> -> memref<32x64xf32, #tpu.memory_space<vmem_shared>>
    tpu.wait_dma2 semaphore(%arg13 : memref<!tpu.dma_semaphore, #tpu.memory_space<semaphore_mem>>) src(%arg9 : memref<32x64xf32, #tpu.memory_space<vmem>>) dst(%dma_wait3A_220 : memref<32x64xf32, #tpu.memory_space<vmem_shared>>)
    %add3A_221 = arith.constant 288 : i32
    %add3A_222 = arith.addi %mul3A_26, %add3A_221 : i32
    %dma_wait3A_223 = arith.constant 0 : i32
    %dma_wait3A_224 = tpu.memref_slice %arg10[%add3A_222, %dma_wait3A_223] : memref<10240x64xf32, #tpu.memory_space<vmem_shared>> -> memref<32x64xf32, #tpu.memory_space<vmem_shared>>
    %dma_wait3A_225 = arith.constant 0 : i32
    %dma_wait3A_226 = tpu.memref_slice %arg10[%add3A_222, %dma_wait3A_225] : memref<10240x64xf32, #tpu.memory_space<vmem_shared>> -> memref<32x64xf32, #tpu.memory_space<vmem_shared>>
    tpu.wait_dma2 semaphore(%arg13 : memref<!tpu.dma_semaphore, #tpu.memory_space<semaphore_mem>>) src(%arg9 : memref<32x64xf32, #tpu.memory_space<vmem>>) dst(%dma_wait3A_226 : memref<32x64xf32, #tpu.memory_space<vmem_shared>>)
    %add3A_227 = arith.constant 320 : i32
    %add3A_228 = arith.addi %mul3A_26, %add3A_227 : i32
    %dma_wait3A_229 = arith.constant 0 : i32
    %dma_wait3A_230 = tpu.memref_slice %arg10[%add3A_228, %dma_wait3A_229] : memref<10240x64xf32, #tpu.memory_space<vmem_shared>> -> memref<32x64xf32, #tpu.memory_space<vmem_shared>>
    %dma_wait3A_231 = arith.constant 0 : i32
    %dma_wait3A_232 = tpu.memref_slice %arg10[%add3A_228, %dma_wait3A_231] : memref<10240x64xf32, #tpu.memory_space<vmem_shared>> -> memref<32x64xf32, #tpu.memory_space<vmem_shared>>
    tpu.wait_dma2 semaphore(%arg13 : memref<!tpu.dma_semaphore, #tpu.memory_space<semaphore_mem>>) src(%arg9 : memref<32x64xf32, #tpu.memory_space<vmem>>) dst(%dma_wait3A_232 : memref<32x64xf32, #tpu.memory_space<vmem_shared>>)
    %add3A_233 = arith.constant 352 : i32
    %add3A_234 = arith.addi %mul3A_26, %add3A_233 : i32
    %dma_wait3A_235 = arith.constant 0 : i32
    %dma_wait3A_236 = tpu.memref_slice %arg10[%add3A_234, %dma_wait3A_235] : memref<10240x64xf32, #tpu.memory_space<vmem_shared>> -> memref<32x64xf32, #tpu.memory_space<vmem_shared>>
    %dma_wait3A_237 = arith.constant 0 : i32
    %dma_wait3A_238 = tpu.memref_slice %arg10[%add3A_234, %dma_wait3A_237] : memref<10240x64xf32, #tpu.memory_space<vmem_shared>> -> memref<32x64xf32, #tpu.memory_space<vmem_shared>>
    tpu.wait_dma2 semaphore(%arg13 : memref<!tpu.dma_semaphore, #tpu.memory_space<semaphore_mem>>) src(%arg9 : memref<32x64xf32, #tpu.memory_space<vmem>>) dst(%dma_wait3A_238 : memref<32x64xf32, #tpu.memory_space<vmem_shared>>)
    %add3A_239 = arith.constant 384 : i32
    %add3A_240 = arith.addi %mul3A_26, %add3A_239 : i32
    %dma_wait3A_241 = arith.constant 0 : i32
    %dma_wait3A_242 = tpu.memref_slice %arg10[%add3A_240, %dma_wait3A_241] : memref<10240x64xf32, #tpu.memory_space<vmem_shared>> -> memref<32x64xf32, #tpu.memory_space<vmem_shared>>
    %dma_wait3A_243 = arith.constant 0 : i32
    %dma_wait3A_244 = tpu.memref_slice %arg10[%add3A_240, %dma_wait3A_243] : memref<10240x64xf32, #tpu.memory_space<vmem_shared>> -> memref<32x64xf32, #tpu.memory_space<vmem_shared>>
    tpu.wait_dma2 semaphore(%arg13 : memref<!tpu.dma_semaphore, #tpu.memory_space<semaphore_mem>>) src(%arg9 : memref<32x64xf32, #tpu.memory_space<vmem>>) dst(%dma_wait3A_244 : memref<32x64xf32, #tpu.memory_space<vmem_shared>>)
    %add3A_245 = arith.constant 416 : i32
    %add3A_246 = arith.addi %mul3A_26, %add3A_245 : i32
    %dma_wait3A_247 = arith.constant 0 : i32
    %dma_wait3A_248 = tpu.memref_slice %arg10[%add3A_246, %dma_wait3A_247] : memref<10240x64xf32, #tpu.memory_space<vmem_shared>> -> memref<32x64xf32, #tpu.memory_space<vmem_shared>>
    %dma_wait3A_249 = arith.constant 0 : i32
    %dma_wait3A_250 = tpu.memref_slice %arg10[%add3A_246, %dma_wait3A_249] : memref<10240x64xf32, #tpu.memory_space<vmem_shared>> -> memref<32x64xf32, #tpu.memory_space<vmem_shared>>
    tpu.wait_dma2 semaphore(%arg13 : memref<!tpu.dma_semaphore, #tpu.memory_space<semaphore_mem>>) src(%arg9 : memref<32x64xf32, #tpu.memory_space<vmem>>) dst(%dma_wait3A_250 : memref<32x64xf32, #tpu.memory_space<vmem_shared>>)
    %add3A_251 = arith.constant 448 : i32
    %add3A_252 = arith.addi %mul3A_26, %add3A_251 : i32
    %dma_wait3A_253 = arith.constant 0 : i32
    %dma_wait3A_254 = tpu.memref_slice %arg10[%add3A_252, %dma_wait3A_253] : memref<10240x64xf32, #tpu.memory_space<vmem_shared>> -> memref<32x64xf32, #tpu.memory_space<vmem_shared>>
    %dma_wait3A_255 = arith.constant 0 : i32
    %dma_wait3A_256 = tpu.memref_slice %arg10[%add3A_252, %dma_wait3A_255] : memref<10240x64xf32, #tpu.memory_space<vmem_shared>> -> memref<32x64xf32, #tpu.memory_space<vmem_shared>>
    tpu.wait_dma2 semaphore(%arg13 : memref<!tpu.dma_semaphore, #tpu.memory_space<semaphore_mem>>) src(%arg9 : memref<32x64xf32, #tpu.memory_space<vmem>>) dst(%dma_wait3A_256 : memref<32x64xf32, #tpu.memory_space<vmem_shared>>)
    %add3A_257 = arith.constant 480 : i32
    %add3A_258 = arith.addi %mul3A_26, %add3A_257 : i32
    %dma_wait3A_259 = arith.constant 0 : i32
    %dma_wait3A_260 = tpu.memref_slice %arg10[%add3A_258, %dma_wait3A_259] : memref<10240x64xf32, #tpu.memory_space<vmem_shared>> -> memref<32x64xf32, #tpu.memory_space<vmem_shared>>
    %dma_wait3A_261 = arith.constant 0 : i32
    %dma_wait3A_262 = tpu.memref_slice %arg10[%add3A_258, %dma_wait3A_261] : memref<10240x64xf32, #tpu.memory_space<vmem_shared>> -> memref<32x64xf32, #tpu.memory_space<vmem_shared>>
    tpu.wait_dma2 semaphore(%arg13 : memref<!tpu.dma_semaphore, #tpu.memory_space<semaphore_mem>>) src(%arg9 : memref<32x64xf32, #tpu.memory_space<vmem>>) dst(%dma_wait3A_262 : memref<32x64xf32, #tpu.memory_space<vmem_shared>>)
    %add3A_263 = arith.constant 512 : i32
    %add3A_264 = arith.addi %mul3A_26, %add3A_263 : i32
    %dma_wait3A_265 = arith.constant 0 : i32
    %dma_wait3A_266 = tpu.memref_slice %arg10[%add3A_264, %dma_wait3A_265] : memref<10240x64xf32, #tpu.memory_space<vmem_shared>> -> memref<32x64xf32, #tpu.memory_space<vmem_shared>>
    %dma_wait3A_267 = arith.constant 0 : i32
    %dma_wait3A_268 = tpu.memref_slice %arg10[%add3A_264, %dma_wait3A_267] : memref<10240x64xf32, #tpu.memory_space<vmem_shared>> -> memref<32x64xf32, #tpu.memory_space<vmem_shared>>
    tpu.wait_dma2 semaphore(%arg13 : memref<!tpu.dma_semaphore, #tpu.memory_space<semaphore_mem>>) src(%arg9 : memref<32x64xf32, #tpu.memory_space<vmem>>) dst(%dma_wait3A_268 : memref<32x64xf32, #tpu.memory_space<vmem_shared>>)
    %add3A_269 = arith.constant 544 : i32
    %add3A_270 = arith.addi %mul3A_26, %add3A_269 : i32
    %dma_wait3A_271 = arith.constant 0 : i32
    %dma_wait3A_272 = tpu.memref_slice %arg10[%add3A_270, %dma_wait3A_271] : memref<10240x64xf32, #tpu.memory_space<vmem_shared>> -> memref<32x64xf32, #tpu.memory_space<vmem_shared>>
    %dma_wait3A_273 = arith.constant 0 : i32
    %dma_wait3A_274 = tpu.memref_slice %arg10[%add3A_270, %dma_wait3A_273] : memref<10240x64xf32, #tpu.memory_space<vmem_shared>> -> memref<32x64xf32, #tpu.memory_space<vmem_shared>>
    tpu.wait_dma2 semaphore(%arg13 : memref<!tpu.dma_semaphore, #tpu.memory_space<semaphore_mem>>) src(%arg9 : memref<32x64xf32, #tpu.memory_space<vmem>>) dst(%dma_wait3A_274 : memref<32x64xf32, #tpu.memory_space<vmem_shared>>)
    %add3A_275 = arith.constant 576 : i32
    %add3A_276 = arith.addi %mul3A_26, %add3A_275 : i32
    %dma_wait3A_277 = arith.constant 0 : i32
    %dma_wait3A_278 = tpu.memref_slice %arg10[%add3A_276, %dma_wait3A_277] : memref<10240x64xf32, #tpu.memory_space<vmem_shared>> -> memref<32x64xf32, #tpu.memory_space<vmem_shared>>
    %dma_wait3A_279 = arith.constant 0 : i32
    %dma_wait3A_280 = tpu.memref_slice %arg10[%add3A_276, %dma_wait3A_279] : memref<10240x64xf32, #tpu.memory_space<vmem_shared>> -> memref<32x64xf32, #tpu.memory_space<vmem_shared>>
    tpu.wait_dma2 semaphore(%arg13 : memref<!tpu.dma_semaphore, #tpu.memory_space<semaphore_mem>>) src(%arg9 : memref<32x64xf32, #tpu.memory_space<vmem>>) dst(%dma_wait3A_280 : memref<32x64xf32, #tpu.memory_space<vmem_shared>>)
    %add3A_281 = arith.constant 608 : i32
    %add3A_282 = arith.addi %mul3A_26, %add3A_281 : i32
    %dma_wait3A_283 = arith.constant 0 : i32
    %dma_wait3A_284 = tpu.memref_slice %arg10[%add3A_282, %dma_wait3A_283] : memref<10240x64xf32, #tpu.memory_space<vmem_shared>> -> memref<32x64xf32, #tpu.memory_space<vmem_shared>>
    %dma_wait3A_285 = arith.constant 0 : i32
    %dma_wait3A_286 = tpu.memref_slice %arg10[%add3A_282, %dma_wait3A_285] : memref<10240x64xf32, #tpu.memory_space<vmem_shared>> -> memref<32x64xf32, #tpu.memory_space<vmem_shared>>
    tpu.wait_dma2 semaphore(%arg13 : memref<!tpu.dma_semaphore, #tpu.memory_space<semaphore_mem>>) src(%arg9 : memref<32x64xf32, #tpu.memory_space<vmem>>) dst(%dma_wait3A_286 : memref<32x64xf32, #tpu.memory_space<vmem_shared>>)
    %barrier3A = arith.constant 0 : index
    tpu.barrier barrier_id(%barrier3A)
    "tpu.trace_stop"() : () -> ()
    "tpu.trace_start"() <{level = 10 : i32, message = "edges"}> : () -> ()
    %scan3A_287 = arith.constant 0 : i32
    %scan3A_288 = arith.constant 0 : i32
    %scan3A_289 = arith.constant 10 : i32
    %scan3A_290 = arith.addi %scan3A_288, %scan3A_289 : i32
    %scan3A_291 = arith.constant 1 : i32
    scf.for %scan3A_542 = %scan3A_288 to %scan3A_290 step %scan3A_291  : i32 {
      %mul3A_543 = arith.constant 8 : i32
      %mul3A_544 = arith.muli %mul3A_543, %scan3A_542 : i32
      %gt3A = arith.constant 0 : i32
      %gt3A_545 = arith.cmpi sgt, %scan3A_542, %gt3A : i32
      %convert_element_type3A = arith.extui %gt3A_545 : i1 to i32
      %cond3A = arith.constant 0 : i32
      %cond3A_546 = arith.cmpi ne, %convert_element_type3A, %cond3A : i32
      scf.if %cond3A_546 {
        %add3A_1030 = arith.constant 0 : i32
        %add3A_1031 = arith.addi %mul3A_544, %add3A_1030 : i32
        %dma_wait3A_1032 = arith.constant 0 : i32
        %dma_wait3A_1033 = arith.constant 0 : i32
        %dma_wait3A_1034 = arith.constant 0 : i32
        %dma_wait3A_1035 = arith.constant 0 : i32
        %dma_wait3A_1036 = tpu.memref_slice %arg8[%dma_wait3A_1032, %dma_wait3A_1034, %dma_wait3A_1035] : memref<8x128x64xf32, #tpu.memory_space<vmem>> -> memref<1x128x64xf32, #tpu.memory_space<vmem>>
        %dma_wait3A_1037 = tpu.memref_squeeze %dma_wait3A_1036 : memref<1x128x64xf32, #tpu.memory_space<vmem>> -> memref<128x64xf32, #tpu.memory_space<vmem>>
        %dma_wait3A_1038 = arith.constant 0 : i32
        %dma_wait3A_1039 = tpu.memref_slice %arg7[%add3A_1031, %dma_wait3A_1038] : memref<80x128xi32, #tpu.memory_space<vmem>> -> memref<1x128xi32, #tpu.memory_space<vmem>>
        %dma_wait3A_1040 = tpu.memref_squeeze %dma_wait3A_1039 : memref<1x128xi32, #tpu.memory_space<vmem>> -> memref<128xi32, #tpu.memory_space<vmem>>
        %dma_wait3A_1041 = arith.constant 0 : i32
        %dma_wait3A_1042 = arith.constant 0 : i32
        %dma_wait3A_1043 = tpu.memref_slice %arg10[%dma_wait3A_1041, %dma_wait3A_1042] : memref<10240x64xf32, #tpu.memory_space<vmem_shared>> -> memref<10240x64xf32, #tpu.memory_space<vmem_shared>>
        %dma_wait3A_1044 = tpu.memref_slice %arg12[%dma_wait3A_1033] : memref<8x!tpu.dma_semaphore, #tpu.memory_space<semaphore_mem>> -> memref<1x!tpu.dma_semaphore, #tpu.memory_space<semaphore_mem>>
        %dma_wait3A_1045 = tpu.memref_squeeze %dma_wait3A_1044 : memref<1x!tpu.dma_semaphore, #tpu.memory_space<semaphore_mem>> -> memref<!tpu.dma_semaphore, #tpu.memory_space<semaphore_mem>>
        tpu.wait_indirect_dma semaphore(%dma_wait3A_1045 : memref<!tpu.dma_semaphore, #tpu.memory_space<semaphore_mem>>) src(%dma_wait3A_1037 : memref<128x64xf32, #tpu.memory_space<vmem>>) dst(%dma_wait3A_1043 : memref<10240x64xf32, #tpu.memory_space<vmem_shared>>)
      } else {
      }
      %add3A_547 = arith.constant 0 : i32
      %add3A_548 = arith.addi %mul3A_544, %add3A_547 : i32
      %dma_start3A_549 = arith.constant 0 : i32
      %dma_start3A_550 = arith.constant 0 : i32
      %dma_start3A_551 = arith.constant 0 : i32
      %dma_start3A_552 = arith.constant 0 : i32
      %dma_start3A_553 = tpu.memref_slice %arg8[%dma_start3A_549, %dma_start3A_551, %dma_start3A_552] : memref<8x128x64xf32, #tpu.memory_space<vmem>> -> memref<1x128x64xf32, #tpu.memory_space<vmem>>
      %dma_start3A_554 = tpu.memref_squeeze %dma_start3A_553 : memref<1x128x64xf32, #tpu.memory_space<vmem>> -> memref<128x64xf32, #tpu.memory_space<vmem>>
      %dma_start3A_555 = arith.constant 0 : i32
      %dma_start3A_556 = tpu.memref_slice %arg6[%add3A_548, %dma_start3A_555] : memref<80x128xi32, #tpu.memory_space<vmem>> -> memref<1x128xi32, #tpu.memory_space<vmem>>
      %dma_start3A_557 = tpu.memref_squeeze %dma_start3A_556 : memref<1x128xi32, #tpu.memory_space<vmem>> -> memref<128xi32, #tpu.memory_space<vmem>>
      %dma_start3A_558 = arith.constant 0 : i32
      %dma_start3A_559 = arith.constant 0 : i32
      %dma_start3A_560 = tpu.memref_slice %arg2[%arg0, %dma_start3A_558, %dma_start3A_559] : memref<2x10240x64xf32, #tpu.memory_space<hbm>> -> memref<1x10240x64xf32, #tpu.memory_space<hbm>>
      %dma_start3A_561 = tpu.memref_squeeze %dma_start3A_560 : memref<1x10240x64xf32, #tpu.memory_space<hbm>> -> memref<10240x64xf32, #tpu.memory_space<hbm>>
      %dma_start3A_562 = arith.constant 0 : i32
      %dma_start3A_563 = arith.constant 0 : i32
      %dma_start3A_564 = tpu.memref_slice %dma_start3A_561[%dma_start3A_562, %dma_start3A_563] : memref<10240x64xf32, #tpu.memory_space<hbm>> -> memref<10240x64xf32, #tpu.memory_space<hbm>>
      %dma_start3A_565 = tpu.memref_slice %arg11[%dma_start3A_550] : memref<8x!tpu.dma_semaphore, #tpu.memory_space<semaphore_mem>> -> memref<1x!tpu.dma_semaphore, #tpu.memory_space<semaphore_mem>>
      %dma_start3A_566 = tpu.memref_squeeze %dma_start3A_565 : memref<1x!tpu.dma_semaphore, #tpu.memory_space<semaphore_mem>> -> memref<!tpu.dma_semaphore, #tpu.memory_space<semaphore_mem>>
      tpu.enqueue_indirect_dma source(%dma_start3A_564 : memref<10240x64xf32, #tpu.memory_space<hbm>>) target(%dma_start3A_554 : memref<128x64xf32, #tpu.memory_space<vmem>>) offsets(%dma_start3A_557 : memref<128xi32, #tpu.memory_space<vmem>>) semaphore(%dma_start3A_566 : memref<!tpu.dma_semaphore, #tpu.memory_space<semaphore_mem>>)
      %gt3A_567 = arith.constant 0 : i32
      %gt3A_568 = arith.cmpi sgt, %scan3A_542, %gt3A_567 : i32
      %convert_element_type3A_569 = arith.extui %gt3A_568 : i1 to i32
      %cond3A_570 = arith.constant 0 : i32
      %cond3A_571 = arith.cmpi ne, %convert_element_type3A_569, %cond3A_570 : i32
      scf.if %cond3A_571 {
        %add3A_1030 = arith.constant 1 : i32
        %add3A_1031 = arith.addi %mul3A_544, %add3A_1030 : i32
        %dma_wait3A_1032 = arith.constant 1 : i32
        %dma_wait3A_1033 = arith.constant 1 : i32
        %dma_wait3A_1034 = arith.constant 0 : i32
        %dma_wait3A_1035 = arith.constant 0 : i32
        %dma_wait3A_1036 = tpu.memref_slice %arg8[%dma_wait3A_1032, %dma_wait3A_1034, %dma_wait3A_1035] : memref<8x128x64xf32, #tpu.memory_space<vmem>> -> memref<1x128x64xf32, #tpu.memory_space<vmem>>
        %dma_wait3A_1037 = tpu.memref_squeeze %dma_wait3A_1036 : memref<1x128x64xf32, #tpu.memory_space<vmem>> -> memref<128x64xf32, #tpu.memory_space<vmem>>
        %dma_wait3A_1038 = arith.constant 0 : i32
        %dma_wait3A_1039 = tpu.memref_slice %arg7[%add3A_1031, %dma_wait3A_1038] : memref<80x128xi32, #tpu.memory_space<vmem>> -> memref<1x128xi32, #tpu.memory_space<vmem>>
        %dma_wait3A_1040 = tpu.memref_squeeze %dma_wait3A_1039 : memref<1x128xi32, #tpu.memory_space<vmem>> -> memref<128xi32, #tpu.memory_space<vmem>>
        %dma_wait3A_1041 = arith.constant 0 : i32
        %dma_wait3A_1042 = arith.constant 0 : i32
        %dma_wait3A_1043 = tpu.memref_slice %arg10[%dma_wait3A_1041, %dma_wait3A_1042] : memref<10240x64xf32, #tpu.memory_space<vmem_shared>> -> memref<10240x64xf32, #tpu.memory_space<vmem_shared>>
        %dma_wait3A_1044 = tpu.memref_slice %arg12[%dma_wait3A_1033] : memref<8x!tpu.dma_semaphore, #tpu.memory_space<semaphore_mem>> -> memref<1x!tpu.dma_semaphore, #tpu.memory_space<semaphore_mem>>
        %dma_wait3A_1045 = tpu.memref_squeeze %dma_wait3A_1044 : memref<1x!tpu.dma_semaphore, #tpu.memory_space<semaphore_mem>> -> memref<!tpu.dma_semaphore, #tpu.memory_space<semaphore_mem>>
        tpu.wait_indirect_dma semaphore(%dma_wait3A_1045 : memref<!tpu.dma_semaphore, #tpu.memory_space<semaphore_mem>>) src(%dma_wait3A_1037 : memref<128x64xf32, #tpu.memory_space<vmem>>) dst(%dma_wait3A_1043 : memref<10240x64xf32, #tpu.memory_space<vmem_shared>>)
      } else {
      }
      %add3A_572 = arith.constant 1 : i32
      %add3A_573 = arith.addi %mul3A_544, %add3A_572 : i32
      %dma_start3A_574 = arith.constant 1 : i32
      %dma_start3A_575 = arith.constant 1 : i32
      %dma_start3A_576 = arith.constant 0 : i32
      %dma_start3A_577 = arith.constant 0 : i32
      %dma_start3A_578 = tpu.memref_slice %arg8[%dma_start3A_574, %dma_start3A_576, %dma_start3A_577] : memref<8x128x64xf32, #tpu.memory_space<vmem>> -> memref<1x128x64xf32, #tpu.memory_space<vmem>>
      %dma_start3A_579 = tpu.memref_squeeze %dma_start3A_578 : memref<1x128x64xf32, #tpu.memory_space<vmem>> -> memref<128x64xf32, #tpu.memory_space<vmem>>
      %dma_start3A_580 = arith.constant 0 : i32
      %dma_start3A_581 = tpu.memref_slice %arg6[%add3A_573, %dma_start3A_580] : memref<80x128xi32, #tpu.memory_space<vmem>> -> memref<1x128xi32, #tpu.memory_space<vmem>>
      %dma_start3A_582 = tpu.memref_squeeze %dma_start3A_581 : memref<1x128xi32, #tpu.memory_space<vmem>> -> memref<128xi32, #tpu.memory_space<vmem>>
      %dma_start3A_583 = arith.constant 0 : i32
      %dma_start3A_584 = arith.constant 0 : i32
      %dma_start3A_585 = tpu.memref_slice %arg2[%arg0, %dma_start3A_583, %dma_start3A_584] : memref<2x10240x64xf32, #tpu.memory_space<hbm>> -> memref<1x10240x64xf32, #tpu.memory_space<hbm>>
      %dma_start3A_586 = tpu.memref_squeeze %dma_start3A_585 : memref<1x10240x64xf32, #tpu.memory_space<hbm>> -> memref<10240x64xf32, #tpu.memory_space<hbm>>
      %dma_start3A_587 = arith.constant 0 : i32
      %dma_start3A_588 = arith.constant 0 : i32
      %dma_start3A_589 = tpu.memref_slice %dma_start3A_586[%dma_start3A_587, %dma_start3A_588] : memref<10240x64xf32, #tpu.memory_space<hbm>> -> memref<10240x64xf32, #tpu.memory_space<hbm>>
      %dma_start3A_590 = tpu.memref_slice %arg11[%dma_start3A_575] : memref<8x!tpu.dma_semaphore, #tpu.memory_space<semaphore_mem>> -> memref<1x!tpu.dma_semaphore, #tpu.memory_space<semaphore_mem>>
      %dma_start3A_591 = tpu.memref_squeeze %dma_start3A_590 : memref<1x!tpu.dma_semaphore, #tpu.memory_space<semaphore_mem>> -> memref<!tpu.dma_semaphore, #tpu.memory_space<semaphore_mem>>
      tpu.enqueue_indirect_dma source(%dma_start3A_589 : memref<10240x64xf32, #tpu.memory_space<hbm>>) target(%dma_start3A_579 : memref<128x64xf32, #tpu.memory_space<vmem>>) offsets(%dma_start3A_582 : memref<128xi32, #tpu.memory_space<vmem>>) semaphore(%dma_start3A_591 : memref<!tpu.dma_semaphore, #tpu.memory_space<semaphore_mem>>)
      %gt3A_592 = arith.constant 0 : i32
      %gt3A_593 = arith.cmpi sgt, %scan3A_542, %gt3A_592 : i32
      %convert_element_type3A_594 = arith.extui %gt3A_593 : i1 to i32
      %cond3A_595 = arith.constant 0 : i32
      %cond3A_596 = arith.cmpi ne, %convert_element_type3A_594, %cond3A_595 : i32
      scf.if %cond3A_596 {
        %add3A_1030 = arith.constant 2 : i32
        %add3A_1031 = arith.addi %mul3A_544, %add3A_1030 : i32
        %dma_wait3A_1032 = arith.constant 2 : i32
        %dma_wait3A_1033 = arith.constant 2 : i32
        %dma_wait3A_1034 = arith.constant 0 : i32
        %dma_wait3A_1035 = arith.constant 0 : i32
        %dma_wait3A_1036 = tpu.memref_slice %arg8[%dma_wait3A_1032, %dma_wait3A_1034, %dma_wait3A_1035] : memref<8x128x64xf32, #tpu.memory_space<vmem>> -> memref<1x128x64xf32, #tpu.memory_space<vmem>>
        %dma_wait3A_1037 = tpu.memref_squeeze %dma_wait3A_1036 : memref<1x128x64xf32, #tpu.memory_space<vmem>> -> memref<128x64xf32, #tpu.memory_space<vmem>>
        %dma_wait3A_1038 = arith.constant 0 : i32
        %dma_wait3A_1039 = tpu.memref_slice %arg7[%add3A_1031, %dma_wait3A_1038] : memref<80x128xi32, #tpu.memory_space<vmem>> -> memref<1x128xi32, #tpu.memory_space<vmem>>
        %dma_wait3A_1040 = tpu.memref_squeeze %dma_wait3A_1039 : memref<1x128xi32, #tpu.memory_space<vmem>> -> memref<128xi32, #tpu.memory_space<vmem>>
        %dma_wait3A_1041 = arith.constant 0 : i32
        %dma_wait3A_1042 = arith.constant 0 : i32
        %dma_wait3A_1043 = tpu.memref_slice %arg10[%dma_wait3A_1041, %dma_wait3A_1042] : memref<10240x64xf32, #tpu.memory_space<vmem_shared>> -> memref<10240x64xf32, #tpu.memory_space<vmem_shared>>
        %dma_wait3A_1044 = tpu.memref_slice %arg12[%dma_wait3A_1033] : memref<8x!tpu.dma_semaphore, #tpu.memory_space<semaphore_mem>> -> memref<1x!tpu.dma_semaphore, #tpu.memory_space<semaphore_mem>>
        %dma_wait3A_1045 = tpu.memref_squeeze %dma_wait3A_1044 : memref<1x!tpu.dma_semaphore, #tpu.memory_space<semaphore_mem>> -> memref<!tpu.dma_semaphore, #tpu.memory_space<semaphore_mem>>
        tpu.wait_indirect_dma semaphore(%dma_wait3A_1045 : memref<!tpu.dma_semaphore, #tpu.memory_space<semaphore_mem>>) src(%dma_wait3A_1037 : memref<128x64xf32, #tpu.memory_space<vmem>>) dst(%dma_wait3A_1043 : memref<10240x64xf32, #tpu.memory_space<vmem_shared>>)
      } else {
      }
      %add3A_597 = arith.constant 2 : i32
      %add3A_598 = arith.addi %mul3A_544, %add3A_597 : i32
      %dma_start3A_599 = arith.constant 2 : i32
      %dma_start3A_600 = arith.constant 2 : i32
      %dma_start3A_601 = arith.constant 0 : i32
      %dma_start3A_602 = arith.constant 0 : i32
      %dma_start3A_603 = tpu.memref_slice %arg8[%dma_start3A_599, %dma_start3A_601, %dma_start3A_602] : memref<8x128x64xf32, #tpu.memory_space<vmem>> -> memref<1x128x64xf32, #tpu.memory_space<vmem>>
      %dma_start3A_604 = tpu.memref_squeeze %dma_start3A_603 : memref<1x128x64xf32, #tpu.memory_space<vmem>> -> memref<128x64xf32, #tpu.memory_space<vmem>>
      %dma_start3A_605 = arith.constant 0 : i32
      %dma_start3A_606 = tpu.memref_slice %arg6[%add3A_598, %dma_start3A_605] : memref<80x128xi32, #tpu.memory_space<vmem>> -> memref<1x128xi32, #tpu.memory_space<vmem>>
      %dma_start3A_607 = tpu.memref_squeeze %dma_start3A_606 : memref<1x128xi32, #tpu.memory_space<vmem>> -> memref<128xi32, #tpu.memory_space<vmem>>
      %dma_start3A_608 = arith.constant 0 : i32
      %dma_start3A_609 = arith.constant 0 : i32
      %dma_start3A_610 = tpu.memref_slice %arg2[%arg0, %dma_start3A_608, %dma_start3A_609] : memref<2x10240x64xf32, #tpu.memory_space<hbm>> -> memref<1x10240x64xf32, #tpu.memory_space<hbm>>
      %dma_start3A_611 = tpu.memref_squeeze %dma_start3A_610 : memref<1x10240x64xf32, #tpu.memory_space<hbm>> -> memref<10240x64xf32, #tpu.memory_space<hbm>>
      %dma_start3A_612 = arith.constant 0 : i32
      %dma_start3A_613 = arith.constant 0 : i32
      %dma_start3A_614 = tpu.memref_slice %dma_start3A_611[%dma_start3A_612, %dma_start3A_613] : memref<10240x64xf32, #tpu.memory_space<hbm>> -> memref<10240x64xf32, #tpu.memory_space<hbm>>
      %dma_start3A_615 = tpu.memref_slice %arg11[%dma_start3A_600] : memref<8x!tpu.dma_semaphore, #tpu.memory_space<semaphore_mem>> -> memref<1x!tpu.dma_semaphore, #tpu.memory_space<semaphore_mem>>
      %dma_start3A_616 = tpu.memref_squeeze %dma_start3A_615 : memref<1x!tpu.dma_semaphore, #tpu.memory_space<semaphore_mem>> -> memref<!tpu.dma_semaphore, #tpu.memory_space<semaphore_mem>>
      tpu.enqueue_indirect_dma source(%dma_start3A_614 : memref<10240x64xf32, #tpu.memory_space<hbm>>) target(%dma_start3A_604 : memref<128x64xf32, #tpu.memory_space<vmem>>) offsets(%dma_start3A_607 : memref<128xi32, #tpu.memory_space<vmem>>) semaphore(%dma_start3A_616 : memref<!tpu.dma_semaphore, #tpu.memory_space<semaphore_mem>>)
      %gt3A_617 = arith.constant 0 : i32
      %gt3A_618 = arith.cmpi sgt, %scan3A_542, %gt3A_617 : i32
      %convert_element_type3A_619 = arith.extui %gt3A_618 : i1 to i32
      %cond3A_620 = arith.constant 0 : i32
      %cond3A_621 = arith.cmpi ne, %convert_element_type3A_619, %cond3A_620 : i32
      scf.if %cond3A_621 {
        %add3A_1030 = arith.constant 3 : i32
        %add3A_1031 = arith.addi %mul3A_544, %add3A_1030 : i32
        %dma_wait3A_1032 = arith.constant 3 : i32
        %dma_wait3A_1033 = arith.constant 3 : i32
        %dma_wait3A_1034 = arith.constant 0 : i32
        %dma_wait3A_1035 = arith.constant 0 : i32
        %dma_wait3A_1036 = tpu.memref_slice %arg8[%dma_wait3A_1032, %dma_wait3A_1034, %dma_wait3A_1035] : memref<8x128x64xf32, #tpu.memory_space<vmem>> -> memref<1x128x64xf32, #tpu.memory_space<vmem>>
        %dma_wait3A_1037 = tpu.memref_squeeze %dma_wait3A_1036 : memref<1x128x64xf32, #tpu.memory_space<vmem>> -> memref<128x64xf32, #tpu.memory_space<vmem>>
        %dma_wait3A_1038 = arith.constant 0 : i32
        %dma_wait3A_1039 = tpu.memref_slice %arg7[%add3A_1031, %dma_wait3A_1038] : memref<80x128xi32, #tpu.memory_space<vmem>> -> memref<1x128xi32, #tpu.memory_space<vmem>>
        %dma_wait3A_1040 = tpu.memref_squeeze %dma_wait3A_1039 : memref<1x128xi32, #tpu.memory_space<vmem>> -> memref<128xi32, #tpu.memory_space<vmem>>
        %dma_wait3A_1041 = arith.constant 0 : i32
        %dma_wait3A_1042 = arith.constant 0 : i32
        %dma_wait3A_1043 = tpu.memref_slice %arg10[%dma_wait3A_1041, %dma_wait3A_1042] : memref<10240x64xf32, #tpu.memory_space<vmem_shared>> -> memref<10240x64xf32, #tpu.memory_space<vmem_shared>>
        %dma_wait3A_1044 = tpu.memref_slice %arg12[%dma_wait3A_1033] : memref<8x!tpu.dma_semaphore, #tpu.memory_space<semaphore_mem>> -> memref<1x!tpu.dma_semaphore, #tpu.memory_space<semaphore_mem>>
        %dma_wait3A_1045 = tpu.memref_squeeze %dma_wait3A_1044 : memref<1x!tpu.dma_semaphore, #tpu.memory_space<semaphore_mem>> -> memref<!tpu.dma_semaphore, #tpu.memory_space<semaphore_mem>>
        tpu.wait_indirect_dma semaphore(%dma_wait3A_1045 : memref<!tpu.dma_semaphore, #tpu.memory_space<semaphore_mem>>) src(%dma_wait3A_1037 : memref<128x64xf32, #tpu.memory_space<vmem>>) dst(%dma_wait3A_1043 : memref<10240x64xf32, #tpu.memory_space<vmem_shared>>)
      } else {
      }
      %add3A_622 = arith.constant 3 : i32
      %add3A_623 = arith.addi %mul3A_544, %add3A_622 : i32
      %dma_start3A_624 = arith.constant 3 : i32
      %dma_start3A_625 = arith.constant 3 : i32
      %dma_start3A_626 = arith.constant 0 : i32
      %dma_start3A_627 = arith.constant 0 : i32
      %dma_start3A_628 = tpu.memref_slice %arg8[%dma_start3A_624, %dma_start3A_626, %dma_start3A_627] : memref<8x128x64xf32, #tpu.memory_space<vmem>> -> memref<1x128x64xf32, #tpu.memory_space<vmem>>
      %dma_start3A_629 = tpu.memref_squeeze %dma_start3A_628 : memref<1x128x64xf32, #tpu.memory_space<vmem>> -> memref<128x64xf32, #tpu.memory_space<vmem>>
      %dma_start3A_630 = arith.constant 0 : i32
      %dma_start3A_631 = tpu.memref_slice %arg6[%add3A_623, %dma_start3A_630] : memref<80x128xi32, #tpu.memory_space<vmem>> -> memref<1x128xi32, #tpu.memory_space<vmem>>
      %dma_start3A_632 = tpu.memref_squeeze %dma_start3A_631 : memref<1x128xi32, #tpu.memory_space<vmem>> -> memref<128xi32, #tpu.memory_space<vmem>>
      %dma_start3A_633 = arith.constant 0 : i32
      %dma_start3A_634 = arith.constant 0 : i32
      %dma_start3A_635 = tpu.memref_slice %arg2[%arg0, %dma_start3A_633, %dma_start3A_634] : memref<2x10240x64xf32, #tpu.memory_space<hbm>> -> memref<1x10240x64xf32, #tpu.memory_space<hbm>>
      %dma_start3A_636 = tpu.memref_squeeze %dma_start3A_635 : memref<1x10240x64xf32, #tpu.memory_space<hbm>> -> memref<10240x64xf32, #tpu.memory_space<hbm>>
      %dma_start3A_637 = arith.constant 0 : i32
      %dma_start3A_638 = arith.constant 0 : i32
      %dma_start3A_639 = tpu.memref_slice %dma_start3A_636[%dma_start3A_637, %dma_start3A_638] : memref<10240x64xf32, #tpu.memory_space<hbm>> -> memref<10240x64xf32, #tpu.memory_space<hbm>>
      %dma_start3A_640 = tpu.memref_slice %arg11[%dma_start3A_625] : memref<8x!tpu.dma_semaphore, #tpu.memory_space<semaphore_mem>> -> memref<1x!tpu.dma_semaphore, #tpu.memory_space<semaphore_mem>>
      %dma_start3A_641 = tpu.memref_squeeze %dma_start3A_640 : memref<1x!tpu.dma_semaphore, #tpu.memory_space<semaphore_mem>> -> memref<!tpu.dma_semaphore, #tpu.memory_space<semaphore_mem>>
      tpu.enqueue_indirect_dma source(%dma_start3A_639 : memref<10240x64xf32, #tpu.memory_space<hbm>>) target(%dma_start3A_629 : memref<128x64xf32, #tpu.memory_space<vmem>>) offsets(%dma_start3A_632 : memref<128xi32, #tpu.memory_space<vmem>>) semaphore(%dma_start3A_641 : memref<!tpu.dma_semaphore, #tpu.memory_space<semaphore_mem>>)
      %gt3A_642 = arith.constant 0 : i32
      %gt3A_643 = arith.cmpi sgt, %scan3A_542, %gt3A_642 : i32
      %convert_element_type3A_644 = arith.extui %gt3A_643 : i1 to i32
      %cond3A_645 = arith.constant 0 : i32
      %cond3A_646 = arith.cmpi ne, %convert_element_type3A_644, %cond3A_645 : i32
      scf.if %cond3A_646 {
        %add3A_1030 = arith.constant 4 : i32
        %add3A_1031 = arith.addi %mul3A_544, %add3A_1030 : i32
        %dma_wait3A_1032 = arith.constant 4 : i32
        %dma_wait3A_1033 = arith.constant 4 : i32
        %dma_wait3A_1034 = arith.constant 0 : i32
        %dma_wait3A_1035 = arith.constant 0 : i32
        %dma_wait3A_1036 = tpu.memref_slice %arg8[%dma_wait3A_1032, %dma_wait3A_1034, %dma_wait3A_1035] : memref<8x128x64xf32, #tpu.memory_space<vmem>> -> memref<1x128x64xf32, #tpu.memory_space<vmem>>
        %dma_wait3A_1037 = tpu.memref_squeeze %dma_wait3A_1036 : memref<1x128x64xf32, #tpu.memory_space<vmem>> -> memref<128x64xf32, #tpu.memory_space<vmem>>
        %dma_wait3A_1038 = arith.constant 0 : i32
        %dma_wait3A_1039 = tpu.memref_slice %arg7[%add3A_1031, %dma_wait3A_1038] : memref<80x128xi32, #tpu.memory_space<vmem>> -> memref<1x128xi32, #tpu.memory_space<vmem>>
        %dma_wait3A_1040 = tpu.memref_squeeze %dma_wait3A_1039 : memref<1x128xi32, #tpu.memory_space<vmem>> -> memref<128xi32, #tpu.memory_space<vmem>>
        %dma_wait3A_1041 = arith.constant 0 : i32
        %dma_wait3A_1042 = arith.constant 0 : i32
        %dma_wait3A_1043 = tpu.memref_slice %arg10[%dma_wait3A_1041, %dma_wait3A_1042] : memref<10240x64xf32, #tpu.memory_space<vmem_shared>> -> memref<10240x64xf32, #tpu.memory_space<vmem_shared>>
        %dma_wait3A_1044 = tpu.memref_slice %arg12[%dma_wait3A_1033] : memref<8x!tpu.dma_semaphore, #tpu.memory_space<semaphore_mem>> -> memref<1x!tpu.dma_semaphore, #tpu.memory_space<semaphore_mem>>
        %dma_wait3A_1045 = tpu.memref_squeeze %dma_wait3A_1044 : memref<1x!tpu.dma_semaphore, #tpu.memory_space<semaphore_mem>> -> memref<!tpu.dma_semaphore, #tpu.memory_space<semaphore_mem>>
        tpu.wait_indirect_dma semaphore(%dma_wait3A_1045 : memref<!tpu.dma_semaphore, #tpu.memory_space<semaphore_mem>>) src(%dma_wait3A_1037 : memref<128x64xf32, #tpu.memory_space<vmem>>) dst(%dma_wait3A_1043 : memref<10240x64xf32, #tpu.memory_space<vmem_shared>>)
      } else {
      }
      %add3A_647 = arith.constant 4 : i32
      %add3A_648 = arith.addi %mul3A_544, %add3A_647 : i32
      %dma_start3A_649 = arith.constant 4 : i32
      %dma_start3A_650 = arith.constant 4 : i32
      %dma_start3A_651 = arith.constant 0 : i32
      %dma_start3A_652 = arith.constant 0 : i32
      %dma_start3A_653 = tpu.memref_slice %arg8[%dma_start3A_649, %dma_start3A_651, %dma_start3A_652] : memref<8x128x64xf32, #tpu.memory_space<vmem>> -> memref<1x128x64xf32, #tpu.memory_space<vmem>>
      %dma_start3A_654 = tpu.memref_squeeze %dma_start3A_653 : memref<1x128x64xf32, #tpu.memory_space<vmem>> -> memref<128x64xf32, #tpu.memory_space<vmem>>
      %dma_start3A_655 = arith.constant 0 : i32
      %dma_start3A_656 = tpu.memref_slice %arg6[%add3A_648, %dma_start3A_655] : memref<80x128xi32, #tpu.memory_space<vmem>> -> memref<1x128xi32, #tpu.memory_space<vmem>>
      %dma_start3A_657 = tpu.memref_squeeze %dma_start3A_656 : memref<1x128xi32, #tpu.memory_space<vmem>> -> memref<128xi32, #tpu.memory_space<vmem>>
      %dma_start3A_658 = arith.constant 0 : i32
      %dma_start3A_659 = arith.constant 0 : i32
      %dma_start3A_660 = tpu.memref_slice %arg2[%arg0, %dma_start3A_658, %dma_start3A_659] : memref<2x10240x64xf32, #tpu.memory_space<hbm>> -> memref<1x10240x64xf32, #tpu.memory_space<hbm>>
      %dma_start3A_661 = tpu.memref_squeeze %dma_start3A_660 : memref<1x10240x64xf32, #tpu.memory_space<hbm>> -> memref<10240x64xf32, #tpu.memory_space<hbm>>
      %dma_start3A_662 = arith.constant 0 : i32
      %dma_start3A_663 = arith.constant 0 : i32
      %dma_start3A_664 = tpu.memref_slice %dma_start3A_661[%dma_start3A_662, %dma_start3A_663] : memref<10240x64xf32, #tpu.memory_space<hbm>> -> memref<10240x64xf32, #tpu.memory_space<hbm>>
      %dma_start3A_665 = tpu.memref_slice %arg11[%dma_start3A_650] : memref<8x!tpu.dma_semaphore, #tpu.memory_space<semaphore_mem>> -> memref<1x!tpu.dma_semaphore, #tpu.memory_space<semaphore_mem>>
      %dma_start3A_666 = tpu.memref_squeeze %dma_start3A_665 : memref<1x!tpu.dma_semaphore, #tpu.memory_space<semaphore_mem>> -> memref<!tpu.dma_semaphore, #tpu.memory_space<semaphore_mem>>
      tpu.enqueue_indirect_dma source(%dma_start3A_664 : memref<10240x64xf32, #tpu.memory_space<hbm>>) target(%dma_start3A_654 : memref<128x64xf32, #tpu.memory_space<vmem>>) offsets(%dma_start3A_657 : memref<128xi32, #tpu.memory_space<vmem>>) semaphore(%dma_start3A_666 : memref<!tpu.dma_semaphore, #tpu.memory_space<semaphore_mem>>)
      %gt3A_667 = arith.constant 0 : i32
      %gt3A_668 = arith.cmpi sgt, %scan3A_542, %gt3A_667 : i32
      %convert_element_type3A_669 = arith.extui %gt3A_668 : i1 to i32
      %cond3A_670 = arith.constant 0 : i32
      %cond3A_671 = arith.cmpi ne, %convert_element_type3A_669, %cond3A_670 : i32
      scf.if %cond3A_671 {
        %add3A_1030 = arith.constant 5 : i32
        %add3A_1031 = arith.addi %mul3A_544, %add3A_1030 : i32
        %dma_wait3A_1032 = arith.constant 5 : i32
        %dma_wait3A_1033 = arith.constant 5 : i32
        %dma_wait3A_1034 = arith.constant 0 : i32
        %dma_wait3A_1035 = arith.constant 0 : i32
        %dma_wait3A_1036 = tpu.memref_slice %arg8[%dma_wait3A_1032, %dma_wait3A_1034, %dma_wait3A_1035] : memref<8x128x64xf32, #tpu.memory_space<vmem>> -> memref<1x128x64xf32, #tpu.memory_space<vmem>>
        %dma_wait3A_1037 = tpu.memref_squeeze %dma_wait3A_1036 : memref<1x128x64xf32, #tpu.memory_space<vmem>> -> memref<128x64xf32, #tpu.memory_space<vmem>>
        %dma_wait3A_1038 = arith.constant 0 : i32
        %dma_wait3A_1039 = tpu.memref_slice %arg7[%add3A_1031, %dma_wait3A_1038] : memref<80x128xi32, #tpu.memory_space<vmem>> -> memref<1x128xi32, #tpu.memory_space<vmem>>
        %dma_wait3A_1040 = tpu.memref_squeeze %dma_wait3A_1039 : memref<1x128xi32, #tpu.memory_space<vmem>> -> memref<128xi32, #tpu.memory_space<vmem>>
        %dma_wait3A_1041 = arith.constant 0 : i32
        %dma_wait3A_1042 = arith.constant 0 : i32
        %dma_wait3A_1043 = tpu.memref_slice %arg10[%dma_wait3A_1041, %dma_wait3A_1042] : memref<10240x64xf32, #tpu.memory_space<vmem_shared>> -> memref<10240x64xf32, #tpu.memory_space<vmem_shared>>
        %dma_wait3A_1044 = tpu.memref_slice %arg12[%dma_wait3A_1033] : memref<8x!tpu.dma_semaphore, #tpu.memory_space<semaphore_mem>> -> memref<1x!tpu.dma_semaphore, #tpu.memory_space<semaphore_mem>>
        %dma_wait3A_1045 = tpu.memref_squeeze %dma_wait3A_1044 : memref<1x!tpu.dma_semaphore, #tpu.memory_space<semaphore_mem>> -> memref<!tpu.dma_semaphore, #tpu.memory_space<semaphore_mem>>
        tpu.wait_indirect_dma semaphore(%dma_wait3A_1045 : memref<!tpu.dma_semaphore, #tpu.memory_space<semaphore_mem>>) src(%dma_wait3A_1037 : memref<128x64xf32, #tpu.memory_space<vmem>>) dst(%dma_wait3A_1043 : memref<10240x64xf32, #tpu.memory_space<vmem_shared>>)
      } else {
      }
      %add3A_672 = arith.constant 5 : i32
      %add3A_673 = arith.addi %mul3A_544, %add3A_672 : i32
      %dma_start3A_674 = arith.constant 5 : i32
      %dma_start3A_675 = arith.constant 5 : i32
      %dma_start3A_676 = arith.constant 0 : i32
      %dma_start3A_677 = arith.constant 0 : i32
      %dma_start3A_678 = tpu.memref_slice %arg8[%dma_start3A_674, %dma_start3A_676, %dma_start3A_677] : memref<8x128x64xf32, #tpu.memory_space<vmem>> -> memref<1x128x64xf32, #tpu.memory_space<vmem>>
      %dma_start3A_679 = tpu.memref_squeeze %dma_start3A_678 : memref<1x128x64xf32, #tpu.memory_space<vmem>> -> memref<128x64xf32, #tpu.memory_space<vmem>>
      %dma_start3A_680 = arith.constant 0 : i32
      %dma_start3A_681 = tpu.memref_slice %arg6[%add3A_673, %dma_start3A_680] : memref<80x128xi32, #tpu.memory_space<vmem>> -> memref<1x128xi32, #tpu.memory_space<vmem>>
      %dma_start3A_682 = tpu.memref_squeeze %dma_start3A_681 : memref<1x128xi32, #tpu.memory_space<vmem>> -> memref<128xi32, #tpu.memory_space<vmem>>
      %dma_start3A_683 = arith.constant 0 : i32
      %dma_start3A_684 = arith.constant 0 : i32
      %dma_start3A_685 = tpu.memref_slice %arg2[%arg0, %dma_start3A_683, %dma_start3A_684] : memref<2x10240x64xf32, #tpu.memory_space<hbm>> -> memref<1x10240x64xf32, #tpu.memory_space<hbm>>
      %dma_start3A_686 = tpu.memref_squeeze %dma_start3A_685 : memref<1x10240x64xf32, #tpu.memory_space<hbm>> -> memref<10240x64xf32, #tpu.memory_space<hbm>>
      %dma_start3A_687 = arith.constant 0 : i32
      %dma_start3A_688 = arith.constant 0 : i32
      %dma_start3A_689 = tpu.memref_slice %dma_start3A_686[%dma_start3A_687, %dma_start3A_688] : memref<10240x64xf32, #tpu.memory_space<hbm>> -> memref<10240x64xf32, #tpu.memory_space<hbm>>
      %dma_start3A_690 = tpu.memref_slice %arg11[%dma_start3A_675] : memref<8x!tpu.dma_semaphore, #tpu.memory_space<semaphore_mem>> -> memref<1x!tpu.dma_semaphore, #tpu.memory_space<semaphore_mem>>
      %dma_start3A_691 = tpu.memref_squeeze %dma_start3A_690 : memref<1x!tpu.dma_semaphore, #tpu.memory_space<semaphore_mem>> -> memref<!tpu.dma_semaphore, #tpu.memory_space<semaphore_mem>>
      tpu.enqueue_indirect_dma source(%dma_start3A_689 : memref<10240x64xf32, #tpu.memory_space<hbm>>) target(%dma_start3A_679 : memref<128x64xf32, #tpu.memory_space<vmem>>) offsets(%dma_start3A_682 : memref<128xi32, #tpu.memory_space<vmem>>) semaphore(%dma_start3A_691 : memref<!tpu.dma_semaphore, #tpu.memory_space<semaphore_mem>>)
      %gt3A_692 = arith.constant 0 : i32
      %gt3A_693 = arith.cmpi sgt, %scan3A_542, %gt3A_692 : i32
      %convert_element_type3A_694 = arith.extui %gt3A_693 : i1 to i32
      %cond3A_695 = arith.constant 0 : i32
      %cond3A_696 = arith.cmpi ne, %convert_element_type3A_694, %cond3A_695 : i32
      scf.if %cond3A_696 {
        %add3A_1030 = arith.constant 6 : i32
        %add3A_1031 = arith.addi %mul3A_544, %add3A_1030 : i32
        %dma_wait3A_1032 = arith.constant 6 : i32
        %dma_wait3A_1033 = arith.constant 6 : i32
        %dma_wait3A_1034 = arith.constant 0 : i32
        %dma_wait3A_1035 = arith.constant 0 : i32
        %dma_wait3A_1036 = tpu.memref_slice %arg8[%dma_wait3A_1032, %dma_wait3A_1034, %dma_wait3A_1035] : memref<8x128x64xf32, #tpu.memory_space<vmem>> -> memref<1x128x64xf32, #tpu.memory_space<vmem>>
        %dma_wait3A_1037 = tpu.memref_squeeze %dma_wait3A_1036 : memref<1x128x64xf32, #tpu.memory_space<vmem>> -> memref<128x64xf32, #tpu.memory_space<vmem>>
        %dma_wait3A_1038 = arith.constant 0 : i32
        %dma_wait3A_1039 = tpu.memref_slice %arg7[%add3A_1031, %dma_wait3A_1038] : memref<80x128xi32, #tpu.memory_space<vmem>> -> memref<1x128xi32, #tpu.memory_space<vmem>>
        %dma_wait3A_1040 = tpu.memref_squeeze %dma_wait3A_1039 : memref<1x128xi32, #tpu.memory_space<vmem>> -> memref<128xi32, #tpu.memory_space<vmem>>
        %dma_wait3A_1041 = arith.constant 0 : i32
        %dma_wait3A_1042 = arith.constant 0 : i32
        %dma_wait3A_1043 = tpu.memref_slice %arg10[%dma_wait3A_1041, %dma_wait3A_1042] : memref<10240x64xf32, #tpu.memory_space<vmem_shared>> -> memref<10240x64xf32, #tpu.memory_space<vmem_shared>>
        %dma_wait3A_1044 = tpu.memref_slice %arg12[%dma_wait3A_1033] : memref<8x!tpu.dma_semaphore, #tpu.memory_space<semaphore_mem>> -> memref<1x!tpu.dma_semaphore, #tpu.memory_space<semaphore_mem>>
        %dma_wait3A_1045 = tpu.memref_squeeze %dma_wait3A_1044 : memref<1x!tpu.dma_semaphore, #tpu.memory_space<semaphore_mem>> -> memref<!tpu.dma_semaphore, #tpu.memory_space<semaphore_mem>>
        tpu.wait_indirect_dma semaphore(%dma_wait3A_1045 : memref<!tpu.dma_semaphore, #tpu.memory_space<semaphore_mem>>) src(%dma_wait3A_1037 : memref<128x64xf32, #tpu.memory_space<vmem>>) dst(%dma_wait3A_1043 : memref<10240x64xf32, #tpu.memory_space<vmem_shared>>)
      } else {
      }
      %add3A_697 = arith.constant 6 : i32
      %add3A_698 = arith.addi %mul3A_544, %add3A_697 : i32
      %dma_start3A_699 = arith.constant 6 : i32
      %dma_start3A_700 = arith.constant 6 : i32
      %dma_start3A_701 = arith.constant 0 : i32
      %dma_start3A_702 = arith.constant 0 : i32
      %dma_start3A_703 = tpu.memref_slice %arg8[%dma_start3A_699, %dma_start3A_701, %dma_start3A_702] : memref<8x128x64xf32, #tpu.memory_space<vmem>> -> memref<1x128x64xf32, #tpu.memory_space<vmem>>
      %dma_start3A_704 = tpu.memref_squeeze %dma_start3A_703 : memref<1x128x64xf32, #tpu.memory_space<vmem>> -> memref<128x64xf32, #tpu.memory_space<vmem>>
      %dma_start3A_705 = arith.constant 0 : i32
      %dma_start3A_706 = tpu.memref_slice %arg6[%add3A_698, %dma_start3A_705] : memref<80x128xi32, #tpu.memory_space<vmem>> -> memref<1x128xi32, #tpu.memory_space<vmem>>
      %dma_start3A_707 = tpu.memref_squeeze %dma_start3A_706 : memref<1x128xi32, #tpu.memory_space<vmem>> -> memref<128xi32, #tpu.memory_space<vmem>>
      %dma_start3A_708 = arith.constant 0 : i32
      %dma_start3A_709 = arith.constant 0 : i32
      %dma_start3A_710 = tpu.memref_slice %arg2[%arg0, %dma_start3A_708, %dma_start3A_709] : memref<2x10240x64xf32, #tpu.memory_space<hbm>> -> memref<1x10240x64xf32, #tpu.memory_space<hbm>>
      %dma_start3A_711 = tpu.memref_squeeze %dma_start3A_710 : memref<1x10240x64xf32, #tpu.memory_space<hbm>> -> memref<10240x64xf32, #tpu.memory_space<hbm>>
      %dma_start3A_712 = arith.constant 0 : i32
      %dma_start3A_713 = arith.constant 0 : i32
      %dma_start3A_714 = tpu.memref_slice %dma_start3A_711[%dma_start3A_712, %dma_start3A_713] : memref<10240x64xf32, #tpu.memory_space<hbm>> -> memref<10240x64xf32, #tpu.memory_space<hbm>>
      %dma_start3A_715 = tpu.memref_slice %arg11[%dma_start3A_700] : memref<8x!tpu.dma_semaphore, #tpu.memory_space<semaphore_mem>> -> memref<1x!tpu.dma_semaphore, #tpu.memory_space<semaphore_mem>>
      %dma_start3A_716 = tpu.memref_squeeze %dma_start3A_715 : memref<1x!tpu.dma_semaphore, #tpu.memory_space<semaphore_mem>> -> memref<!tpu.dma_semaphore, #tpu.memory_space<semaphore_mem>>
      tpu.enqueue_indirect_dma source(%dma_start3A_714 : memref<10240x64xf32, #tpu.memory_space<hbm>>) target(%dma_start3A_704 : memref<128x64xf32, #tpu.memory_space<vmem>>) offsets(%dma_start3A_707 : memref<128xi32, #tpu.memory_space<vmem>>) semaphore(%dma_start3A_716 : memref<!tpu.dma_semaphore, #tpu.memory_space<semaphore_mem>>)
      %gt3A_717 = arith.constant 0 : i32
      %gt3A_718 = arith.cmpi sgt, %scan3A_542, %gt3A_717 : i32
      %convert_element_type3A_719 = arith.extui %gt3A_718 : i1 to i32
      %cond3A_720 = arith.constant 0 : i32
      %cond3A_721 = arith.cmpi ne, %convert_element_type3A_719, %cond3A_720 : i32
      scf.if %cond3A_721 {
        %add3A_1030 = arith.constant 7 : i32
        %add3A_1031 = arith.addi %mul3A_544, %add3A_1030 : i32
        %dma_wait3A_1032 = arith.constant 7 : i32
        %dma_wait3A_1033 = arith.constant 7 : i32
        %dma_wait3A_1034 = arith.constant 0 : i32
        %dma_wait3A_1035 = arith.constant 0 : i32
        %dma_wait3A_1036 = tpu.memref_slice %arg8[%dma_wait3A_1032, %dma_wait3A_1034, %dma_wait3A_1035] : memref<8x128x64xf32, #tpu.memory_space<vmem>> -> memref<1x128x64xf32, #tpu.memory_space<vmem>>
        %dma_wait3A_1037 = tpu.memref_squeeze %dma_wait3A_1036 : memref<1x128x64xf32, #tpu.memory_space<vmem>> -> memref<128x64xf32, #tpu.memory_space<vmem>>
        %dma_wait3A_1038 = arith.constant 0 : i32
        %dma_wait3A_1039 = tpu.memref_slice %arg7[%add3A_1031, %dma_wait3A_1038] : memref<80x128xi32, #tpu.memory_space<vmem>> -> memref<1x128xi32, #tpu.memory_space<vmem>>
        %dma_wait3A_1040 = tpu.memref_squeeze %dma_wait3A_1039 : memref<1x128xi32, #tpu.memory_space<vmem>> -> memref<128xi32, #tpu.memory_space<vmem>>
        %dma_wait3A_1041 = arith.constant 0 : i32
        %dma_wait3A_1042 = arith.constant 0 : i32
        %dma_wait3A_1043 = tpu.memref_slice %arg10[%dma_wait3A_1041, %dma_wait3A_1042] : memref<10240x64xf32, #tpu.memory_space<vmem_shared>> -> memref<10240x64xf32, #tpu.memory_space<vmem_shared>>
        %dma_wait3A_1044 = tpu.memref_slice %arg12[%dma_wait3A_1033] : memref<8x!tpu.dma_semaphore, #tpu.memory_space<semaphore_mem>> -> memref<1x!tpu.dma_semaphore, #tpu.memory_space<semaphore_mem>>
        %dma_wait3A_1045 = tpu.memref_squeeze %dma_wait3A_1044 : memref<1x!tpu.dma_semaphore, #tpu.memory_space<semaphore_mem>> -> memref<!tpu.dma_semaphore, #tpu.memory_space<semaphore_mem>>
        tpu.wait_indirect_dma semaphore(%dma_wait3A_1045 : memref<!tpu.dma_semaphore, #tpu.memory_space<semaphore_mem>>) src(%dma_wait3A_1037 : memref<128x64xf32, #tpu.memory_space<vmem>>) dst(%dma_wait3A_1043 : memref<10240x64xf32, #tpu.memory_space<vmem_shared>>)
      } else {
      }
      %add3A_722 = arith.constant 7 : i32
      %add3A_723 = arith.addi %mul3A_544, %add3A_722 : i32
      %dma_start3A_724 = arith.constant 7 : i32
      %dma_start3A_725 = arith.constant 7 : i32
      %dma_start3A_726 = arith.constant 0 : i32
      %dma_start3A_727 = arith.constant 0 : i32
      %dma_start3A_728 = tpu.memref_slice %arg8[%dma_start3A_724, %dma_start3A_726, %dma_start3A_727] : memref<8x128x64xf32, #tpu.memory_space<vmem>> -> memref<1x128x64xf32, #tpu.memory_space<vmem>>
      %dma_start3A_729 = tpu.memref_squeeze %dma_start3A_728 : memref<1x128x64xf32, #tpu.memory_space<vmem>> -> memref<128x64xf32, #tpu.memory_space<vmem>>
      %dma_start3A_730 = arith.constant 0 : i32
      %dma_start3A_731 = tpu.memref_slice %arg6[%add3A_723, %dma_start3A_730] : memref<80x128xi32, #tpu.memory_space<vmem>> -> memref<1x128xi32, #tpu.memory_space<vmem>>
      %dma_start3A_732 = tpu.memref_squeeze %dma_start3A_731 : memref<1x128xi32, #tpu.memory_space<vmem>> -> memref<128xi32, #tpu.memory_space<vmem>>
      %dma_start3A_733 = arith.constant 0 : i32
      %dma_start3A_734 = arith.constant 0 : i32
      %dma_start3A_735 = tpu.memref_slice %arg2[%arg0, %dma_start3A_733, %dma_start3A_734] : memref<2x10240x64xf32, #tpu.memory_space<hbm>> -> memref<1x10240x64xf32, #tpu.memory_space<hbm>>
      %dma_start3A_736 = tpu.memref_squeeze %dma_start3A_735 : memref<1x10240x64xf32, #tpu.memory_space<hbm>> -> memref<10240x64xf32, #tpu.memory_space<hbm>>
      %dma_start3A_737 = arith.constant 0 : i32
      %dma_start3A_738 = arith.constant 0 : i32
      %dma_start3A_739 = tpu.memref_slice %dma_start3A_736[%dma_start3A_737, %dma_start3A_738] : memref<10240x64xf32, #tpu.memory_space<hbm>> -> memref<10240x64xf32, #tpu.memory_space<hbm>>
      %dma_start3A_740 = tpu.memref_slice %arg11[%dma_start3A_725] : memref<8x!tpu.dma_semaphore, #tpu.memory_space<semaphore_mem>> -> memref<1x!tpu.dma_semaphore, #tpu.memory_space<semaphore_mem>>
      %dma_start3A_741 = tpu.memref_squeeze %dma_start3A_740 : memref<1x!tpu.dma_semaphore, #tpu.memory_space<semaphore_mem>> -> memref<!tpu.dma_semaphore, #tpu.memory_space<semaphore_mem>>
      tpu.enqueue_indirect_dma source(%dma_start3A_739 : memref<10240x64xf32, #tpu.memory_space<hbm>>) target(%dma_start3A_729 : memref<128x64xf32, #tpu.memory_space<vmem>>) offsets(%dma_start3A_732 : memref<128xi32, #tpu.memory_space<vmem>>) semaphore(%dma_start3A_741 : memref<!tpu.dma_semaphore, #tpu.memory_space<semaphore_mem>>)
      %add3A_742 = arith.constant 0 : i32
      %add3A_743 = arith.addi %mul3A_544, %add3A_742 : i32
      %dma_wait3A_744 = arith.constant 0 : i32
      %dma_wait3A_745 = arith.constant 0 : i32
      %dma_wait3A_746 = arith.constant 0 : i32
      %dma_wait3A_747 = arith.constant 0 : i32
      %dma_wait3A_748 = tpu.memref_slice %arg8[%dma_wait3A_744, %dma_wait3A_746, %dma_wait3A_747] : memref<8x128x64xf32, #tpu.memory_space<vmem>> -> memref<1x128x64xf32, #tpu.memory_space<vmem>>
      %dma_wait3A_749 = tpu.memref_squeeze %dma_wait3A_748 : memref<1x128x64xf32, #tpu.memory_space<vmem>> -> memref<128x64xf32, #tpu.memory_space<vmem>>
      %dma_wait3A_750 = arith.constant 0 : i32
      %dma_wait3A_751 = tpu.memref_slice %arg6[%add3A_743, %dma_wait3A_750] : memref<80x128xi32, #tpu.memory_space<vmem>> -> memref<1x128xi32, #tpu.memory_space<vmem>>
      %dma_wait3A_752 = tpu.memref_squeeze %dma_wait3A_751 : memref<1x128xi32, #tpu.memory_space<vmem>> -> memref<128xi32, #tpu.memory_space<vmem>>
      %dma_wait3A_753 = arith.constant 0 : i32
      %dma_wait3A_754 = arith.constant 0 : i32
      %dma_wait3A_755 = tpu.memref_slice %arg2[%arg0, %dma_wait3A_753, %dma_wait3A_754] : memref<2x10240x64xf32, #tpu.memory_space<hbm>> -> memref<1x10240x64xf32, #tpu.memory_space<hbm>>
      %dma_wait3A_756 = tpu.memref_squeeze %dma_wait3A_755 : memref<1x10240x64xf32, #tpu.memory_space<hbm>> -> memref<10240x64xf32, #tpu.memory_space<hbm>>
      %dma_wait3A_757 = arith.constant 0 : i32
      %dma_wait3A_758 = arith.constant 0 : i32
      %dma_wait3A_759 = tpu.memref_slice %dma_wait3A_756[%dma_wait3A_757, %dma_wait3A_758] : memref<10240x64xf32, #tpu.memory_space<hbm>> -> memref<10240x64xf32, #tpu.memory_space<hbm>>
      %dma_wait3A_760 = tpu.memref_slice %arg11[%dma_wait3A_745] : memref<8x!tpu.dma_semaphore, #tpu.memory_space<semaphore_mem>> -> memref<1x!tpu.dma_semaphore, #tpu.memory_space<semaphore_mem>>
      %dma_wait3A_761 = tpu.memref_squeeze %dma_wait3A_760 : memref<1x!tpu.dma_semaphore, #tpu.memory_space<semaphore_mem>> -> memref<!tpu.dma_semaphore, #tpu.memory_space<semaphore_mem>>
      tpu.wait_indirect_dma semaphore(%dma_wait3A_761 : memref<!tpu.dma_semaphore, #tpu.memory_space<semaphore_mem>>) src(%dma_wait3A_759 : memref<10240x64xf32, #tpu.memory_space<hbm>>) dst(%dma_wait3A_749 : memref<128x64xf32, #tpu.memory_space<vmem>>)
      %add3A_762 = arith.constant 0 : i32
      %add3A_763 = arith.addi %mul3A_544, %add3A_762 : i32
      %dma_start3A_764 = arith.constant 0 : i32
      %dma_start3A_765 = arith.constant 0 : i32
      %dma_start3A_766 = arith.constant 0 : i32
      %dma_start3A_767 = arith.constant 0 : i32
      %dma_start3A_768 = tpu.memref_slice %arg8[%dma_start3A_764, %dma_start3A_766, %dma_start3A_767] : memref<8x128x64xf32, #tpu.memory_space<vmem>> -> memref<1x128x64xf32, #tpu.memory_space<vmem>>
      %dma_start3A_769 = tpu.memref_squeeze %dma_start3A_768 : memref<1x128x64xf32, #tpu.memory_space<vmem>> -> memref<128x64xf32, #tpu.memory_space<vmem>>
      %dma_start3A_770 = arith.constant 0 : i32
      %dma_start3A_771 = tpu.memref_slice %arg7[%add3A_763, %dma_start3A_770] : memref<80x128xi32, #tpu.memory_space<vmem>> -> memref<1x128xi32, #tpu.memory_space<vmem>>
      %dma_start3A_772 = tpu.memref_squeeze %dma_start3A_771 : memref<1x128xi32, #tpu.memory_space<vmem>> -> memref<128xi32, #tpu.memory_space<vmem>>
      %dma_start3A_773 = arith.constant 0 : i32
      %dma_start3A_774 = arith.constant 0 : i32
      %dma_start3A_775 = tpu.memref_slice %arg10[%dma_start3A_773, %dma_start3A_774] : memref<10240x64xf32, #tpu.memory_space<vmem_shared>> -> memref<10240x64xf32, #tpu.memory_space<vmem_shared>>
      %dma_start3A_776 = tpu.memref_slice %arg12[%dma_start3A_765] : memref<8x!tpu.dma_semaphore, #tpu.memory_space<semaphore_mem>> -> memref<1x!tpu.dma_semaphore, #tpu.memory_space<semaphore_mem>>
      %dma_start3A_777 = tpu.memref_squeeze %dma_start3A_776 : memref<1x!tpu.dma_semaphore, #tpu.memory_space<semaphore_mem>> -> memref<!tpu.dma_semaphore, #tpu.memory_space<semaphore_mem>>
      tpu.enqueue_indirect_dma source(%dma_start3A_769 : memref<128x64xf32, #tpu.memory_space<vmem>>) target(%dma_start3A_775 : memref<10240x64xf32, #tpu.memory_space<vmem_shared>>) offsets(%dma_start3A_772 : memref<128xi32, #tpu.memory_space<vmem>>) semaphore(%dma_start3A_777 : memref<!tpu.dma_semaphore, #tpu.memory_space<semaphore_mem>>) {add = true}
      %add3A_778 = arith.constant 1 : i32
      %add3A_779 = arith.addi %mul3A_544, %add3A_778 : i32
      %dma_wait3A_780 = arith.constant 1 : i32
      %dma_wait3A_781 = arith.constant 1 : i32
      %dma_wait3A_782 = arith.constant 0 : i32
      %dma_wait3A_783 = arith.constant 0 : i32
      %dma_wait3A_784 = tpu.memref_slice %arg8[%dma_wait3A_780, %dma_wait3A_782, %dma_wait3A_783] : memref<8x128x64xf32, #tpu.memory_space<vmem>> -> memref<1x128x64xf32, #tpu.memory_space<vmem>>
      %dma_wait3A_785 = tpu.memref_squeeze %dma_wait3A_784 : memref<1x128x64xf32, #tpu.memory_space<vmem>> -> memref<128x64xf32, #tpu.memory_space<vmem>>
      %dma_wait3A_786 = arith.constant 0 : i32
      %dma_wait3A_787 = tpu.memref_slice %arg6[%add3A_779, %dma_wait3A_786] : memref<80x128xi32, #tpu.memory_space<vmem>> -> memref<1x128xi32, #tpu.memory_space<vmem>>
      %dma_wait3A_788 = tpu.memref_squeeze %dma_wait3A_787 : memref<1x128xi32, #tpu.memory_space<vmem>> -> memref<128xi32, #tpu.memory_space<vmem>>
      %dma_wait3A_789 = arith.constant 0 : i32
      %dma_wait3A_790 = arith.constant 0 : i32
      %dma_wait3A_791 = tpu.memref_slice %arg2[%arg0, %dma_wait3A_789, %dma_wait3A_790] : memref<2x10240x64xf32, #tpu.memory_space<hbm>> -> memref<1x10240x64xf32, #tpu.memory_space<hbm>>
      %dma_wait3A_792 = tpu.memref_squeeze %dma_wait3A_791 : memref<1x10240x64xf32, #tpu.memory_space<hbm>> -> memref<10240x64xf32, #tpu.memory_space<hbm>>
      %dma_wait3A_793 = arith.constant 0 : i32
      %dma_wait3A_794 = arith.constant 0 : i32
      %dma_wait3A_795 = tpu.memref_slice %dma_wait3A_792[%dma_wait3A_793, %dma_wait3A_794] : memref<10240x64xf32, #tpu.memory_space<hbm>> -> memref<10240x64xf32, #tpu.memory_space<hbm>>
      %dma_wait3A_796 = tpu.memref_slice %arg11[%dma_wait3A_781] : memref<8x!tpu.dma_semaphore, #tpu.memory_space<semaphore_mem>> -> memref<1x!tpu.dma_semaphore, #tpu.memory_space<semaphore_mem>>
      %dma_wait3A_797 = tpu.memref_squeeze %dma_wait3A_796 : memref<1x!tpu.dma_semaphore, #tpu.memory_space<semaphore_mem>> -> memref<!tpu.dma_semaphore, #tpu.memory_space<semaphore_mem>>
      tpu.wait_indirect_dma semaphore(%dma_wait3A_797 : memref<!tpu.dma_semaphore, #tpu.memory_space<semaphore_mem>>) src(%dma_wait3A_795 : memref<10240x64xf32, #tpu.memory_space<hbm>>) dst(%dma_wait3A_785 : memref<128x64xf32, #tpu.memory_space<vmem>>)
      %add3A_798 = arith.constant 1 : i32
      %add3A_799 = arith.addi %mul3A_544, %add3A_798 : i32
      %dma_start3A_800 = arith.constant 1 : i32
      %dma_start3A_801 = arith.constant 1 : i32
      %dma_start3A_802 = arith.constant 0 : i32
      %dma_start3A_803 = arith.constant 0 : i32
      %dma_start3A_804 = tpu.memref_slice %arg8[%dma_start3A_800, %dma_start3A_802, %dma_start3A_803] : memref<8x128x64xf32, #tpu.memory_space<vmem>> -> memref<1x128x64xf32, #tpu.memory_space<vmem>>
      %dma_start3A_805 = tpu.memref_squeeze %dma_start3A_804 : memref<1x128x64xf32, #tpu.memory_space<vmem>> -> memref<128x64xf32, #tpu.memory_space<vmem>>
      %dma_start3A_806 = arith.constant 0 : i32
      %dma_start3A_807 = tpu.memref_slice %arg7[%add3A_799, %dma_start3A_806] : memref<80x128xi32, #tpu.memory_space<vmem>> -> memref<1x128xi32, #tpu.memory_space<vmem>>
      %dma_start3A_808 = tpu.memref_squeeze %dma_start3A_807 : memref<1x128xi32, #tpu.memory_space<vmem>> -> memref<128xi32, #tpu.memory_space<vmem>>
      %dma_start3A_809 = arith.constant 0 : i32
      %dma_start3A_810 = arith.constant 0 : i32
      %dma_start3A_811 = tpu.memref_slice %arg10[%dma_start3A_809, %dma_start3A_810] : memref<10240x64xf32, #tpu.memory_space<vmem_shared>> -> memref<10240x64xf32, #tpu.memory_space<vmem_shared>>
      %dma_start3A_812 = tpu.memref_slice %arg12[%dma_start3A_801] : memref<8x!tpu.dma_semaphore, #tpu.memory_space<semaphore_mem>> -> memref<1x!tpu.dma_semaphore, #tpu.memory_space<semaphore_mem>>
      %dma_start3A_813 = tpu.memref_squeeze %dma_start3A_812 : memref<1x!tpu.dma_semaphore, #tpu.memory_space<semaphore_mem>> -> memref<!tpu.dma_semaphore, #tpu.memory_space<semaphore_mem>>
      tpu.enqueue_indirect_dma source(%dma_start3A_805 : memref<128x64xf32, #tpu.memory_space<vmem>>) target(%dma_start3A_811 : memref<10240x64xf32, #tpu.memory_space<vmem_shared>>) offsets(%dma_start3A_808 : memref<128xi32, #tpu.memory_space<vmem>>) semaphore(%dma_start3A_813 : memref<!tpu.dma_semaphore, #tpu.memory_space<semaphore_mem>>) {add = true}
      %add3A_814 = arith.constant 2 : i32
      %add3A_815 = arith.addi %mul3A_544, %add3A_814 : i32
      %dma_wait3A_816 = arith.constant 2 : i32
      %dma_wait3A_817 = arith.constant 2 : i32
      %dma_wait3A_818 = arith.constant 0 : i32
      %dma_wait3A_819 = arith.constant 0 : i32
      %dma_wait3A_820 = tpu.memref_slice %arg8[%dma_wait3A_816, %dma_wait3A_818, %dma_wait3A_819] : memref<8x128x64xf32, #tpu.memory_space<vmem>> -> memref<1x128x64xf32, #tpu.memory_space<vmem>>
      %dma_wait3A_821 = tpu.memref_squeeze %dma_wait3A_820 : memref<1x128x64xf32, #tpu.memory_space<vmem>> -> memref<128x64xf32, #tpu.memory_space<vmem>>
      %dma_wait3A_822 = arith.constant 0 : i32
      %dma_wait3A_823 = tpu.memref_slice %arg6[%add3A_815, %dma_wait3A_822] : memref<80x128xi32, #tpu.memory_space<vmem>> -> memref<1x128xi32, #tpu.memory_space<vmem>>
      %dma_wait3A_824 = tpu.memref_squeeze %dma_wait3A_823 : memref<1x128xi32, #tpu.memory_space<vmem>> -> memref<128xi32, #tpu.memory_space<vmem>>
      %dma_wait3A_825 = arith.constant 0 : i32
      %dma_wait3A_826 = arith.constant 0 : i32
      %dma_wait3A_827 = tpu.memref_slice %arg2[%arg0, %dma_wait3A_825, %dma_wait3A_826] : memref<2x10240x64xf32, #tpu.memory_space<hbm>> -> memref<1x10240x64xf32, #tpu.memory_space<hbm>>
      %dma_wait3A_828 = tpu.memref_squeeze %dma_wait3A_827 : memref<1x10240x64xf32, #tpu.memory_space<hbm>> -> memref<10240x64xf32, #tpu.memory_space<hbm>>
      %dma_wait3A_829 = arith.constant 0 : i32
      %dma_wait3A_830 = arith.constant 0 : i32
      %dma_wait3A_831 = tpu.memref_slice %dma_wait3A_828[%dma_wait3A_829, %dma_wait3A_830] : memref<10240x64xf32, #tpu.memory_space<hbm>> -> memref<10240x64xf32, #tpu.memory_space<hbm>>
      %dma_wait3A_832 = tpu.memref_slice %arg11[%dma_wait3A_817] : memref<8x!tpu.dma_semaphore, #tpu.memory_space<semaphore_mem>> -> memref<1x!tpu.dma_semaphore, #tpu.memory_space<semaphore_mem>>
      %dma_wait3A_833 = tpu.memref_squeeze %dma_wait3A_832 : memref<1x!tpu.dma_semaphore, #tpu.memory_space<semaphore_mem>> -> memref<!tpu.dma_semaphore, #tpu.memory_space<semaphore_mem>>
      tpu.wait_indirect_dma semaphore(%dma_wait3A_833 : memref<!tpu.dma_semaphore, #tpu.memory_space<semaphore_mem>>) src(%dma_wait3A_831 : memref<10240x64xf32, #tpu.memory_space<hbm>>) dst(%dma_wait3A_821 : memref<128x64xf32, #tpu.memory_space<vmem>>)
      %add3A_834 = arith.constant 2 : i32
      %add3A_835 = arith.addi %mul3A_544, %add3A_834 : i32
      %dma_start3A_836 = arith.constant 2 : i32
      %dma_start3A_837 = arith.constant 2 : i32
      %dma_start3A_838 = arith.constant 0 : i32
      %dma_start3A_839 = arith.constant 0 : i32
      %dma_start3A_840 = tpu.memref_slice %arg8[%dma_start3A_836, %dma_start3A_838, %dma_start3A_839] : memref<8x128x64xf32, #tpu.memory_space<vmem>> -> memref<1x128x64xf32, #tpu.memory_space<vmem>>
      %dma_start3A_841 = tpu.memref_squeeze %dma_start3A_840 : memref<1x128x64xf32, #tpu.memory_space<vmem>> -> memref<128x64xf32, #tpu.memory_space<vmem>>
      %dma_start3A_842 = arith.constant 0 : i32
      %dma_start3A_843 = tpu.memref_slice %arg7[%add3A_835, %dma_start3A_842] : memref<80x128xi32, #tpu.memory_space<vmem>> -> memref<1x128xi32, #tpu.memory_space<vmem>>
      %dma_start3A_844 = tpu.memref_squeeze %dma_start3A_843 : memref<1x128xi32, #tpu.memory_space<vmem>> -> memref<128xi32, #tpu.memory_space<vmem>>
      %dma_start3A_845 = arith.constant 0 : i32
      %dma_start3A_846 = arith.constant 0 : i32
      %dma_start3A_847 = tpu.memref_slice %arg10[%dma_start3A_845, %dma_start3A_846] : memref<10240x64xf32, #tpu.memory_space<vmem_shared>> -> memref<10240x64xf32, #tpu.memory_space<vmem_shared>>
      %dma_start3A_848 = tpu.memref_slice %arg12[%dma_start3A_837] : memref<8x!tpu.dma_semaphore, #tpu.memory_space<semaphore_mem>> -> memref<1x!tpu.dma_semaphore, #tpu.memory_space<semaphore_mem>>
      %dma_start3A_849 = tpu.memref_squeeze %dma_start3A_848 : memref<1x!tpu.dma_semaphore, #tpu.memory_space<semaphore_mem>> -> memref<!tpu.dma_semaphore, #tpu.memory_space<semaphore_mem>>
      tpu.enqueue_indirect_dma source(%dma_start3A_841 : memref<128x64xf32, #tpu.memory_space<vmem>>) target(%dma_start3A_847 : memref<10240x64xf32, #tpu.memory_space<vmem_shared>>) offsets(%dma_start3A_844 : memref<128xi32, #tpu.memory_space<vmem>>) semaphore(%dma_start3A_849 : memref<!tpu.dma_semaphore, #tpu.memory_space<semaphore_mem>>) {add = true}
      %add3A_850 = arith.constant 3 : i32
      %add3A_851 = arith.addi %mul3A_544, %add3A_850 : i32
      %dma_wait3A_852 = arith.constant 3 : i32
      %dma_wait3A_853 = arith.constant 3 : i32
      %dma_wait3A_854 = arith.constant 0 : i32
      %dma_wait3A_855 = arith.constant 0 : i32
      %dma_wait3A_856 = tpu.memref_slice %arg8[%dma_wait3A_852, %dma_wait3A_854, %dma_wait3A_855] : memref<8x128x64xf32, #tpu.memory_space<vmem>> -> memref<1x128x64xf32, #tpu.memory_space<vmem>>
      %dma_wait3A_857 = tpu.memref_squeeze %dma_wait3A_856 : memref<1x128x64xf32, #tpu.memory_space<vmem>> -> memref<128x64xf32, #tpu.memory_space<vmem>>
      %dma_wait3A_858 = arith.constant 0 : i32
      %dma_wait3A_859 = tpu.memref_slice %arg6[%add3A_851, %dma_wait3A_858] : memref<80x128xi32, #tpu.memory_space<vmem>> -> memref<1x128xi32, #tpu.memory_space<vmem>>
      %dma_wait3A_860 = tpu.memref_squeeze %dma_wait3A_859 : memref<1x128xi32, #tpu.memory_space<vmem>> -> memref<128xi32, #tpu.memory_space<vmem>>
      %dma_wait3A_861 = arith.constant 0 : i32
      %dma_wait3A_862 = arith.constant 0 : i32
      %dma_wait3A_863 = tpu.memref_slice %arg2[%arg0, %dma_wait3A_861, %dma_wait3A_862] : memref<2x10240x64xf32, #tpu.memory_space<hbm>> -> memref<1x10240x64xf32, #tpu.memory_space<hbm>>
      %dma_wait3A_864 = tpu.memref_squeeze %dma_wait3A_863 : memref<1x10240x64xf32, #tpu.memory_space<hbm>> -> memref<10240x64xf32, #tpu.memory_space<hbm>>
      %dma_wait3A_865 = arith.constant 0 : i32
      %dma_wait3A_866 = arith.constant 0 : i32
      %dma_wait3A_867 = tpu.memref_slice %dma_wait3A_864[%dma_wait3A_865, %dma_wait3A_866] : memref<10240x64xf32, #tpu.memory_space<hbm>> -> memref<10240x64xf32, #tpu.memory_space<hbm>>
      %dma_wait3A_868 = tpu.memref_slice %arg11[%dma_wait3A_853] : memref<8x!tpu.dma_semaphore, #tpu.memory_space<semaphore_mem>> -> memref<1x!tpu.dma_semaphore, #tpu.memory_space<semaphore_mem>>
      %dma_wait3A_869 = tpu.memref_squeeze %dma_wait3A_868 : memref<1x!tpu.dma_semaphore, #tpu.memory_space<semaphore_mem>> -> memref<!tpu.dma_semaphore, #tpu.memory_space<semaphore_mem>>
      tpu.wait_indirect_dma semaphore(%dma_wait3A_869 : memref<!tpu.dma_semaphore, #tpu.memory_space<semaphore_mem>>) src(%dma_wait3A_867 : memref<10240x64xf32, #tpu.memory_space<hbm>>) dst(%dma_wait3A_857 : memref<128x64xf32, #tpu.memory_space<vmem>>)
      %add3A_870 = arith.constant 3 : i32
      %add3A_871 = arith.addi %mul3A_544, %add3A_870 : i32
      %dma_start3A_872 = arith.constant 3 : i32
      %dma_start3A_873 = arith.constant 3 : i32
      %dma_start3A_874 = arith.constant 0 : i32
      %dma_start3A_875 = arith.constant 0 : i32
      %dma_start3A_876 = tpu.memref_slice %arg8[%dma_start3A_872, %dma_start3A_874, %dma_start3A_875] : memref<8x128x64xf32, #tpu.memory_space<vmem>> -> memref<1x128x64xf32, #tpu.memory_space<vmem>>
      %dma_start3A_877 = tpu.memref_squeeze %dma_start3A_876 : memref<1x128x64xf32, #tpu.memory_space<vmem>> -> memref<128x64xf32, #tpu.memory_space<vmem>>
      %dma_start3A_878 = arith.constant 0 : i32
      %dma_start3A_879 = tpu.memref_slice %arg7[%add3A_871, %dma_start3A_878] : memref<80x128xi32, #tpu.memory_space<vmem>> -> memref<1x128xi32, #tpu.memory_space<vmem>>
      %dma_start3A_880 = tpu.memref_squeeze %dma_start3A_879 : memref<1x128xi32, #tpu.memory_space<vmem>> -> memref<128xi32, #tpu.memory_space<vmem>>
      %dma_start3A_881 = arith.constant 0 : i32
      %dma_start3A_882 = arith.constant 0 : i32
      %dma_start3A_883 = tpu.memref_slice %arg10[%dma_start3A_881, %dma_start3A_882] : memref<10240x64xf32, #tpu.memory_space<vmem_shared>> -> memref<10240x64xf32, #tpu.memory_space<vmem_shared>>
      %dma_start3A_884 = tpu.memref_slice %arg12[%dma_start3A_873] : memref<8x!tpu.dma_semaphore, #tpu.memory_space<semaphore_mem>> -> memref<1x!tpu.dma_semaphore, #tpu.memory_space<semaphore_mem>>
      %dma_start3A_885 = tpu.memref_squeeze %dma_start3A_884 : memref<1x!tpu.dma_semaphore, #tpu.memory_space<semaphore_mem>> -> memref<!tpu.dma_semaphore, #tpu.memory_space<semaphore_mem>>
      tpu.enqueue_indirect_dma source(%dma_start3A_877 : memref<128x64xf32, #tpu.memory_space<vmem>>) target(%dma_start3A_883 : memref<10240x64xf32, #tpu.memory_space<vmem_shared>>) offsets(%dma_start3A_880 : memref<128xi32, #tpu.memory_space<vmem>>) semaphore(%dma_start3A_885 : memref<!tpu.dma_semaphore, #tpu.memory_space<semaphore_mem>>) {add = true}
      %add3A_886 = arith.constant 4 : i32
      %add3A_887 = arith.addi %mul3A_544, %add3A_886 : i32
      %dma_wait3A_888 = arith.constant 4 : i32
      %dma_wait3A_889 = arith.constant 4 : i32
      %dma_wait3A_890 = arith.constant 0 : i32
      %dma_wait3A_891 = arith.constant 0 : i32
      %dma_wait3A_892 = tpu.memref_slice %arg8[%dma_wait3A_888, %dma_wait3A_890, %dma_wait3A_891] : memref<8x128x64xf32, #tpu.memory_space<vmem>> -> memref<1x128x64xf32, #tpu.memory_space<vmem>>
      %dma_wait3A_893 = tpu.memref_squeeze %dma_wait3A_892 : memref<1x128x64xf32, #tpu.memory_space<vmem>> -> memref<128x64xf32, #tpu.memory_space<vmem>>
      %dma_wait3A_894 = arith.constant 0 : i32
      %dma_wait3A_895 = tpu.memref_slice %arg6[%add3A_887, %dma_wait3A_894] : memref<80x128xi32, #tpu.memory_space<vmem>> -> memref<1x128xi32, #tpu.memory_space<vmem>>
      %dma_wait3A_896 = tpu.memref_squeeze %dma_wait3A_895 : memref<1x128xi32, #tpu.memory_space<vmem>> -> memref<128xi32, #tpu.memory_space<vmem>>
      %dma_wait3A_897 = arith.constant 0 : i32
      %dma_wait3A_898 = arith.constant 0 : i32
      %dma_wait3A_899 = tpu.memref_slice %arg2[%arg0, %dma_wait3A_897, %dma_wait3A_898] : memref<2x10240x64xf32, #tpu.memory_space<hbm>> -> memref<1x10240x64xf32, #tpu.memory_space<hbm>>
      %dma_wait3A_900 = tpu.memref_squeeze %dma_wait3A_899 : memref<1x10240x64xf32, #tpu.memory_space<hbm>> -> memref<10240x64xf32, #tpu.memory_space<hbm>>
      %dma_wait3A_901 = arith.constant 0 : i32
      %dma_wait3A_902 = arith.constant 0 : i32
      %dma_wait3A_903 = tpu.memref_slice %dma_wait3A_900[%dma_wait3A_901, %dma_wait3A_902] : memref<10240x64xf32, #tpu.memory_space<hbm>> -> memref<10240x64xf32, #tpu.memory_space<hbm>>
      %dma_wait3A_904 = tpu.memref_slice %arg11[%dma_wait3A_889] : memref<8x!tpu.dma_semaphore, #tpu.memory_space<semaphore_mem>> -> memref<1x!tpu.dma_semaphore, #tpu.memory_space<semaphore_mem>>
      %dma_wait3A_905 = tpu.memref_squeeze %dma_wait3A_904 : memref<1x!tpu.dma_semaphore, #tpu.memory_space<semaphore_mem>> -> memref<!tpu.dma_semaphore, #tpu.memory_space<semaphore_mem>>
      tpu.wait_indirect_dma semaphore(%dma_wait3A_905 : memref<!tpu.dma_semaphore, #tpu.memory_space<semaphore_mem>>) src(%dma_wait3A_903 : memref<10240x64xf32, #tpu.memory_space<hbm>>) dst(%dma_wait3A_893 : memref<128x64xf32, #tpu.memory_space<vmem>>)
      %add3A_906 = arith.constant 4 : i32
      %add3A_907 = arith.addi %mul3A_544, %add3A_906 : i32
      %dma_start3A_908 = arith.constant 4 : i32
      %dma_start3A_909 = arith.constant 4 : i32
      %dma_start3A_910 = arith.constant 0 : i32
      %dma_start3A_911 = arith.constant 0 : i32
      %dma_start3A_912 = tpu.memref_slice %arg8[%dma_start3A_908, %dma_start3A_910, %dma_start3A_911] : memref<8x128x64xf32, #tpu.memory_space<vmem>> -> memref<1x128x64xf32, #tpu.memory_space<vmem>>
      %dma_start3A_913 = tpu.memref_squeeze %dma_start3A_912 : memref<1x128x64xf32, #tpu.memory_space<vmem>> -> memref<128x64xf32, #tpu.memory_space<vmem>>
      %dma_start3A_914 = arith.constant 0 : i32
      %dma_start3A_915 = tpu.memref_slice %arg7[%add3A_907, %dma_start3A_914] : memref<80x128xi32, #tpu.memory_space<vmem>> -> memref<1x128xi32, #tpu.memory_space<vmem>>
      %dma_start3A_916 = tpu.memref_squeeze %dma_start3A_915 : memref<1x128xi32, #tpu.memory_space<vmem>> -> memref<128xi32, #tpu.memory_space<vmem>>
      %dma_start3A_917 = arith.constant 0 : i32
      %dma_start3A_918 = arith.constant 0 : i32
      %dma_start3A_919 = tpu.memref_slice %arg10[%dma_start3A_917, %dma_start3A_918] : memref<10240x64xf32, #tpu.memory_space<vmem_shared>> -> memref<10240x64xf32, #tpu.memory_space<vmem_shared>>
      %dma_start3A_920 = tpu.memref_slice %arg12[%dma_start3A_909] : memref<8x!tpu.dma_semaphore, #tpu.memory_space<semaphore_mem>> -> memref<1x!tpu.dma_semaphore, #tpu.memory_space<semaphore_mem>>
      %dma_start3A_921 = tpu.memref_squeeze %dma_start3A_920 : memref<1x!tpu.dma_semaphore, #tpu.memory_space<semaphore_mem>> -> memref<!tpu.dma_semaphore, #tpu.memory_space<semaphore_mem>>
      tpu.enqueue_indirect_dma source(%dma_start3A_913 : memref<128x64xf32, #tpu.memory_space<vmem>>) target(%dma_start3A_919 : memref<10240x64xf32, #tpu.memory_space<vmem_shared>>) offsets(%dma_start3A_916 : memref<128xi32, #tpu.memory_space<vmem>>) semaphore(%dma_start3A_921 : memref<!tpu.dma_semaphore, #tpu.memory_space<semaphore_mem>>) {add = true}
      %add3A_922 = arith.constant 5 : i32
      %add3A_923 = arith.addi %mul3A_544, %add3A_922 : i32
      %dma_wait3A_924 = arith.constant 5 : i32
      %dma_wait3A_925 = arith.constant 5 : i32
      %dma_wait3A_926 = arith.constant 0 : i32
      %dma_wait3A_927 = arith.constant 0 : i32
      %dma_wait3A_928 = tpu.memref_slice %arg8[%dma_wait3A_924, %dma_wait3A_926, %dma_wait3A_927] : memref<8x128x64xf32, #tpu.memory_space<vmem>> -> memref<1x128x64xf32, #tpu.memory_space<vmem>>
      %dma_wait3A_929 = tpu.memref_squeeze %dma_wait3A_928 : memref<1x128x64xf32, #tpu.memory_space<vmem>> -> memref<128x64xf32, #tpu.memory_space<vmem>>
      %dma_wait3A_930 = arith.constant 0 : i32
      %dma_wait3A_931 = tpu.memref_slice %arg6[%add3A_923, %dma_wait3A_930] : memref<80x128xi32, #tpu.memory_space<vmem>> -> memref<1x128xi32, #tpu.memory_space<vmem>>
      %dma_wait3A_932 = tpu.memref_squeeze %dma_wait3A_931 : memref<1x128xi32, #tpu.memory_space<vmem>> -> memref<128xi32, #tpu.memory_space<vmem>>
      %dma_wait3A_933 = arith.constant 0 : i32
      %dma_wait3A_934 = arith.constant 0 : i32
      %dma_wait3A_935 = tpu.memref_slice %arg2[%arg0, %dma_wait3A_933, %dma_wait3A_934] : memref<2x10240x64xf32, #tpu.memory_space<hbm>> -> memref<1x10240x64xf32, #tpu.memory_space<hbm>>
      %dma_wait3A_936 = tpu.memref_squeeze %dma_wait3A_935 : memref<1x10240x64xf32, #tpu.memory_space<hbm>> -> memref<10240x64xf32, #tpu.memory_space<hbm>>
      %dma_wait3A_937 = arith.constant 0 : i32
      %dma_wait3A_938 = arith.constant 0 : i32
      %dma_wait3A_939 = tpu.memref_slice %dma_wait3A_936[%dma_wait3A_937, %dma_wait3A_938] : memref<10240x64xf32, #tpu.memory_space<hbm>> -> memref<10240x64xf32, #tpu.memory_space<hbm>>
      %dma_wait3A_940 = tpu.memref_slice %arg11[%dma_wait3A_925] : memref<8x!tpu.dma_semaphore, #tpu.memory_space<semaphore_mem>> -> memref<1x!tpu.dma_semaphore, #tpu.memory_space<semaphore_mem>>
      %dma_wait3A_941 = tpu.memref_squeeze %dma_wait3A_940 : memref<1x!tpu.dma_semaphore, #tpu.memory_space<semaphore_mem>> -> memref<!tpu.dma_semaphore, #tpu.memory_space<semaphore_mem>>
      tpu.wait_indirect_dma semaphore(%dma_wait3A_941 : memref<!tpu.dma_semaphore, #tpu.memory_space<semaphore_mem>>) src(%dma_wait3A_939 : memref<10240x64xf32, #tpu.memory_space<hbm>>) dst(%dma_wait3A_929 : memref<128x64xf32, #tpu.memory_space<vmem>>)
      %add3A_942 = arith.constant 5 : i32
      %add3A_943 = arith.addi %mul3A_544, %add3A_942 : i32
      %dma_start3A_944 = arith.constant 5 : i32
      %dma_start3A_945 = arith.constant 5 : i32
      %dma_start3A_946 = arith.constant 0 : i32
      %dma_start3A_947 = arith.constant 0 : i32
      %dma_start3A_948 = tpu.memref_slice %arg8[%dma_start3A_944, %dma_start3A_946, %dma_start3A_947] : memref<8x128x64xf32, #tpu.memory_space<vmem>> -> memref<1x128x64xf32, #tpu.memory_space<vmem>>
      %dma_start3A_949 = tpu.memref_squeeze %dma_start3A_948 : memref<1x128x64xf32, #tpu.memory_space<vmem>> -> memref<128x64xf32, #tpu.memory_space<vmem>>
      %dma_start3A_950 = arith.constant 0 : i32
      %dma_start3A_951 = tpu.memref_slice %arg7[%add3A_943, %dma_start3A_950] : memref<80x128xi32, #tpu.memory_space<vmem>> -> memref<1x128xi32, #tpu.memory_space<vmem>>
      %dma_start3A_952 = tpu.memref_squeeze %dma_start3A_951 : memref<1x128xi32, #tpu.memory_space<vmem>> -> memref<128xi32, #tpu.memory_space<vmem>>
      %dma_start3A_953 = arith.constant 0 : i32
      %dma_start3A_954 = arith.constant 0 : i32
      %dma_start3A_955 = tpu.memref_slice %arg10[%dma_start3A_953, %dma_start3A_954] : memref<10240x64xf32, #tpu.memory_space<vmem_shared>> -> memref<10240x64xf32, #tpu.memory_space<vmem_shared>>
      %dma_start3A_956 = tpu.memref_slice %arg12[%dma_start3A_945] : memref<8x!tpu.dma_semaphore, #tpu.memory_space<semaphore_mem>> -> memref<1x!tpu.dma_semaphore, #tpu.memory_space<semaphore_mem>>
      %dma_start3A_957 = tpu.memref_squeeze %dma_start3A_956 : memref<1x!tpu.dma_semaphore, #tpu.memory_space<semaphore_mem>> -> memref<!tpu.dma_semaphore, #tpu.memory_space<semaphore_mem>>
      tpu.enqueue_indirect_dma source(%dma_start3A_949 : memref<128x64xf32, #tpu.memory_space<vmem>>) target(%dma_start3A_955 : memref<10240x64xf32, #tpu.memory_space<vmem_shared>>) offsets(%dma_start3A_952 : memref<128xi32, #tpu.memory_space<vmem>>) semaphore(%dma_start3A_957 : memref<!tpu.dma_semaphore, #tpu.memory_space<semaphore_mem>>) {add = true}
      %add3A_958 = arith.constant 6 : i32
      %add3A_959 = arith.addi %mul3A_544, %add3A_958 : i32
      %dma_wait3A_960 = arith.constant 6 : i32
      %dma_wait3A_961 = arith.constant 6 : i32
      %dma_wait3A_962 = arith.constant 0 : i32
      %dma_wait3A_963 = arith.constant 0 : i32
      %dma_wait3A_964 = tpu.memref_slice %arg8[%dma_wait3A_960, %dma_wait3A_962, %dma_wait3A_963] : memref<8x128x64xf32, #tpu.memory_space<vmem>> -> memref<1x128x64xf32, #tpu.memory_space<vmem>>
      %dma_wait3A_965 = tpu.memref_squeeze %dma_wait3A_964 : memref<1x128x64xf32, #tpu.memory_space<vmem>> -> memref<128x64xf32, #tpu.memory_space<vmem>>
      %dma_wait3A_966 = arith.constant 0 : i32
      %dma_wait3A_967 = tpu.memref_slice %arg6[%add3A_959, %dma_wait3A_966] : memref<80x128xi32, #tpu.memory_space<vmem>> -> memref<1x128xi32, #tpu.memory_space<vmem>>
      %dma_wait3A_968 = tpu.memref_squeeze %dma_wait3A_967 : memref<1x128xi32, #tpu.memory_space<vmem>> -> memref<128xi32, #tpu.memory_space<vmem>>
      %dma_wait3A_969 = arith.constant 0 : i32
      %dma_wait3A_970 = arith.constant 0 : i32
      %dma_wait3A_971 = tpu.memref_slice %arg2[%arg0, %dma_wait3A_969, %dma_wait3A_970] : memref<2x10240x64xf32, #tpu.memory_space<hbm>> -> memref<1x10240x64xf32, #tpu.memory_space<hbm>>
      %dma_wait3A_972 = tpu.memref_squeeze %dma_wait3A_971 : memref<1x10240x64xf32, #tpu.memory_space<hbm>> -> memref<10240x64xf32, #tpu.memory_space<hbm>>
      %dma_wait3A_973 = arith.constant 0 : i32
      %dma_wait3A_974 = arith.constant 0 : i32
      %dma_wait3A_975 = tpu.memref_slice %dma_wait3A_972[%dma_wait3A_973, %dma_wait3A_974] : memref<10240x64xf32, #tpu.memory_space<hbm>> -> memref<10240x64xf32, #tpu.memory_space<hbm>>
      %dma_wait3A_976 = tpu.memref_slice %arg11[%dma_wait3A_961] : memref<8x!tpu.dma_semaphore, #tpu.memory_space<semaphore_mem>> -> memref<1x!tpu.dma_semaphore, #tpu.memory_space<semaphore_mem>>
      %dma_wait3A_977 = tpu.memref_squeeze %dma_wait3A_976 : memref<1x!tpu.dma_semaphore, #tpu.memory_space<semaphore_mem>> -> memref<!tpu.dma_semaphore, #tpu.memory_space<semaphore_mem>>
      tpu.wait_indirect_dma semaphore(%dma_wait3A_977 : memref<!tpu.dma_semaphore, #tpu.memory_space<semaphore_mem>>) src(%dma_wait3A_975 : memref<10240x64xf32, #tpu.memory_space<hbm>>) dst(%dma_wait3A_965 : memref<128x64xf32, #tpu.memory_space<vmem>>)
      %add3A_978 = arith.constant 6 : i32
      %add3A_979 = arith.addi %mul3A_544, %add3A_978 : i32
      %dma_start3A_980 = arith.constant 6 : i32
      %dma_start3A_981 = arith.constant 6 : i32
      %dma_start3A_982 = arith.constant 0 : i32
      %dma_start3A_983 = arith.constant 0 : i32
      %dma_start3A_984 = tpu.memref_slice %arg8[%dma_start3A_980, %dma_start3A_982, %dma_start3A_983] : memref<8x128x64xf32, #tpu.memory_space<vmem>> -> memref<1x128x64xf32, #tpu.memory_space<vmem>>
      %dma_start3A_985 = tpu.memref_squeeze %dma_start3A_984 : memref<1x128x64xf32, #tpu.memory_space<vmem>> -> memref<128x64xf32, #tpu.memory_space<vmem>>
      %dma_start3A_986 = arith.constant 0 : i32
      %dma_start3A_987 = tpu.memref_slice %arg7[%add3A_979, %dma_start3A_986] : memref<80x128xi32, #tpu.memory_space<vmem>> -> memref<1x128xi32, #tpu.memory_space<vmem>>
      %dma_start3A_988 = tpu.memref_squeeze %dma_start3A_987 : memref<1x128xi32, #tpu.memory_space<vmem>> -> memref<128xi32, #tpu.memory_space<vmem>>
      %dma_start3A_989 = arith.constant 0 : i32
      %dma_start3A_990 = arith.constant 0 : i32
      %dma_start3A_991 = tpu.memref_slice %arg10[%dma_start3A_989, %dma_start3A_990] : memref<10240x64xf32, #tpu.memory_space<vmem_shared>> -> memref<10240x64xf32, #tpu.memory_space<vmem_shared>>
      %dma_start3A_992 = tpu.memref_slice %arg12[%dma_start3A_981] : memref<8x!tpu.dma_semaphore, #tpu.memory_space<semaphore_mem>> -> memref<1x!tpu.dma_semaphore, #tpu.memory_space<semaphore_mem>>
      %dma_start3A_993 = tpu.memref_squeeze %dma_start3A_992 : memref<1x!tpu.dma_semaphore, #tpu.memory_space<semaphore_mem>> -> memref<!tpu.dma_semaphore, #tpu.memory_space<semaphore_mem>>
      tpu.enqueue_indirect_dma source(%dma_start3A_985 : memref<128x64xf32, #tpu.memory_space<vmem>>) target(%dma_start3A_991 : memref<10240x64xf32, #tpu.memory_space<vmem_shared>>) offsets(%dma_start3A_988 : memref<128xi32, #tpu.memory_space<vmem>>) semaphore(%dma_start3A_993 : memref<!tpu.dma_semaphore, #tpu.memory_space<semaphore_mem>>) {add = true}
      %add3A_994 = arith.constant 7 : i32
      %add3A_995 = arith.addi %mul3A_544, %add3A_994 : i32
      %dma_wait3A_996 = arith.constant 7 : i32
      %dma_wait3A_997 = arith.constant 7 : i32
      %dma_wait3A_998 = arith.constant 0 : i32
      %dma_wait3A_999 = arith.constant 0 : i32
      %dma_wait3A_1000 = tpu.memref_slice %arg8[%dma_wait3A_996, %dma_wait3A_998, %dma_wait3A_999] : memref<8x128x64xf32, #tpu.memory_space<vmem>> -> memref<1x128x64xf32, #tpu.memory_space<vmem>>
      %dma_wait3A_1001 = tpu.memref_squeeze %dma_wait3A_1000 : memref<1x128x64xf32, #tpu.memory_space<vmem>> -> memref<128x64xf32, #tpu.memory_space<vmem>>
      %dma_wait3A_1002 = arith.constant 0 : i32
      %dma_wait3A_1003 = tpu.memref_slice %arg6[%add3A_995, %dma_wait3A_1002] : memref<80x128xi32, #tpu.memory_space<vmem>> -> memref<1x128xi32, #tpu.memory_space<vmem>>
      %dma_wait3A_1004 = tpu.memref_squeeze %dma_wait3A_1003 : memref<1x128xi32, #tpu.memory_space<vmem>> -> memref<128xi32, #tpu.memory_space<vmem>>
      %dma_wait3A_1005 = arith.constant 0 : i32
      %dma_wait3A_1006 = arith.constant 0 : i32
      %dma_wait3A_1007 = tpu.memref_slice %arg2[%arg0, %dma_wait3A_1005, %dma_wait3A_1006] : memref<2x10240x64xf32, #tpu.memory_space<hbm>> -> memref<1x10240x64xf32, #tpu.memory_space<hbm>>
      %dma_wait3A_1008 = tpu.memref_squeeze %dma_wait3A_1007 : memref<1x10240x64xf32, #tpu.memory_space<hbm>> -> memref<10240x64xf32, #tpu.memory_space<hbm>>
      %dma_wait3A_1009 = arith.constant 0 : i32
      %dma_wait3A_1010 = arith.constant 0 : i32
      %dma_wait3A_1011 = tpu.memref_slice %dma_wait3A_1008[%dma_wait3A_1009, %dma_wait3A_1010] : memref<10240x64xf32, #tpu.memory_space<hbm>> -> memref<10240x64xf32, #tpu.memory_space<hbm>>
      %dma_wait3A_1012 = tpu.memref_slice %arg11[%dma_wait3A_997] : memref<8x!tpu.dma_semaphore, #tpu.memory_space<semaphore_mem>> -> memref<1x!tpu.dma_semaphore, #tpu.memory_space<semaphore_mem>>
      %dma_wait3A_1013 = tpu.memref_squeeze %dma_wait3A_1012 : memref<1x!tpu.dma_semaphore, #tpu.memory_space<semaphore_mem>> -> memref<!tpu.dma_semaphore, #tpu.memory_space<semaphore_mem>>
      tpu.wait_indirect_dma semaphore(%dma_wait3A_1013 : memref<!tpu.dma_semaphore, #tpu.memory_space<semaphore_mem>>) src(%dma_wait3A_1011 : memref<10240x64xf32, #tpu.memory_space<hbm>>) dst(%dma_wait3A_1001 : memref<128x64xf32, #tpu.memory_space<vmem>>)
      %add3A_1014 = arith.constant 7 : i32
      %add3A_1015 = arith.addi %mul3A_544, %add3A_1014 : i32
      %dma_start3A_1016 = arith.constant 7 : i32
      %dma_start3A_1017 = arith.constant 7 : i32
      %dma_start3A_1018 = arith.constant 0 : i32
      %dma_start3A_1019 = arith.constant 0 : i32
      %dma_start3A_1020 = tpu.memref_slice %arg8[%dma_start3A_1016, %dma_start3A_1018, %dma_start3A_1019] : memref<8x128x64xf32, #tpu.memory_space<vmem>> -> memref<1x128x64xf32, #tpu.memory_space<vmem>>
      %dma_start3A_1021 = tpu.memref_squeeze %dma_start3A_1020 : memref<1x128x64xf32, #tpu.memory_space<vmem>> -> memref<128x64xf32, #tpu.memory_space<vmem>>
      %dma_start3A_1022 = arith.constant 0 : i32
      %dma_start3A_1023 = tpu.memref_slice %arg7[%add3A_1015, %dma_start3A_1022] : memref<80x128xi32, #tpu.memory_space<vmem>> -> memref<1x128xi32, #tpu.memory_space<vmem>>
      %dma_start3A_1024 = tpu.memref_squeeze %dma_start3A_1023 : memref<1x128xi32, #tpu.memory_space<vmem>> -> memref<128xi32, #tpu.memory_space<vmem>>
      %dma_start3A_1025 = arith.constant 0 : i32
      %dma_start3A_1026 = arith.constant 0 : i32
      %dma_start3A_1027 = tpu.memref_slice %arg10[%dma_start3A_1025, %dma_start3A_1026] : memref<10240x64xf32, #tpu.memory_space<vmem_shared>> -> memref<10240x64xf32, #tpu.memory_space<vmem_shared>>
      %dma_start3A_1028 = tpu.memref_slice %arg12[%dma_start3A_1017] : memref<8x!tpu.dma_semaphore, #tpu.memory_space<semaphore_mem>> -> memref<1x!tpu.dma_semaphore, #tpu.memory_space<semaphore_mem>>
      %dma_start3A_1029 = tpu.memref_squeeze %dma_start3A_1028 : memref<1x!tpu.dma_semaphore, #tpu.memory_space<semaphore_mem>> -> memref<!tpu.dma_semaphore, #tpu.memory_space<semaphore_mem>>
      tpu.enqueue_indirect_dma source(%dma_start3A_1021 : memref<128x64xf32, #tpu.memory_space<vmem>>) target(%dma_start3A_1027 : memref<10240x64xf32, #tpu.memory_space<vmem_shared>>) offsets(%dma_start3A_1024 : memref<128xi32, #tpu.memory_space<vmem>>) semaphore(%dma_start3A_1029 : memref<!tpu.dma_semaphore, #tpu.memory_space<semaphore_mem>>) {add = true}
    }
    %scan3A_292 = arith.constant 10 : i32
    %dma_wait3A_293 = arith.constant 0 : i32
    %dma_wait3A_294 = arith.constant 72 : i32
    %dma_wait3A_295 = arith.constant 0 : i32
    %dma_wait3A_296 = arith.constant 0 : i32
    %dma_wait3A_297 = arith.constant 0 : i32
    %dma_wait3A_298 = tpu.memref_slice %arg8[%dma_wait3A_293, %dma_wait3A_296, %dma_wait3A_297] : memref<8x128x64xf32, #tpu.memory_space<vmem>> -> memref<1x128x64xf32, #tpu.memory_space<vmem>>
    %dma_wait3A_299 = tpu.memref_squeeze %dma_wait3A_298 : memref<1x128x64xf32, #tpu.memory_space<vmem>> -> memref<128x64xf32, #tpu.memory_space<vmem>>
    %dma_wait3A_300 = arith.constant 0 : i32
    %dma_wait3A_301 = tpu.memref_slice %arg7[%dma_wait3A_294, %dma_wait3A_300] : memref<80x128xi32, #tpu.memory_space<vmem>> -> memref<1x128xi32, #tpu.memory_space<vmem>>
    %dma_wait3A_302 = tpu.memref_squeeze %dma_wait3A_301 : memref<1x128xi32, #tpu.memory_space<vmem>> -> memref<128xi32, #tpu.memory_space<vmem>>
    %dma_wait3A_303 = arith.constant 0 : i32
    %dma_wait3A_304 = arith.constant 0 : i32
    %dma_wait3A_305 = tpu.memref_slice %arg10[%dma_wait3A_303, %dma_wait3A_304] : memref<10240x64xf32, #tpu.memory_space<vmem_shared>> -> memref<10240x64xf32, #tpu.memory_space<vmem_shared>>
    %dma_wait3A_306 = tpu.memref_slice %arg12[%dma_wait3A_295] : memref<8x!tpu.dma_semaphore, #tpu.memory_space<semaphore_mem>> -> memref<1x!tpu.dma_semaphore, #tpu.memory_space<semaphore_mem>>
    %dma_wait3A_307 = tpu.memref_squeeze %dma_wait3A_306 : memref<1x!tpu.dma_semaphore, #tpu.memory_space<semaphore_mem>> -> memref<!tpu.dma_semaphore, #tpu.memory_space<semaphore_mem>>
    tpu.wait_indirect_dma semaphore(%dma_wait3A_307 : memref<!tpu.dma_semaphore, #tpu.memory_space<semaphore_mem>>) src(%dma_wait3A_299 : memref<128x64xf32, #tpu.memory_space<vmem>>) dst(%dma_wait3A_305 : memref<10240x64xf32, #tpu.memory_space<vmem_shared>>)
    %dma_wait3A_308 = arith.constant 1 : i32
    %dma_wait3A_309 = arith.constant 73 : i32
    %dma_wait3A_310 = arith.constant 1 : i32
    %dma_wait3A_311 = arith.constant 0 : i32
    %dma_wait3A_312 = arith.constant 0 : i32
    %dma_wait3A_313 = tpu.memref_slice %arg8[%dma_wait3A_308, %dma_wait3A_311, %dma_wait3A_312] : memref<8x128x64xf32, #tpu.memory_space<vmem>> -> memref<1x128x64xf32, #tpu.memory_space<vmem>>
    %dma_wait3A_314 = tpu.memref_squeeze %dma_wait3A_313 : memref<1x128x64xf32, #tpu.memory_space<vmem>> -> memref<128x64xf32, #tpu.memory_space<vmem>>
    %dma_wait3A_315 = arith.constant 0 : i32
    %dma_wait3A_316 = tpu.memref_slice %arg7[%dma_wait3A_309, %dma_wait3A_315] : memref<80x128xi32, #tpu.memory_space<vmem>> -> memref<1x128xi32, #tpu.memory_space<vmem>>
    %dma_wait3A_317 = tpu.memref_squeeze %dma_wait3A_316 : memref<1x128xi32, #tpu.memory_space<vmem>> -> memref<128xi32, #tpu.memory_space<vmem>>
    %dma_wait3A_318 = arith.constant 0 : i32
    %dma_wait3A_319 = arith.constant 0 : i32
    %dma_wait3A_320 = tpu.memref_slice %arg10[%dma_wait3A_318, %dma_wait3A_319] : memref<10240x64xf32, #tpu.memory_space<vmem_shared>> -> memref<10240x64xf32, #tpu.memory_space<vmem_shared>>
    %dma_wait3A_321 = tpu.memref_slice %arg12[%dma_wait3A_310] : memref<8x!tpu.dma_semaphore, #tpu.memory_space<semaphore_mem>> -> memref<1x!tpu.dma_semaphore, #tpu.memory_space<semaphore_mem>>
    %dma_wait3A_322 = tpu.memref_squeeze %dma_wait3A_321 : memref<1x!tpu.dma_semaphore, #tpu.memory_space<semaphore_mem>> -> memref<!tpu.dma_semaphore, #tpu.memory_space<semaphore_mem>>
    tpu.wait_indirect_dma semaphore(%dma_wait3A_322 : memref<!tpu.dma_semaphore, #tpu.memory_space<semaphore_mem>>) src(%dma_wait3A_314 : memref<128x64xf32, #tpu.memory_space<vmem>>) dst(%dma_wait3A_320 : memref<10240x64xf32, #tpu.memory_space<vmem_shared>>)
    %dma_wait3A_323 = arith.constant 2 : i32
    %dma_wait3A_324 = arith.constant 74 : i32
    %dma_wait3A_325 = arith.constant 2 : i32
    %dma_wait3A_326 = arith.constant 0 : i32
    %dma_wait3A_327 = arith.constant 0 : i32
    %dma_wait3A_328 = tpu.memref_slice %arg8[%dma_wait3A_323, %dma_wait3A_326, %dma_wait3A_327] : memref<8x128x64xf32, #tpu.memory_space<vmem>> -> memref<1x128x64xf32, #tpu.memory_space<vmem>>
    %dma_wait3A_329 = tpu.memref_squeeze %dma_wait3A_328 : memref<1x128x64xf32, #tpu.memory_space<vmem>> -> memref<128x64xf32, #tpu.memory_space<vmem>>
    %dma_wait3A_330 = arith.constant 0 : i32
    %dma_wait3A_331 = tpu.memref_slice %arg7[%dma_wait3A_324, %dma_wait3A_330] : memref<80x128xi32, #tpu.memory_space<vmem>> -> memref<1x128xi32, #tpu.memory_space<vmem>>
    %dma_wait3A_332 = tpu.memref_squeeze %dma_wait3A_331 : memref<1x128xi32, #tpu.memory_space<vmem>> -> memref<128xi32, #tpu.memory_space<vmem>>
    %dma_wait3A_333 = arith.constant 0 : i32
    %dma_wait3A_334 = arith.constant 0 : i32
    %dma_wait3A_335 = tpu.memref_slice %arg10[%dma_wait3A_333, %dma_wait3A_334] : memref<10240x64xf32, #tpu.memory_space<vmem_shared>> -> memref<10240x64xf32, #tpu.memory_space<vmem_shared>>
    %dma_wait3A_336 = tpu.memref_slice %arg12[%dma_wait3A_325] : memref<8x!tpu.dma_semaphore, #tpu.memory_space<semaphore_mem>> -> memref<1x!tpu.dma_semaphore, #tpu.memory_space<semaphore_mem>>
    %dma_wait3A_337 = tpu.memref_squeeze %dma_wait3A_336 : memref<1x!tpu.dma_semaphore, #tpu.memory_space<semaphore_mem>> -> memref<!tpu.dma_semaphore, #tpu.memory_space<semaphore_mem>>
    tpu.wait_indirect_dma semaphore(%dma_wait3A_337 : memref<!tpu.dma_semaphore, #tpu.memory_space<semaphore_mem>>) src(%dma_wait3A_329 : memref<128x64xf32, #tpu.memory_space<vmem>>) dst(%dma_wait3A_335 : memref<10240x64xf32, #tpu.memory_space<vmem_shared>>)
    %dma_wait3A_338 = arith.constant 3 : i32
    %dma_wait3A_339 = arith.constant 75 : i32
    %dma_wait3A_340 = arith.constant 3 : i32
    %dma_wait3A_341 = arith.constant 0 : i32
    %dma_wait3A_342 = arith.constant 0 : i32
    %dma_wait3A_343 = tpu.memref_slice %arg8[%dma_wait3A_338, %dma_wait3A_341, %dma_wait3A_342] : memref<8x128x64xf32, #tpu.memory_space<vmem>> -> memref<1x128x64xf32, #tpu.memory_space<vmem>>
    %dma_wait3A_344 = tpu.memref_squeeze %dma_wait3A_343 : memref<1x128x64xf32, #tpu.memory_space<vmem>> -> memref<128x64xf32, #tpu.memory_space<vmem>>
    %dma_wait3A_345 = arith.constant 0 : i32
    %dma_wait3A_346 = tpu.memref_slice %arg7[%dma_wait3A_339, %dma_wait3A_345] : memref<80x128xi32, #tpu.memory_space<vmem>> -> memref<1x128xi32, #tpu.memory_space<vmem>>
    %dma_wait3A_347 = tpu.memref_squeeze %dma_wait3A_346 : memref<1x128xi32, #tpu.memory_space<vmem>> -> memref<128xi32, #tpu.memory_space<vmem>>
    %dma_wait3A_348 = arith.constant 0 : i32
    %dma_wait3A_349 = arith.constant 0 : i32
    %dma_wait3A_350 = tpu.memref_slice %arg10[%dma_wait3A_348, %dma_wait3A_349] : memref<10240x64xf32, #tpu.memory_space<vmem_shared>> -> memref<10240x64xf32, #tpu.memory_space<vmem_shared>>
    %dma_wait3A_351 = tpu.memref_slice %arg12[%dma_wait3A_340] : memref<8x!tpu.dma_semaphore, #tpu.memory_space<semaphore_mem>> -> memref<1x!tpu.dma_semaphore, #tpu.memory_space<semaphore_mem>>
    %dma_wait3A_352 = tpu.memref_squeeze %dma_wait3A_351 : memref<1x!tpu.dma_semaphore, #tpu.memory_space<semaphore_mem>> -> memref<!tpu.dma_semaphore, #tpu.memory_space<semaphore_mem>>
    tpu.wait_indirect_dma semaphore(%dma_wait3A_352 : memref<!tpu.dma_semaphore, #tpu.memory_space<semaphore_mem>>) src(%dma_wait3A_344 : memref<128x64xf32, #tpu.memory_space<vmem>>) dst(%dma_wait3A_350 : memref<10240x64xf32, #tpu.memory_space<vmem_shared>>)
    %dma_wait3A_353 = arith.constant 4 : i32
    %dma_wait3A_354 = arith.constant 76 : i32
    %dma_wait3A_355 = arith.constant 4 : i32
    %dma_wait3A_356 = arith.constant 0 : i32
    %dma_wait3A_357 = arith.constant 0 : i32
    %dma_wait3A_358 = tpu.memref_slice %arg8[%dma_wait3A_353, %dma_wait3A_356, %dma_wait3A_357] : memref<8x128x64xf32, #tpu.memory_space<vmem>> -> memref<1x128x64xf32, #tpu.memory_space<vmem>>
    %dma_wait3A_359 = tpu.memref_squeeze %dma_wait3A_358 : memref<1x128x64xf32, #tpu.memory_space<vmem>> -> memref<128x64xf32, #tpu.memory_space<vmem>>
    %dma_wait3A_360 = arith.constant 0 : i32
    %dma_wait3A_361 = tpu.memref_slice %arg7[%dma_wait3A_354, %dma_wait3A_360] : memref<80x128xi32, #tpu.memory_space<vmem>> -> memref<1x128xi32, #tpu.memory_space<vmem>>
    %dma_wait3A_362 = tpu.memref_squeeze %dma_wait3A_361 : memref<1x128xi32, #tpu.memory_space<vmem>> -> memref<128xi32, #tpu.memory_space<vmem>>
    %dma_wait3A_363 = arith.constant 0 : i32
    %dma_wait3A_364 = arith.constant 0 : i32
    %dma_wait3A_365 = tpu.memref_slice %arg10[%dma_wait3A_363, %dma_wait3A_364] : memref<10240x64xf32, #tpu.memory_space<vmem_shared>> -> memref<10240x64xf32, #tpu.memory_space<vmem_shared>>
    %dma_wait3A_366 = tpu.memref_slice %arg12[%dma_wait3A_355] : memref<8x!tpu.dma_semaphore, #tpu.memory_space<semaphore_mem>> -> memref<1x!tpu.dma_semaphore, #tpu.memory_space<semaphore_mem>>
    %dma_wait3A_367 = tpu.memref_squeeze %dma_wait3A_366 : memref<1x!tpu.dma_semaphore, #tpu.memory_space<semaphore_mem>> -> memref<!tpu.dma_semaphore, #tpu.memory_space<semaphore_mem>>
    tpu.wait_indirect_dma semaphore(%dma_wait3A_367 : memref<!tpu.dma_semaphore, #tpu.memory_space<semaphore_mem>>) src(%dma_wait3A_359 : memref<128x64xf32, #tpu.memory_space<vmem>>) dst(%dma_wait3A_365 : memref<10240x64xf32, #tpu.memory_space<vmem_shared>>)
    %dma_wait3A_368 = arith.constant 5 : i32
    %dma_wait3A_369 = arith.constant 77 : i32
    %dma_wait3A_370 = arith.constant 5 : i32
    %dma_wait3A_371 = arith.constant 0 : i32
    %dma_wait3A_372 = arith.constant 0 : i32
    %dma_wait3A_373 = tpu.memref_slice %arg8[%dma_wait3A_368, %dma_wait3A_371, %dma_wait3A_372] : memref<8x128x64xf32, #tpu.memory_space<vmem>> -> memref<1x128x64xf32, #tpu.memory_space<vmem>>
    %dma_wait3A_374 = tpu.memref_squeeze %dma_wait3A_373 : memref<1x128x64xf32, #tpu.memory_space<vmem>> -> memref<128x64xf32, #tpu.memory_space<vmem>>
    %dma_wait3A_375 = arith.constant 0 : i32
    %dma_wait3A_376 = tpu.memref_slice %arg7[%dma_wait3A_369, %dma_wait3A_375] : memref<80x128xi32, #tpu.memory_space<vmem>> -> memref<1x128xi32, #tpu.memory_space<vmem>>
    %dma_wait3A_377 = tpu.memref_squeeze %dma_wait3A_376 : memref<1x128xi32, #tpu.memory_space<vmem>> -> memref<128xi32, #tpu.memory_space<vmem>>
    %dma_wait3A_378 = arith.constant 0 : i32
    %dma_wait3A_379 = arith.constant 0 : i32
    %dma_wait3A_380 = tpu.memref_slice %arg10[%dma_wait3A_378, %dma_wait3A_379] : memref<10240x64xf32, #tpu.memory_space<vmem_shared>> -> memref<10240x64xf32, #tpu.memory_space<vmem_shared>>
    %dma_wait3A_381 = tpu.memref_slice %arg12[%dma_wait3A_370] : memref<8x!tpu.dma_semaphore, #tpu.memory_space<semaphore_mem>> -> memref<1x!tpu.dma_semaphore, #tpu.memory_space<semaphore_mem>>
    %dma_wait3A_382 = tpu.memref_squeeze %dma_wait3A_381 : memref<1x!tpu.dma_semaphore, #tpu.memory_space<semaphore_mem>> -> memref<!tpu.dma_semaphore, #tpu.memory_space<semaphore_mem>>
    tpu.wait_indirect_dma semaphore(%dma_wait3A_382 : memref<!tpu.dma_semaphore, #tpu.memory_space<semaphore_mem>>) src(%dma_wait3A_374 : memref<128x64xf32, #tpu.memory_space<vmem>>) dst(%dma_wait3A_380 : memref<10240x64xf32, #tpu.memory_space<vmem_shared>>)
    %dma_wait3A_383 = arith.constant 6 : i32
    %dma_wait3A_384 = arith.constant 78 : i32
    %dma_wait3A_385 = arith.constant 6 : i32
    %dma_wait3A_386 = arith.constant 0 : i32
    %dma_wait3A_387 = arith.constant 0 : i32
    %dma_wait3A_388 = tpu.memref_slice %arg8[%dma_wait3A_383, %dma_wait3A_386, %dma_wait3A_387] : memref<8x128x64xf32, #tpu.memory_space<vmem>> -> memref<1x128x64xf32, #tpu.memory_space<vmem>>
    %dma_wait3A_389 = tpu.memref_squeeze %dma_wait3A_388 : memref<1x128x64xf32, #tpu.memory_space<vmem>> -> memref<128x64xf32, #tpu.memory_space<vmem>>
    %dma_wait3A_390 = arith.constant 0 : i32
    %dma_wait3A_391 = tpu.memref_slice %arg7[%dma_wait3A_384, %dma_wait3A_390] : memref<80x128xi32, #tpu.memory_space<vmem>> -> memref<1x128xi32, #tpu.memory_space<vmem>>
    %dma_wait3A_392 = tpu.memref_squeeze %dma_wait3A_391 : memref<1x128xi32, #tpu.memory_space<vmem>> -> memref<128xi32, #tpu.memory_space<vmem>>
    %dma_wait3A_393 = arith.constant 0 : i32
    %dma_wait3A_394 = arith.constant 0 : i32
    %dma_wait3A_395 = tpu.memref_slice %arg10[%dma_wait3A_393, %dma_wait3A_394] : memref<10240x64xf32, #tpu.memory_space<vmem_shared>> -> memref<10240x64xf32, #tpu.memory_space<vmem_shared>>
    %dma_wait3A_396 = tpu.memref_slice %arg12[%dma_wait3A_385] : memref<8x!tpu.dma_semaphore, #tpu.memory_space<semaphore_mem>> -> memref<1x!tpu.dma_semaphore, #tpu.memory_space<semaphore_mem>>
    %dma_wait3A_397 = tpu.memref_squeeze %dma_wait3A_396 : memref<1x!tpu.dma_semaphore, #tpu.memory_space<semaphore_mem>> -> memref<!tpu.dma_semaphore, #tpu.memory_space<semaphore_mem>>
    tpu.wait_indirect_dma semaphore(%dma_wait3A_397 : memref<!tpu.dma_semaphore, #tpu.memory_space<semaphore_mem>>) src(%dma_wait3A_389 : memref<128x64xf32, #tpu.memory_space<vmem>>) dst(%dma_wait3A_395 : memref<10240x64xf32, #tpu.memory_space<vmem_shared>>)
    %dma_wait3A_398 = arith.constant 7 : i32
    %dma_wait3A_399 = arith.constant 79 : i32
    %dma_wait3A_400 = arith.constant 7 : i32
    %dma_wait3A_401 = arith.constant 0 : i32
    %dma_wait3A_402 = arith.constant 0 : i32
    %dma_wait3A_403 = tpu.memref_slice %arg8[%dma_wait3A_398, %dma_wait3A_401, %dma_wait3A_402] : memref<8x128x64xf32, #tpu.memory_space<vmem>> -> memref<1x128x64xf32, #tpu.memory_space<vmem>>
    %dma_wait3A_404 = tpu.memref_squeeze %dma_wait3A_403 : memref<1x128x64xf32, #tpu.memory_space<vmem>> -> memref<128x64xf32, #tpu.memory_space<vmem>>
    %dma_wait3A_405 = arith.constant 0 : i32
    %dma_wait3A_406 = tpu.memref_slice %arg7[%dma_wait3A_399, %dma_wait3A_405] : memref<80x128xi32, #tpu.memory_space<vmem>> -> memref<1x128xi32, #tpu.memory_space<vmem>>
    %dma_wait3A_407 = tpu.memref_squeeze %dma_wait3A_406 : memref<1x128xi32, #tpu.memory_space<vmem>> -> memref<128xi32, #tpu.memory_space<vmem>>
    %dma_wait3A_408 = arith.constant 0 : i32
    %dma_wait3A_409 = arith.constant 0 : i32
    %dma_wait3A_410 = tpu.memref_slice %arg10[%dma_wait3A_408, %dma_wait3A_409] : memref<10240x64xf32, #tpu.memory_space<vmem_shared>> -> memref<10240x64xf32, #tpu.memory_space<vmem_shared>>
    %dma_wait3A_411 = tpu.memref_slice %arg12[%dma_wait3A_400] : memref<8x!tpu.dma_semaphore, #tpu.memory_space<semaphore_mem>> -> memref<1x!tpu.dma_semaphore, #tpu.memory_space<semaphore_mem>>
    %dma_wait3A_412 = tpu.memref_squeeze %dma_wait3A_411 : memref<1x!tpu.dma_semaphore, #tpu.memory_space<semaphore_mem>> -> memref<!tpu.dma_semaphore, #tpu.memory_space<semaphore_mem>>
    tpu.wait_indirect_dma semaphore(%dma_wait3A_412 : memref<!tpu.dma_semaphore, #tpu.memory_space<semaphore_mem>>) src(%dma_wait3A_404 : memref<128x64xf32, #tpu.memory_space<vmem>>) dst(%dma_wait3A_410 : memref<10240x64xf32, #tpu.memory_space<vmem_shared>>)
    "tpu.region"() ({
      %run_scoped3A = tpu.sem_alloc : memref<!tpu.dma_semaphore, #tpu.memory_space<semaphore_mem>>
      %dma_start3A_542 = arith.constant 80 : i32
      %dma_start3A_543 = arith.constant 0 : i32
      %dma_start3A_544 = tpu.memref_slice %arg3[%arg1, %dma_start3A_542, %dma_start3A_543] : memref<16x160x128xi32, #tpu.memory_space<hbm>> -> memref<1x80x128xi32, #tpu.memory_space<hbm>>
      %dma_start3A_545 = tpu.memref_squeeze %dma_start3A_544 : memref<1x80x128xi32, #tpu.memory_space<hbm>> -> memref<80x128xi32, #tpu.memory_space<hbm>>
      %dma_start3A_546 = arith.constant 80 : i32
      %dma_start3A_547 = arith.constant 0 : i32
      %dma_start3A_548 = tpu.memref_slice %arg3[%arg1, %dma_start3A_546, %dma_start3A_547] : memref<16x160x128xi32, #tpu.memory_space<hbm>> -> memref<1x80x128xi32, #tpu.memory_space<hbm>>
      %dma_start3A_549 = tpu.memref_squeeze %dma_start3A_548 : memref<1x80x128xi32, #tpu.memory_space<hbm>> -> memref<80x128xi32, #tpu.memory_space<hbm>>
      tpu.enqueue_dma source(%dma_start3A_549 : memref<80x128xi32, #tpu.memory_space<hbm>>) target(%arg6 : memref<80x128xi32, #tpu.memory_space<vmem>>) target_semaphore(%run_scoped3A : memref<!tpu.dma_semaphore, #tpu.memory_space<semaphore_mem>>)
      %dma_wait3A_550 = arith.constant 80 : i32
      %dma_wait3A_551 = arith.constant 0 : i32
      %dma_wait3A_552 = tpu.memref_slice %arg3[%arg1, %dma_wait3A_550, %dma_wait3A_551] : memref<16x160x128xi32, #tpu.memory_space<hbm>> -> memref<1x80x128xi32, #tpu.memory_space<hbm>>
      %dma_wait3A_553 = tpu.memref_squeeze %dma_wait3A_552 : memref<1x80x128xi32, #tpu.memory_space<hbm>> -> memref<80x128xi32, #tpu.memory_space<hbm>>
      %dma_wait3A_554 = arith.constant 80 : i32
      %dma_wait3A_555 = arith.constant 0 : i32
      %dma_wait3A_556 = tpu.memref_slice %arg3[%arg1, %dma_wait3A_554, %dma_wait3A_555] : memref<16x160x128xi32, #tpu.memory_space<hbm>> -> memref<1x80x128xi32, #tpu.memory_space<hbm>>
      %dma_wait3A_557 = tpu.memref_squeeze %dma_wait3A_556 : memref<1x80x128xi32, #tpu.memory_space<hbm>> -> memref<80x128xi32, #tpu.memory_space<hbm>>
      tpu.wait_dma2 semaphore(%run_scoped3A : memref<!tpu.dma_semaphore, #tpu.memory_space<semaphore_mem>>) src(%dma_wait3A_557 : memref<80x128xi32, #tpu.memory_space<hbm>>) dst(%arg6 : memref<80x128xi32, #tpu.memory_space<vmem>>)
      tpu.yield
    }) : () -> ()
    "tpu.region"() ({
      %run_scoped3A = tpu.sem_alloc : memref<!tpu.dma_semaphore, #tpu.memory_space<semaphore_mem>>
      %dma_start3A_542 = arith.constant 80 : i32
      %dma_start3A_543 = arith.constant 0 : i32
      %dma_start3A_544 = tpu.memref_slice %arg4[%arg1, %dma_start3A_542, %dma_start3A_543] : memref<16x160x128xi32, #tpu.memory_space<hbm>> -> memref<1x80x128xi32, #tpu.memory_space<hbm>>
      %dma_start3A_545 = tpu.memref_squeeze %dma_start3A_544 : memref<1x80x128xi32, #tpu.memory_space<hbm>> -> memref<80x128xi32, #tpu.memory_space<hbm>>
      %dma_start3A_546 = arith.constant 80 : i32
      %dma_start3A_547 = arith.constant 0 : i32
      %dma_start3A_548 = tpu.memref_slice %arg4[%arg1, %dma_start3A_546, %dma_start3A_547] : memref<16x160x128xi32, #tpu.memory_space<hbm>> -> memref<1x80x128xi32, #tpu.memory_space<hbm>>
      %dma_start3A_549 = tpu.memref_squeeze %dma_start3A_548 : memref<1x80x128xi32, #tpu.memory_space<hbm>> -> memref<80x128xi32, #tpu.memory_space<hbm>>
      tpu.enqueue_dma source(%dma_start3A_549 : memref<80x128xi32, #tpu.memory_space<hbm>>) target(%arg7 : memref<80x128xi32, #tpu.memory_space<vmem>>) target_semaphore(%run_scoped3A : memref<!tpu.dma_semaphore, #tpu.memory_space<semaphore_mem>>)
      %dma_wait3A_550 = arith.constant 80 : i32
      %dma_wait3A_551 = arith.constant 0 : i32
      %dma_wait3A_552 = tpu.memref_slice %arg4[%arg1, %dma_wait3A_550, %dma_wait3A_551] : memref<16x160x128xi32, #tpu.memory_space<hbm>> -> memref<1x80x128xi32, #tpu.memory_space<hbm>>
      %dma_wait3A_553 = tpu.memref_squeeze %dma_wait3A_552 : memref<1x80x128xi32, #tpu.memory_space<hbm>> -> memref<80x128xi32, #tpu.memory_space<hbm>>
      %dma_wait3A_554 = arith.constant 80 : i32
      %dma_wait3A_555 = arith.constant 0 : i32
      %dma_wait3A_556 = tpu.memref_slice %arg4[%arg1, %dma_wait3A_554, %dma_wait3A_555] : memref<16x160x128xi32, #tpu.memory_space<hbm>> -> memref<1x80x128xi32, #tpu.memory_space<hbm>>
      %dma_wait3A_557 = tpu.memref_squeeze %dma_wait3A_556 : memref<1x80x128xi32, #tpu.memory_space<hbm>> -> memref<80x128xi32, #tpu.memory_space<hbm>>
      tpu.wait_dma2 semaphore(%run_scoped3A : memref<!tpu.dma_semaphore, #tpu.memory_space<semaphore_mem>>) src(%dma_wait3A_557 : memref<80x128xi32, #tpu.memory_space<hbm>>) dst(%arg7 : memref<80x128xi32, #tpu.memory_space<vmem>>)
      tpu.yield
    }) : () -> ()
    %scan3A_413 = arith.constant 0 : i32
    %scan3A_414 = arith.constant 0 : i32
    %scan3A_415 = arith.constant 10 : i32
    %scan3A_416 = arith.addi %scan3A_414, %scan3A_415 : i32
    %scan3A_417 = arith.constant 1 : i32
    scf.for %scan3A_542 = %scan3A_414 to %scan3A_416 step %scan3A_417  : i32 {
      %mul3A_543 = arith.constant 8 : i32
      %mul3A_544 = arith.muli %mul3A_543, %scan3A_542 : i32
      %gt3A = arith.constant 0 : i32
      %gt3A_545 = arith.cmpi sgt, %scan3A_542, %gt3A : i32
      %convert_element_type3A = arith.extui %gt3A_545 : i1 to i32
      %cond3A = arith.constant 0 : i32
      %cond3A_546 = arith.cmpi ne, %convert_element_type3A, %cond3A : i32
      scf.if %cond3A_546 {
        %add3A_1030 = arith.constant 0 : i32
        %add3A_1031 = arith.addi %mul3A_544, %add3A_1030 : i32
        %dma_wait3A_1032 = arith.constant 0 : i32
        %dma_wait3A_1033 = arith.constant 0 : i32
        %dma_wait3A_1034 = arith.constant 0 : i32
        %dma_wait3A_1035 = arith.constant 0 : i32
        %dma_wait3A_1036 = tpu.memref_slice %arg8[%dma_wait3A_1032, %dma_wait3A_1034, %dma_wait3A_1035] : memref<8x128x64xf32, #tpu.memory_space<vmem>> -> memref<1x128x64xf32, #tpu.memory_space<vmem>>
        %dma_wait3A_1037 = tpu.memref_squeeze %dma_wait3A_1036 : memref<1x128x64xf32, #tpu.memory_space<vmem>> -> memref<128x64xf32, #tpu.memory_space<vmem>>
        %dma_wait3A_1038 = arith.constant 0 : i32
        %dma_wait3A_1039 = tpu.memref_slice %arg7[%add3A_1031, %dma_wait3A_1038] : memref<80x128xi32, #tpu.memory_space<vmem>> -> memref<1x128xi32, #tpu.memory_space<vmem>>
        %dma_wait3A_1040 = tpu.memref_squeeze %dma_wait3A_1039 : memref<1x128xi32, #tpu.memory_space<vmem>> -> memref<128xi32, #tpu.memory_space<vmem>>
        %dma_wait3A_1041 = arith.constant 0 : i32
        %dma_wait3A_1042 = arith.constant 0 : i32
        %dma_wait3A_1043 = tpu.memref_slice %arg10[%dma_wait3A_1041, %dma_wait3A_1042] : memref<10240x64xf32, #tpu.memory_space<vmem_shared>> -> memref<10240x64xf32, #tpu.memory_space<vmem_shared>>
        %dma_wait3A_1044 = tpu.memref_slice %arg12[%dma_wait3A_1033] : memref<8x!tpu.dma_semaphore, #tpu.memory_space<semaphore_mem>> -> memref<1x!tpu.dma_semaphore, #tpu.memory_space<semaphore_mem>>
        %dma_wait3A_1045 = tpu.memref_squeeze %dma_wait3A_1044 : memref<1x!tpu.dma_semaphore, #tpu.memory_space<semaphore_mem>> -> memref<!tpu.dma_semaphore, #tpu.memory_space<semaphore_mem>>
        tpu.wait_indirect_dma semaphore(%dma_wait3A_1045 : memref<!tpu.dma_semaphore, #tpu.memory_space<semaphore_mem>>) src(%dma_wait3A_1037 : memref<128x64xf32, #tpu.memory_space<vmem>>) dst(%dma_wait3A_1043 : memref<10240x64xf32, #tpu.memory_space<vmem_shared>>)
      } else {
      }
      %add3A_547 = arith.constant 0 : i32
      %add3A_548 = arith.addi %mul3A_544, %add3A_547 : i32
      %dma_start3A_549 = arith.constant 0 : i32
      %dma_start3A_550 = arith.constant 0 : i32
      %dma_start3A_551 = arith.constant 0 : i32
      %dma_start3A_552 = arith.constant 0 : i32
      %dma_start3A_553 = tpu.memref_slice %arg8[%dma_start3A_549, %dma_start3A_551, %dma_start3A_552] : memref<8x128x64xf32, #tpu.memory_space<vmem>> -> memref<1x128x64xf32, #tpu.memory_space<vmem>>
      %dma_start3A_554 = tpu.memref_squeeze %dma_start3A_553 : memref<1x128x64xf32, #tpu.memory_space<vmem>> -> memref<128x64xf32, #tpu.memory_space<vmem>>
      %dma_start3A_555 = arith.constant 0 : i32
      %dma_start3A_556 = tpu.memref_slice %arg6[%add3A_548, %dma_start3A_555] : memref<80x128xi32, #tpu.memory_space<vmem>> -> memref<1x128xi32, #tpu.memory_space<vmem>>
      %dma_start3A_557 = tpu.memref_squeeze %dma_start3A_556 : memref<1x128xi32, #tpu.memory_space<vmem>> -> memref<128xi32, #tpu.memory_space<vmem>>
      %dma_start3A_558 = arith.constant 0 : i32
      %dma_start3A_559 = arith.constant 0 : i32
      %dma_start3A_560 = tpu.memref_slice %arg2[%arg0, %dma_start3A_558, %dma_start3A_559] : memref<2x10240x64xf32, #tpu.memory_space<hbm>> -> memref<1x10240x64xf32, #tpu.memory_space<hbm>>
      %dma_start3A_561 = tpu.memref_squeeze %dma_start3A_560 : memref<1x10240x64xf32, #tpu.memory_space<hbm>> -> memref<10240x64xf32, #tpu.memory_space<hbm>>
      %dma_start3A_562 = arith.constant 0 : i32
      %dma_start3A_563 = arith.constant 0 : i32
      %dma_start3A_564 = tpu.memref_slice %dma_start3A_561[%dma_start3A_562, %dma_start3A_563] : memref<10240x64xf32, #tpu.memory_space<hbm>> -> memref<10240x64xf32, #tpu.memory_space<hbm>>
      %dma_start3A_565 = tpu.memref_slice %arg11[%dma_start3A_550] : memref<8x!tpu.dma_semaphore, #tpu.memory_space<semaphore_mem>> -> memref<1x!tpu.dma_semaphore, #tpu.memory_space<semaphore_mem>>
      %dma_start3A_566 = tpu.memref_squeeze %dma_start3A_565 : memref<1x!tpu.dma_semaphore, #tpu.memory_space<semaphore_mem>> -> memref<!tpu.dma_semaphore, #tpu.memory_space<semaphore_mem>>
      tpu.enqueue_indirect_dma source(%dma_start3A_564 : memref<10240x64xf32, #tpu.memory_space<hbm>>) target(%dma_start3A_554 : memref<128x64xf32, #tpu.memory_space<vmem>>) offsets(%dma_start3A_557 : memref<128xi32, #tpu.memory_space<vmem>>) semaphore(%dma_start3A_566 : memref<!tpu.dma_semaphore, #tpu.memory_space<semaphore_mem>>)
      %gt3A_567 = arith.constant 0 : i32
      %gt3A_568 = arith.cmpi sgt, %scan3A_542, %gt3A_567 : i32
      %convert_element_type3A_569 = arith.extui %gt3A_568 : i1 to i32
      %cond3A_570 = arith.constant 0 : i32
      %cond3A_571 = arith.cmpi ne, %convert_element_type3A_569, %cond3A_570 : i32
      scf.if %cond3A_571 {
        %add3A_1030 = arith.constant 1 : i32
        %add3A_1031 = arith.addi %mul3A_544, %add3A_1030 : i32
        %dma_wait3A_1032 = arith.constant 1 : i32
        %dma_wait3A_1033 = arith.constant 1 : i32
        %dma_wait3A_1034 = arith.constant 0 : i32
        %dma_wait3A_1035 = arith.constant 0 : i32
        %dma_wait3A_1036 = tpu.memref_slice %arg8[%dma_wait3A_1032, %dma_wait3A_1034, %dma_wait3A_1035] : memref<8x128x64xf32, #tpu.memory_space<vmem>> -> memref<1x128x64xf32, #tpu.memory_space<vmem>>
        %dma_wait3A_1037 = tpu.memref_squeeze %dma_wait3A_1036 : memref<1x128x64xf32, #tpu.memory_space<vmem>> -> memref<128x64xf32, #tpu.memory_space<vmem>>
        %dma_wait3A_1038 = arith.constant 0 : i32
        %dma_wait3A_1039 = tpu.memref_slice %arg7[%add3A_1031, %dma_wait3A_1038] : memref<80x128xi32, #tpu.memory_space<vmem>> -> memref<1x128xi32, #tpu.memory_space<vmem>>
        %dma_wait3A_1040 = tpu.memref_squeeze %dma_wait3A_1039 : memref<1x128xi32, #tpu.memory_space<vmem>> -> memref<128xi32, #tpu.memory_space<vmem>>
        %dma_wait3A_1041 = arith.constant 0 : i32
        %dma_wait3A_1042 = arith.constant 0 : i32
        %dma_wait3A_1043 = tpu.memref_slice %arg10[%dma_wait3A_1041, %dma_wait3A_1042] : memref<10240x64xf32, #tpu.memory_space<vmem_shared>> -> memref<10240x64xf32, #tpu.memory_space<vmem_shared>>
        %dma_wait3A_1044 = tpu.memref_slice %arg12[%dma_wait3A_1033] : memref<8x!tpu.dma_semaphore, #tpu.memory_space<semaphore_mem>> -> memref<1x!tpu.dma_semaphore, #tpu.memory_space<semaphore_mem>>
        %dma_wait3A_1045 = tpu.memref_squeeze %dma_wait3A_1044 : memref<1x!tpu.dma_semaphore, #tpu.memory_space<semaphore_mem>> -> memref<!tpu.dma_semaphore, #tpu.memory_space<semaphore_mem>>
        tpu.wait_indirect_dma semaphore(%dma_wait3A_1045 : memref<!tpu.dma_semaphore, #tpu.memory_space<semaphore_mem>>) src(%dma_wait3A_1037 : memref<128x64xf32, #tpu.memory_space<vmem>>) dst(%dma_wait3A_1043 : memref<10240x64xf32, #tpu.memory_space<vmem_shared>>)
      } else {
      }
      %add3A_572 = arith.constant 1 : i32
      %add3A_573 = arith.addi %mul3A_544, %add3A_572 : i32
      %dma_start3A_574 = arith.constant 1 : i32
      %dma_start3A_575 = arith.constant 1 : i32
      %dma_start3A_576 = arith.constant 0 : i32
      %dma_start3A_577 = arith.constant 0 : i32
      %dma_start3A_578 = tpu.memref_slice %arg8[%dma_start3A_574, %dma_start3A_576, %dma_start3A_577] : memref<8x128x64xf32, #tpu.memory_space<vmem>> -> memref<1x128x64xf32, #tpu.memory_space<vmem>>
      %dma_start3A_579 = tpu.memref_squeeze %dma_start3A_578 : memref<1x128x64xf32, #tpu.memory_space<vmem>> -> memref<128x64xf32, #tpu.memory_space<vmem>>
      %dma_start3A_580 = arith.constant 0 : i32
      %dma_start3A_581 = tpu.memref_slice %arg6[%add3A_573, %dma_start3A_580] : memref<80x128xi32, #tpu.memory_space<vmem>> -> memref<1x128xi32, #tpu.memory_space<vmem>>
      %dma_start3A_582 = tpu.memref_squeeze %dma_start3A_581 : memref<1x128xi32, #tpu.memory_space<vmem>> -> memref<128xi32, #tpu.memory_space<vmem>>
      %dma_start3A_583 = arith.constant 0 : i32
      %dma_start3A_584 = arith.constant 0 : i32
      %dma_start3A_585 = tpu.memref_slice %arg2[%arg0, %dma_start3A_583, %dma_start3A_584] : memref<2x10240x64xf32, #tpu.memory_space<hbm>> -> memref<1x10240x64xf32, #tpu.memory_space<hbm>>
      %dma_start3A_586 = tpu.memref_squeeze %dma_start3A_585 : memref<1x10240x64xf32, #tpu.memory_space<hbm>> -> memref<10240x64xf32, #tpu.memory_space<hbm>>
      %dma_start3A_587 = arith.constant 0 : i32
      %dma_start3A_588 = arith.constant 0 : i32
      %dma_start3A_589 = tpu.memref_slice %dma_start3A_586[%dma_start3A_587, %dma_start3A_588] : memref<10240x64xf32, #tpu.memory_space<hbm>> -> memref<10240x64xf32, #tpu.memory_space<hbm>>
      %dma_start3A_590 = tpu.memref_slice %arg11[%dma_start3A_575] : memref<8x!tpu.dma_semaphore, #tpu.memory_space<semaphore_mem>> -> memref<1x!tpu.dma_semaphore, #tpu.memory_space<semaphore_mem>>
      %dma_start3A_591 = tpu.memref_squeeze %dma_start3A_590 : memref<1x!tpu.dma_semaphore, #tpu.memory_space<semaphore_mem>> -> memref<!tpu.dma_semaphore, #tpu.memory_space<semaphore_mem>>
      tpu.enqueue_indirect_dma source(%dma_start3A_589 : memref<10240x64xf32, #tpu.memory_space<hbm>>) target(%dma_start3A_579 : memref<128x64xf32, #tpu.memory_space<vmem>>) offsets(%dma_start3A_582 : memref<128xi32, #tpu.memory_space<vmem>>) semaphore(%dma_start3A_591 : memref<!tpu.dma_semaphore, #tpu.memory_space<semaphore_mem>>)
      %gt3A_592 = arith.constant 0 : i32
      %gt3A_593 = arith.cmpi sgt, %scan3A_542, %gt3A_592 : i32
      %convert_element_type3A_594 = arith.extui %gt3A_593 : i1 to i32
      %cond3A_595 = arith.constant 0 : i32
      %cond3A_596 = arith.cmpi ne, %convert_element_type3A_594, %cond3A_595 : i32
      scf.if %cond3A_596 {
        %add3A_1030 = arith.constant 2 : i32
        %add3A_1031 = arith.addi %mul3A_544, %add3A_1030 : i32
        %dma_wait3A_1032 = arith.constant 2 : i32
        %dma_wait3A_1033 = arith.constant 2 : i32
        %dma_wait3A_1034 = arith.constant 0 : i32
        %dma_wait3A_1035 = arith.constant 0 : i32
        %dma_wait3A_1036 = tpu.memref_slice %arg8[%dma_wait3A_1032, %dma_wait3A_1034, %dma_wait3A_1035] : memref<8x128x64xf32, #tpu.memory_space<vmem>> -> memref<1x128x64xf32, #tpu.memory_space<vmem>>
        %dma_wait3A_1037 = tpu.memref_squeeze %dma_wait3A_1036 : memref<1x128x64xf32, #tpu.memory_space<vmem>> -> memref<128x64xf32, #tpu.memory_space<vmem>>
        %dma_wait3A_1038 = arith.constant 0 : i32
        %dma_wait3A_1039 = tpu.memref_slice %arg7[%add3A_1031, %dma_wait3A_1038] : memref<80x128xi32, #tpu.memory_space<vmem>> -> memref<1x128xi32, #tpu.memory_space<vmem>>
        %dma_wait3A_1040 = tpu.memref_squeeze %dma_wait3A_1039 : memref<1x128xi32, #tpu.memory_space<vmem>> -> memref<128xi32, #tpu.memory_space<vmem>>
        %dma_wait3A_1041 = arith.constant 0 : i32
        %dma_wait3A_1042 = arith.constant 0 : i32
        %dma_wait3A_1043 = tpu.memref_slice %arg10[%dma_wait3A_1041, %dma_wait3A_1042] : memref<10240x64xf32, #tpu.memory_space<vmem_shared>> -> memref<10240x64xf32, #tpu.memory_space<vmem_shared>>
        %dma_wait3A_1044 = tpu.memref_slice %arg12[%dma_wait3A_1033] : memref<8x!tpu.dma_semaphore, #tpu.memory_space<semaphore_mem>> -> memref<1x!tpu.dma_semaphore, #tpu.memory_space<semaphore_mem>>
        %dma_wait3A_1045 = tpu.memref_squeeze %dma_wait3A_1044 : memref<1x!tpu.dma_semaphore, #tpu.memory_space<semaphore_mem>> -> memref<!tpu.dma_semaphore, #tpu.memory_space<semaphore_mem>>
        tpu.wait_indirect_dma semaphore(%dma_wait3A_1045 : memref<!tpu.dma_semaphore, #tpu.memory_space<semaphore_mem>>) src(%dma_wait3A_1037 : memref<128x64xf32, #tpu.memory_space<vmem>>) dst(%dma_wait3A_1043 : memref<10240x64xf32, #tpu.memory_space<vmem_shared>>)
      } else {
      }
      %add3A_597 = arith.constant 2 : i32
      %add3A_598 = arith.addi %mul3A_544, %add3A_597 : i32
      %dma_start3A_599 = arith.constant 2 : i32
      %dma_start3A_600 = arith.constant 2 : i32
      %dma_start3A_601 = arith.constant 0 : i32
      %dma_start3A_602 = arith.constant 0 : i32
      %dma_start3A_603 = tpu.memref_slice %arg8[%dma_start3A_599, %dma_start3A_601, %dma_start3A_602] : memref<8x128x64xf32, #tpu.memory_space<vmem>> -> memref<1x128x64xf32, #tpu.memory_space<vmem>>
      %dma_start3A_604 = tpu.memref_squeeze %dma_start3A_603 : memref<1x128x64xf32, #tpu.memory_space<vmem>> -> memref<128x64xf32, #tpu.memory_space<vmem>>
      %dma_start3A_605 = arith.constant 0 : i32
      %dma_start3A_606 = tpu.memref_slice %arg6[%add3A_598, %dma_start3A_605] : memref<80x128xi32, #tpu.memory_space<vmem>> -> memref<1x128xi32, #tpu.memory_space<vmem>>
      %dma_start3A_607 = tpu.memref_squeeze %dma_start3A_606 : memref<1x128xi32, #tpu.memory_space<vmem>> -> memref<128xi32, #tpu.memory_space<vmem>>
      %dma_start3A_608 = arith.constant 0 : i32
      %dma_start3A_609 = arith.constant 0 : i32
      %dma_start3A_610 = tpu.memref_slice %arg2[%arg0, %dma_start3A_608, %dma_start3A_609] : memref<2x10240x64xf32, #tpu.memory_space<hbm>> -> memref<1x10240x64xf32, #tpu.memory_space<hbm>>
      %dma_start3A_611 = tpu.memref_squeeze %dma_start3A_610 : memref<1x10240x64xf32, #tpu.memory_space<hbm>> -> memref<10240x64xf32, #tpu.memory_space<hbm>>
      %dma_start3A_612 = arith.constant 0 : i32
      %dma_start3A_613 = arith.constant 0 : i32
      %dma_start3A_614 = tpu.memref_slice %dma_start3A_611[%dma_start3A_612, %dma_start3A_613] : memref<10240x64xf32, #tpu.memory_space<hbm>> -> memref<10240x64xf32, #tpu.memory_space<hbm>>
      %dma_start3A_615 = tpu.memref_slice %arg11[%dma_start3A_600] : memref<8x!tpu.dma_semaphore, #tpu.memory_space<semaphore_mem>> -> memref<1x!tpu.dma_semaphore, #tpu.memory_space<semaphore_mem>>
      %dma_start3A_616 = tpu.memref_squeeze %dma_start3A_615 : memref<1x!tpu.dma_semaphore, #tpu.memory_space<semaphore_mem>> -> memref<!tpu.dma_semaphore, #tpu.memory_space<semaphore_mem>>
      tpu.enqueue_indirect_dma source(%dma_start3A_614 : memref<10240x64xf32, #tpu.memory_space<hbm>>) target(%dma_start3A_604 : memref<128x64xf32, #tpu.memory_space<vmem>>) offsets(%dma_start3A_607 : memref<128xi32, #tpu.memory_space<vmem>>) semaphore(%dma_start3A_616 : memref<!tpu.dma_semaphore, #tpu.memory_space<semaphore_mem>>)
      %gt3A_617 = arith.constant 0 : i32
      %gt3A_618 = arith.cmpi sgt, %scan3A_542, %gt3A_617 : i32
      %convert_element_type3A_619 = arith.extui %gt3A_618 : i1 to i32
      %cond3A_620 = arith.constant 0 : i32
      %cond3A_621 = arith.cmpi ne, %convert_element_type3A_619, %cond3A_620 : i32
      scf.if %cond3A_621 {
        %add3A_1030 = arith.constant 3 : i32
        %add3A_1031 = arith.addi %mul3A_544, %add3A_1030 : i32
        %dma_wait3A_1032 = arith.constant 3 : i32
        %dma_wait3A_1033 = arith.constant 3 : i32
        %dma_wait3A_1034 = arith.constant 0 : i32
        %dma_wait3A_1035 = arith.constant 0 : i32
        %dma_wait3A_1036 = tpu.memref_slice %arg8[%dma_wait3A_1032, %dma_wait3A_1034, %dma_wait3A_1035] : memref<8x128x64xf32, #tpu.memory_space<vmem>> -> memref<1x128x64xf32, #tpu.memory_space<vmem>>
        %dma_wait3A_1037 = tpu.memref_squeeze %dma_wait3A_1036 : memref<1x128x64xf32, #tpu.memory_space<vmem>> -> memref<128x64xf32, #tpu.memory_space<vmem>>
        %dma_wait3A_1038 = arith.constant 0 : i32
        %dma_wait3A_1039 = tpu.memref_slice %arg7[%add3A_1031, %dma_wait3A_1038] : memref<80x128xi32, #tpu.memory_space<vmem>> -> memref<1x128xi32, #tpu.memory_space<vmem>>
        %dma_wait3A_1040 = tpu.memref_squeeze %dma_wait3A_1039 : memref<1x128xi32, #tpu.memory_space<vmem>> -> memref<128xi32, #tpu.memory_space<vmem>>
        %dma_wait3A_1041 = arith.constant 0 : i32
        %dma_wait3A_1042 = arith.constant 0 : i32
        %dma_wait3A_1043 = tpu.memref_slice %arg10[%dma_wait3A_1041, %dma_wait3A_1042] : memref<10240x64xf32, #tpu.memory_space<vmem_shared>> -> memref<10240x64xf32, #tpu.memory_space<vmem_shared>>
        %dma_wait3A_1044 = tpu.memref_slice %arg12[%dma_wait3A_1033] : memref<8x!tpu.dma_semaphore, #tpu.memory_space<semaphore_mem>> -> memref<1x!tpu.dma_semaphore, #tpu.memory_space<semaphore_mem>>
        %dma_wait3A_1045 = tpu.memref_squeeze %dma_wait3A_1044 : memref<1x!tpu.dma_semaphore, #tpu.memory_space<semaphore_mem>> -> memref<!tpu.dma_semaphore, #tpu.memory_space<semaphore_mem>>
        tpu.wait_indirect_dma semaphore(%dma_wait3A_1045 : memref<!tpu.dma_semaphore, #tpu.memory_space<semaphore_mem>>) src(%dma_wait3A_1037 : memref<128x64xf32, #tpu.memory_space<vmem>>) dst(%dma_wait3A_1043 : memref<10240x64xf32, #tpu.memory_space<vmem_shared>>)
      } else {
      }
      %add3A_622 = arith.constant 3 : i32
      %add3A_623 = arith.addi %mul3A_544, %add3A_622 : i32
      %dma_start3A_624 = arith.constant 3 : i32
      %dma_start3A_625 = arith.constant 3 : i32
      %dma_start3A_626 = arith.constant 0 : i32
      %dma_start3A_627 = arith.constant 0 : i32
      %dma_start3A_628 = tpu.memref_slice %arg8[%dma_start3A_624, %dma_start3A_626, %dma_start3A_627] : memref<8x128x64xf32, #tpu.memory_space<vmem>> -> memref<1x128x64xf32, #tpu.memory_space<vmem>>
      %dma_start3A_629 = tpu.memref_squeeze %dma_start3A_628 : memref<1x128x64xf32, #tpu.memory_space<vmem>> -> memref<128x64xf32, #tpu.memory_space<vmem>>
      %dma_start3A_630 = arith.constant 0 : i32
      %dma_start3A_631 = tpu.memref_slice %arg6[%add3A_623, %dma_start3A_630] : memref<80x128xi32, #tpu.memory_space<vmem>> -> memref<1x128xi32, #tpu.memory_space<vmem>>
      %dma_start3A_632 = tpu.memref_squeeze %dma_start3A_631 : memref<1x128xi32, #tpu.memory_space<vmem>> -> memref<128xi32, #tpu.memory_space<vmem>>
      %dma_start3A_633 = arith.constant 0 : i32
      %dma_start3A_634 = arith.constant 0 : i32
      %dma_start3A_635 = tpu.memref_slice %arg2[%arg0, %dma_start3A_633, %dma_start3A_634] : memref<2x10240x64xf32, #tpu.memory_space<hbm>> -> memref<1x10240x64xf32, #tpu.memory_space<hbm>>
      %dma_start3A_636 = tpu.memref_squeeze %dma_start3A_635 : memref<1x10240x64xf32, #tpu.memory_space<hbm>> -> memref<10240x64xf32, #tpu.memory_space<hbm>>
      %dma_start3A_637 = arith.constant 0 : i32
      %dma_start3A_638 = arith.constant 0 : i32
      %dma_start3A_639 = tpu.memref_slice %dma_start3A_636[%dma_start3A_637, %dma_start3A_638] : memref<10240x64xf32, #tpu.memory_space<hbm>> -> memref<10240x64xf32, #tpu.memory_space<hbm>>
      %dma_start3A_640 = tpu.memref_slice %arg11[%dma_start3A_625] : memref<8x!tpu.dma_semaphore, #tpu.memory_space<semaphore_mem>> -> memref<1x!tpu.dma_semaphore, #tpu.memory_space<semaphore_mem>>
      %dma_start3A_641 = tpu.memref_squeeze %dma_start3A_640 : memref<1x!tpu.dma_semaphore, #tpu.memory_space<semaphore_mem>> -> memref<!tpu.dma_semaphore, #tpu.memory_space<semaphore_mem>>
      tpu.enqueue_indirect_dma source(%dma_start3A_639 : memref<10240x64xf32, #tpu.memory_space<hbm>>) target(%dma_start3A_629 : memref<128x64xf32, #tpu.memory_space<vmem>>) offsets(%dma_start3A_632 : memref<128xi32, #tpu.memory_space<vmem>>) semaphore(%dma_start3A_641 : memref<!tpu.dma_semaphore, #tpu.memory_space<semaphore_mem>>)
      %gt3A_642 = arith.constant 0 : i32
      %gt3A_643 = arith.cmpi sgt, %scan3A_542, %gt3A_642 : i32
      %convert_element_type3A_644 = arith.extui %gt3A_643 : i1 to i32
      %cond3A_645 = arith.constant 0 : i32
      %cond3A_646 = arith.cmpi ne, %convert_element_type3A_644, %cond3A_645 : i32
      scf.if %cond3A_646 {
        %add3A_1030 = arith.constant 4 : i32
        %add3A_1031 = arith.addi %mul3A_544, %add3A_1030 : i32
        %dma_wait3A_1032 = arith.constant 4 : i32
        %dma_wait3A_1033 = arith.constant 4 : i32
        %dma_wait3A_1034 = arith.constant 0 : i32
        %dma_wait3A_1035 = arith.constant 0 : i32
        %dma_wait3A_1036 = tpu.memref_slice %arg8[%dma_wait3A_1032, %dma_wait3A_1034, %dma_wait3A_1035] : memref<8x128x64xf32, #tpu.memory_space<vmem>> -> memref<1x128x64xf32, #tpu.memory_space<vmem>>
        %dma_wait3A_1037 = tpu.memref_squeeze %dma_wait3A_1036 : memref<1x128x64xf32, #tpu.memory_space<vmem>> -> memref<128x64xf32, #tpu.memory_space<vmem>>
        %dma_wait3A_1038 = arith.constant 0 : i32
        %dma_wait3A_1039 = tpu.memref_slice %arg7[%add3A_1031, %dma_wait3A_1038] : memref<80x128xi32, #tpu.memory_space<vmem>> -> memref<1x128xi32, #tpu.memory_space<vmem>>
        %dma_wait3A_1040 = tpu.memref_squeeze %dma_wait3A_1039 : memref<1x128xi32, #tpu.memory_space<vmem>> -> memref<128xi32, #tpu.memory_space<vmem>>
        %dma_wait3A_1041 = arith.constant 0 : i32
        %dma_wait3A_1042 = arith.constant 0 : i32
        %dma_wait3A_1043 = tpu.memref_slice %arg10[%dma_wait3A_1041, %dma_wait3A_1042] : memref<10240x64xf32, #tpu.memory_space<vmem_shared>> -> memref<10240x64xf32, #tpu.memory_space<vmem_shared>>
        %dma_wait3A_1044 = tpu.memref_slice %arg12[%dma_wait3A_1033] : memref<8x!tpu.dma_semaphore, #tpu.memory_space<semaphore_mem>> -> memref<1x!tpu.dma_semaphore, #tpu.memory_space<semaphore_mem>>
        %dma_wait3A_1045 = tpu.memref_squeeze %dma_wait3A_1044 : memref<1x!tpu.dma_semaphore, #tpu.memory_space<semaphore_mem>> -> memref<!tpu.dma_semaphore, #tpu.memory_space<semaphore_mem>>
        tpu.wait_indirect_dma semaphore(%dma_wait3A_1045 : memref<!tpu.dma_semaphore, #tpu.memory_space<semaphore_mem>>) src(%dma_wait3A_1037 : memref<128x64xf32, #tpu.memory_space<vmem>>) dst(%dma_wait3A_1043 : memref<10240x64xf32, #tpu.memory_space<vmem_shared>>)
      } else {
      }
      %add3A_647 = arith.constant 4 : i32
      %add3A_648 = arith.addi %mul3A_544, %add3A_647 : i32
      %dma_start3A_649 = arith.constant 4 : i32
      %dma_start3A_650 = arith.constant 4 : i32
      %dma_start3A_651 = arith.constant 0 : i32
      %dma_start3A_652 = arith.constant 0 : i32
      %dma_start3A_653 = tpu.memref_slice %arg8[%dma_start3A_649, %dma_start3A_651, %dma_start3A_652] : memref<8x128x64xf32, #tpu.memory_space<vmem>> -> memref<1x128x64xf32, #tpu.memory_space<vmem>>
      %dma_start3A_654 = tpu.memref_squeeze %dma_start3A_653 : memref<1x128x64xf32, #tpu.memory_space<vmem>> -> memref<128x64xf32, #tpu.memory_space<vmem>>
      %dma_start3A_655 = arith.constant 0 : i32
      %dma_start3A_656 = tpu.memref_slice %arg6[%add3A_648, %dma_start3A_655] : memref<80x128xi32, #tpu.memory_space<vmem>> -> memref<1x128xi32, #tpu.memory_space<vmem>>
      %dma_start3A_657 = tpu.memref_squeeze %dma_start3A_656 : memref<1x128xi32, #tpu.memory_space<vmem>> -> memref<128xi32, #tpu.memory_space<vmem>>
      %dma_start3A_658 = arith.constant 0 : i32
      %dma_start3A_659 = arith.constant 0 : i32
      %dma_start3A_660 = tpu.memref_slice %arg2[%arg0, %dma_start3A_658, %dma_start3A_659] : memref<2x10240x64xf32, #tpu.memory_space<hbm>> -> memref<1x10240x64xf32, #tpu.memory_space<hbm>>
      %dma_start3A_661 = tpu.memref_squeeze %dma_start3A_660 : memref<1x10240x64xf32, #tpu.memory_space<hbm>> -> memref<10240x64xf32, #tpu.memory_space<hbm>>
      %dma_start3A_662 = arith.constant 0 : i32
      %dma_start3A_663 = arith.constant 0 : i32
      %dma_start3A_664 = tpu.memref_slice %dma_start3A_661[%dma_start3A_662, %dma_start3A_663] : memref<10240x64xf32, #tpu.memory_space<hbm>> -> memref<10240x64xf32, #tpu.memory_space<hbm>>
      %dma_start3A_665 = tpu.memref_slice %arg11[%dma_start3A_650] : memref<8x!tpu.dma_semaphore, #tpu.memory_space<semaphore_mem>> -> memref<1x!tpu.dma_semaphore, #tpu.memory_space<semaphore_mem>>
      %dma_start3A_666 = tpu.memref_squeeze %dma_start3A_665 : memref<1x!tpu.dma_semaphore, #tpu.memory_space<semaphore_mem>> -> memref<!tpu.dma_semaphore, #tpu.memory_space<semaphore_mem>>
      tpu.enqueue_indirect_dma source(%dma_start3A_664 : memref<10240x64xf32, #tpu.memory_space<hbm>>) target(%dma_start3A_654 : memref<128x64xf32, #tpu.memory_space<vmem>>) offsets(%dma_start3A_657 : memref<128xi32, #tpu.memory_space<vmem>>) semaphore(%dma_start3A_666 : memref<!tpu.dma_semaphore, #tpu.memory_space<semaphore_mem>>)
      %gt3A_667 = arith.constant 0 : i32
      %gt3A_668 = arith.cmpi sgt, %scan3A_542, %gt3A_667 : i32
      %convert_element_type3A_669 = arith.extui %gt3A_668 : i1 to i32
      %cond3A_670 = arith.constant 0 : i32
      %cond3A_671 = arith.cmpi ne, %convert_element_type3A_669, %cond3A_670 : i32
      scf.if %cond3A_671 {
        %add3A_1030 = arith.constant 5 : i32
        %add3A_1031 = arith.addi %mul3A_544, %add3A_1030 : i32
        %dma_wait3A_1032 = arith.constant 5 : i32
        %dma_wait3A_1033 = arith.constant 5 : i32
        %dma_wait3A_1034 = arith.constant 0 : i32
        %dma_wait3A_1035 = arith.constant 0 : i32
        %dma_wait3A_1036 = tpu.memref_slice %arg8[%dma_wait3A_1032, %dma_wait3A_1034, %dma_wait3A_1035] : memref<8x128x64xf32, #tpu.memory_space<vmem>> -> memref<1x128x64xf32, #tpu.memory_space<vmem>>
        %dma_wait3A_1037 = tpu.memref_squeeze %dma_wait3A_1036 : memref<1x128x64xf32, #tpu.memory_space<vmem>> -> memref<128x64xf32, #tpu.memory_space<vmem>>
        %dma_wait3A_1038 = arith.constant 0 : i32
        %dma_wait3A_1039 = tpu.memref_slice %arg7[%add3A_1031, %dma_wait3A_1038] : memref<80x128xi32, #tpu.memory_space<vmem>> -> memref<1x128xi32, #tpu.memory_space<vmem>>
        %dma_wait3A_1040 = tpu.memref_squeeze %dma_wait3A_1039 : memref<1x128xi32, #tpu.memory_space<vmem>> -> memref<128xi32, #tpu.memory_space<vmem>>
        %dma_wait3A_1041 = arith.constant 0 : i32
        %dma_wait3A_1042 = arith.constant 0 : i32
        %dma_wait3A_1043 = tpu.memref_slice %arg10[%dma_wait3A_1041, %dma_wait3A_1042] : memref<10240x64xf32, #tpu.memory_space<vmem_shared>> -> memref<10240x64xf32, #tpu.memory_space<vmem_shared>>
        %dma_wait3A_1044 = tpu.memref_slice %arg12[%dma_wait3A_1033] : memref<8x!tpu.dma_semaphore, #tpu.memory_space<semaphore_mem>> -> memref<1x!tpu.dma_semaphore, #tpu.memory_space<semaphore_mem>>
        %dma_wait3A_1045 = tpu.memref_squeeze %dma_wait3A_1044 : memref<1x!tpu.dma_semaphore, #tpu.memory_space<semaphore_mem>> -> memref<!tpu.dma_semaphore, #tpu.memory_space<semaphore_mem>>
        tpu.wait_indirect_dma semaphore(%dma_wait3A_1045 : memref<!tpu.dma_semaphore, #tpu.memory_space<semaphore_mem>>) src(%dma_wait3A_1037 : memref<128x64xf32, #tpu.memory_space<vmem>>) dst(%dma_wait3A_1043 : memref<10240x64xf32, #tpu.memory_space<vmem_shared>>)
      } else {
      }
      %add3A_672 = arith.constant 5 : i32
      %add3A_673 = arith.addi %mul3A_544, %add3A_672 : i32
      %dma_start3A_674 = arith.constant 5 : i32
      %dma_start3A_675 = arith.constant 5 : i32
      %dma_start3A_676 = arith.constant 0 : i32
      %dma_start3A_677 = arith.constant 0 : i32
      %dma_start3A_678 = tpu.memref_slice %arg8[%dma_start3A_674, %dma_start3A_676, %dma_start3A_677] : memref<8x128x64xf32, #tpu.memory_space<vmem>> -> memref<1x128x64xf32, #tpu.memory_space<vmem>>
      %dma_start3A_679 = tpu.memref_squeeze %dma_start3A_678 : memref<1x128x64xf32, #tpu.memory_space<vmem>> -> memref<128x64xf32, #tpu.memory_space<vmem>>
      %dma_start3A_680 = arith.constant 0 : i32
      %dma_start3A_681 = tpu.memref_slice %arg6[%add3A_673, %dma_start3A_680] : memref<80x128xi32, #tpu.memory_space<vmem>> -> memref<1x128xi32, #tpu.memory_space<vmem>>
      %dma_start3A_682 = tpu.memref_squeeze %dma_start3A_681 : memref<1x128xi32, #tpu.memory_space<vmem>> -> memref<128xi32, #tpu.memory_space<vmem>>
      %dma_start3A_683 = arith.constant 0 : i32
      %dma_start3A_684 = arith.constant 0 : i32
      %dma_start3A_685 = tpu.memref_slice %arg2[%arg0, %dma_start3A_683, %dma_start3A_684] : memref<2x10240x64xf32, #tpu.memory_space<hbm>> -> memref<1x10240x64xf32, #tpu.memory_space<hbm>>
      %dma_start3A_686 = tpu.memref_squeeze %dma_start3A_685 : memref<1x10240x64xf32, #tpu.memory_space<hbm>> -> memref<10240x64xf32, #tpu.memory_space<hbm>>
      %dma_start3A_687 = arith.constant 0 : i32
      %dma_start3A_688 = arith.constant 0 : i32
      %dma_start3A_689 = tpu.memref_slice %dma_start3A_686[%dma_start3A_687, %dma_start3A_688] : memref<10240x64xf32, #tpu.memory_space<hbm>> -> memref<10240x64xf32, #tpu.memory_space<hbm>>
      %dma_start3A_690 = tpu.memref_slice %arg11[%dma_start3A_675] : memref<8x!tpu.dma_semaphore, #tpu.memory_space<semaphore_mem>> -> memref<1x!tpu.dma_semaphore, #tpu.memory_space<semaphore_mem>>
      %dma_start3A_691 = tpu.memref_squeeze %dma_start3A_690 : memref<1x!tpu.dma_semaphore, #tpu.memory_space<semaphore_mem>> -> memref<!tpu.dma_semaphore, #tpu.memory_space<semaphore_mem>>
      tpu.enqueue_indirect_dma source(%dma_start3A_689 : memref<10240x64xf32, #tpu.memory_space<hbm>>) target(%dma_start3A_679 : memref<128x64xf32, #tpu.memory_space<vmem>>) offsets(%dma_start3A_682 : memref<128xi32, #tpu.memory_space<vmem>>) semaphore(%dma_start3A_691 : memref<!tpu.dma_semaphore, #tpu.memory_space<semaphore_mem>>)
      %gt3A_692 = arith.constant 0 : i32
      %gt3A_693 = arith.cmpi sgt, %scan3A_542, %gt3A_692 : i32
      %convert_element_type3A_694 = arith.extui %gt3A_693 : i1 to i32
      %cond3A_695 = arith.constant 0 : i32
      %cond3A_696 = arith.cmpi ne, %convert_element_type3A_694, %cond3A_695 : i32
      scf.if %cond3A_696 {
        %add3A_1030 = arith.constant 6 : i32
        %add3A_1031 = arith.addi %mul3A_544, %add3A_1030 : i32
        %dma_wait3A_1032 = arith.constant 6 : i32
        %dma_wait3A_1033 = arith.constant 6 : i32
        %dma_wait3A_1034 = arith.constant 0 : i32
        %dma_wait3A_1035 = arith.constant 0 : i32
        %dma_wait3A_1036 = tpu.memref_slice %arg8[%dma_wait3A_1032, %dma_wait3A_1034, %dma_wait3A_1035] : memref<8x128x64xf32, #tpu.memory_space<vmem>> -> memref<1x128x64xf32, #tpu.memory_space<vmem>>
        %dma_wait3A_1037 = tpu.memref_squeeze %dma_wait3A_1036 : memref<1x128x64xf32, #tpu.memory_space<vmem>> -> memref<128x64xf32, #tpu.memory_space<vmem>>
        %dma_wait3A_1038 = arith.constant 0 : i32
        %dma_wait3A_1039 = tpu.memref_slice %arg7[%add3A_1031, %dma_wait3A_1038] : memref<80x128xi32, #tpu.memory_space<vmem>> -> memref<1x128xi32, #tpu.memory_space<vmem>>
        %dma_wait3A_1040 = tpu.memref_squeeze %dma_wait3A_1039 : memref<1x128xi32, #tpu.memory_space<vmem>> -> memref<128xi32, #tpu.memory_space<vmem>>
        %dma_wait3A_1041 = arith.constant 0 : i32
        %dma_wait3A_1042 = arith.constant 0 : i32
        %dma_wait3A_1043 = tpu.memref_slice %arg10[%dma_wait3A_1041, %dma_wait3A_1042] : memref<10240x64xf32, #tpu.memory_space<vmem_shared>> -> memref<10240x64xf32, #tpu.memory_space<vmem_shared>>
        %dma_wait3A_1044 = tpu.memref_slice %arg12[%dma_wait3A_1033] : memref<8x!tpu.dma_semaphore, #tpu.memory_space<semaphore_mem>> -> memref<1x!tpu.dma_semaphore, #tpu.memory_space<semaphore_mem>>
        %dma_wait3A_1045 = tpu.memref_squeeze %dma_wait3A_1044 : memref<1x!tpu.dma_semaphore, #tpu.memory_space<semaphore_mem>> -> memref<!tpu.dma_semaphore, #tpu.memory_space<semaphore_mem>>
        tpu.wait_indirect_dma semaphore(%dma_wait3A_1045 : memref<!tpu.dma_semaphore, #tpu.memory_space<semaphore_mem>>) src(%dma_wait3A_1037 : memref<128x64xf32, #tpu.memory_space<vmem>>) dst(%dma_wait3A_1043 : memref<10240x64xf32, #tpu.memory_space<vmem_shared>>)
      } else {
      }
      %add3A_697 = arith.constant 6 : i32
      %add3A_698 = arith.addi %mul3A_544, %add3A_697 : i32
      %dma_start3A_699 = arith.constant 6 : i32
      %dma_start3A_700 = arith.constant 6 : i32
      %dma_start3A_701 = arith.constant 0 : i32
      %dma_start3A_702 = arith.constant 0 : i32
      %dma_start3A_703 = tpu.memref_slice %arg8[%dma_start3A_699, %dma_start3A_701, %dma_start3A_702] : memref<8x128x64xf32, #tpu.memory_space<vmem>> -> memref<1x128x64xf32, #tpu.memory_space<vmem>>
      %dma_start3A_704 = tpu.memref_squeeze %dma_start3A_703 : memref<1x128x64xf32, #tpu.memory_space<vmem>> -> memref<128x64xf32, #tpu.memory_space<vmem>>
      %dma_start3A_705 = arith.constant 0 : i32
      %dma_start3A_706 = tpu.memref_slice %arg6[%add3A_698, %dma_start3A_705] : memref<80x128xi32, #tpu.memory_space<vmem>> -> memref<1x128xi32, #tpu.memory_space<vmem>>
      %dma_start3A_707 = tpu.memref_squeeze %dma_start3A_706 : memref<1x128xi32, #tpu.memory_space<vmem>> -> memref<128xi32, #tpu.memory_space<vmem>>
      %dma_start3A_708 = arith.constant 0 : i32
      %dma_start3A_709 = arith.constant 0 : i32
      %dma_start3A_710 = tpu.memref_slice %arg2[%arg0, %dma_start3A_708, %dma_start3A_709] : memref<2x10240x64xf32, #tpu.memory_space<hbm>> -> memref<1x10240x64xf32, #tpu.memory_space<hbm>>
      %dma_start3A_711 = tpu.memref_squeeze %dma_start3A_710 : memref<1x10240x64xf32, #tpu.memory_space<hbm>> -> memref<10240x64xf32, #tpu.memory_space<hbm>>
      %dma_start3A_712 = arith.constant 0 : i32
      %dma_start3A_713 = arith.constant 0 : i32
      %dma_start3A_714 = tpu.memref_slice %dma_start3A_711[%dma_start3A_712, %dma_start3A_713] : memref<10240x64xf32, #tpu.memory_space<hbm>> -> memref<10240x64xf32, #tpu.memory_space<hbm>>
      %dma_start3A_715 = tpu.memref_slice %arg11[%dma_start3A_700] : memref<8x!tpu.dma_semaphore, #tpu.memory_space<semaphore_mem>> -> memref<1x!tpu.dma_semaphore, #tpu.memory_space<semaphore_mem>>
      %dma_start3A_716 = tpu.memref_squeeze %dma_start3A_715 : memref<1x!tpu.dma_semaphore, #tpu.memory_space<semaphore_mem>> -> memref<!tpu.dma_semaphore, #tpu.memory_space<semaphore_mem>>
      tpu.enqueue_indirect_dma source(%dma_start3A_714 : memref<10240x64xf32, #tpu.memory_space<hbm>>) target(%dma_start3A_704 : memref<128x64xf32, #tpu.memory_space<vmem>>) offsets(%dma_start3A_707 : memref<128xi32, #tpu.memory_space<vmem>>) semaphore(%dma_start3A_716 : memref<!tpu.dma_semaphore, #tpu.memory_space<semaphore_mem>>)
      %gt3A_717 = arith.constant 0 : i32
      %gt3A_718 = arith.cmpi sgt, %scan3A_542, %gt3A_717 : i32
      %convert_element_type3A_719 = arith.extui %gt3A_718 : i1 to i32
      %cond3A_720 = arith.constant 0 : i32
      %cond3A_721 = arith.cmpi ne, %convert_element_type3A_719, %cond3A_720 : i32
      scf.if %cond3A_721 {
        %add3A_1030 = arith.constant 7 : i32
        %add3A_1031 = arith.addi %mul3A_544, %add3A_1030 : i32
        %dma_wait3A_1032 = arith.constant 7 : i32
        %dma_wait3A_1033 = arith.constant 7 : i32
        %dma_wait3A_1034 = arith.constant 0 : i32
        %dma_wait3A_1035 = arith.constant 0 : i32
        %dma_wait3A_1036 = tpu.memref_slice %arg8[%dma_wait3A_1032, %dma_wait3A_1034, %dma_wait3A_1035] : memref<8x128x64xf32, #tpu.memory_space<vmem>> -> memref<1x128x64xf32, #tpu.memory_space<vmem>>
        %dma_wait3A_1037 = tpu.memref_squeeze %dma_wait3A_1036 : memref<1x128x64xf32, #tpu.memory_space<vmem>> -> memref<128x64xf32, #tpu.memory_space<vmem>>
        %dma_wait3A_1038 = arith.constant 0 : i32
        %dma_wait3A_1039 = tpu.memref_slice %arg7[%add3A_1031, %dma_wait3A_1038] : memref<80x128xi32, #tpu.memory_space<vmem>> -> memref<1x128xi32, #tpu.memory_space<vmem>>
        %dma_wait3A_1040 = tpu.memref_squeeze %dma_wait3A_1039 : memref<1x128xi32, #tpu.memory_space<vmem>> -> memref<128xi32, #tpu.memory_space<vmem>>
        %dma_wait3A_1041 = arith.constant 0 : i32
        %dma_wait3A_1042 = arith.constant 0 : i32
        %dma_wait3A_1043 = tpu.memref_slice %arg10[%dma_wait3A_1041, %dma_wait3A_1042] : memref<10240x64xf32, #tpu.memory_space<vmem_shared>> -> memref<10240x64xf32, #tpu.memory_space<vmem_shared>>
        %dma_wait3A_1044 = tpu.memref_slice %arg12[%dma_wait3A_1033] : memref<8x!tpu.dma_semaphore, #tpu.memory_space<semaphore_mem>> -> memref<1x!tpu.dma_semaphore, #tpu.memory_space<semaphore_mem>>
        %dma_wait3A_1045 = tpu.memref_squeeze %dma_wait3A_1044 : memref<1x!tpu.dma_semaphore, #tpu.memory_space<semaphore_mem>> -> memref<!tpu.dma_semaphore, #tpu.memory_space<semaphore_mem>>
        tpu.wait_indirect_dma semaphore(%dma_wait3A_1045 : memref<!tpu.dma_semaphore, #tpu.memory_space<semaphore_mem>>) src(%dma_wait3A_1037 : memref<128x64xf32, #tpu.memory_space<vmem>>) dst(%dma_wait3A_1043 : memref<10240x64xf32, #tpu.memory_space<vmem_shared>>)
      } else {
      }
      %add3A_722 = arith.constant 7 : i32
      %add3A_723 = arith.addi %mul3A_544, %add3A_722 : i32
      %dma_start3A_724 = arith.constant 7 : i32
      %dma_start3A_725 = arith.constant 7 : i32
      %dma_start3A_726 = arith.constant 0 : i32
      %dma_start3A_727 = arith.constant 0 : i32
      %dma_start3A_728 = tpu.memref_slice %arg8[%dma_start3A_724, %dma_start3A_726, %dma_start3A_727] : memref<8x128x64xf32, #tpu.memory_space<vmem>> -> memref<1x128x64xf32, #tpu.memory_space<vmem>>
      %dma_start3A_729 = tpu.memref_squeeze %dma_start3A_728 : memref<1x128x64xf32, #tpu.memory_space<vmem>> -> memref<128x64xf32, #tpu.memory_space<vmem>>
      %dma_start3A_730 = arith.constant 0 : i32
      %dma_start3A_731 = tpu.memref_slice %arg6[%add3A_723, %dma_start3A_730] : memref<80x128xi32, #tpu.memory_space<vmem>> -> memref<1x128xi32, #tpu.memory_space<vmem>>
      %dma_start3A_732 = tpu.memref_squeeze %dma_start3A_731 : memref<1x128xi32, #tpu.memory_space<vmem>> -> memref<128xi32, #tpu.memory_space<vmem>>
      %dma_start3A_733 = arith.constant 0 : i32
      %dma_start3A_734 = arith.constant 0 : i32
      %dma_start3A_735 = tpu.memref_slice %arg2[%arg0, %dma_start3A_733, %dma_start3A_734] : memref<2x10240x64xf32, #tpu.memory_space<hbm>> -> memref<1x10240x64xf32, #tpu.memory_space<hbm>>
      %dma_start3A_736 = tpu.memref_squeeze %dma_start3A_735 : memref<1x10240x64xf32, #tpu.memory_space<hbm>> -> memref<10240x64xf32, #tpu.memory_space<hbm>>
      %dma_start3A_737 = arith.constant 0 : i32
      %dma_start3A_738 = arith.constant 0 : i32
      %dma_start3A_739 = tpu.memref_slice %dma_start3A_736[%dma_start3A_737, %dma_start3A_738] : memref<10240x64xf32, #tpu.memory_space<hbm>> -> memref<10240x64xf32, #tpu.memory_space<hbm>>
      %dma_start3A_740 = tpu.memref_slice %arg11[%dma_start3A_725] : memref<8x!tpu.dma_semaphore, #tpu.memory_space<semaphore_mem>> -> memref<1x!tpu.dma_semaphore, #tpu.memory_space<semaphore_mem>>
      %dma_start3A_741 = tpu.memref_squeeze %dma_start3A_740 : memref<1x!tpu.dma_semaphore, #tpu.memory_space<semaphore_mem>> -> memref<!tpu.dma_semaphore, #tpu.memory_space<semaphore_mem>>
      tpu.enqueue_indirect_dma source(%dma_start3A_739 : memref<10240x64xf32, #tpu.memory_space<hbm>>) target(%dma_start3A_729 : memref<128x64xf32, #tpu.memory_space<vmem>>) offsets(%dma_start3A_732 : memref<128xi32, #tpu.memory_space<vmem>>) semaphore(%dma_start3A_741 : memref<!tpu.dma_semaphore, #tpu.memory_space<semaphore_mem>>)
      %add3A_742 = arith.constant 0 : i32
      %add3A_743 = arith.addi %mul3A_544, %add3A_742 : i32
      %dma_wait3A_744 = arith.constant 0 : i32
      %dma_wait3A_745 = arith.constant 0 : i32
      %dma_wait3A_746 = arith.constant 0 : i32
      %dma_wait3A_747 = arith.constant 0 : i32
      %dma_wait3A_748 = tpu.memref_slice %arg8[%dma_wait3A_744, %dma_wait3A_746, %dma_wait3A_747] : memref<8x128x64xf32, #tpu.memory_space<vmem>> -> memref<1x128x64xf32, #tpu.memory_space<vmem>>
      %dma_wait3A_749 = tpu.memref_squeeze %dma_wait3A_748 : memref<1x128x64xf32, #tpu.memory_space<vmem>> -> memref<128x64xf32, #tpu.memory_space<vmem>>
      %dma_wait3A_750 = arith.constant 0 : i32
      %dma_wait3A_751 = tpu.memref_slice %arg6[%add3A_743, %dma_wait3A_750] : memref<80x128xi32, #tpu.memory_space<vmem>> -> memref<1x128xi32, #tpu.memory_space<vmem>>
      %dma_wait3A_752 = tpu.memref_squeeze %dma_wait3A_751 : memref<1x128xi32, #tpu.memory_space<vmem>> -> memref<128xi32, #tpu.memory_space<vmem>>
      %dma_wait3A_753 = arith.constant 0 : i32
      %dma_wait3A_754 = arith.constant 0 : i32
      %dma_wait3A_755 = tpu.memref_slice %arg2[%arg0, %dma_wait3A_753, %dma_wait3A_754] : memref<2x10240x64xf32, #tpu.memory_space<hbm>> -> memref<1x10240x64xf32, #tpu.memory_space<hbm>>
      %dma_wait3A_756 = tpu.memref_squeeze %dma_wait3A_755 : memref<1x10240x64xf32, #tpu.memory_space<hbm>> -> memref<10240x64xf32, #tpu.memory_space<hbm>>
      %dma_wait3A_757 = arith.constant 0 : i32
      %dma_wait3A_758 = arith.constant 0 : i32
      %dma_wait3A_759 = tpu.memref_slice %dma_wait3A_756[%dma_wait3A_757, %dma_wait3A_758] : memref<10240x64xf32, #tpu.memory_space<hbm>> -> memref<10240x64xf32, #tpu.memory_space<hbm>>
      %dma_wait3A_760 = tpu.memref_slice %arg11[%dma_wait3A_745] : memref<8x!tpu.dma_semaphore, #tpu.memory_space<semaphore_mem>> -> memref<1x!tpu.dma_semaphore, #tpu.memory_space<semaphore_mem>>
      %dma_wait3A_761 = tpu.memref_squeeze %dma_wait3A_760 : memref<1x!tpu.dma_semaphore, #tpu.memory_space<semaphore_mem>> -> memref<!tpu.dma_semaphore, #tpu.memory_space<semaphore_mem>>
      tpu.wait_indirect_dma semaphore(%dma_wait3A_761 : memref<!tpu.dma_semaphore, #tpu.memory_space<semaphore_mem>>) src(%dma_wait3A_759 : memref<10240x64xf32, #tpu.memory_space<hbm>>) dst(%dma_wait3A_749 : memref<128x64xf32, #tpu.memory_space<vmem>>)
      %add3A_762 = arith.constant 0 : i32
      %add3A_763 = arith.addi %mul3A_544, %add3A_762 : i32
      %dma_start3A_764 = arith.constant 0 : i32
      %dma_start3A_765 = arith.constant 0 : i32
      %dma_start3A_766 = arith.constant 0 : i32
      %dma_start3A_767 = arith.constant 0 : i32
      %dma_start3A_768 = tpu.memref_slice %arg8[%dma_start3A_764, %dma_start3A_766, %dma_start3A_767] : memref<8x128x64xf32, #tpu.memory_space<vmem>> -> memref<1x128x64xf32, #tpu.memory_space<vmem>>
      %dma_start3A_769 = tpu.memref_squeeze %dma_start3A_768 : memref<1x128x64xf32, #tpu.memory_space<vmem>> -> memref<128x64xf32, #tpu.memory_space<vmem>>
      %dma_start3A_770 = arith.constant 0 : i32
      %dma_start3A_771 = tpu.memref_slice %arg7[%add3A_763, %dma_start3A_770] : memref<80x128xi32, #tpu.memory_space<vmem>> -> memref<1x128xi32, #tpu.memory_space<vmem>>
      %dma_start3A_772 = tpu.memref_squeeze %dma_start3A_771 : memref<1x128xi32, #tpu.memory_space<vmem>> -> memref<128xi32, #tpu.memory_space<vmem>>
      %dma_start3A_773 = arith.constant 0 : i32
      %dma_start3A_774 = arith.constant 0 : i32
      %dma_start3A_775 = tpu.memref_slice %arg10[%dma_start3A_773, %dma_start3A_774] : memref<10240x64xf32, #tpu.memory_space<vmem_shared>> -> memref<10240x64xf32, #tpu.memory_space<vmem_shared>>
      %dma_start3A_776 = tpu.memref_slice %arg12[%dma_start3A_765] : memref<8x!tpu.dma_semaphore, #tpu.memory_space<semaphore_mem>> -> memref<1x!tpu.dma_semaphore, #tpu.memory_space<semaphore_mem>>
      %dma_start3A_777 = tpu.memref_squeeze %dma_start3A_776 : memref<1x!tpu.dma_semaphore, #tpu.memory_space<semaphore_mem>> -> memref<!tpu.dma_semaphore, #tpu.memory_space<semaphore_mem>>
      tpu.enqueue_indirect_dma source(%dma_start3A_769 : memref<128x64xf32, #tpu.memory_space<vmem>>) target(%dma_start3A_775 : memref<10240x64xf32, #tpu.memory_space<vmem_shared>>) offsets(%dma_start3A_772 : memref<128xi32, #tpu.memory_space<vmem>>) semaphore(%dma_start3A_777 : memref<!tpu.dma_semaphore, #tpu.memory_space<semaphore_mem>>) {add = true}
      %add3A_778 = arith.constant 1 : i32
      %add3A_779 = arith.addi %mul3A_544, %add3A_778 : i32
      %dma_wait3A_780 = arith.constant 1 : i32
      %dma_wait3A_781 = arith.constant 1 : i32
      %dma_wait3A_782 = arith.constant 0 : i32
      %dma_wait3A_783 = arith.constant 0 : i32
      %dma_wait3A_784 = tpu.memref_slice %arg8[%dma_wait3A_780, %dma_wait3A_782, %dma_wait3A_783] : memref<8x128x64xf32, #tpu.memory_space<vmem>> -> memref<1x128x64xf32, #tpu.memory_space<vmem>>
      %dma_wait3A_785 = tpu.memref_squeeze %dma_wait3A_784 : memref<1x128x64xf32, #tpu.memory_space<vmem>> -> memref<128x64xf32, #tpu.memory_space<vmem>>
      %dma_wait3A_786 = arith.constant 0 : i32
      %dma_wait3A_787 = tpu.memref_slice %arg6[%add3A_779, %dma_wait3A_786] : memref<80x128xi32, #tpu.memory_space<vmem>> -> memref<1x128xi32, #tpu.memory_space<vmem>>
      %dma_wait3A_788 = tpu.memref_squeeze %dma_wait3A_787 : memref<1x128xi32, #tpu.memory_space<vmem>> -> memref<128xi32, #tpu.memory_space<vmem>>
      %dma_wait3A_789 = arith.constant 0 : i32
      %dma_wait3A_790 = arith.constant 0 : i32
      %dma_wait3A_791 = tpu.memref_slice %arg2[%arg0, %dma_wait3A_789, %dma_wait3A_790] : memref<2x10240x64xf32, #tpu.memory_space<hbm>> -> memref<1x10240x64xf32, #tpu.memory_space<hbm>>
      %dma_wait3A_792 = tpu.memref_squeeze %dma_wait3A_791 : memref<1x10240x64xf32, #tpu.memory_space<hbm>> -> memref<10240x64xf32, #tpu.memory_space<hbm>>
      %dma_wait3A_793 = arith.constant 0 : i32
      %dma_wait3A_794 = arith.constant 0 : i32
      %dma_wait3A_795 = tpu.memref_slice %dma_wait3A_792[%dma_wait3A_793, %dma_wait3A_794] : memref<10240x64xf32, #tpu.memory_space<hbm>> -> memref<10240x64xf32, #tpu.memory_space<hbm>>
      %dma_wait3A_796 = tpu.memref_slice %arg11[%dma_wait3A_781] : memref<8x!tpu.dma_semaphore, #tpu.memory_space<semaphore_mem>> -> memref<1x!tpu.dma_semaphore, #tpu.memory_space<semaphore_mem>>
      %dma_wait3A_797 = tpu.memref_squeeze %dma_wait3A_796 : memref<1x!tpu.dma_semaphore, #tpu.memory_space<semaphore_mem>> -> memref<!tpu.dma_semaphore, #tpu.memory_space<semaphore_mem>>
      tpu.wait_indirect_dma semaphore(%dma_wait3A_797 : memref<!tpu.dma_semaphore, #tpu.memory_space<semaphore_mem>>) src(%dma_wait3A_795 : memref<10240x64xf32, #tpu.memory_space<hbm>>) dst(%dma_wait3A_785 : memref<128x64xf32, #tpu.memory_space<vmem>>)
      %add3A_798 = arith.constant 1 : i32
      %add3A_799 = arith.addi %mul3A_544, %add3A_798 : i32
      %dma_start3A_800 = arith.constant 1 : i32
      %dma_start3A_801 = arith.constant 1 : i32
      %dma_start3A_802 = arith.constant 0 : i32
      %dma_start3A_803 = arith.constant 0 : i32
      %dma_start3A_804 = tpu.memref_slice %arg8[%dma_start3A_800, %dma_start3A_802, %dma_start3A_803] : memref<8x128x64xf32, #tpu.memory_space<vmem>> -> memref<1x128x64xf32, #tpu.memory_space<vmem>>
      %dma_start3A_805 = tpu.memref_squeeze %dma_start3A_804 : memref<1x128x64xf32, #tpu.memory_space<vmem>> -> memref<128x64xf32, #tpu.memory_space<vmem>>
      %dma_start3A_806 = arith.constant 0 : i32
      %dma_start3A_807 = tpu.memref_slice %arg7[%add3A_799, %dma_start3A_806] : memref<80x128xi32, #tpu.memory_space<vmem>> -> memref<1x128xi32, #tpu.memory_space<vmem>>
      %dma_start3A_808 = tpu.memref_squeeze %dma_start3A_807 : memref<1x128xi32, #tpu.memory_space<vmem>> -> memref<128xi32, #tpu.memory_space<vmem>>
      %dma_start3A_809 = arith.constant 0 : i32
      %dma_start3A_810 = arith.constant 0 : i32
      %dma_start3A_811 = tpu.memref_slice %arg10[%dma_start3A_809, %dma_start3A_810] : memref<10240x64xf32, #tpu.memory_space<vmem_shared>> -> memref<10240x64xf32, #tpu.memory_space<vmem_shared>>
      %dma_start3A_812 = tpu.memref_slice %arg12[%dma_start3A_801] : memref<8x!tpu.dma_semaphore, #tpu.memory_space<semaphore_mem>> -> memref<1x!tpu.dma_semaphore, #tpu.memory_space<semaphore_mem>>
      %dma_start3A_813 = tpu.memref_squeeze %dma_start3A_812 : memref<1x!tpu.dma_semaphore, #tpu.memory_space<semaphore_mem>> -> memref<!tpu.dma_semaphore, #tpu.memory_space<semaphore_mem>>
      tpu.enqueue_indirect_dma source(%dma_start3A_805 : memref<128x64xf32, #tpu.memory_space<vmem>>) target(%dma_start3A_811 : memref<10240x64xf32, #tpu.memory_space<vmem_shared>>) offsets(%dma_start3A_808 : memref<128xi32, #tpu.memory_space<vmem>>) semaphore(%dma_start3A_813 : memref<!tpu.dma_semaphore, #tpu.memory_space<semaphore_mem>>) {add = true}
      %add3A_814 = arith.constant 2 : i32
      %add3A_815 = arith.addi %mul3A_544, %add3A_814 : i32
      %dma_wait3A_816 = arith.constant 2 : i32
      %dma_wait3A_817 = arith.constant 2 : i32
      %dma_wait3A_818 = arith.constant 0 : i32
      %dma_wait3A_819 = arith.constant 0 : i32
      %dma_wait3A_820 = tpu.memref_slice %arg8[%dma_wait3A_816, %dma_wait3A_818, %dma_wait3A_819] : memref<8x128x64xf32, #tpu.memory_space<vmem>> -> memref<1x128x64xf32, #tpu.memory_space<vmem>>
      %dma_wait3A_821 = tpu.memref_squeeze %dma_wait3A_820 : memref<1x128x64xf32, #tpu.memory_space<vmem>> -> memref<128x64xf32, #tpu.memory_space<vmem>>
      %dma_wait3A_822 = arith.constant 0 : i32
      %dma_wait3A_823 = tpu.memref_slice %arg6[%add3A_815, %dma_wait3A_822] : memref<80x128xi32, #tpu.memory_space<vmem>> -> memref<1x128xi32, #tpu.memory_space<vmem>>
      %dma_wait3A_824 = tpu.memref_squeeze %dma_wait3A_823 : memref<1x128xi32, #tpu.memory_space<vmem>> -> memref<128xi32, #tpu.memory_space<vmem>>
      %dma_wait3A_825 = arith.constant 0 : i32
      %dma_wait3A_826 = arith.constant 0 : i32
      %dma_wait3A_827 = tpu.memref_slice %arg2[%arg0, %dma_wait3A_825, %dma_wait3A_826] : memref<2x10240x64xf32, #tpu.memory_space<hbm>> -> memref<1x10240x64xf32, #tpu.memory_space<hbm>>
      %dma_wait3A_828 = tpu.memref_squeeze %dma_wait3A_827 : memref<1x10240x64xf32, #tpu.memory_space<hbm>> -> memref<10240x64xf32, #tpu.memory_space<hbm>>
      %dma_wait3A_829 = arith.constant 0 : i32
      %dma_wait3A_830 = arith.constant 0 : i32
      %dma_wait3A_831 = tpu.memref_slice %dma_wait3A_828[%dma_wait3A_829, %dma_wait3A_830] : memref<10240x64xf32, #tpu.memory_space<hbm>> -> memref<10240x64xf32, #tpu.memory_space<hbm>>
      %dma_wait3A_832 = tpu.memref_slice %arg11[%dma_wait3A_817] : memref<8x!tpu.dma_semaphore, #tpu.memory_space<semaphore_mem>> -> memref<1x!tpu.dma_semaphore, #tpu.memory_space<semaphore_mem>>
      %dma_wait3A_833 = tpu.memref_squeeze %dma_wait3A_832 : memref<1x!tpu.dma_semaphore, #tpu.memory_space<semaphore_mem>> -> memref<!tpu.dma_semaphore, #tpu.memory_space<semaphore_mem>>
      tpu.wait_indirect_dma semaphore(%dma_wait3A_833 : memref<!tpu.dma_semaphore, #tpu.memory_space<semaphore_mem>>) src(%dma_wait3A_831 : memref<10240x64xf32, #tpu.memory_space<hbm>>) dst(%dma_wait3A_821 : memref<128x64xf32, #tpu.memory_space<vmem>>)
      %add3A_834 = arith.constant 2 : i32
      %add3A_835 = arith.addi %mul3A_544, %add3A_834 : i32
      %dma_start3A_836 = arith.constant 2 : i32
      %dma_start3A_837 = arith.constant 2 : i32
      %dma_start3A_838 = arith.constant 0 : i32
      %dma_start3A_839 = arith.constant 0 : i32
      %dma_start3A_840 = tpu.memref_slice %arg8[%dma_start3A_836, %dma_start3A_838, %dma_start3A_839] : memref<8x128x64xf32, #tpu.memory_space<vmem>> -> memref<1x128x64xf32, #tpu.memory_space<vmem>>
      %dma_start3A_841 = tpu.memref_squeeze %dma_start3A_840 : memref<1x128x64xf32, #tpu.memory_space<vmem>> -> memref<128x64xf32, #tpu.memory_space<vmem>>
      %dma_start3A_842 = arith.constant 0 : i32
      %dma_start3A_843 = tpu.memref_slice %arg7[%add3A_835, %dma_start3A_842] : memref<80x128xi32, #tpu.memory_space<vmem>> -> memref<1x128xi32, #tpu.memory_space<vmem>>
      %dma_start3A_844 = tpu.memref_squeeze %dma_start3A_843 : memref<1x128xi32, #tpu.memory_space<vmem>> -> memref<128xi32, #tpu.memory_space<vmem>>
      %dma_start3A_845 = arith.constant 0 : i32
      %dma_start3A_846 = arith.constant 0 : i32
      %dma_start3A_847 = tpu.memref_slice %arg10[%dma_start3A_845, %dma_start3A_846] : memref<10240x64xf32, #tpu.memory_space<vmem_shared>> -> memref<10240x64xf32, #tpu.memory_space<vmem_shared>>
      %dma_start3A_848 = tpu.memref_slice %arg12[%dma_start3A_837] : memref<8x!tpu.dma_semaphore, #tpu.memory_space<semaphore_mem>> -> memref<1x!tpu.dma_semaphore, #tpu.memory_space<semaphore_mem>>
      %dma_start3A_849 = tpu.memref_squeeze %dma_start3A_848 : memref<1x!tpu.dma_semaphore, #tpu.memory_space<semaphore_mem>> -> memref<!tpu.dma_semaphore, #tpu.memory_space<semaphore_mem>>
      tpu.enqueue_indirect_dma source(%dma_start3A_841 : memref<128x64xf32, #tpu.memory_space<vmem>>) target(%dma_start3A_847 : memref<10240x64xf32, #tpu.memory_space<vmem_shared>>) offsets(%dma_start3A_844 : memref<128xi32, #tpu.memory_space<vmem>>) semaphore(%dma_start3A_849 : memref<!tpu.dma_semaphore, #tpu.memory_space<semaphore_mem>>) {add = true}
      %add3A_850 = arith.constant 3 : i32
      %add3A_851 = arith.addi %mul3A_544, %add3A_850 : i32
      %dma_wait3A_852 = arith.constant 3 : i32
      %dma_wait3A_853 = arith.constant 3 : i32
      %dma_wait3A_854 = arith.constant 0 : i32
      %dma_wait3A_855 = arith.constant 0 : i32
      %dma_wait3A_856 = tpu.memref_slice %arg8[%dma_wait3A_852, %dma_wait3A_854, %dma_wait3A_855] : memref<8x128x64xf32, #tpu.memory_space<vmem>> -> memref<1x128x64xf32, #tpu.memory_space<vmem>>
      %dma_wait3A_857 = tpu.memref_squeeze %dma_wait3A_856 : memref<1x128x64xf32, #tpu.memory_space<vmem>> -> memref<128x64xf32, #tpu.memory_space<vmem>>
      %dma_wait3A_858 = arith.constant 0 : i32
      %dma_wait3A_859 = tpu.memref_slice %arg6[%add3A_851, %dma_wait3A_858] : memref<80x128xi32, #tpu.memory_space<vmem>> -> memref<1x128xi32, #tpu.memory_space<vmem>>
      %dma_wait3A_860 = tpu.memref_squeeze %dma_wait3A_859 : memref<1x128xi32, #tpu.memory_space<vmem>> -> memref<128xi32, #tpu.memory_space<vmem>>
      %dma_wait3A_861 = arith.constant 0 : i32
      %dma_wait3A_862 = arith.constant 0 : i32
      %dma_wait3A_863 = tpu.memref_slice %arg2[%arg0, %dma_wait3A_861, %dma_wait3A_862] : memref<2x10240x64xf32, #tpu.memory_space<hbm>> -> memref<1x10240x64xf32, #tpu.memory_space<hbm>>
      %dma_wait3A_864 = tpu.memref_squeeze %dma_wait3A_863 : memref<1x10240x64xf32, #tpu.memory_space<hbm>> -> memref<10240x64xf32, #tpu.memory_space<hbm>>
      %dma_wait3A_865 = arith.constant 0 : i32
      %dma_wait3A_866 = arith.constant 0 : i32
      %dma_wait3A_867 = tpu.memref_slice %dma_wait3A_864[%dma_wait3A_865, %dma_wait3A_866] : memref<10240x64xf32, #tpu.memory_space<hbm>> -> memref<10240x64xf32, #tpu.memory_space<hbm>>
      %dma_wait3A_868 = tpu.memref_slice %arg11[%dma_wait3A_853] : memref<8x!tpu.dma_semaphore, #tpu.memory_space<semaphore_mem>> -> memref<1x!tpu.dma_semaphore, #tpu.memory_space<semaphore_mem>>
      %dma_wait3A_869 = tpu.memref_squeeze %dma_wait3A_868 : memref<1x!tpu.dma_semaphore, #tpu.memory_space<semaphore_mem>> -> memref<!tpu.dma_semaphore, #tpu.memory_space<semaphore_mem>>
      tpu.wait_indirect_dma semaphore(%dma_wait3A_869 : memref<!tpu.dma_semaphore, #tpu.memory_space<semaphore_mem>>) src(%dma_wait3A_867 : memref<10240x64xf32, #tpu.memory_space<hbm>>) dst(%dma_wait3A_857 : memref<128x64xf32, #tpu.memory_space<vmem>>)
      %add3A_870 = arith.constant 3 : i32
      %add3A_871 = arith.addi %mul3A_544, %add3A_870 : i32
      %dma_start3A_872 = arith.constant 3 : i32
      %dma_start3A_873 = arith.constant 3 : i32
      %dma_start3A_874 = arith.constant 0 : i32
      %dma_start3A_875 = arith.constant 0 : i32
      %dma_start3A_876 = tpu.memref_slice %arg8[%dma_start3A_872, %dma_start3A_874, %dma_start3A_875] : memref<8x128x64xf32, #tpu.memory_space<vmem>> -> memref<1x128x64xf32, #tpu.memory_space<vmem>>
      %dma_start3A_877 = tpu.memref_squeeze %dma_start3A_876 : memref<1x128x64xf32, #tpu.memory_space<vmem>> -> memref<128x64xf32, #tpu.memory_space<vmem>>
      %dma_start3A_878 = arith.constant 0 : i32
      %dma_start3A_879 = tpu.memref_slice %arg7[%add3A_871, %dma_start3A_878] : memref<80x128xi32, #tpu.memory_space<vmem>> -> memref<1x128xi32, #tpu.memory_space<vmem>>
      %dma_start3A_880 = tpu.memref_squeeze %dma_start3A_879 : memref<1x128xi32, #tpu.memory_space<vmem>> -> memref<128xi32, #tpu.memory_space<vmem>>
      %dma_start3A_881 = arith.constant 0 : i32
      %dma_start3A_882 = arith.constant 0 : i32
      %dma_start3A_883 = tpu.memref_slice %arg10[%dma_start3A_881, %dma_start3A_882] : memref<10240x64xf32, #tpu.memory_space<vmem_shared>> -> memref<10240x64xf32, #tpu.memory_space<vmem_shared>>
      %dma_start3A_884 = tpu.memref_slice %arg12[%dma_start3A_873] : memref<8x!tpu.dma_semaphore, #tpu.memory_space<semaphore_mem>> -> memref<1x!tpu.dma_semaphore, #tpu.memory_space<semaphore_mem>>
      %dma_start3A_885 = tpu.memref_squeeze %dma_start3A_884 : memref<1x!tpu.dma_semaphore, #tpu.memory_space<semaphore_mem>> -> memref<!tpu.dma_semaphore, #tpu.memory_space<semaphore_mem>>
      tpu.enqueue_indirect_dma source(%dma_start3A_877 : memref<128x64xf32, #tpu.memory_space<vmem>>) target(%dma_start3A_883 : memref<10240x64xf32, #tpu.memory_space<vmem_shared>>) offsets(%dma_start3A_880 : memref<128xi32, #tpu.memory_space<vmem>>) semaphore(%dma_start3A_885 : memref<!tpu.dma_semaphore, #tpu.memory_space<semaphore_mem>>) {add = true}
      %add3A_886 = arith.constant 4 : i32
      %add3A_887 = arith.addi %mul3A_544, %add3A_886 : i32
      %dma_wait3A_888 = arith.constant 4 : i32
      %dma_wait3A_889 = arith.constant 4 : i32
      %dma_wait3A_890 = arith.constant 0 : i32
      %dma_wait3A_891 = arith.constant 0 : i32
      %dma_wait3A_892 = tpu.memref_slice %arg8[%dma_wait3A_888, %dma_wait3A_890, %dma_wait3A_891] : memref<8x128x64xf32, #tpu.memory_space<vmem>> -> memref<1x128x64xf32, #tpu.memory_space<vmem>>
      %dma_wait3A_893 = tpu.memref_squeeze %dma_wait3A_892 : memref<1x128x64xf32, #tpu.memory_space<vmem>> -> memref<128x64xf32, #tpu.memory_space<vmem>>
      %dma_wait3A_894 = arith.constant 0 : i32
      %dma_wait3A_895 = tpu.memref_slice %arg6[%add3A_887, %dma_wait3A_894] : memref<80x128xi32, #tpu.memory_space<vmem>> -> memref<1x128xi32, #tpu.memory_space<vmem>>
      %dma_wait3A_896 = tpu.memref_squeeze %dma_wait3A_895 : memref<1x128xi32, #tpu.memory_space<vmem>> -> memref<128xi32, #tpu.memory_space<vmem>>
      %dma_wait3A_897 = arith.constant 0 : i32
      %dma_wait3A_898 = arith.constant 0 : i32
      %dma_wait3A_899 = tpu.memref_slice %arg2[%arg0, %dma_wait3A_897, %dma_wait3A_898] : memref<2x10240x64xf32, #tpu.memory_space<hbm>> -> memref<1x10240x64xf32, #tpu.memory_space<hbm>>
      %dma_wait3A_900 = tpu.memref_squeeze %dma_wait3A_899 : memref<1x10240x64xf32, #tpu.memory_space<hbm>> -> memref<10240x64xf32, #tpu.memory_space<hbm>>
      %dma_wait3A_901 = arith.constant 0 : i32
      %dma_wait3A_902 = arith.constant 0 : i32
      %dma_wait3A_903 = tpu.memref_slice %dma_wait3A_900[%dma_wait3A_901, %dma_wait3A_902] : memref<10240x64xf32, #tpu.memory_space<hbm>> -> memref<10240x64xf32, #tpu.memory_space<hbm>>
      %dma_wait3A_904 = tpu.memref_slice %arg11[%dma_wait3A_889] : memref<8x!tpu.dma_semaphore, #tpu.memory_space<semaphore_mem>> -> memref<1x!tpu.dma_semaphore, #tpu.memory_space<semaphore_mem>>
      %dma_wait3A_905 = tpu.memref_squeeze %dma_wait3A_904 : memref<1x!tpu.dma_semaphore, #tpu.memory_space<semaphore_mem>> -> memref<!tpu.dma_semaphore, #tpu.memory_space<semaphore_mem>>
      tpu.wait_indirect_dma semaphore(%dma_wait3A_905 : memref<!tpu.dma_semaphore, #tpu.memory_space<semaphore_mem>>) src(%dma_wait3A_903 : memref<10240x64xf32, #tpu.memory_space<hbm>>) dst(%dma_wait3A_893 : memref<128x64xf32, #tpu.memory_space<vmem>>)
      %add3A_906 = arith.constant 4 : i32
      %add3A_907 = arith.addi %mul3A_544, %add3A_906 : i32
      %dma_start3A_908 = arith.constant 4 : i32
      %dma_start3A_909 = arith.constant 4 : i32
      %dma_start3A_910 = arith.constant 0 : i32
      %dma_start3A_911 = arith.constant 0 : i32
      %dma_start3A_912 = tpu.memref_slice %arg8[%dma_start3A_908, %dma_start3A_910, %dma_start3A_911] : memref<8x128x64xf32, #tpu.memory_space<vmem>> -> memref<1x128x64xf32, #tpu.memory_space<vmem>>
      %dma_start3A_913 = tpu.memref_squeeze %dma_start3A_912 : memref<1x128x64xf32, #tpu.memory_space<vmem>> -> memref<128x64xf32, #tpu.memory_space<vmem>>
      %dma_start3A_914 = arith.constant 0 : i32
      %dma_start3A_915 = tpu.memref_slice %arg7[%add3A_907, %dma_start3A_914] : memref<80x128xi32, #tpu.memory_space<vmem>> -> memref<1x128xi32, #tpu.memory_space<vmem>>
      %dma_start3A_916 = tpu.memref_squeeze %dma_start3A_915 : memref<1x128xi32, #tpu.memory_space<vmem>> -> memref<128xi32, #tpu.memory_space<vmem>>
      %dma_start3A_917 = arith.constant 0 : i32
      %dma_start3A_918 = arith.constant 0 : i32
      %dma_start3A_919 = tpu.memref_slice %arg10[%dma_start3A_917, %dma_start3A_918] : memref<10240x64xf32, #tpu.memory_space<vmem_shared>> -> memref<10240x64xf32, #tpu.memory_space<vmem_shared>>
      %dma_start3A_920 = tpu.memref_slice %arg12[%dma_start3A_909] : memref<8x!tpu.dma_semaphore, #tpu.memory_space<semaphore_mem>> -> memref<1x!tpu.dma_semaphore, #tpu.memory_space<semaphore_mem>>
      %dma_start3A_921 = tpu.memref_squeeze %dma_start3A_920 : memref<1x!tpu.dma_semaphore, #tpu.memory_space<semaphore_mem>> -> memref<!tpu.dma_semaphore, #tpu.memory_space<semaphore_mem>>
      tpu.enqueue_indirect_dma source(%dma_start3A_913 : memref<128x64xf32, #tpu.memory_space<vmem>>) target(%dma_start3A_919 : memref<10240x64xf32, #tpu.memory_space<vmem_shared>>) offsets(%dma_start3A_916 : memref<128xi32, #tpu.memory_space<vmem>>) semaphore(%dma_start3A_921 : memref<!tpu.dma_semaphore, #tpu.memory_space<semaphore_mem>>) {add = true}
      %add3A_922 = arith.constant 5 : i32
      %add3A_923 = arith.addi %mul3A_544, %add3A_922 : i32
      %dma_wait3A_924 = arith.constant 5 : i32
      %dma_wait3A_925 = arith.constant 5 : i32
      %dma_wait3A_926 = arith.constant 0 : i32
      %dma_wait3A_927 = arith.constant 0 : i32
      %dma_wait3A_928 = tpu.memref_slice %arg8[%dma_wait3A_924, %dma_wait3A_926, %dma_wait3A_927] : memref<8x128x64xf32, #tpu.memory_space<vmem>> -> memref<1x128x64xf32, #tpu.memory_space<vmem>>
      %dma_wait3A_929 = tpu.memref_squeeze %dma_wait3A_928 : memref<1x128x64xf32, #tpu.memory_space<vmem>> -> memref<128x64xf32, #tpu.memory_space<vmem>>
      %dma_wait3A_930 = arith.constant 0 : i32
      %dma_wait3A_931 = tpu.memref_slice %arg6[%add3A_923, %dma_wait3A_930] : memref<80x128xi32, #tpu.memory_space<vmem>> -> memref<1x128xi32, #tpu.memory_space<vmem>>
      %dma_wait3A_932 = tpu.memref_squeeze %dma_wait3A_931 : memref<1x128xi32, #tpu.memory_space<vmem>> -> memref<128xi32, #tpu.memory_space<vmem>>
      %dma_wait3A_933 = arith.constant 0 : i32
      %dma_wait3A_934 = arith.constant 0 : i32
      %dma_wait3A_935 = tpu.memref_slice %arg2[%arg0, %dma_wait3A_933, %dma_wait3A_934] : memref<2x10240x64xf32, #tpu.memory_space<hbm>> -> memref<1x10240x64xf32, #tpu.memory_space<hbm>>
      %dma_wait3A_936 = tpu.memref_squeeze %dma_wait3A_935 : memref<1x10240x64xf32, #tpu.memory_space<hbm>> -> memref<10240x64xf32, #tpu.memory_space<hbm>>
      %dma_wait3A_937 = arith.constant 0 : i32
      %dma_wait3A_938 = arith.constant 0 : i32
      %dma_wait3A_939 = tpu.memref_slice %dma_wait3A_936[%dma_wait3A_937, %dma_wait3A_938] : memref<10240x64xf32, #tpu.memory_space<hbm>> -> memref<10240x64xf32, #tpu.memory_space<hbm>>
      %dma_wait3A_940 = tpu.memref_slice %arg11[%dma_wait3A_925] : memref<8x!tpu.dma_semaphore, #tpu.memory_space<semaphore_mem>> -> memref<1x!tpu.dma_semaphore, #tpu.memory_space<semaphore_mem>>
      %dma_wait3A_941 = tpu.memref_squeeze %dma_wait3A_940 : memref<1x!tpu.dma_semaphore, #tpu.memory_space<semaphore_mem>> -> memref<!tpu.dma_semaphore, #tpu.memory_space<semaphore_mem>>
      tpu.wait_indirect_dma semaphore(%dma_wait3A_941 : memref<!tpu.dma_semaphore, #tpu.memory_space<semaphore_mem>>) src(%dma_wait3A_939 : memref<10240x64xf32, #tpu.memory_space<hbm>>) dst(%dma_wait3A_929 : memref<128x64xf32, #tpu.memory_space<vmem>>)
      %add3A_942 = arith.constant 5 : i32
      %add3A_943 = arith.addi %mul3A_544, %add3A_942 : i32
      %dma_start3A_944 = arith.constant 5 : i32
      %dma_start3A_945 = arith.constant 5 : i32
      %dma_start3A_946 = arith.constant 0 : i32
      %dma_start3A_947 = arith.constant 0 : i32
      %dma_start3A_948 = tpu.memref_slice %arg8[%dma_start3A_944, %dma_start3A_946, %dma_start3A_947] : memref<8x128x64xf32, #tpu.memory_space<vmem>> -> memref<1x128x64xf32, #tpu.memory_space<vmem>>
      %dma_start3A_949 = tpu.memref_squeeze %dma_start3A_948 : memref<1x128x64xf32, #tpu.memory_space<vmem>> -> memref<128x64xf32, #tpu.memory_space<vmem>>
      %dma_start3A_950 = arith.constant 0 : i32
      %dma_start3A_951 = tpu.memref_slice %arg7[%add3A_943, %dma_start3A_950] : memref<80x128xi32, #tpu.memory_space<vmem>> -> memref<1x128xi32, #tpu.memory_space<vmem>>
      %dma_start3A_952 = tpu.memref_squeeze %dma_start3A_951 : memref<1x128xi32, #tpu.memory_space<vmem>> -> memref<128xi32, #tpu.memory_space<vmem>>
      %dma_start3A_953 = arith.constant 0 : i32
      %dma_start3A_954 = arith.constant 0 : i32
      %dma_start3A_955 = tpu.memref_slice %arg10[%dma_start3A_953, %dma_start3A_954] : memref<10240x64xf32, #tpu.memory_space<vmem_shared>> -> memref<10240x64xf32, #tpu.memory_space<vmem_shared>>
      %dma_start3A_956 = tpu.memref_slice %arg12[%dma_start3A_945] : memref<8x!tpu.dma_semaphore, #tpu.memory_space<semaphore_mem>> -> memref<1x!tpu.dma_semaphore, #tpu.memory_space<semaphore_mem>>
      %dma_start3A_957 = tpu.memref_squeeze %dma_start3A_956 : memref<1x!tpu.dma_semaphore, #tpu.memory_space<semaphore_mem>> -> memref<!tpu.dma_semaphore, #tpu.memory_space<semaphore_mem>>
      tpu.enqueue_indirect_dma source(%dma_start3A_949 : memref<128x64xf32, #tpu.memory_space<vmem>>) target(%dma_start3A_955 : memref<10240x64xf32, #tpu.memory_space<vmem_shared>>) offsets(%dma_start3A_952 : memref<128xi32, #tpu.memory_space<vmem>>) semaphore(%dma_start3A_957 : memref<!tpu.dma_semaphore, #tpu.memory_space<semaphore_mem>>) {add = true}
      %add3A_958 = arith.constant 6 : i32
      %add3A_959 = arith.addi %mul3A_544, %add3A_958 : i32
      %dma_wait3A_960 = arith.constant 6 : i32
      %dma_wait3A_961 = arith.constant 6 : i32
      %dma_wait3A_962 = arith.constant 0 : i32
      %dma_wait3A_963 = arith.constant 0 : i32
      %dma_wait3A_964 = tpu.memref_slice %arg8[%dma_wait3A_960, %dma_wait3A_962, %dma_wait3A_963] : memref<8x128x64xf32, #tpu.memory_space<vmem>> -> memref<1x128x64xf32, #tpu.memory_space<vmem>>
      %dma_wait3A_965 = tpu.memref_squeeze %dma_wait3A_964 : memref<1x128x64xf32, #tpu.memory_space<vmem>> -> memref<128x64xf32, #tpu.memory_space<vmem>>
      %dma_wait3A_966 = arith.constant 0 : i32
      %dma_wait3A_967 = tpu.memref_slice %arg6[%add3A_959, %dma_wait3A_966] : memref<80x128xi32, #tpu.memory_space<vmem>> -> memref<1x128xi32, #tpu.memory_space<vmem>>
      %dma_wait3A_968 = tpu.memref_squeeze %dma_wait3A_967 : memref<1x128xi32, #tpu.memory_space<vmem>> -> memref<128xi32, #tpu.memory_space<vmem>>
      %dma_wait3A_969 = arith.constant 0 : i32
      %dma_wait3A_970 = arith.constant 0 : i32
      %dma_wait3A_971 = tpu.memref_slice %arg2[%arg0, %dma_wait3A_969, %dma_wait3A_970] : memref<2x10240x64xf32, #tpu.memory_space<hbm>> -> memref<1x10240x64xf32, #tpu.memory_space<hbm>>
      %dma_wait3A_972 = tpu.memref_squeeze %dma_wait3A_971 : memref<1x10240x64xf32, #tpu.memory_space<hbm>> -> memref<10240x64xf32, #tpu.memory_space<hbm>>
      %dma_wait3A_973 = arith.constant 0 : i32
      %dma_wait3A_974 = arith.constant 0 : i32
      %dma_wait3A_975 = tpu.memref_slice %dma_wait3A_972[%dma_wait3A_973, %dma_wait3A_974] : memref<10240x64xf32, #tpu.memory_space<hbm>> -> memref<10240x64xf32, #tpu.memory_space<hbm>>
      %dma_wait3A_976 = tpu.memref_slice %arg11[%dma_wait3A_961] : memref<8x!tpu.dma_semaphore, #tpu.memory_space<semaphore_mem>> -> memref<1x!tpu.dma_semaphore, #tpu.memory_space<semaphore_mem>>
      %dma_wait3A_977 = tpu.memref_squeeze %dma_wait3A_976 : memref<1x!tpu.dma_semaphore, #tpu.memory_space<semaphore_mem>> -> memref<!tpu.dma_semaphore, #tpu.memory_space<semaphore_mem>>
      tpu.wait_indirect_dma semaphore(%dma_wait3A_977 : memref<!tpu.dma_semaphore, #tpu.memory_space<semaphore_mem>>) src(%dma_wait3A_975 : memref<10240x64xf32, #tpu.memory_space<hbm>>) dst(%dma_wait3A_965 : memref<128x64xf32, #tpu.memory_space<vmem>>)
      %add3A_978 = arith.constant 6 : i32
      %add3A_979 = arith.addi %mul3A_544, %add3A_978 : i32
      %dma_start3A_980 = arith.constant 6 : i32
      %dma_start3A_981 = arith.constant 6 : i32
      %dma_start3A_982 = arith.constant 0 : i32
      %dma_start3A_983 = arith.constant 0 : i32
      %dma_start3A_984 = tpu.memref_slice %arg8[%dma_start3A_980, %dma_start3A_982, %dma_start3A_983] : memref<8x128x64xf32, #tpu.memory_space<vmem>> -> memref<1x128x64xf32, #tpu.memory_space<vmem>>
      %dma_start3A_985 = tpu.memref_squeeze %dma_start3A_984 : memref<1x128x64xf32, #tpu.memory_space<vmem>> -> memref<128x64xf32, #tpu.memory_space<vmem>>
      %dma_start3A_986 = arith.constant 0 : i32
      %dma_start3A_987 = tpu.memref_slice %arg7[%add3A_979, %dma_start3A_986] : memref<80x128xi32, #tpu.memory_space<vmem>> -> memref<1x128xi32, #tpu.memory_space<vmem>>
      %dma_start3A_988 = tpu.memref_squeeze %dma_start3A_987 : memref<1x128xi32, #tpu.memory_space<vmem>> -> memref<128xi32, #tpu.memory_space<vmem>>
      %dma_start3A_989 = arith.constant 0 : i32
      %dma_start3A_990 = arith.constant 0 : i32
      %dma_start3A_991 = tpu.memref_slice %arg10[%dma_start3A_989, %dma_start3A_990] : memref<10240x64xf32, #tpu.memory_space<vmem_shared>> -> memref<10240x64xf32, #tpu.memory_space<vmem_shared>>
      %dma_start3A_992 = tpu.memref_slice %arg12[%dma_start3A_981] : memref<8x!tpu.dma_semaphore, #tpu.memory_space<semaphore_mem>> -> memref<1x!tpu.dma_semaphore, #tpu.memory_space<semaphore_mem>>
      %dma_start3A_993 = tpu.memref_squeeze %dma_start3A_992 : memref<1x!tpu.dma_semaphore, #tpu.memory_space<semaphore_mem>> -> memref<!tpu.dma_semaphore, #tpu.memory_space<semaphore_mem>>
      tpu.enqueue_indirect_dma source(%dma_start3A_985 : memref<128x64xf32, #tpu.memory_space<vmem>>) target(%dma_start3A_991 : memref<10240x64xf32, #tpu.memory_space<vmem_shared>>) offsets(%dma_start3A_988 : memref<128xi32, #tpu.memory_space<vmem>>) semaphore(%dma_start3A_993 : memref<!tpu.dma_semaphore, #tpu.memory_space<semaphore_mem>>) {add = true}
      %add3A_994 = arith.constant 7 : i32
      %add3A_995 = arith.addi %mul3A_544, %add3A_994 : i32
      %dma_wait3A_996 = arith.constant 7 : i32
      %dma_wait3A_997 = arith.constant 7 : i32
      %dma_wait3A_998 = arith.constant 0 : i32
      %dma_wait3A_999 = arith.constant 0 : i32
      %dma_wait3A_1000 = tpu.memref_slice %arg8[%dma_wait3A_996, %dma_wait3A_998, %dma_wait3A_999] : memref<8x128x64xf32, #tpu.memory_space<vmem>> -> memref<1x128x64xf32, #tpu.memory_space<vmem>>
      %dma_wait3A_1001 = tpu.memref_squeeze %dma_wait3A_1000 : memref<1x128x64xf32, #tpu.memory_space<vmem>> -> memref<128x64xf32, #tpu.memory_space<vmem>>
      %dma_wait3A_1002 = arith.constant 0 : i32
      %dma_wait3A_1003 = tpu.memref_slice %arg6[%add3A_995, %dma_wait3A_1002] : memref<80x128xi32, #tpu.memory_space<vmem>> -> memref<1x128xi32, #tpu.memory_space<vmem>>
      %dma_wait3A_1004 = tpu.memref_squeeze %dma_wait3A_1003 : memref<1x128xi32, #tpu.memory_space<vmem>> -> memref<128xi32, #tpu.memory_space<vmem>>
      %dma_wait3A_1005 = arith.constant 0 : i32
      %dma_wait3A_1006 = arith.constant 0 : i32
      %dma_wait3A_1007 = tpu.memref_slice %arg2[%arg0, %dma_wait3A_1005, %dma_wait3A_1006] : memref<2x10240x64xf32, #tpu.memory_space<hbm>> -> memref<1x10240x64xf32, #tpu.memory_space<hbm>>
      %dma_wait3A_1008 = tpu.memref_squeeze %dma_wait3A_1007 : memref<1x10240x64xf32, #tpu.memory_space<hbm>> -> memref<10240x64xf32, #tpu.memory_space<hbm>>
      %dma_wait3A_1009 = arith.constant 0 : i32
      %dma_wait3A_1010 = arith.constant 0 : i32
      %dma_wait3A_1011 = tpu.memref_slice %dma_wait3A_1008[%dma_wait3A_1009, %dma_wait3A_1010] : memref<10240x64xf32, #tpu.memory_space<hbm>> -> memref<10240x64xf32, #tpu.memory_space<hbm>>
      %dma_wait3A_1012 = tpu.memref_slice %arg11[%dma_wait3A_997] : memref<8x!tpu.dma_semaphore, #tpu.memory_space<semaphore_mem>> -> memref<1x!tpu.dma_semaphore, #tpu.memory_space<semaphore_mem>>
      %dma_wait3A_1013 = tpu.memref_squeeze %dma_wait3A_1012 : memref<1x!tpu.dma_semaphore, #tpu.memory_space<semaphore_mem>> -> memref<!tpu.dma_semaphore, #tpu.memory_space<semaphore_mem>>
      tpu.wait_indirect_dma semaphore(%dma_wait3A_1013 : memref<!tpu.dma_semaphore, #tpu.memory_space<semaphore_mem>>) src(%dma_wait3A_1011 : memref<10240x64xf32, #tpu.memory_space<hbm>>) dst(%dma_wait3A_1001 : memref<128x64xf32, #tpu.memory_space<vmem>>)
      %add3A_1014 = arith.constant 7 : i32
      %add3A_1015 = arith.addi %mul3A_544, %add3A_1014 : i32
      %dma_start3A_1016 = arith.constant 7 : i32
      %dma_start3A_1017 = arith.constant 7 : i32
      %dma_start3A_1018 = arith.constant 0 : i32
      %dma_start3A_1019 = arith.constant 0 : i32
      %dma_start3A_1020 = tpu.memref_slice %arg8[%dma_start3A_1016, %dma_start3A_1018, %dma_start3A_1019] : memref<8x128x64xf32, #tpu.memory_space<vmem>> -> memref<1x128x64xf32, #tpu.memory_space<vmem>>
      %dma_start3A_1021 = tpu.memref_squeeze %dma_start3A_1020 : memref<1x128x64xf32, #tpu.memory_space<vmem>> -> memref<128x64xf32, #tpu.memory_space<vmem>>
      %dma_start3A_1022 = arith.constant 0 : i32
      %dma_start3A_1023 = tpu.memref_slice %arg7[%add3A_1015, %dma_start3A_1022] : memref<80x128xi32, #tpu.memory_space<vmem>> -> memref<1x128xi32, #tpu.memory_space<vmem>>
      %dma_start3A_1024 = tpu.memref_squeeze %dma_start3A_1023 : memref<1x128xi32, #tpu.memory_space<vmem>> -> memref<128xi32, #tpu.memory_space<vmem>>
      %dma_start3A_1025 = arith.constant 0 : i32
      %dma_start3A_1026 = arith.constant 0 : i32
      %dma_start3A_1027 = tpu.memref_slice %arg10[%dma_start3A_1025, %dma_start3A_1026] : memref<10240x64xf32, #tpu.memory_space<vmem_shared>> -> memref<10240x64xf32, #tpu.memory_space<vmem_shared>>
      %dma_start3A_1028 = tpu.memref_slice %arg12[%dma_start3A_1017] : memref<8x!tpu.dma_semaphore, #tpu.memory_space<semaphore_mem>> -> memref<1x!tpu.dma_semaphore, #tpu.memory_space<semaphore_mem>>
      %dma_start3A_1029 = tpu.memref_squeeze %dma_start3A_1028 : memref<1x!tpu.dma_semaphore, #tpu.memory_space<semaphore_mem>> -> memref<!tpu.dma_semaphore, #tpu.memory_space<semaphore_mem>>
      tpu.enqueue_indirect_dma source(%dma_start3A_1021 : memref<128x64xf32, #tpu.memory_space<vmem>>) target(%dma_start3A_1027 : memref<10240x64xf32, #tpu.memory_space<vmem_shared>>) offsets(%dma_start3A_1024 : memref<128xi32, #tpu.memory_space<vmem>>) semaphore(%dma_start3A_1029 : memref<!tpu.dma_semaphore, #tpu.memory_space<semaphore_mem>>) {add = true}
    }
    %scan3A_418 = arith.constant 10 : i32
    %dma_wait3A_419 = arith.constant 0 : i32
    %dma_wait3A_420 = arith.constant 72 : i32
    %dma_wait3A_421 = arith.constant 0 : i32
    %dma_wait3A_422 = arith.constant 0 : i32
    %dma_wait3A_423 = arith.constant 0 : i32
    %dma_wait3A_424 = tpu.memref_slice %arg8[%dma_wait3A_419, %dma_wait3A_422, %dma_wait3A_423] : memref<8x128x64xf32, #tpu.memory_space<vmem>> -> memref<1x128x64xf32, #tpu.memory_space<vmem>>
    %dma_wait3A_425 = tpu.memref_squeeze %dma_wait3A_424 : memref<1x128x64xf32, #tpu.memory_space<vmem>> -> memref<128x64xf32, #tpu.memory_space<vmem>>
    %dma_wait3A_426 = arith.constant 0 : i32
    %dma_wait3A_427 = tpu.memref_slice %arg7[%dma_wait3A_420, %dma_wait3A_426] : memref<80x128xi32, #tpu.memory_space<vmem>> -> memref<1x128xi32, #tpu.memory_space<vmem>>
    %dma_wait3A_428 = tpu.memref_squeeze %dma_wait3A_427 : memref<1x128xi32, #tpu.memory_space<vmem>> -> memref<128xi32, #tpu.memory_space<vmem>>
    %dma_wait3A_429 = arith.constant 0 : i32
    %dma_wait3A_430 = arith.constant 0 : i32
    %dma_wait3A_431 = tpu.memref_slice %arg10[%dma_wait3A_429, %dma_wait3A_430] : memref<10240x64xf32, #tpu.memory_space<vmem_shared>> -> memref<10240x64xf32, #tpu.memory_space<vmem_shared>>
    %dma_wait3A_432 = tpu.memref_slice %arg12[%dma_wait3A_421] : memref<8x!tpu.dma_semaphore, #tpu.memory_space<semaphore_mem>> -> memref<1x!tpu.dma_semaphore, #tpu.memory_space<semaphore_mem>>
    %dma_wait3A_433 = tpu.memref_squeeze %dma_wait3A_432 : memref<1x!tpu.dma_semaphore, #tpu.memory_space<semaphore_mem>> -> memref<!tpu.dma_semaphore, #tpu.memory_space<semaphore_mem>>
    tpu.wait_indirect_dma semaphore(%dma_wait3A_433 : memref<!tpu.dma_semaphore, #tpu.memory_space<semaphore_mem>>) src(%dma_wait3A_425 : memref<128x64xf32, #tpu.memory_space<vmem>>) dst(%dma_wait3A_431 : memref<10240x64xf32, #tpu.memory_space<vmem_shared>>)
    %dma_wait3A_434 = arith.constant 1 : i32
    %dma_wait3A_435 = arith.constant 73 : i32
    %dma_wait3A_436 = arith.constant 1 : i32
    %dma_wait3A_437 = arith.constant 0 : i32
    %dma_wait3A_438 = arith.constant 0 : i32
    %dma_wait3A_439 = tpu.memref_slice %arg8[%dma_wait3A_434, %dma_wait3A_437, %dma_wait3A_438] : memref<8x128x64xf32, #tpu.memory_space<vmem>> -> memref<1x128x64xf32, #tpu.memory_space<vmem>>
    %dma_wait3A_440 = tpu.memref_squeeze %dma_wait3A_439 : memref<1x128x64xf32, #tpu.memory_space<vmem>> -> memref<128x64xf32, #tpu.memory_space<vmem>>
    %dma_wait3A_441 = arith.constant 0 : i32
    %dma_wait3A_442 = tpu.memref_slice %arg7[%dma_wait3A_435, %dma_wait3A_441] : memref<80x128xi32, #tpu.memory_space<vmem>> -> memref<1x128xi32, #tpu.memory_space<vmem>>
    %dma_wait3A_443 = tpu.memref_squeeze %dma_wait3A_442 : memref<1x128xi32, #tpu.memory_space<vmem>> -> memref<128xi32, #tpu.memory_space<vmem>>
    %dma_wait3A_444 = arith.constant 0 : i32
    %dma_wait3A_445 = arith.constant 0 : i32
    %dma_wait3A_446 = tpu.memref_slice %arg10[%dma_wait3A_444, %dma_wait3A_445] : memref<10240x64xf32, #tpu.memory_space<vmem_shared>> -> memref<10240x64xf32, #tpu.memory_space<vmem_shared>>
    %dma_wait3A_447 = tpu.memref_slice %arg12[%dma_wait3A_436] : memref<8x!tpu.dma_semaphore, #tpu.memory_space<semaphore_mem>> -> memref<1x!tpu.dma_semaphore, #tpu.memory_space<semaphore_mem>>
    %dma_wait3A_448 = tpu.memref_squeeze %dma_wait3A_447 : memref<1x!tpu.dma_semaphore, #tpu.memory_space<semaphore_mem>> -> memref<!tpu.dma_semaphore, #tpu.memory_space<semaphore_mem>>
    tpu.wait_indirect_dma semaphore(%dma_wait3A_448 : memref<!tpu.dma_semaphore, #tpu.memory_space<semaphore_mem>>) src(%dma_wait3A_440 : memref<128x64xf32, #tpu.memory_space<vmem>>) dst(%dma_wait3A_446 : memref<10240x64xf32, #tpu.memory_space<vmem_shared>>)
    %dma_wait3A_449 = arith.constant 2 : i32
    %dma_wait3A_450 = arith.constant 74 : i32
    %dma_wait3A_451 = arith.constant 2 : i32
    %dma_wait3A_452 = arith.constant 0 : i32
    %dma_wait3A_453 = arith.constant 0 : i32
    %dma_wait3A_454 = tpu.memref_slice %arg8[%dma_wait3A_449, %dma_wait3A_452, %dma_wait3A_453] : memref<8x128x64xf32, #tpu.memory_space<vmem>> -> memref<1x128x64xf32, #tpu.memory_space<vmem>>
    %dma_wait3A_455 = tpu.memref_squeeze %dma_wait3A_454 : memref<1x128x64xf32, #tpu.memory_space<vmem>> -> memref<128x64xf32, #tpu.memory_space<vmem>>
    %dma_wait3A_456 = arith.constant 0 : i32
    %dma_wait3A_457 = tpu.memref_slice %arg7[%dma_wait3A_450, %dma_wait3A_456] : memref<80x128xi32, #tpu.memory_space<vmem>> -> memref<1x128xi32, #tpu.memory_space<vmem>>
    %dma_wait3A_458 = tpu.memref_squeeze %dma_wait3A_457 : memref<1x128xi32, #tpu.memory_space<vmem>> -> memref<128xi32, #tpu.memory_space<vmem>>
    %dma_wait3A_459 = arith.constant 0 : i32
    %dma_wait3A_460 = arith.constant 0 : i32
    %dma_wait3A_461 = tpu.memref_slice %arg10[%dma_wait3A_459, %dma_wait3A_460] : memref<10240x64xf32, #tpu.memory_space<vmem_shared>> -> memref<10240x64xf32, #tpu.memory_space<vmem_shared>>
    %dma_wait3A_462 = tpu.memref_slice %arg12[%dma_wait3A_451] : memref<8x!tpu.dma_semaphore, #tpu.memory_space<semaphore_mem>> -> memref<1x!tpu.dma_semaphore, #tpu.memory_space<semaphore_mem>>
    %dma_wait3A_463 = tpu.memref_squeeze %dma_wait3A_462 : memref<1x!tpu.dma_semaphore, #tpu.memory_space<semaphore_mem>> -> memref<!tpu.dma_semaphore, #tpu.memory_space<semaphore_mem>>
    tpu.wait_indirect_dma semaphore(%dma_wait3A_463 : memref<!tpu.dma_semaphore, #tpu.memory_space<semaphore_mem>>) src(%dma_wait3A_455 : memref<128x64xf32, #tpu.memory_space<vmem>>) dst(%dma_wait3A_461 : memref<10240x64xf32, #tpu.memory_space<vmem_shared>>)
    %dma_wait3A_464 = arith.constant 3 : i32
    %dma_wait3A_465 = arith.constant 75 : i32
    %dma_wait3A_466 = arith.constant 3 : i32
    %dma_wait3A_467 = arith.constant 0 : i32
    %dma_wait3A_468 = arith.constant 0 : i32
    %dma_wait3A_469 = tpu.memref_slice %arg8[%dma_wait3A_464, %dma_wait3A_467, %dma_wait3A_468] : memref<8x128x64xf32, #tpu.memory_space<vmem>> -> memref<1x128x64xf32, #tpu.memory_space<vmem>>
    %dma_wait3A_470 = tpu.memref_squeeze %dma_wait3A_469 : memref<1x128x64xf32, #tpu.memory_space<vmem>> -> memref<128x64xf32, #tpu.memory_space<vmem>>
    %dma_wait3A_471 = arith.constant 0 : i32
    %dma_wait3A_472 = tpu.memref_slice %arg7[%dma_wait3A_465, %dma_wait3A_471] : memref<80x128xi32, #tpu.memory_space<vmem>> -> memref<1x128xi32, #tpu.memory_space<vmem>>
    %dma_wait3A_473 = tpu.memref_squeeze %dma_wait3A_472 : memref<1x128xi32, #tpu.memory_space<vmem>> -> memref<128xi32, #tpu.memory_space<vmem>>
    %dma_wait3A_474 = arith.constant 0 : i32
    %dma_wait3A_475 = arith.constant 0 : i32
    %dma_wait3A_476 = tpu.memref_slice %arg10[%dma_wait3A_474, %dma_wait3A_475] : memref<10240x64xf32, #tpu.memory_space<vmem_shared>> -> memref<10240x64xf32, #tpu.memory_space<vmem_shared>>
    %dma_wait3A_477 = tpu.memref_slice %arg12[%dma_wait3A_466] : memref<8x!tpu.dma_semaphore, #tpu.memory_space<semaphore_mem>> -> memref<1x!tpu.dma_semaphore, #tpu.memory_space<semaphore_mem>>
    %dma_wait3A_478 = tpu.memref_squeeze %dma_wait3A_477 : memref<1x!tpu.dma_semaphore, #tpu.memory_space<semaphore_mem>> -> memref<!tpu.dma_semaphore, #tpu.memory_space<semaphore_mem>>
    tpu.wait_indirect_dma semaphore(%dma_wait3A_478 : memref<!tpu.dma_semaphore, #tpu.memory_space<semaphore_mem>>) src(%dma_wait3A_470 : memref<128x64xf32, #tpu.memory_space<vmem>>) dst(%dma_wait3A_476 : memref<10240x64xf32, #tpu.memory_space<vmem_shared>>)
    %dma_wait3A_479 = arith.constant 4 : i32
    %dma_wait3A_480 = arith.constant 76 : i32
    %dma_wait3A_481 = arith.constant 4 : i32
    %dma_wait3A_482 = arith.constant 0 : i32
    %dma_wait3A_483 = arith.constant 0 : i32
    %dma_wait3A_484 = tpu.memref_slice %arg8[%dma_wait3A_479, %dma_wait3A_482, %dma_wait3A_483] : memref<8x128x64xf32, #tpu.memory_space<vmem>> -> memref<1x128x64xf32, #tpu.memory_space<vmem>>
    %dma_wait3A_485 = tpu.memref_squeeze %dma_wait3A_484 : memref<1x128x64xf32, #tpu.memory_space<vmem>> -> memref<128x64xf32, #tpu.memory_space<vmem>>
    %dma_wait3A_486 = arith.constant 0 : i32
    %dma_wait3A_487 = tpu.memref_slice %arg7[%dma_wait3A_480, %dma_wait3A_486] : memref<80x128xi32, #tpu.memory_space<vmem>> -> memref<1x128xi32, #tpu.memory_space<vmem>>
    %dma_wait3A_488 = tpu.memref_squeeze %dma_wait3A_487 : memref<1x128xi32, #tpu.memory_space<vmem>> -> memref<128xi32, #tpu.memory_space<vmem>>
    %dma_wait3A_489 = arith.constant 0 : i32
    %dma_wait3A_490 = arith.constant 0 : i32
    %dma_wait3A_491 = tpu.memref_slice %arg10[%dma_wait3A_489, %dma_wait3A_490] : memref<10240x64xf32, #tpu.memory_space<vmem_shared>> -> memref<10240x64xf32, #tpu.memory_space<vmem_shared>>
    %dma_wait3A_492 = tpu.memref_slice %arg12[%dma_wait3A_481] : memref<8x!tpu.dma_semaphore, #tpu.memory_space<semaphore_mem>> -> memref<1x!tpu.dma_semaphore, #tpu.memory_space<semaphore_mem>>
    %dma_wait3A_493 = tpu.memref_squeeze %dma_wait3A_492 : memref<1x!tpu.dma_semaphore, #tpu.memory_space<semaphore_mem>> -> memref<!tpu.dma_semaphore, #tpu.memory_space<semaphore_mem>>
    tpu.wait_indirect_dma semaphore(%dma_wait3A_493 : memref<!tpu.dma_semaphore, #tpu.memory_space<semaphore_mem>>) src(%dma_wait3A_485 : memref<128x64xf32, #tpu.memory_space<vmem>>) dst(%dma_wait3A_491 : memref<10240x64xf32, #tpu.memory_space<vmem_shared>>)
    %dma_wait3A_494 = arith.constant 5 : i32
    %dma_wait3A_495 = arith.constant 77 : i32
    %dma_wait3A_496 = arith.constant 5 : i32
    %dma_wait3A_497 = arith.constant 0 : i32
    %dma_wait3A_498 = arith.constant 0 : i32
    %dma_wait3A_499 = tpu.memref_slice %arg8[%dma_wait3A_494, %dma_wait3A_497, %dma_wait3A_498] : memref<8x128x64xf32, #tpu.memory_space<vmem>> -> memref<1x128x64xf32, #tpu.memory_space<vmem>>
    %dma_wait3A_500 = tpu.memref_squeeze %dma_wait3A_499 : memref<1x128x64xf32, #tpu.memory_space<vmem>> -> memref<128x64xf32, #tpu.memory_space<vmem>>
    %dma_wait3A_501 = arith.constant 0 : i32
    %dma_wait3A_502 = tpu.memref_slice %arg7[%dma_wait3A_495, %dma_wait3A_501] : memref<80x128xi32, #tpu.memory_space<vmem>> -> memref<1x128xi32, #tpu.memory_space<vmem>>
    %dma_wait3A_503 = tpu.memref_squeeze %dma_wait3A_502 : memref<1x128xi32, #tpu.memory_space<vmem>> -> memref<128xi32, #tpu.memory_space<vmem>>
    %dma_wait3A_504 = arith.constant 0 : i32
    %dma_wait3A_505 = arith.constant 0 : i32
    %dma_wait3A_506 = tpu.memref_slice %arg10[%dma_wait3A_504, %dma_wait3A_505] : memref<10240x64xf32, #tpu.memory_space<vmem_shared>> -> memref<10240x64xf32, #tpu.memory_space<vmem_shared>>
    %dma_wait3A_507 = tpu.memref_slice %arg12[%dma_wait3A_496] : memref<8x!tpu.dma_semaphore, #tpu.memory_space<semaphore_mem>> -> memref<1x!tpu.dma_semaphore, #tpu.memory_space<semaphore_mem>>
    %dma_wait3A_508 = tpu.memref_squeeze %dma_wait3A_507 : memref<1x!tpu.dma_semaphore, #tpu.memory_space<semaphore_mem>> -> memref<!tpu.dma_semaphore, #tpu.memory_space<semaphore_mem>>
    tpu.wait_indirect_dma semaphore(%dma_wait3A_508 : memref<!tpu.dma_semaphore, #tpu.memory_space<semaphore_mem>>) src(%dma_wait3A_500 : memref<128x64xf32, #tpu.memory_space<vmem>>) dst(%dma_wait3A_506 : memref<10240x64xf32, #tpu.memory_space<vmem_shared>>)
    %dma_wait3A_509 = arith.constant 6 : i32
    %dma_wait3A_510 = arith.constant 78 : i32
    %dma_wait3A_511 = arith.constant 6 : i32
    %dma_wait3A_512 = arith.constant 0 : i32
    %dma_wait3A_513 = arith.constant 0 : i32
    %dma_wait3A_514 = tpu.memref_slice %arg8[%dma_wait3A_509, %dma_wait3A_512, %dma_wait3A_513] : memref<8x128x64xf32, #tpu.memory_space<vmem>> -> memref<1x128x64xf32, #tpu.memory_space<vmem>>
    %dma_wait3A_515 = tpu.memref_squeeze %dma_wait3A_514 : memref<1x128x64xf32, #tpu.memory_space<vmem>> -> memref<128x64xf32, #tpu.memory_space<vmem>>
    %dma_wait3A_516 = arith.constant 0 : i32
    %dma_wait3A_517 = tpu.memref_slice %arg7[%dma_wait3A_510, %dma_wait3A_516] : memref<80x128xi32, #tpu.memory_space<vmem>> -> memref<1x128xi32, #tpu.memory_space<vmem>>
    %dma_wait3A_518 = tpu.memref_squeeze %dma_wait3A_517 : memref<1x128xi32, #tpu.memory_space<vmem>> -> memref<128xi32, #tpu.memory_space<vmem>>
    %dma_wait3A_519 = arith.constant 0 : i32
    %dma_wait3A_520 = arith.constant 0 : i32
    %dma_wait3A_521 = tpu.memref_slice %arg10[%dma_wait3A_519, %dma_wait3A_520] : memref<10240x64xf32, #tpu.memory_space<vmem_shared>> -> memref<10240x64xf32, #tpu.memory_space<vmem_shared>>
    %dma_wait3A_522 = tpu.memref_slice %arg12[%dma_wait3A_511] : memref<8x!tpu.dma_semaphore, #tpu.memory_space<semaphore_mem>> -> memref<1x!tpu.dma_semaphore, #tpu.memory_space<semaphore_mem>>
    %dma_wait3A_523 = tpu.memref_squeeze %dma_wait3A_522 : memref<1x!tpu.dma_semaphore, #tpu.memory_space<semaphore_mem>> -> memref<!tpu.dma_semaphore, #tpu.memory_space<semaphore_mem>>
    tpu.wait_indirect_dma semaphore(%dma_wait3A_523 : memref<!tpu.dma_semaphore, #tpu.memory_space<semaphore_mem>>) src(%dma_wait3A_515 : memref<128x64xf32, #tpu.memory_space<vmem>>) dst(%dma_wait3A_521 : memref<10240x64xf32, #tpu.memory_space<vmem_shared>>)
    %dma_wait3A_524 = arith.constant 7 : i32
    %dma_wait3A_525 = arith.constant 79 : i32
    %dma_wait3A_526 = arith.constant 7 : i32
    %dma_wait3A_527 = arith.constant 0 : i32
    %dma_wait3A_528 = arith.constant 0 : i32
    %dma_wait3A_529 = tpu.memref_slice %arg8[%dma_wait3A_524, %dma_wait3A_527, %dma_wait3A_528] : memref<8x128x64xf32, #tpu.memory_space<vmem>> -> memref<1x128x64xf32, #tpu.memory_space<vmem>>
    %dma_wait3A_530 = tpu.memref_squeeze %dma_wait3A_529 : memref<1x128x64xf32, #tpu.memory_space<vmem>> -> memref<128x64xf32, #tpu.memory_space<vmem>>
    %dma_wait3A_531 = arith.constant 0 : i32
    %dma_wait3A_532 = tpu.memref_slice %arg7[%dma_wait3A_525, %dma_wait3A_531] : memref<80x128xi32, #tpu.memory_space<vmem>> -> memref<1x128xi32, #tpu.memory_space<vmem>>
    %dma_wait3A_533 = tpu.memref_squeeze %dma_wait3A_532 : memref<1x128xi32, #tpu.memory_space<vmem>> -> memref<128xi32, #tpu.memory_space<vmem>>
    %dma_wait3A_534 = arith.constant 0 : i32
    %dma_wait3A_535 = arith.constant 0 : i32
    %dma_wait3A_536 = tpu.memref_slice %arg10[%dma_wait3A_534, %dma_wait3A_535] : memref<10240x64xf32, #tpu.memory_space<vmem_shared>> -> memref<10240x64xf32, #tpu.memory_space<vmem_shared>>
    %dma_wait3A_537 = tpu.memref_slice %arg12[%dma_wait3A_526] : memref<8x!tpu.dma_semaphore, #tpu.memory_space<semaphore_mem>> -> memref<1x!tpu.dma_semaphore, #tpu.memory_space<semaphore_mem>>
    %dma_wait3A_538 = tpu.memref_squeeze %dma_wait3A_537 : memref<1x!tpu.dma_semaphore, #tpu.memory_space<semaphore_mem>> -> memref<!tpu.dma_semaphore, #tpu.memory_space<semaphore_mem>>
    tpu.wait_indirect_dma semaphore(%dma_wait3A_538 : memref<!tpu.dma_semaphore, #tpu.memory_space<semaphore_mem>>) src(%dma_wait3A_530 : memref<128x64xf32, #tpu.memory_space<vmem>>) dst(%dma_wait3A_536 : memref<10240x64xf32, #tpu.memory_space<vmem_shared>>)
    "tpu.trace_stop"() : () -> ()
    %barrier3A_539 = arith.constant 0 : index
    tpu.barrier barrier_id(%barrier3A_539)
    "tpu.trace_start"() <{level = 10 : i32, message = "copyout"}> : () -> ()
    %mul3A_540 = arith.constant 640 : i32
    %mul3A_541 = arith.muli %arg1, %mul3A_540 : i32
    "tpu.region"() ({
      %run_scoped3A = tpu.sem_alloc : memref<!tpu.dma_semaphore, #tpu.memory_space<semaphore_mem>>
      %dma_start3A_542 = arith.constant 0 : i32
      %dma_start3A_543 = tpu.memref_slice %arg5[%arg0, %mul3A_541, %dma_start3A_542] : memref<2x10240x64xf32, #tpu.memory_space<hbm>> -> memref<1x640x64xf32, #tpu.memory_space<hbm>>
      %dma_start3A_544 = tpu.memref_squeeze %dma_start3A_543 : memref<1x640x64xf32, #tpu.memory_space<hbm>> -> memref<640x64xf32, #tpu.memory_space<hbm>>
      %dma_start3A_545 = arith.constant 0 : i32
      %dma_start3A_546 = tpu.memref_slice %arg10[%mul3A_541, %dma_start3A_545] : memref<10240x64xf32, #tpu.memory_space<vmem_shared>> -> memref<640x64xf32, #tpu.memory_space<vmem_shared>>
      tpu.enqueue_dma source(%dma_start3A_546 : memref<640x64xf32, #tpu.memory_space<vmem_shared>>) target(%dma_start3A_544 : memref<640x64xf32, #tpu.memory_space<hbm>>) target_semaphore(%run_scoped3A : memref<!tpu.dma_semaphore, #tpu.memory_space<semaphore_mem>>)
      %dma_wait3A_547 = arith.constant 0 : i32
      %dma_wait3A_548 = tpu.memref_slice %arg5[%arg0, %mul3A_541, %dma_wait3A_547] : memref<2x10240x64xf32, #tpu.memory_space<hbm>> -> memref<1x640x64xf32, #tpu.memory_space<hbm>>
      %dma_wait3A_549 = tpu.memref_squeeze %dma_wait3A_548 : memref<1x640x64xf32, #tpu.memory_space<hbm>> -> memref<640x64xf32, #tpu.memory_space<hbm>>
      %dma_wait3A_550 = arith.constant 0 : i32
      %dma_wait3A_551 = tpu.memref_slice %arg10[%mul3A_541, %dma_wait3A_550] : memref<10240x64xf32, #tpu.memory_space<vmem_shared>> -> memref<640x64xf32, #tpu.memory_space<vmem_shared>>
      tpu.wait_dma2 semaphore(%run_scoped3A : memref<!tpu.dma_semaphore, #tpu.memory_space<semaphore_mem>>) src(%dma_wait3A_551 : memref<640x64xf32, #tpu.memory_space<vmem_shared>>) dst(%dma_wait3A_549 : memref<640x64xf32, #tpu.memory_space<hbm>>)
      tpu.yield
    }) : () -> ()
    "tpu.trace_stop"() : () -> ()
    return
  }
}

</mosaic_0001>

<sc_bundles>
// kernel: _sc_agg.3.cloned.1.call-start
scs
__scs_entry_jumppad:
0x0: {  	(pc) =	sbr.rel $0x88, $3  }
0x1: {  	(tag) =	ssettag $0x0;
	lr =	simm.s32 $0x1  }
0x2: {  	[smem:$0x3F9E] =	sst lr;
	_ =	strace $0xD0000000  }
0x3: {  	_ = 	snop  }
0x4: {  	_ = 	snop  }
0x5: {  	_ = 	snop  }
0x6: {  	_ = 	snop  }
0x7: {  	_ = 	snop  }
__scs_overlays_trampoline_lowered:
0x8: {  	[smem:$0x3FAD] =	sst s0  }
0x9: {  	[smem:$0x3FAE] =	sst s1  }
0xa: {  	[smem:$0x3FAF] =	sst s2  }
0xb: {  	[smem:$0x3FB0] =	sst s3  }
0xc: {  	[smem:$0x3FB1] =	sst s4  }
0xd: {  	[smem:$0x3FB2] =	sst s5  }
0xe: {  	[smem:$0x3FB3] =	sst s6  }
0xf: {  	[smem:$0x3FB4] =	sst s7  }
0x10: {  	[smem:$0x3FB5] =	sst s8  }
0x11: {  	[smem:$0x3FB6] =	sst s9;
	s0 =	simm.s32 @!p0 $0x0  }
0x12: {  	s1 =	sld [smem:$0x3F9C];
	s0 =	simm.s32 @p0 $0x1  }
0x13: {  	[smem:$0x3FB7] =	sst s0;
	s0 =	simm.s32 @!p1 $0x0  }
0x14: {  	s2 =	sld [smem:$0x3F9B];
	s0 =	simm.s32 @p1 $0x1  }
0x15: {  	[smem:$0x3FB8] =	sst s0;
	s0 =	simm.s32 @!p2 $0x0  }
0x16: {  	s3 =	sld [smem:$0x3FDB];
	s0 =	simm.s32 @p2 $0x1  }
0x17: {  	s4 =	simm.s32 $0x1BF5;
	[smem:$0x3FBA] =	sst s0  }
0x18: {  	s0 =	sld [smem:$0x3F9D];
	_ =	swait.ge [sflag:s4], $0x0  }
0x19: {  	s7 =	sld [smem:$0x3F9E]  }
0x1a: {  	s8 =	sadd.s32 $0xFFFFE003, lr  }
0x1b: {  	s9 =	sadd.s32 $0xFFFFFEF7, lr;
	s5 =	simm.s32 $0xFFFFFFFF;
	p2 =	slt.u32 s8, $0xFFFFF086  }
0x1c: {  	p1 =	slt.u32 s9, $0xF7A;
	s5 =	simm.s32 @!p2 $0x0  }
0x1d: {  	s5 =	simm.s32 @p1 $0x1;
	p0 =	seq.s32 s7, s2  }
0x1e: {  	s7 =	smul.u32 @!p0 $0xF7A, s2;
	p2 =	seq.s32 @!p0 s5, $0x0  }
0x1f: {  	s9 =	smul.u32 $0xF7A, s1;
	s8 =	simm.s32 @!p0 $0x1BF5;
	p2 =	por !p2, p0  }
0x20: {  	[sflag:s8] =	ssyncset.s32 @!p0 $0xFFFFF086;
	s6 =	sadd.s32 @!p0 s3, s7;
	s7 =	simm.s32 @!p0 $0x108  }
0x21: {  	s3 =	sadd.s32 s3, s9;
	s6 =	sadd.s32 @!p0 $0x88, s6;
	s7 =	simm.s32 @p2 $0x1082  }
0x22: {  	[simem:s7], [sflag:s8] =	dma.local @!p0 [hbm:s6], $0xF7A  }
0x23: {  	s9 =	sor.u32 $0xD0000000, s2;
	s6 =	simm.s32 $0x108;
	_ =	swait.ge @!p0 [sflag:s8], $0x0  }
0x24: {  	s3 =	sadd.s32 $0x88, s3;
	s6 =	simm.s32 @!p1 $0x1082;
	[sflag:s4] =	ssyncset.s32 $0xFFFFF086  }
0x25: {  	[simem:s6], [sflag:s4] =	dma.local [hbm:s3], $0xF7A  }
0x26: {  	[smem:$0x3F9E] =	sst s1;
	(tag) =	ssettag s2;
	_ =	strace s9  }
0x27: {  	s1 =	sld [smem:$0x3FAE]  }
0x28: {  	s2 =	sld [smem:$0x3FAF]  }
0x29: {  	s4 =	sld [smem:$0x3FB1]  }
0x2a: {  	p0 =	seq.s32 s5, $0x0;
	s5 =	sld [smem:$0x3FB2]  }
0x2b: {  	s6 =	sld [smem:$0x3FB3]  }
0x2c: {  	s7 =	sld [smem:$0x3FB4]  }
0x2d: {  	s3 =	simm.s32 $0x108;
	s8 =	sld [smem:$0x3FB5]  }
0x2e: {  	s3 =	simm.s32 @!p0 $0x1082;
	s9 =	sld [smem:$0x3FB6]  }
0x2f: {  	lr =	sadd.s32 s0, s3;
	s0 =	sld [smem:$0x3FAD]  }
0x30: {  	s3 =	sld [smem:$0x3FB0]  }
0x31: {  	[smem:$0x3FB9] =	sst s10  }
0x32: {  	s10 =	sld [smem:$0x3FB7];
	_ =	sdelay $0x3  }
0x33: {  	p0 =	seq.s32 s10, $0x1;
	s10 =	sld [smem:$0x3FB9];
	_ =	sdelay $0x3  }
0x34: {  	[smem:$0x3FB9] =	sst s10  }
0x35: {  	s10 =	sld [smem:$0x3FB8];
	_ =	sdelay $0x3  }
0x36: {  	p1 =	seq.s32 s10, $0x1;
	s10 =	sld [smem:$0x3FB9];
	_ =	sdelay $0x3  }
0x37: {  	[smem:$0x3FB9] =	sst s10  }
0x38: {  	s10 =	sld [smem:$0x3FBA]  }
0x39: {  	_ = 	snop;
	(pc) =	sbr.ind lr, $3  }
0x3a: {  	_ = 	snop  }
0x3b: {  	_ = 	snop  }
0x3c: {  	p2 =	seq.s32 s10, $0x1;
	s10 =	sld [smem:$0x3FB9]  }
0x3d: {  	_ =	shalt  }
0x3e: {  	_ =	shalt  }
0x3f: {  	_ =	shalt  }
0x40: {  	_ =	shalt  }
0x41: {  	_ =	shalt  }
0x42: {  	_ =	shalt  }
0x43: {  	_ =	shalt  }
0x44: {  	_ =	shalt  }
0x45: {  	_ =	shalt  }
0x46: {  	_ =	shalt  }
0x47: {  	_ =	shalt  }
0x48: {  	_ =	shalt  }
0x49: {  	_ =	shalt  }
0x4a: {  	_ =	shalt  }
0x4b: {  	_ =	shalt  }
0x4c: {  	_ =	shalt  }
0x4d: {  	_ =	shalt  }
0x4e: {  	_ =	shalt  }
0x4f: {  	_ =	shalt  }
0x50: {  	_ =	shalt  }
0x51: {  	_ =	shalt  }
0x52: {  	_ =	shalt  }
0x53: {  	_ =	shalt  }
0x54: {  	_ =	shalt  }
0x55: {  	_ =	shalt  }
0x56: {  	_ =	shalt  }
0x57: {  	_ =	shalt  }
0x58: {  	_ =	shalt  }
0x59: {  	_ =	shalt  }
0x5a: {  	_ =	shalt  }
0x5b: {  	_ =	shalt  }
0x5c: {  	_ =	shalt  }
0x5d: {  	_ =	shalt  }
0x5e: {  	_ =	shalt  }
0x5f: {  	_ =	shalt  }
0x60: {  	_ =	shalt  }
0x61: {  	_ =	shalt  }
0x62: {  	_ =	shalt  }
0x63: {  	_ =	shalt  }
0x64: {  	_ =	shalt  }
0x65: {  	_ =	shalt  }
0x66: {  	_ =	shalt  }
0x67: {  	_ =	shalt  }
0x68: {  	_ =	shalt  }
0x69: {  	_ =	shalt  }
0x6a: {  	_ =	shalt  }
0x6b: {  	_ =	shalt  }
0x6c: {  	_ =	shalt  }
0x6d: {  	_ =	shalt  }
0x6e: {  	_ =	shalt  }
0x6f: {  	_ =	shalt  }
0x70: {  	_ =	shalt  }
0x71: {  	_ =	shalt  }
0x72: {  	_ =	shalt  }
0x73: {  	_ =	shalt  }
0x74: {  	_ =	shalt  }
0x75: {  	_ =	shalt  }
0x76: {  	_ =	shalt  }
0x77: {  	_ =	shalt  }
0x78: {  	_ =	shalt  }
0x79: {  	_ =	shalt  }
0x7a: {  	_ =	shalt  }
0x7b: {  	_ =	shalt  }
0x7c: {  	_ =	shalt  }
0x7d: {  	_ =	shalt  }
0x7e: {  	_ =	shalt  }
0x7f: {  	_ =	shalt  }
0x80: {  	_ =	shalt  }
0x81: {  	_ =	shalt  }
0x82: {  	_ =	shalt  }
0x83: {  	_ =	shalt  }
0x84: {  	_ =	shalt  }
0x85: {  	_ =	shalt  }
0x86: {  	_ =	shalt  }
0x87: {  	_ =	shalt  }
.Lfunc_end0:
.L_simem_size_0:
called_computation_lowered:
.L_overlay_start_0:
0x88: {  	s2 =	sld [smem:$0x3FD9]  }
0x89: {  	s3 =	sld [smem:$0x3FFE];
	_ =	sdelay $0x1  }
0x8a: {  	s1 =	srdreg.scid  }
0x8b: {  	s0 =	sand.u32 $0x1, s1  }
0x8c: {  	s17 =	sshll.u32 s0, $0xA;
	s2 =	sadd.s32 s3, s2  }
0x8d: {  	s2 =	sadd.s32 s2, s17  }
0x8e: {  	[smem:$0x3FC5] =	sst s2  }
0x8f: {  	_ = 	snop  }
0x90: {  	s2 =	sld [smem:$0x3FC8]  }
0x91: {  	s18 =	sld [smem:$0x3FC7]  }
0x92: {  	s4 =	sld [smem:$0x3FD0];
	(tm) =	ssettm $0x1  }
0x93: {  	s5 =	sld [smem:$0x3FFB];
	_ =	sdelay $0x3  }
0x94: {  	_ =	strace s5  }
0x95: {  	s5 =	sld [smem:$0x3FFC];
	_ =	sdelay $0x3  }
0x96: {  	_ =	strace s5  }
0x97: {  	s5 =	sld [smem:$0x3FFD];
	_ =	sdelay $0x3  }
0x98: {  	_ =	strace s5  }
0x99: {  	_ =	strace $0x8FFFFFFF  }
0x9a: {  	s19 =	sld [smem:$0x3FDB];
	_ =	sdelay $0x1  }
0x9b: {  	s6 =	simm.s32 $_scs_section_size  }
0x9c: {  	s7 =	simm.s32 $_size__tile_overlayer_lowered;
	s8 =	simm.s32 $_tile_overlayer_lowered  }
0x9d: {  	s22 =	simm.s32 $0x1BFF;
	s21 =	sshll.u32 s8, $0x1;
	s5 =	sadd.s32 s6, s19  }
0x9e: {  	s9 =	simm.s32 $0x0;
	s20 =	sshll.u32 s7, $0x1;
	s7 =	sadd.s32 s21, s5  }
0x9f: {  	[timem:s9], [sflag:s22] =	dma.local [hbm:s7], s20  }
0xa0: {  	_ =	swait.ge [sflag:s22], s20  }
0xa1: {  	s6 =	ssub.s32 $0x0, s20;
	[sflag:s22] =	ssyncset.done $0x0  }
0xa2: {  	[sflag:s22] =	ssyncadd.s32 s6;
	_ =	sdelay $0x1  }
0xa3: {  	s23 =	simm.s32 $0x1B8B  }
0xa4: {  	_ =	swait.ge [sflag:s23], $0x1  }
0xa5: {  	[sflag:s23] =	ssyncset.done $0x0  }
0xa6: {  	s25 =	simm.s32 $0x1B8E;
	s24 =	sld [smem:$0x3FFE];
	[sflag:s23] =	ssyncadd.s32 $0xFFFFFFFF  }
0xa7: {  	s26 =	simm.s32 $execute0_lowered;
	[smem:$0x3FD2] =	sst s25  }
0xa8: {  	s7 =	sshll.u32 s26, $0x1;
	_ =	strace $0x80000046;
	[dreg:$0x1] =	wrdreg $0xFFFFFFFF  }
0xa9: {  	s28 =	simm.s32 $_size_execute0_lowered;
	s5 =	sadd.s32 s5, s7;
	[dreg:$0x0] =	wrdreg $0x0  }
0xaa: {  	s7 =	sshll.u32 s28, $0x1;
	[dreg:$0x2] =	wrdreg s5  }
0xab: {  	[dreg:$0x3] =	wrdreg s7  }
0xac: {  	[dreg:$0x4] =	wrdreg $0xC0  }
0xad: {  	_ =	task [dreg:s9], $0x5FFFF  }
0xae: {  	[dreg:$0x1] =	wrdreg $0xFFFFFFFF  }
0xaf: {  	[dreg:$0x0] =	wrdreg $0x60  }
0xb0: {  	[dreg:$0x2] =	wrdreg s4  }
0xb1: {  	[dreg:$0x3] =	wrdreg s2  }
0xb2: {  	[dreg:$0x4] =	wrdreg s18  }
0xb3: {  	[dreg:$0x5] =	wrdreg s24  }
0xb4: {  	[dreg:$0x6] =	wrdreg $0x158000  }
0xb5: {  	[dreg:$0x7] =	wrdreg $0x9  }
0xb6: {  	_ =	task.clear_ibuf [dreg:s9], $0x8FFFF;
	_ =	strace $0x90000046  }
0xb7: {  	s29 =	simm.s32 $0x9;
	_ =	strace $0x8000004B  }
0xb8: {  	_ =	swait.ge [sflag:s29], $0x1  }
0xb9: {  	[sflag:s29] =	ssyncadd.s32 $0xFFFFFFFF  }
0xba: {  	_ =	strace $0x9000004B  }
0xbb: {  	_ =	sfence  }
0xbc: {  	s30 =	sld [smem:$0x0];
	_ =	sdelay $0x2  }
0xbd: {  	s31 =	sshll.u32 s1, $0xD;
	s1 =	sshrl.u32 s1, $0x2  }
0xbe: {  	s3 =	sand.u32 $0x4000, s31;
	s1 =	sadd.s32 s1, s30  }
0xbf: {  	s0 =	sor.u32 s3, s0;
	s1 =	sshll.u32 s1, $0x11  }
0xc0: {  	s0 =	sor.u32 s1, s0  }
0xc1: {  	s0 =	sadd.s32 $0x8F2B, s0  }
0xc2: {  	[sflag:s0] =	ssyncadd.remote.s32 $0x1  }
0xc3: {  	_ =	sfence.sel $0xFFFF  }
0xc4: {  	[dreg:$0x0] =	wrdreg $0xFFFFFFFF;
	(pc) =	sbr.abs _section_cstart, $3  }
0xc5: {  	[dreg:$0x1] =	wrdreg $0xFFFFFFFF  }
0xc6: {  	_ =	task.clear_ibuf [dreg:s9], $0x2FFFF;
	_ =	strace $0x9FFFFFFF  }
0xc7: {  	(tm) =	ssettm $0x7FFFFFFF  }
tec
execute0_lowered:
.L_overlay_start_1:
0x0: {  	(tag) =	ssettag $0x1  }
0x1: {  	s0 =	rddreg [dreg:$0x0]  }
0x2: {  	s1 =	rddreg [dreg:$0x1]  }
0x3: {  	s3 =	rddreg [dreg:$0x2];
	s10 =	stileid.u32  }
0x4: {  	s2 =	srdreg.scid;
	s6 =	smul.u32 $0xA000, s10  }
0x5: {  	s4 =	rddreg [dreg:$0x3];
	s8 =	simm.s32 $0x0;
	s15 =	smul.u32 $0x5000, s10  }
0x6: {  	s5 =	sand.u32 $0x1, s2;
	s2 =	rddreg [dreg:$0x4];
	s10 =	smul.u32 $0x28000, s10  }
0x7: {  	[smem:$0x7FF] =	sst s8;
	s7 =	smul.u32 $0xA0000, s5;
	s9 =	ssub.s32 $0x2, s5  }
0x8: {  	_ =	strace $0x80000047;
	s5 =	smul.u32 $0x14000, s5;
	s16 =	sshrl.u32 s9, $0x1  }
0x9: {  	s8 =	sshrl.u32 s15, $0x3;
	s17 =	sshrl.u32 s10, $0x2;
	s10 =	sadd.s32 s6, s2  }
0xa: {  	s7 =	sadd.s32 s6, s7;
	s18 =	sadd.s32 s1, s8;
	[dreg:$0x8] =	wrdreg s10  }
0xb: {  	s19 =	sadd.s32 s3, s8;
	s15 =	sadd.s32 $0x500, s8;
	[dreg:$0x6] =	wrdreg s18  }
0xc: {  	s7 =	sshrl.u32 s7, $0x3;
	[dreg:$0x7] =	wrdreg s19;
	s18 =	sadd.s32 s0, s5  }
0xd: {  	s1 =	sadd.s32 s1, s15;
	s0 =	sadd.s32 s3, s15;
	s4 =	sadd.s32 s7, s4  }
0xe: {  	s7 =	ssub.s32 s9, s16;
	s9 =	sadd.s32 s17, s2;
	[dreg:$0x15] =	wrdreg s1  }
0xf: {  	[dreg:$0x16] =	wrdreg s0;
	s20 =	sadd.s32 $0x800, s9  }
0x10: {  	s21 =	sadd.s32 $0x1000, s9;
	[dreg:$0x9] =	wrdreg s20  }
0x11: {  	s22 =	sadd.s32 $0x1800, s9;
	[dreg:$0xa] =	wrdreg s21  }
0x12: {  	s23 =	sadd.s32 $0x2000, s9;
	[dreg:$0xb] =	wrdreg s22  }
0x13: {  	s24 =	sadd.s32 $0x2800, s9;
	[dreg:$0xc] =	wrdreg s23  }
0x14: {  	s25 =	sadd.s32 $0x3000, s9;
	[dreg:$0xd] =	wrdreg s24  }
0x15: {  	s26 =	sadd.s32 $0x3800, s9;
	[dreg:$0xe] =	wrdreg s25  }
0x16: {  	s28 =	simm.s32 $0x7000;
	s11 =	sadd.s32 $0x4000, s9;
	[dreg:$0xf] =	wrdreg s26  }
0x17: {  	s29 =	simm.s32 $0x9000;
	s12 =	sadd.s32 $0x4800, s9;
	[dreg:$0x10] =	wrdreg s11  }
0x18: {  	s31 =	simm.s32 $0xB000;
	s13 =	sadd.s32 $0x5000, s9;
	[dreg:$0x11] =	wrdreg s12  }
0x19: {  	s30 =	simm.s32 $0xD000;
	s14 =	sadd.s32 $0x5800, s9;
	[dreg:$0x12] =	wrdreg s13  }
0x1a: {  	s8 =	simm.s32 $0x5000;
	s16 =	sadd.s32 $0x6000, s9;
	[dreg:$0x13] =	wrdreg s14  }
0x1b: {  	s3 =	simm.s32 $0x1;
	s17 =	sadd.s32 $0x6800, s9;
	[dreg:$0x14] =	wrdreg s16  }
0x1c: {  	s1 =	simm.s32 $0x0;
	s19 =	sadd.s32 $0x7000, s9;
	[dreg:$0x17] =	wrdreg s17  }
0x1d: {  	[dreg:$0x18] =	wrdreg s19;
	s20 =	sadd.s32 $0x7800, s9;
	s21 =	sadd.s32 $0x8000, s9  }
0x1e: {  	s22 =	sadd.s32 $0x8800, s9;
	s23 =	sadd.s32 $0x9000, s9;
	[dreg:$0x19] =	wrdreg s20  }
0x1f: {  	s24 =	sadd.s32 $0x9800, s9;
	s25 =	sadd.s32 $0x400, s4;
	[dreg:$0x1a] =	wrdreg s21  }
0x20: {  	s26 =	smax.u32 s7, $0x1;
	s4 =	simm.s32 $0x2;
	[dreg:$0x1b] =	wrdreg s22  }
0x21: {  	s7 =	simm.s32 $0x80;
	s9 =	simm.s32 $0x13000;
	[dreg:$0x1c] =	wrdreg s23  }
0x22: {  	s11 =	simm.s32 $0x3;
	s13 =	simm.s32 $0x4;
	[dreg:$0x1d] =	wrdreg s24  }
0x23: {  	s14 =	simm.s32 $0x5;
	s16 =	simm.s32 $0x6;
	[dreg:$0x1e] =	wrdreg s25  }
0x24: {  	s19 =	simm.s32 $0x7;
	s12 =	simm.s32 $0x11000;
	[dreg:$0x1f] =	wrdreg s26  }
0x25: {  	v0 =	vimm.f32 $0.0e+00;
	s26 =	simm.s32 $0x2800;
	s20 =	simm.s32 $0xF000;
	s21 =	simm.s32 $0x8  }
.LBB2_1:
0x26: {  	[smem:$0x7FD] =	sst s1  }
0x27: {  	_ =	strace $0x80000048  }
0x28: {  	s0 =	simm.s32 $0x0;
	s24 =	rddreg [dreg:$0x6]  }
0x29: {  	[tilespmem:s0], [sflag:$0x1] =	stream.linear.gather [hbm4b:s24+s0], $0x2800, $0x200038;
	[tilespmem:$0x1F800] =	vst v63  }
0x2a: {  	s25 =	rddreg [dreg:$0x7]  }
0x2b: {  	[tilespmem:s26], [sflag:$0x2] =	stream.linear.gather [hbm4b:s25+s0], $0x2800, $0x200038;
	[tilespmem:$0x1F800] =	vst v63  }
0x2c: {  	s5 =	simm.s32 $0x100;
	s0 =	simm.s32 $0x0  }
.LBB2_2:
0x2d: {  	p0 =	sne.s32 s5, $0x1F00;
	[tilespmem:s0+$0x15030] =	vst v0;
	s6 =	smov.u32 s5;
	s5 =	sadd.s32 $0x100, s5  }
.Ltmp0:
0x2e: {  	[tilespmem:s0+$0x15020] =	vst v0;
	(pc) =	sbr.rel @p0 .LBB2_2-.Ltmp0, $3  }
0x2f: {  	[tilespmem:s0+$0x15000] =	vst v0  }
0x30: {  	[tilespmem:s0+$0x15010] =	vst v0;
	_ =	sdelay $0x1  }
0x31: {  	s0 =	sshra.s32 s6, $0x2  }
0x32: {  	[tilespmem:s0+$0x15030] =	vst v0  }
0x33: {  	[tilespmem:s0+$0x15020] =	vst v0  }
0x34: {  	[tilespmem:s0+$0x15000] =	vst v0  }
0x35: {  	[tilespmem:s0+$0x15010] =	vst v0;
	s1 =	simm.s32 $0x15000  }
0x36: {  	[spmem:s10] =	stream.linear.scatter [tilespmem:s1], [sflag:$0x11], $0x800, $0x200038;
	[tilespmem:$0x1F800] =	vst v63  }
0x37: {  	s25 =	rddreg [dreg:$0x9]  }
0x38: {  	[spmem:s25] =	stream.linear.scatter [tilespmem:s1], [sflag:$0x11], $0x800, $0x200038;
	[tilespmem:$0x1F800] =	vst v63  }
0x39: {  	s26 =	rddreg [dreg:$0xa]  }
0x3a: {  	[spmem:s26] =	stream.linear.scatter [tilespmem:s1], [sflag:$0x11], $0x800, $0x200038;
	[tilespmem:$0x1F800] =	vst v63  }
0x3b: {  	s5 =	rddreg [dreg:$0xb]  }
0x3c: {  	[spmem:s5] =	stream.linear.scatter [tilespmem:s1], [sflag:$0x11], $0x800, $0x200038;
	[tilespmem:$0x1F800] =	vst v63  }
0x3d: {  	s6 =	rddreg [dreg:$0xc]  }
0x3e: {  	[spmem:s6] =	stream.linear.scatter [tilespmem:s1], [sflag:$0x11], $0x800, $0x200038;
	[tilespmem:$0x1F800] =	vst v63  }
0x3f: {  	s10 =	rddreg [dreg:$0xd]  }
0x40: {  	[spmem:s10] =	stream.linear.scatter [tilespmem:s1], [sflag:$0x11], $0x800, $0x200038;
	[tilespmem:$0x1F800] =	vst v63  }
0x41: {  	s15 =	rddreg [dreg:$0xe]  }
0x42: {  	[spmem:s15] =	stream.linear.scatter [tilespmem:s1], [sflag:$0x11], $0x800, $0x200038;
	[tilespmem:$0x1F800] =	vst v63  }
0x43: {  	s17 =	rddreg [dreg:$0xf]  }
0x44: {  	[spmem:s17] =	stream.linear.scatter [tilespmem:s1], [sflag:$0x11], $0x800, $0x200038;
	[tilespmem:$0x1F800] =	vst v63  }
0x45: {  	s22 =	rddreg [dreg:$0x10]  }
0x46: {  	[spmem:s22] =	stream.linear.scatter [tilespmem:s1], [sflag:$0x11], $0x800, $0x200038;
	[tilespmem:$0x1F800] =	vst v63  }
0x47: {  	s23 =	rddreg [dreg:$0x11]  }
0x48: {  	[spmem:s23] =	stream.linear.scatter [tilespmem:s1], [sflag:$0x11], $0x800, $0x200038;
	[tilespmem:$0x1F800] =	vst v63  }
0x49: {  	s24 =	rddreg [dreg:$0x12]  }
0x4a: {  	[spmem:s24] =	stream.linear.scatter [tilespmem:s1], [sflag:$0x11], $0x800, $0x200038;
	[tilespmem:$0x1F800] =	vst v63  }
0x4b: {  	s25 =	rddreg [dreg:$0x13]  }
0x4c: {  	[spmem:s25] =	stream.linear.scatter [tilespmem:s1], [sflag:$0x11], $0x800, $0x200038;
	[tilespmem:$0x1F800] =	vst v63  }
0x4d: {  	s26 =	rddreg [dreg:$0x14]  }
0x4e: {  	[spmem:s26] =	stream.linear.scatter [tilespmem:s1], [sflag:$0x11], $0x800, $0x200038;
	[tilespmem:$0x1F800] =	vst v63  }
0x4f: {  	s5 =	rddreg [dreg:$0x17]  }
0x50: {  	[spmem:s5] =	stream.linear.scatter [tilespmem:s1], [sflag:$0x11], $0x800, $0x200038;
	[tilespmem:$0x1F800] =	vst v63  }
0x51: {  	s6 =	rddreg [dreg:$0x18]  }
0x52: {  	[spmem:s6] =	stream.linear.scatter [tilespmem:s1], [sflag:$0x11], $0x800, $0x200038;
	[tilespmem:$0x1F800] =	vst v63  }
0x53: {  	s10 =	rddreg [dreg:$0x19]  }
0x54: {  	[spmem:s10] =	stream.linear.scatter [tilespmem:s1], [sflag:$0x11], $0x800, $0x200038;
	[tilespmem:$0x1F800] =	vst v63  }
0x55: {  	s15 =	rddreg [dreg:$0x1a]  }
0x56: {  	[spmem:s15] =	stream.linear.scatter [tilespmem:s1], [sflag:$0x11], $0x800, $0x200038;
	[tilespmem:$0x1F800] =	vst v63  }
0x57: {  	s17 =	rddreg [dreg:$0x1b]  }
0x58: {  	[spmem:s17] =	stream.linear.scatter [tilespmem:s1], [sflag:$0x11], $0x800, $0x200038;
	[tilespmem:$0x1F800] =	vst v63  }
0x59: {  	s22 =	rddreg [dreg:$0x1c]  }
0x5a: {  	[spmem:s22] =	stream.linear.scatter [tilespmem:s1], [sflag:$0x11], $0x800, $0x200038;
	[tilespmem:$0x1F800] =	vst v63  }
0x5b: {  	s23 =	rddreg [dreg:$0x1d]  }
0x5c: {  	[spmem:s23] =	stream.linear.scatter [tilespmem:s1], [sflag:$0x11], $0x800, $0x200038;
	[tilespmem:$0x1F800] =	vst v63  }
0x5d: {  	_ =	swait.ge [sflag:s3], $0x2800  }
0x5e: {  	[sflag:s3] =	ssyncset.done $0x0  }
0x5f: {  	[sflag:s3] =	ssyncadd.s32 $0xFFFFD800  }
0x60: {  	_ =	swait.ge [sflag:s4], $0x2800  }
0x61: {  	[sflag:s4] =	ssyncset.done $0x0  }
0x62: {  	s24 =	simm.s32 $0x11;
	[sflag:s4] =	ssyncadd.s32 $0xFFFFD800  }
0x63: {  	_ =	swait.ge [sflag:s24], $0x800  }
0x64: {  	[sflag:s24] =	ssyncset.done $0x0  }
0x65: {  	[sflag:s24] =	ssyncadd.s32 $0xFFFFF800  }
0x66: {  	_ =	swait.ge [sflag:s24], $0x800  }
0x67: {  	[sflag:s24] =	ssyncset.done $0x0  }
0x68: {  	[sflag:s24] =	ssyncadd.s32 $0xFFFFF800  }
0x69: {  	_ =	swait.ge [sflag:s24], $0x800  }
0x6a: {  	[sflag:s24] =	ssyncset.done $0x0  }
0x6b: {  	[sflag:s24] =	ssyncadd.s32 $0xFFFFF800  }
0x6c: {  	_ =	swait.ge [sflag:s24], $0x800  }
0x6d: {  	[sflag:s24] =	ssyncset.done $0x0  }
0x6e: {  	[sflag:s24] =	ssyncadd.s32 $0xFFFFF800  }
0x6f: {  	_ =	swait.ge [sflag:s24], $0x800  }
0x70: {  	[sflag:s24] =	ssyncset.done $0x0  }
0x71: {  	[sflag:s24] =	ssyncadd.s32 $0xFFFFF800  }
0x72: {  	_ =	swait.ge [sflag:s24], $0x800  }
0x73: {  	[sflag:s24] =	ssyncset.done $0x0  }
0x74: {  	[sflag:s24] =	ssyncadd.s32 $0xFFFFF800  }
0x75: {  	_ =	swait.ge [sflag:s24], $0x800  }
0x76: {  	[sflag:s24] =	ssyncset.done $0x0  }
0x77: {  	[sflag:s24] =	ssyncadd.s32 $0xFFFFF800  }
0x78: {  	_ =	swait.ge [sflag:s24], $0x800  }
0x79: {  	[sflag:s24] =	ssyncset.done $0x0  }
0x7a: {  	[sflag:s24] =	ssyncadd.s32 $0xFFFFF800  }
0x7b: {  	_ =	swait.ge [sflag:s24], $0x800  }
0x7c: {  	[sflag:s24] =	ssyncset.done $0x0  }
0x7d: {  	[sflag:s24] =	ssyncadd.s32 $0xFFFFF800  }
0x7e: {  	_ =	swait.ge [sflag:s24], $0x800  }
0x7f: {  	[sflag:s24] =	ssyncset.done $0x0  }
0x80: {  	[sflag:s24] =	ssyncadd.s32 $0xFFFFF800  }
0x81: {  	_ =	swait.ge [sflag:s24], $0x800  }
0x82: {  	[sflag:s24] =	ssyncset.done $0x0  }
0x83: {  	[sflag:s24] =	ssyncadd.s32 $0xFFFFF800  }
0x84: {  	_ =	swait.ge [sflag:s24], $0x800  }
0x85: {  	[sflag:s24] =	ssyncset.done $0x0  }
0x86: {  	[sflag:s24] =	ssyncadd.s32 $0xFFFFF800  }
0x87: {  	_ =	swait.ge [sflag:s24], $0x800  }
0x88: {  	[sflag:s24] =	ssyncset.done $0x0  }
0x89: {  	[sflag:s24] =	ssyncadd.s32 $0xFFFFF800  }
0x8a: {  	_ =	swait.ge [sflag:s24], $0x800  }
0x8b: {  	[sflag:s24] =	ssyncset.done $0x0  }
0x8c: {  	[sflag:s24] =	ssyncadd.s32 $0xFFFFF800  }
0x8d: {  	_ =	swait.ge [sflag:s24], $0x800  }
0x8e: {  	[sflag:s24] =	ssyncset.done $0x0  }
0x8f: {  	[sflag:s24] =	ssyncadd.s32 $0xFFFFF800  }
0x90: {  	_ =	swait.ge [sflag:s24], $0x800  }
0x91: {  	[sflag:s24] =	ssyncset.done $0x0  }
0x92: {  	[sflag:s24] =	ssyncadd.s32 $0xFFFFF800  }
0x93: {  	_ =	swait.ge [sflag:s24], $0x800  }
0x94: {  	[sflag:s24] =	ssyncset.done $0x0  }
0x95: {  	[sflag:s24] =	ssyncadd.s32 $0xFFFFF800  }
0x96: {  	_ =	swait.ge [sflag:s24], $0x800  }
0x97: {  	[sflag:s24] =	ssyncset.done $0x0  }
0x98: {  	[sflag:s24] =	ssyncadd.s32 $0xFFFFF800  }
0x99: {  	_ =	swait.ge [sflag:s24], $0x800  }
0x9a: {  	[sflag:s24] =	ssyncset.done $0x0  }
0x9b: {  	[sflag:s24] =	ssyncadd.s32 $0xFFFFF800  }
0x9c: {  	_ =	swait.ge [sflag:s24], $0x800  }
0x9d: {  	[sflag:s24] =	ssyncset.done $0x0  }
0x9e: {  	[sflag:s24] =	ssyncadd.s32 $0xFFFFF800  }
0x9f: {  	[bflag:$0x0] =	sbarrier.arrive $0xFFFF  }
0xa0: {  	p1 =	por $0x1, $0x1;
	_ =	strace $0x90000048  }
0xa1: {  	s0 =	simm.s32 @!p1 $0x9;
	_ =	strace $0x80000049  }
0xa2: {  	_ =	swait.ge @!p1 [sflag:s0], $0x2000  }
0xa3: {  	p0 =	por $0x0, $0x0;
	[sflag:s0] =	ssyncset.done @!p1 $0x0  }
0xa4: {  	s5 =	simm.s32 $0x0;
	[sflag:s0] =	ssyncadd.s32 @!p1 $0xFFFFE000;
	s0 =	simm.s32 @p0 $0xA  }
0xa5: {  	[tilespmem:s8], [sflag:$0x1] =	stream.indirect.gather [hbm4b:s18+s7], $0x40, s5, s7, $0x2000b8;
	[tilespmem:$0x1F800] =	vst v63  }
0xa6: {  	_ =	swait.ge @p0 [sflag:s0], $0x2000  }
0xa7: {  	s6 =	simm.s32 @p0 $0x80;
	s22 =	simm.s32 @p0 $0x7000;
	[sflag:s0] =	ssyncset.done @p0 $0x0  }
0xa8: {  	s5 =	simm.s32 @p0 $0x80;
	[sflag:s0] =	ssyncadd.s32 @p0 $0xFFFFE000;
	s0 =	simm.s32 @p0 $0xB  }
0xa9: {  	[tilespmem:s22], [sflag:$0x2] =	stream.indirect.gather @p0 [hbm4b:s18+s6], $0x40, s5, s6, $0x2000b8;
	[tilespmem:$0x1F800] =	vst v63  }
0xaa: {  	_ =	swait.ge @p0 [sflag:s0], $0x2000  }
0xab: {  	s5 =	simm.s32 @p0 $0x100;
	[sflag:s0] =	ssyncset.done @p0 $0x0  }
0xac: {  	s22 =	simm.s32 @p0 $0x9000;
	[sflag:s0] =	ssyncadd.s32 @p0 $0xFFFFE000;
	s0 =	simm.s32 @p0 $0xC  }
0xad: {  	[tilespmem:s22], [sflag:$0x3] =	stream.indirect.gather @p0 [hbm4b:s18+s6], $0x40, s5, s6, $0x2000b8;
	[tilespmem:$0x1F800] =	vst v63  }
0xae: {  	_ =	swait.ge @p0 [sflag:s0], $0x2000  }
0xaf: {  	s5 =	simm.s32 @p0 $0x180;
	[sflag:s0] =	ssyncset.done @p0 $0x0  }
0xb0: {  	s22 =	simm.s32 @p0 $0xB000;
	[sflag:s0] =	ssyncadd.s32 @p0 $0xFFFFE000;
	s0 =	simm.s32 @p0 $0xD  }
0xb1: {  	[tilespmem:s22], [sflag:$0x4] =	stream.indirect.gather @p0 [hbm4b:s18+s6], $0x40, s5, s6, $0x2000b8;
	[tilespmem:$0x1F800] =	vst v63  }
0xb2: {  	_ =	swait.ge @p0 [sflag:s0], $0x2000  }
0xb3: {  	s5 =	simm.s32 @p0 $0x200;
	[sflag:s0] =	ssyncset.done @p0 $0x0  }
0xb4: {  	s22 =	simm.s32 @p0 $0xD000;
	[sflag:s0] =	ssyncadd.s32 @p0 $0xFFFFE000;
	s0 =	simm.s32 @p0 $0xE  }
0xb5: {  	[tilespmem:s22], [sflag:$0x5] =	stream.indirect.gather @p0 [hbm4b:s18+s6], $0x40, s5, s6, $0x2000b8;
	[tilespmem:$0x1F800] =	vst v63  }
0xb6: {  	_ =	swait.ge @p0 [sflag:s0], $0x2000  }
0xb7: {  	s5 =	simm.s32 @p0 $0x280;
	[sflag:s0] =	ssyncset.done @p0 $0x0  }
0xb8: {  	s22 =	simm.s32 @p0 $0xF000;
	[sflag:s0] =	ssyncadd.s32 @p0 $0xFFFFE000;
	s0 =	simm.s32 @p0 $0xF  }
0xb9: {  	[tilespmem:s22], [sflag:$0x6] =	stream.indirect.gather @p0 [hbm4b:s18+s6], $0x40, s5, s6, $0x2000b8;
	[tilespmem:$0x1F800] =	vst v63  }
0xba: {  	_ =	swait.ge @p0 [sflag:s0], $0x2000  }
0xbb: {  	s5 =	simm.s32 @p0 $0x300;
	[sflag:s0] =	ssyncset.done @p0 $0x0  }
0xbc: {  	s22 =	simm.s32 @p0 $0x11000;
	[sflag:s0] =	ssyncadd.s32 @p0 $0xFFFFE000;
	s0 =	simm.s32 @p0 $0x10  }
0xbd: {  	[tilespmem:s22], [sflag:$0x7] =	stream.indirect.gather @p0 [hbm4b:s18+s6], $0x40, s5, s6, $0x2000b8;
	[tilespmem:$0x1F800] =	vst v63  }
0xbe: {  	_ =	swait.ge @p0 [sflag:s0], $0x2000  }
0xbf: {  	[sflag:s0] =	ssyncset.done @p0 $0x0  }
0xc0: {  	s5 =	simm.s32 @!p0 $0x80;
	s6 =	simm.s32 @!p0 $0x7000;
	[sflag:s0] =	ssyncadd.s32 @p0 $0xFFFFE000  }
0xc1: {  	[tilespmem:s6], [sflag:$0x2] =	stream.indirect.gather @!p0 [hbm4b:s18+s5], $0x40, s5, s5, $0x2000b8;
	[tilespmem:$0x1F800] =	vst v63  }
0xc2: {  	s0 =	simm.s32 @!p0 $0x100;
	s6 =	simm.s32 @!p0 $0x9000  }
0xc3: {  	[tilespmem:s6], [sflag:$0x3] =	stream.indirect.gather @!p0 [hbm4b:s18+s5], $0x40, s0, s5, $0x2000b8;
	[tilespmem:$0x1F800] =	vst v63  }
0xc4: {  	s0 =	simm.s32 @!p0 $0x180;
	s6 =	simm.s32 @!p0 $0xB000  }
0xc5: {  	[tilespmem:s6], [sflag:$0x4] =	stream.indirect.gather @!p0 [hbm4b:s18+s5], $0x40, s0, s5, $0x2000b8;
	[tilespmem:$0x1F800] =	vst v63  }
0xc6: {  	s0 =	simm.s32 @!p0 $0x200;
	s6 =	simm.s32 @!p0 $0xD000  }
0xc7: {  	[tilespmem:s6], [sflag:$0x5] =	stream.indirect.gather @!p0 [hbm4b:s18+s5], $0x40, s0, s5, $0x2000b8;
	[tilespmem:$0x1F800] =	vst v63  }
0xc8: {  	s0 =	simm.s32 @!p0 $0xF000;
	s6 =	simm.s32 @!p0 $0x280  }
0xc9: {  	[tilespmem:s0], [sflag:$0x6] =	stream.indirect.gather @!p0 [hbm4b:s18+s5], $0x40, s6, s5, $0x2000b8;
	[tilespmem:$0x1F800] =	vst v63  }
0xca: {  	s0 =	simm.s32 @!p0 $0x300;
	s6 =	simm.s32 @!p0 $0x11000  }
0xcb: {  	[tilespmem:s6], [sflag:$0x7] =	stream.indirect.gather @!p0 [hbm4b:s18+s5], $0x40, s0, s5, $0x2000b8;
	[tilespmem:$0x1F800] =	vst v63  }
0xcc: {  	s25 =	simm.s32 $0x380  }
0xcd: {  	[tilespmem:s9], [sflag:$0x8] =	stream.indirect.gather [hbm4b:s18+s7], $0x40, s25, s7, $0x2000b8;
	[tilespmem:$0x1F800] =	vst v63  }
0xce: {  	_ =	swait.ge [sflag:s3], $0x2000  }
0xcf: {  	[sflag:s3] =	ssyncset.done $0x0  }
0xd0: {  	s26 =	simm.s32 $0x2800;
	[sflag:s3] =	ssyncadd.s32 $0xFFFFE000  }
0xd1: {  	[spmem:s2] =	stream.indirect.scatter.add.f32 [tilespmem:s8], [sflag:$0x9], $0x40, s26, s7, $0x2000b8;
	[tilespmem:$0x1F800] =	vst v63  }
0xd2: {  	s0 =	simm.s32 @p0 $0x80;
	_ =	swait.ge [sflag:s4], $0x2000  }
0xd3: {  	s0 =	simm.s32 @!p0 $0x80;
	[sflag:s4] =	ssyncset.done $0x0  }
0xd4: {  	s0 =	sadd.s32 $0x2800, s0;
	[sflag:s4] =	ssyncadd.s32 $0xFFFFE000  }
0xd5: {  	[spmem:s2] =	stream.indirect.scatter.add.f32 [tilespmem:s28], [sflag:$0xA], $0x40, s0, s7, $0x2000b8;
	[tilespmem:$0x1F800] =	vst v63  }
0xd6: {  	s0 =	simm.s32 @p0 $0x100;
	_ =	swait.ge [sflag:s11], $0x2000  }
0xd7: {  	s0 =	simm.s32 @!p0 $0x100;
	[sflag:s11] =	ssyncset.done $0x0  }
0xd8: {  	s0 =	sadd.s32 $0x2800, s0;
	[sflag:s11] =	ssyncadd.s32 $0xFFFFE000  }
0xd9: {  	[spmem:s2] =	stream.indirect.scatter.add.f32 [tilespmem:s29], [sflag:$0xB], $0x40, s0, s7, $0x2000b8;
	[tilespmem:$0x1F800] =	vst v63  }
0xda: {  	s0 =	simm.s32 @p0 $0x180;
	_ =	swait.ge [sflag:s13], $0x2000  }
0xdb: {  	s0 =	simm.s32 @!p0 $0x180;
	[sflag:s13] =	ssyncset.done $0x0  }
0xdc: {  	s0 =	sadd.s32 $0x2800, s0;
	[sflag:s13] =	ssyncadd.s32 $0xFFFFE000  }
0xdd: {  	[spmem:s2] =	stream.indirect.scatter.add.f32 [tilespmem:s31], [sflag:$0xC], $0x40, s0, s7, $0x2000b8;
	[tilespmem:$0x1F800] =	vst v63  }
0xde: {  	s0 =	simm.s32 @p0 $0x200;
	_ =	swait.ge [sflag:s14], $0x2000  }
0xdf: {  	s0 =	simm.s32 @!p0 $0x200;
	[sflag:s14] =	ssyncset.done $0x0  }
0xe0: {  	s0 =	sadd.s32 $0x2800, s0;
	[sflag:s14] =	ssyncadd.s32 $0xFFFFE000  }
0xe1: {  	[spmem:s2] =	stream.indirect.scatter.add.f32 [tilespmem:s30], [sflag:$0xD], $0x40, s0, s7, $0x2000b8;
	[tilespmem:$0x1F800] =	vst v63  }
0xe2: {  	s0 =	simm.s32 @p0 $0x280;
	_ =	swait.ge [sflag:s16], $0x2000  }
0xe3: {  	s0 =	simm.s32 @!p0 $0x280;
	[sflag:s16] =	ssyncset.done $0x0  }
0xe4: {  	p2 =	por $0x0, $0x0;
	s0 =	sadd.s32 $0x2800, s0;
	[sflag:s16] =	ssyncadd.s32 $0xFFFFE000  }
0xe5: {  	[spmem:s2] =	stream.indirect.scatter.add.f32 [tilespmem:s20], [sflag:$0xE], $0x40, s0, s7, $0x2000b8;
	[tilespmem:$0x1F800] =	vst v63  }
0xe6: {  	s23 =	simm.s32 $0x2000;
	s0 =	simm.s32 $0x300;
	_ =	swait.ge [sflag:s19], $0x2000  }
0xe7: {  	s24 =	simm.s32 $0x2B80;
	s0 =	simm.s32 @!p0 $0x300;
	[sflag:s19] =	ssyncset.done $0x0  }
0xe8: {  	s22 =	simm.s32 $0x700;
	s0 =	sadd.s32 $0x2800, s0;
	[sflag:s19] =	ssyncadd.s32 $0xFFFFE000  }
0xe9: {  	[spmem:s2] =	stream.indirect.scatter.add.f32 [tilespmem:s12], [sflag:$0xF], $0x40, s0, s7, $0x2000b8;
	[tilespmem:$0x1F800] =	vst v63  }
0xea: {  	s25 =	simm.s32 $0x1000;
	s8 =	simm.s32 $0x9000;
	_ =	swait.ge [sflag:s21], $0x2000  }
.LBB2_4:
0xeb: {  	s5 =	simm.s32 @!p2 $0x9  }
0xec: {  	[sflag:s21] =	ssyncset.done $0x0;
	s0 =	smov.u32 s23;
	s23 =	sadd.s32 $0x1000, s23  }
0xed: {  	s20 =	simm.s32 $0x13000;
	p0 =	sne.s32 s23, $0xA000;
	[sflag:s21] =	ssyncadd.s32 $0xFFFFE000  }
0xee: {  	[spmem:s2] =	stream.indirect.scatter.add.f32 [tilespmem:s20], [sflag:$0x10], $0x40, s24, s7, $0x2000b8;
	[tilespmem:$0x1F800] =	vst v63  }
0xef: {  	p1 =	sne.s32 s25, $0x0;
	_ =	swait.ge @!p2 [sflag:s5], $0x2000  }
0xf0: {  	s28 =	sshra.s32 s25, $0x2;
	s9 =	simm.s32 $0x5000;
	[sflag:s5] =	ssyncset.done @!p2 $0x0  }
0xf1: {  	s6 =	simm.s32 @p1 $0xA;
	s24 =	sshra.s32 @p1 s25, $0x2;
	[sflag:s5] =	ssyncadd.s32 @!p2 $0xFFFFE000  }
0xf2: {  	[tilespmem:s9], [sflag:$0x1] =	stream.indirect.gather [hbm4b:s18+s7], $0x40, s28, s7, $0x2000b8;
	[tilespmem:$0x1F800] =	vst v63  }
0xf3: {  	s26 =	sadd.s32 @p1 $0xFFFFFE00, s22;
	s25 =	sadd.s32 @p1 $0x80, s24;
	_ =	swait.ge @p1 [sflag:s6], $0x2000  }
0xf4: {  	s29 =	simm.s32 @p1 $0x7000;
	s5 =	simm.s32 @p1 $0x80;
	[sflag:s6] =	ssyncset.done @p1 $0x0  }
0xf5: {  	s30 =	sadd.s32 @p1 $0x100, s24;
	[sflag:s6] =	ssyncadd.s32 @p1 $0xFFFFE000;
	s6 =	simm.s32 @p1 $0xB  }
0xf6: {  	[tilespmem:s29], [sflag:$0x2] =	stream.indirect.gather @p1 [hbm4b:s18+s5], $0x40, s25, s5, $0x2000b8;
	[tilespmem:$0x1F800] =	vst v63  }
0xf7: {  	s10 =	sadd.s32 @p1 $0x200, s24;
	s25 =	sadd.s32 @p1 $0x180, s24;
	_ =	swait.ge @p1 [sflag:s6], $0x2000  }
0xf8: {  	s12 =	simm.s32 @p1 $0xC;
	s29 =	simm.s32 @p1 $0x9000;
	[sflag:s6] =	ssyncset.done @p1 $0x0  }
0xf9: {  	s1 =	sadd.s32 @p1 $0x280, s24;
	s15 =	sadd.s32 @p1 $0x300, s24;
	[sflag:s6] =	ssyncadd.s32 @p1 $0xFFFFE000  }
0xfa: {  	[tilespmem:s29], [sflag:$0x3] =	stream.indirect.gather @p1 [hbm4b:s18+s5], $0x40, s30, s5, $0x2000b8;
	[tilespmem:$0x1F800] =	vst v63  }
0xfb: {  	s31 =	sadd.s32 @p1 $0xFFFFFE80, s22;
	s6 =	sadd.s32 @p1 $0xFFFFFD80, s22;
	_ =	swait.ge @p1 [sflag:s12], $0x2000  }
0xfc: {  	s24 =	simm.s32 @p1 $0xB000;
	s30 =	sadd.s32 @p1 $0xFFFFFF00, s22;
	[sflag:s12] =	ssyncset.done @p1 $0x0  }
0xfd: {  	s29 =	sadd.s32 @p1 $0xFFFFFF80, s22;
	[sflag:s12] =	ssyncadd.s32 @p1 $0xFFFFE000;
	s12 =	simm.s32 @p1 $0xD  }
0xfe: {  	[tilespmem:s24], [sflag:$0x4] =	stream.indirect.gather @p1 [hbm4b:s18+s5], $0x40, s25, s5, $0x2000b8;
	[tilespmem:$0x1F800] =	vst v63  }
0xff: {  	s6 =	simm.s32 @!p1 $0x80;
	s24 =	sadd.s32 $0x2B80, s28;
	_ =	swait.ge @p1 [sflag:s12], $0x2000  }
0x100: {  	s31 =	simm.s32 @!p1 $0x180;
	s25 =	simm.s32 @p1 $0xD000;
	[sflag:s12] =	ssyncset.done @p1 $0x0  }
0x101: {  	s30 =	simm.s32 @!p1 $0x200;
	[sflag:s12] =	ssyncadd.s32 @p1 $0xFFFFE000;
	s12 =	simm.s32 @p1 $0xE  }
0x102: {  	[tilespmem:s25], [sflag:$0x5] =	stream.indirect.gather @p1 [hbm4b:s18+s5], $0x40, s10, s5, $0x2000b8;
	[tilespmem:$0x1F800] =	vst v63  }
0x103: {  	s26 =	simm.s32 @!p1 $0x100;
	s29 =	simm.s32 @!p1 $0x280;
	_ =	swait.ge @p1 [sflag:s12], $0x2000  }
0x104: {  	s17 =	simm.s32 @p1 $0xF;
	s10 =	simm.s32 @p1 $0xF000;
	[sflag:s12] =	ssyncset.done @p1 $0x0  }
0x105: {  	s25 =	smov.u32 s0;
	[sflag:s12] =	ssyncadd.s32 @p1 $0xFFFFE000;
	s12 =	simm.s32 $0x11000  }
0x106: {  	[tilespmem:s10], [sflag:$0x6] =	stream.indirect.gather @p1 [hbm4b:s18+s5], $0x40, s1, s5, $0x2000b8;
	[tilespmem:$0x1F800] =	vst v63  }
0x107: {  	_ =	swait.ge @p1 [sflag:s17], $0x2000  }
0x108: {  	s0 =	simm.s32 @p1 $0x11000;
	[sflag:s17] =	ssyncset.done @p1 $0x0  }
0x109: {  	s1 =	simm.s32 @p1 $0x10;
	[sflag:s17] =	ssyncadd.s32 @p1 $0xFFFFE000  }
0x10a: {  	[tilespmem:s0], [sflag:$0x7] =	stream.indirect.gather @p1 [hbm4b:s18+s5], $0x40, s15, s5, $0x2000b8;
	[tilespmem:$0x1F800] =	vst v63  }
0x10b: {  	_ =	swait.ge @p1 [sflag:s1], $0x2000  }
0x10c: {  	s0 =	simm.s32 @!p1 $0x80;
	s5 =	simm.s32 @!p1 $0x7000;
	[sflag:s1] =	ssyncset.done @p1 $0x0  }
0x10d: {  	[sflag:s1] =	ssyncadd.s32 @p1 $0xFFFFE000  }
0x10e: {  	[tilespmem:s5], [sflag:$0x2] =	stream.indirect.gather @!p1 [hbm4b:s18+s0], $0x40, s0, s0, $0x2000b8;
	[tilespmem:$0x1F800] =	vst v63  }
0x10f: {  	s1 =	simm.s32 @!p1 $0x100;
	s5 =	simm.s32 @!p1 $0x9000  }
0x110: {  	[tilespmem:s5], [sflag:$0x3] =	stream.indirect.gather @!p1 [hbm4b:s18+s0], $0x40, s1, s0, $0x2000b8;
	[tilespmem:$0x1F800] =	vst v63  }
0x111: {  	s1 =	simm.s32 @!p1 $0x180;
	s5 =	simm.s32 @!p1 $0xB000  }
0x112: {  	[tilespmem:s5], [sflag:$0x4] =	stream.indirect.gather @!p1 [hbm4b:s18+s0], $0x40, s1, s0, $0x2000b8;
	[tilespmem:$0x1F800] =	vst v63  }
0x113: {  	s10 =	simm.s32 @!p1 $0xF000;
	s1 =	simm.s32 @!p1 $0x200;
	s5 =	simm.s32 @!p1 $0xD000  }
0x114: {  	[tilespmem:s5], [sflag:$0x5] =	stream.indirect.gather @!p1 [hbm4b:s18+s0], $0x40, s1, s0, $0x2000b8;
	[tilespmem:$0x1F800] =	vst v63  }
0x115: {  	s1 =	simm.s32 @!p1 $0x280  }
0x116: {  	[tilespmem:s10], [sflag:$0x6] =	stream.indirect.gather @!p1 [hbm4b:s18+s0], $0x40, s1, s0, $0x2000b8;
	[tilespmem:$0x1F800] =	vst v63  }
0x117: {  	s5 =	simm.s32 @!p1 $0x11000;
	s1 =	simm.s32 @!p1 $0x300;
	s10 =	sadd.s32 $0x380, s28  }
0x118: {  	[tilespmem:s5], [sflag:$0x7] =	stream.indirect.gather @!p1 [hbm4b:s18+s0], $0x40, s1, s0, $0x2000b8;
	[tilespmem:$0x1F800] =	vst v63  }
0x119: {  	_ = 	snop  }
0x11a: {  	[tilespmem:s20], [sflag:$0x8] =	stream.indirect.gather [hbm4b:s18+s7], $0x40, s10, s7, $0x2000b8;
	[tilespmem:$0x1F800] =	vst v63  }
0x11b: {  	_ =	swait.ge [sflag:s3], $0x2000  }
0x11c: {  	s0 =	sadd.s32 $0x2800, s28;
	s28 =	simm.s32 $0x7000;
	[sflag:s3] =	ssyncset.done $0x0  }
0x11d: {  	[sflag:s3] =	ssyncadd.s32 $0xFFFFE000  }
0x11e: {  	[spmem:s2] =	stream.indirect.scatter.add.f32 [tilespmem:s9], [sflag:$0x9], $0x40, s0, s7, $0x2000b8;
	[tilespmem:$0x1F800] =	vst v63  }
0x11f: {  	_ =	swait.ge [sflag:s4], $0x2000  }
0x120: {  	s0 =	sadd.s32 $0x2800, s6;
	[sflag:s4] =	ssyncset.done $0x0  }
0x121: {  	[sflag:s4] =	ssyncadd.s32 $0xFFFFE000  }
0x122: {  	[spmem:s2] =	stream.indirect.scatter.add.f32 [tilespmem:s28], [sflag:$0xA], $0x40, s0, s7, $0x2000b8;
	[tilespmem:$0x1F800] =	vst v63  }
0x123: {  	_ =	swait.ge [sflag:s11], $0x2000  }
0x124: {  	s0 =	sadd.s32 $0x2800, s26;
	[sflag:s11] =	ssyncset.done $0x0  }
0x125: {  	[sflag:s11] =	ssyncadd.s32 $0xFFFFE000  }
0x126: {  	[spmem:s2] =	stream.indirect.scatter.add.f32 [tilespmem:s8], [sflag:$0xB], $0x40, s0, s7, $0x2000b8;
	[tilespmem:$0x1F800] =	vst v63  }
0x127: {  	_ =	swait.ge [sflag:s13], $0x2000  }
0x128: {  	s0 =	sadd.s32 $0x2800, s31;
	s31 =	simm.s32 $0xB000;
	[sflag:s13] =	ssyncset.done $0x0  }
0x129: {  	[sflag:s13] =	ssyncadd.s32 $0xFFFFE000  }
0x12a: {  	[spmem:s2] =	stream.indirect.scatter.add.f32 [tilespmem:s31], [sflag:$0xC], $0x40, s0, s7, $0x2000b8;
	[tilespmem:$0x1F800] =	vst v63  }
0x12b: {  	_ =	swait.ge [sflag:s14], $0x2000  }
0x12c: {  	s0 =	sadd.s32 $0x2800, s30;
	s30 =	simm.s32 $0xD000;
	[sflag:s14] =	ssyncset.done $0x0  }
0x12d: {  	[sflag:s14] =	ssyncadd.s32 $0xFFFFE000  }
0x12e: {  	[spmem:s2] =	stream.indirect.scatter.add.f32 [tilespmem:s30], [sflag:$0xD], $0x40, s0, s7, $0x2000b8;
	[tilespmem:$0x1F800] =	vst v63  }
0x12f: {  	_ =	swait.ge [sflag:s16], $0x2000  }
0x130: {  	s0 =	sadd.s32 $0x2800, s29;
	[sflag:s16] =	ssyncset.done $0x0  }
0x131: {  	s1 =	simm.s32 $0xF000;
	[sflag:s16] =	ssyncadd.s32 $0xFFFFE000  }
0x132: {  	[spmem:s2] =	stream.indirect.scatter.add.f32 [tilespmem:s1], [sflag:$0xE], $0x40, s0, s7, $0x2000b8;
	[tilespmem:$0x1F800] =	vst v63  }
0x133: {  	s0 =	smov.u32 s22  }
.Ltmp1:
0x134: {  	s0 =	simm.s32 @!p1 $0x300;
	_ =	swait.ge [sflag:s19], $0x2000;
	(pc) =	sbr.rel @p0 .LBB2_4-.Ltmp1, $4  }
0x135: {  	[sflag:s19] =	ssyncset.done $0x0;
	s0 =	sadd.s32 $0x2800, s0  }
0x136: {  	[sflag:s19] =	ssyncadd.s32 $0xFFFFE000  }
0x137: {  	[spmem:s2] =	stream.indirect.scatter.add.f32 [tilespmem:s12], [sflag:$0xF], $0x40, s0, s7, $0x2000b8;
	[tilespmem:$0x1F800] =	vst v63  }
0x138: {  	p2 =	seq.s32 s25, $0x0;
	s22 =	sadd.s32 $0x400, s22;
	_ =	swait.ge [sflag:s21], $0x2000  }
0x139: {  	[sflag:s21] =	ssyncset.done $0x0  }
0x13a: {  	s0 =	simm.s32 @!p2 $0x9;
	s9 =	simm.s32 $0x13000;
	[sflag:s21] =	ssyncadd.s32 $0xFFFFE000  }
0x13b: {  	[spmem:s2] =	stream.indirect.scatter.add.f32 [tilespmem:s9], [sflag:$0x10], $0x40, s24, s7, $0x2000b8;
	[tilespmem:$0x1F800] =	vst v63  }
0x13c: {  	_ =	swait.ge @!p2 [sflag:s0], $0x2000  }
0x13d: {  	p0 =	sne.s32 s25, $0x0;
	s23 =	sshra.s32 s25, $0x2;
	[sflag:s0] =	ssyncset.done @!p2 $0x0  }
0x13e: {  	s15 =	simm.s32 $0x5000;
	[sflag:s0] =	ssyncadd.s32 @!p2 $0xFFFFE000;
	s0 =	simm.s32 @p0 $0xA  }
0x13f: {  	[tilespmem:s15], [sflag:$0x1] =	stream.indirect.gather [hbm4b:s18+s7], $0x40, s23, s7, $0x2000b8;
	[tilespmem:$0x1F800] =	vst v63  }
0x140: {  	_ =	swait.ge @p0 [sflag:s0], $0x2000  }
0x141: {  	s1 =	sshra.s32 @p0 s25, $0x2;
	s6 =	simm.s32 @p0 $0x80;
	[sflag:s0] =	ssyncset.done @p0 $0x0  }
0x142: {  	s5 =	sadd.s32 @p0 $0x80, s1;
	[sflag:s0] =	ssyncadd.s32 @p0 $0xFFFFE000;
	s0 =	simm.s32 @p0 $0x7000  }
0x143: {  	[tilespmem:s0], [sflag:$0x2] =	stream.indirect.gather @p0 [hbm4b:s18+s6], $0x40, s5, s6, $0x2000b8;
	[tilespmem:$0x1F800] =	vst v63  }
0x144: {  	s0 =	simm.s32 @p0 $0xB  }
0x145: {  	_ =	swait.ge @p0 [sflag:s0], $0x2000  }
0x146: {  	[sflag:s0] =	ssyncset.done @p0 $0x0  }
0x147: {  	s5 =	sadd.s32 @p0 $0x100, s1;
	[sflag:s0] =	ssyncadd.s32 @p0 $0xFFFFE000;
	s0 =	simm.s32 @p0 $0x9000  }
0x148: {  	[tilespmem:s0], [sflag:$0x3] =	stream.indirect.gather @p0 [hbm4b:s18+s6], $0x40, s5, s6, $0x2000b8;
	[tilespmem:$0x1F800] =	vst v63  }
0x149: {  	s0 =	simm.s32 @p0 $0xC  }
0x14a: {  	_ =	swait.ge @p0 [sflag:s0], $0x2000  }
0x14b: {  	[sflag:s0] =	ssyncset.done @p0 $0x0  }
0x14c: {  	s5 =	sadd.s32 @p0 $0x180, s1;
	[sflag:s0] =	ssyncadd.s32 @p0 $0xFFFFE000;
	s0 =	simm.s32 @p0 $0xB000  }
0x14d: {  	[tilespmem:s0], [sflag:$0x4] =	stream.indirect.gather @p0 [hbm4b:s18+s6], $0x40, s5, s6, $0x2000b8;
	[tilespmem:$0x1F800] =	vst v63  }
0x14e: {  	s0 =	simm.s32 @p0 $0xD  }
0x14f: {  	_ =	swait.ge @p0 [sflag:s0], $0x2000  }
0x150: {  	[sflag:s0] =	ssyncset.done @p0 $0x0  }
0x151: {  	s5 =	sadd.s32 @p0 $0x200, s1;
	[sflag:s0] =	ssyncadd.s32 @p0 $0xFFFFE000;
	s0 =	simm.s32 @p0 $0xD000  }
0x152: {  	[tilespmem:s0], [sflag:$0x5] =	stream.indirect.gather @p0 [hbm4b:s18+s6], $0x40, s5, s6, $0x2000b8;
	[tilespmem:$0x1F800] =	vst v63  }
0x153: {  	s0 =	simm.s32 @p0 $0xE  }
0x154: {  	_ =	swait.ge @p0 [sflag:s0], $0x2000  }
0x155: {  	[sflag:s0] =	ssyncset.done @p0 $0x0  }
0x156: {  	s5 =	sadd.s32 @p0 $0x280, s1;
	[sflag:s0] =	ssyncadd.s32 @p0 $0xFFFFE000;
	s0 =	simm.s32 @p0 $0xF000  }
0x157: {  	[tilespmem:s0], [sflag:$0x6] =	stream.indirect.gather @p0 [hbm4b:s18+s6], $0x40, s5, s6, $0x2000b8;
	[tilespmem:$0x1F800] =	vst v63  }
0x158: {  	s0 =	simm.s32 @p0 $0xF  }
0x159: {  	_ =	swait.ge @p0 [sflag:s0], $0x2000  }
0x15a: {  	[sflag:s0] =	ssyncset.done @p0 $0x0  }
0x15b: {  	s1 =	sadd.s32 @p0 $0x300, s1;
	[sflag:s0] =	ssyncadd.s32 @p0 $0xFFFFE000;
	s0 =	simm.s32 @p0 $0x11000  }
0x15c: {  	[tilespmem:s0], [sflag:$0x7] =	stream.indirect.gather @p0 [hbm4b:s18+s6], $0x40, s1, s6, $0x2000b8;
	[tilespmem:$0x1F800] =	vst v63  }
0x15d: {  	s0 =	simm.s32 @p0 $0x10  }
0x15e: {  	_ =	swait.ge @p0 [sflag:s0], $0x2000  }
0x15f: {  	[sflag:s0] =	ssyncset.done @p0 $0x0  }
0x160: {  	s5 =	simm.s32 @!p0 $0x7000;
	s1 =	simm.s32 @!p0 $0x80;
	[sflag:s0] =	ssyncadd.s32 @p0 $0xFFFFE000  }
0x161: {  	[tilespmem:s5], [sflag:$0x2] =	stream.indirect.gather @!p0 [hbm4b:s18+s1], $0x40, s1, s1, $0x2000b8;
	[tilespmem:$0x1F800] =	vst v63  }
0x162: {  	s0 =	simm.s32 @!p0 $0x100;
	s5 =	simm.s32 @!p0 $0x9000  }
0x163: {  	[tilespmem:s5], [sflag:$0x3] =	stream.indirect.gather @!p0 [hbm4b:s18+s1], $0x40, s0, s1, $0x2000b8;
	[tilespmem:$0x1F800] =	vst v63  }
0x164: {  	s0 =	simm.s32 @!p0 $0x180;
	s5 =	simm.s32 @!p0 $0xB000  }
0x165: {  	[tilespmem:s5], [sflag:$0x4] =	stream.indirect.gather @!p0 [hbm4b:s18+s1], $0x40, s0, s1, $0x2000b8;
	[tilespmem:$0x1F800] =	vst v63  }
0x166: {  	s0 =	simm.s32 @!p0 $0x200;
	s5 =	simm.s32 @!p0 $0xD000  }
0x167: {  	[tilespmem:s5], [sflag:$0x5] =	stream.indirect.gather @!p0 [hbm4b:s18+s1], $0x40, s0, s1, $0x2000b8;
	[tilespmem:$0x1F800] =	vst v63  }
0x168: {  	s0 =	simm.s32 @!p0 $0xF000;
	s5 =	simm.s32 @!p0 $0x280  }
0x169: {  	[tilespmem:s0], [sflag:$0x6] =	stream.indirect.gather @!p0 [hbm4b:s18+s1], $0x40, s5, s1, $0x2000b8;
	[tilespmem:$0x1F800] =	vst v63  }
0x16a: {  	s0 =	simm.s32 @!p0 $0x300;
	s5 =	simm.s32 @!p0 $0x11000  }
0x16b: {  	[tilespmem:s5], [sflag:$0x7] =	stream.indirect.gather @!p0 [hbm4b:s18+s1], $0x40, s0, s1, $0x2000b8;
	[tilespmem:$0x1F800] =	vst v63  }
0x16c: {  	s8 =	sadd.s32 $0x380, s23  }
0x16d: {  	[tilespmem:s9], [sflag:$0x8] =	stream.indirect.gather [hbm4b:s18+s7], $0x40, s8, s7, $0x2000b8;
	[tilespmem:$0x1F800] =	vst v63  }
0x16e: {  	_ =	swait.ge [sflag:s3], $0x2000  }
0x16f: {  	[sflag:s3] =	ssyncset.done $0x0  }
0x170: {  	s10 =	sadd.s32 $0x2800, s23;
	[sflag:s3] =	ssyncadd.s32 $0xFFFFE000  }
0x171: {  	[spmem:s2] =	stream.indirect.scatter.add.f32 [tilespmem:s15], [sflag:$0x9], $0x40, s10, s7, $0x2000b8;
	[tilespmem:$0x1F800] =	vst v63  }
0x172: {  	s0 =	sadd.s32 @p0 $0xFFFFFD80, s22;
	_ =	swait.ge [sflag:s4], $0x2000  }
0x173: {  	s0 =	simm.s32 @!p0 $0x80;
	[sflag:s4] =	ssyncset.done $0x0  }
0x174: {  	s0 =	sadd.s32 $0x2800, s0;
	[sflag:s4] =	ssyncadd.s32 $0xFFFFE000  }
0x175: {  	[spmem:s2] =	stream.indirect.scatter.add.f32 [tilespmem:s28], [sflag:$0xA], $0x40, s0, s7, $0x2000b8;
	[tilespmem:$0x1F800] =	vst v63  }
0x176: {  	s0 =	sadd.s32 @p0 $0xFFFFFE00, s22;
	_ =	swait.ge [sflag:s11], $0x2000  }
0x177: {  	s0 =	simm.s32 @!p0 $0x100;
	[sflag:s11] =	ssyncset.done $0x0  }
0x178: {  	s8 =	simm.s32 $0x9000;
	s0 =	sadd.s32 $0x2800, s0;
	[sflag:s11] =	ssyncadd.s32 $0xFFFFE000  }
0x179: {  	[spmem:s2] =	stream.indirect.scatter.add.f32 [tilespmem:s8], [sflag:$0xB], $0x40, s0, s7, $0x2000b8;
	[tilespmem:$0x1F800] =	vst v63  }
0x17a: {  	s0 =	sadd.s32 @p0 $0xFFFFFE80, s22;
	_ =	swait.ge [sflag:s13], $0x2000  }
0x17b: {  	s0 =	simm.s32 @!p0 $0x180;
	[sflag:s13] =	ssyncset.done $0x0  }
0x17c: {  	s0 =	sadd.s32 $0x2800, s0;
	[sflag:s13] =	ssyncadd.s32 $0xFFFFE000  }
0x17d: {  	[spmem:s2] =	stream.indirect.scatter.add.f32 [tilespmem:s31], [sflag:$0xC], $0x40, s0, s7, $0x2000b8;
	[tilespmem:$0x1F800] =	vst v63  }
0x17e: {  	s0 =	sadd.s32 @p0 $0xFFFFFF00, s22;
	_ =	swait.ge [sflag:s14], $0x2000  }
0x17f: {  	s0 =	simm.s32 @!p0 $0x200;
	[sflag:s14] =	ssyncset.done $0x0  }
0x180: {  	s0 =	sadd.s32 $0x2800, s0;
	[sflag:s14] =	ssyncadd.s32 $0xFFFFE000  }
0x181: {  	[spmem:s2] =	stream.indirect.scatter.add.f32 [tilespmem:s30], [sflag:$0xD], $0x40, s0, s7, $0x2000b8;
	[tilespmem:$0x1F800] =	vst v63  }
0x182: {  	s0 =	sadd.s32 @p0 $0xFFFFFF80, s22;
	_ =	swait.ge [sflag:s16], $0x2000  }
0x183: {  	s0 =	simm.s32 @!p0 $0x280;
	[sflag:s16] =	ssyncset.done $0x0  }
0x184: {  	s10 =	simm.s32 $0xF000;
	s0 =	sadd.s32 $0x2800, s0;
	[sflag:s16] =	ssyncadd.s32 $0xFFFFE000  }
0x185: {  	[spmem:s2] =	stream.indirect.scatter.add.f32 [tilespmem:s10], [sflag:$0xE], $0x40, s0, s7, $0x2000b8;
	[tilespmem:$0x1F800] =	vst v63  }
0x186: {  	_ =	swait.ge [sflag:s19], $0x2000  }
0x187: {  	s22 =	simm.s32 @!p0 $0x300;
	[sflag:s19] =	ssyncset.done $0x0  }
0x188: {  	s17 =	sadd.s32 $0x2800, s22;
	[sflag:s19] =	ssyncadd.s32 $0xFFFFE000  }
0x189: {  	[spmem:s2] =	stream.indirect.scatter.add.f32 [tilespmem:s12], [sflag:$0xF], $0x40, s17, s7, $0x2000b8;
	[tilespmem:$0x1F800] =	vst v63  }
0x18a: {  	_ =	swait.ge [sflag:s21], $0x2000  }
0x18b: {  	[sflag:s21] =	ssyncset.done $0x0  }
0x18c: {  	s20 =	sadd.s32 $0x2B80, s23;
	s22 =	simm.s32 $0x9;
	[sflag:s21] =	ssyncadd.s32 $0xFFFFE000  }
0x18d: {  	[spmem:s2] =	stream.indirect.scatter.add.f32 [tilespmem:s9], [sflag:$0x10], $0x40, s20, s7, $0x2000b8;
	[tilespmem:$0x1F800] =	vst v63  }
0x18e: {  	_ =	swait.ge [sflag:s22], $0x2000  }
0x18f: {  	[sflag:s22] =	ssyncset.done $0x0  }
0x190: {  	s23 =	simm.s32 $0xA;
	[sflag:s22] =	ssyncadd.s32 $0xFFFFE000  }
0x191: {  	_ =	swait.ge [sflag:s23], $0x2000  }
0x192: {  	[sflag:s23] =	ssyncset.done $0x0  }
0x193: {  	s24 =	simm.s32 $0xB;
	[sflag:s23] =	ssyncadd.s32 $0xFFFFE000  }
0x194: {  	_ =	swait.ge [sflag:s24], $0x2000  }
0x195: {  	[sflag:s24] =	ssyncset.done $0x0  }
0x196: {  	s25 =	simm.s32 $0xC;
	[sflag:s24] =	ssyncadd.s32 $0xFFFFE000  }
0x197: {  	_ =	swait.ge [sflag:s25], $0x2000  }
0x198: {  	[sflag:s25] =	ssyncset.done $0x0  }
0x199: {  	s26 =	simm.s32 $0xD;
	[sflag:s25] =	ssyncadd.s32 $0xFFFFE000  }
0x19a: {  	_ =	swait.ge [sflag:s26], $0x2000  }
0x19b: {  	[sflag:s26] =	ssyncset.done $0x0  }
0x19c: {  	s1 =	simm.s32 $0xE;
	[sflag:s26] =	ssyncadd.s32 $0xFFFFE000  }
0x19d: {  	_ =	swait.ge [sflag:s1], $0x2000  }
0x19e: {  	[sflag:s1] =	ssyncset.done $0x0  }
0x19f: {  	s5 =	simm.s32 $0xF;
	[sflag:s1] =	ssyncadd.s32 $0xFFFFE000  }
0x1a0: {  	_ =	swait.ge [sflag:s5], $0x2000  }
0x1a1: {  	[sflag:s5] =	ssyncset.done $0x0  }
0x1a2: {  	s6 =	simm.s32 $0x10;
	[sflag:s5] =	ssyncadd.s32 $0xFFFFE000  }
0x1a3: {  	_ =	swait.ge [sflag:s6], $0x2000  }
0x1a4: {  	s17 =	simm.s32 $0x0;
	[sflag:s6] =	ssyncset.done $0x0  }
0x1a5: {  	s22 =	simm.s32 $0x12;
	s20 =	rddreg [dreg:$0x15];
	[sflag:s6] =	ssyncadd.s32 $0xFFFFE000  }
0x1a6: {  	[tilespmem:s17], [sflag:$0x12] =	stream.linear.gather [hbm4b:s20+s17], $0x2800, $0x200038;
	[tilespmem:$0x1F800] =	vst v63  }
0x1a7: {  	_ =	swait.ge [sflag:s22], $0x2800  }
0x1a8: {  	[sflag:s22] =	ssyncset.done $0x0  }
0x1a9: {  	s26 =	simm.s32 $0x2800;
	s23 =	rddreg [dreg:$0x16];
	[sflag:s22] =	ssyncadd.s32 $0xFFFFD800  }
0x1aa: {  	[tilespmem:s26], [sflag:$0x12] =	stream.linear.gather [hbm4b:s23+s17], $0x2800, $0x200038;
	[tilespmem:$0x1F800] =	vst v63  }
0x1ab: {  	_ =	swait.ge [sflag:s22], $0x2800  }
0x1ac: {  	p0 =	por $0x0, $0x0;
	[sflag:s22] =	ssyncset.done $0x0  }
0x1ad: {  	s0 =	simm.s32 @p0 $0x9;
	[sflag:s22] =	ssyncadd.s32 $0xFFFFD800  }
0x1ae: {  	_ =	swait.ge @p0 [sflag:s0], $0x2000  }
0x1af: {  	s1 =	simm.s32 @p0 $0x5000;
	s5 =	simm.s32 @p0 $0xA;
	[sflag:s0] =	ssyncset.done @p0 $0x0  }
0x1b0: {  	s6 =	simm.s32 @p0 $0x80;
	[sflag:s0] =	ssyncadd.s32 @p0 $0xFFFFE000;
	s0 =	simm.s32 @p0 $0x0  }
0x1b1: {  	[tilespmem:s1], [sflag:$0x1] =	stream.indirect.gather @p0 [hbm4b:s18+s6], $0x40, s0, s6, $0x2000b8;
	[tilespmem:$0x1F800] =	vst v63  }
0x1b2: {  	_ =	swait.ge @p0 [sflag:s5], $0x2000  }
0x1b3: {  	s0 =	simm.s32 @p0 $0x80;
	[sflag:s5] =	ssyncset.done @p0 $0x0  }
0x1b4: {  	s1 =	simm.s32 @p0 $0x7000;
	[sflag:s5] =	ssyncadd.s32 @p0 $0xFFFFE000;
	s5 =	simm.s32 @p0 $0xB  }
0x1b5: {  	[tilespmem:s1], [sflag:$0x2] =	stream.indirect.gather @p0 [hbm4b:s18+s6], $0x40, s0, s6, $0x2000b8;
	[tilespmem:$0x1F800] =	vst v63  }
0x1b6: {  	_ =	swait.ge @p0 [sflag:s5], $0x2000  }
0x1b7: {  	s0 =	simm.s32 @p0 $0x100;
	[sflag:s5] =	ssyncset.done @p0 $0x0  }
0x1b8: {  	s1 =	simm.s32 @p0 $0x9000;
	[sflag:s5] =	ssyncadd.s32 @p0 $0xFFFFE000;
	s5 =	simm.s32 @p0 $0xC  }
0x1b9: {  	[tilespmem:s1], [sflag:$0x3] =	stream.indirect.gather @p0 [hbm4b:s18+s6], $0x40, s0, s6, $0x2000b8;
	[tilespmem:$0x1F800] =	vst v63  }
0x1ba: {  	_ =	swait.ge @p0 [sflag:s5], $0x2000  }
0x1bb: {  	s0 =	simm.s32 @p0 $0x180;
	[sflag:s5] =	ssyncset.done @p0 $0x0  }
0x1bc: {  	s1 =	simm.s32 @p0 $0xB000;
	[sflag:s5] =	ssyncadd.s32 @p0 $0xFFFFE000;
	s5 =	simm.s32 @p0 $0xD  }
0x1bd: {  	[tilespmem:s1], [sflag:$0x4] =	stream.indirect.gather @p0 [hbm4b:s18+s6], $0x40, s0, s6, $0x2000b8;
	[tilespmem:$0x1F800] =	vst v63  }
0x1be: {  	_ =	swait.ge @p0 [sflag:s5], $0x2000  }
0x1bf: {  	s0 =	simm.s32 @p0 $0x200;
	[sflag:s5] =	ssyncset.done @p0 $0x0  }
0x1c0: {  	s1 =	simm.s32 @p0 $0xD000;
	[sflag:s5] =	ssyncadd.s32 @p0 $0xFFFFE000;
	s5 =	simm.s32 @p0 $0xE  }
0x1c1: {  	[tilespmem:s1], [sflag:$0x5] =	stream.indirect.gather @p0 [hbm4b:s18+s6], $0x40, s0, s6, $0x2000b8;
	[tilespmem:$0x1F800] =	vst v63  }
0x1c2: {  	_ =	swait.ge @p0 [sflag:s5], $0x2000  }
0x1c3: {  	s0 =	simm.s32 @p0 $0x280;
	[sflag:s5] =	ssyncset.done @p0 $0x0  }
0x1c4: {  	s1 =	simm.s32 @p0 $0xF000;
	[sflag:s5] =	ssyncadd.s32 @p0 $0xFFFFE000;
	s5 =	simm.s32 @p0 $0xF  }
0x1c5: {  	[tilespmem:s1], [sflag:$0x6] =	stream.indirect.gather @p0 [hbm4b:s18+s6], $0x40, s0, s6, $0x2000b8;
	[tilespmem:$0x1F800] =	vst v63  }
0x1c6: {  	_ =	swait.ge @p0 [sflag:s5], $0x2000  }
0x1c7: {  	s0 =	simm.s32 @p0 $0x300;
	[sflag:s5] =	ssyncset.done @p0 $0x0  }
0x1c8: {  	s1 =	simm.s32 @p0 $0x11000;
	[sflag:s5] =	ssyncadd.s32 @p0 $0xFFFFE000;
	s5 =	simm.s32 @p0 $0x10  }
0x1c9: {  	[tilespmem:s1], [sflag:$0x7] =	stream.indirect.gather @p0 [hbm4b:s18+s6], $0x40, s0, s6, $0x2000b8;
	[tilespmem:$0x1F800] =	vst v63  }
0x1ca: {  	_ =	swait.ge @p0 [sflag:s5], $0x2000  }
0x1cb: {  	s0 =	simm.s32 @!p0 $0x5000;
	[sflag:s5] =	ssyncset.done @p0 $0x0  }
0x1cc: {  	s1 =	simm.s32 @!p0 $0x0;
	[sflag:s5] =	ssyncadd.s32 @p0 $0xFFFFE000;
	s5 =	simm.s32 @!p0 $0x80  }
0x1cd: {  	[tilespmem:s0], [sflag:$0x1] =	stream.indirect.gather @!p0 [hbm4b:s18+s5], $0x40, s1, s5, $0x2000b8;
	[tilespmem:$0x1F800] =	vst v63  }
0x1ce: {  	s0 =	simm.s32 @!p0 $0x7000  }
0x1cf: {  	[tilespmem:s0], [sflag:$0x2] =	stream.indirect.gather @!p0 [hbm4b:s18+s5], $0x40, s5, s5, $0x2000b8;
	[tilespmem:$0x1F800] =	vst v63  }
0x1d0: {  	s1 =	simm.s32 @!p0 $0x9000;
	s0 =	simm.s32 @!p0 $0x100  }
0x1d1: {  	[tilespmem:s1], [sflag:$0x3] =	stream.indirect.gather @!p0 [hbm4b:s18+s5], $0x40, s0, s5, $0x2000b8;
	[tilespmem:$0x1F800] =	vst v63  }
0x1d2: {  	s0 =	simm.s32 @!p0 $0x180;
	s1 =	simm.s32 @!p0 $0xB000  }
0x1d3: {  	[tilespmem:s1], [sflag:$0x4] =	stream.indirect.gather @!p0 [hbm4b:s18+s5], $0x40, s0, s5, $0x2000b8;
	[tilespmem:$0x1F800] =	vst v63  }
0x1d4: {  	s0 =	simm.s32 @!p0 $0x200;
	s1 =	simm.s32 @!p0 $0xD000  }
0x1d5: {  	[tilespmem:s1], [sflag:$0x5] =	stream.indirect.gather @!p0 [hbm4b:s18+s5], $0x40, s0, s5, $0x2000b8;
	[tilespmem:$0x1F800] =	vst v63  }
0x1d6: {  	s0 =	simm.s32 @!p0 $0x280;
	s1 =	simm.s32 @!p0 $0xF000  }
0x1d7: {  	[tilespmem:s1], [sflag:$0x6] =	stream.indirect.gather @!p0 [hbm4b:s18+s5], $0x40, s0, s5, $0x2000b8;
	[tilespmem:$0x1F800] =	vst v63  }
0x1d8: {  	s0 =	simm.s32 @!p0 $0x300;
	s1 =	simm.s32 @!p0 $0x11000  }
0x1d9: {  	[tilespmem:s1], [sflag:$0x7] =	stream.indirect.gather @!p0 [hbm4b:s18+s5], $0x40, s0, s5, $0x2000b8;
	[tilespmem:$0x1F800] =	vst v63  }
0x1da: {  	s24 =	simm.s32 $0x380  }
0x1db: {  	[tilespmem:s9], [sflag:$0x8] =	stream.indirect.gather [hbm4b:s18+s7], $0x40, s24, s7, $0x2000b8;
	[tilespmem:$0x1F800] =	vst v63  }
0x1dc: {  	_ =	swait.ge [sflag:s3], $0x2000  }
0x1dd: {  	[sflag:s3] =	ssyncset.done $0x0  }
0x1de: {  	s25 =	simm.s32 $0x2800;
	[sflag:s3] =	ssyncadd.s32 $0xFFFFE000  }
0x1df: {  	[spmem:s2] =	stream.indirect.scatter.add.f32 [tilespmem:s15], [sflag:$0x9], $0x40, s25, s7, $0x2000b8;
	[tilespmem:$0x1F800] =	vst v63  }
0x1e0: {  	s0 =	simm.s32 @p0 $0x80;
	_ =	swait.ge [sflag:s4], $0x2000  }
0x1e1: {  	s0 =	simm.s32 @!p0 $0x80;
	[sflag:s4] =	ssyncset.done $0x0  }
0x1e2: {  	s0 =	sadd.s32 $0x2800, s0;
	[sflag:s4] =	ssyncadd.s32 $0xFFFFE000  }
0x1e3: {  	[spmem:s2] =	stream.indirect.scatter.add.f32 [tilespmem:s28], [sflag:$0xA], $0x40, s0, s7, $0x2000b8;
	[tilespmem:$0x1F800] =	vst v63  }
0x1e4: {  	s0 =	simm.s32 @p0 $0x100;
	_ =	swait.ge [sflag:s11], $0x2000  }
0x1e5: {  	s0 =	simm.s32 @!p0 $0x100;
	[sflag:s11] =	ssyncset.done $0x0  }
0x1e6: {  	s0 =	sadd.s32 $0x2800, s0;
	[sflag:s11] =	ssyncadd.s32 $0xFFFFE000  }
0x1e7: {  	[spmem:s2] =	stream.indirect.scatter.add.f32 [tilespmem:s8], [sflag:$0xB], $0x40, s0, s7, $0x2000b8;
	[tilespmem:$0x1F800] =	vst v63  }
0x1e8: {  	s0 =	simm.s32 @p0 $0x180;
	_ =	swait.ge [sflag:s13], $0x2000  }
0x1e9: {  	s0 =	simm.s32 @!p0 $0x180;
	[sflag:s13] =	ssyncset.done $0x0  }
0x1ea: {  	s0 =	sadd.s32 $0x2800, s0;
	[sflag:s13] =	ssyncadd.s32 $0xFFFFE000  }
0x1eb: {  	[spmem:s2] =	stream.indirect.scatter.add.f32 [tilespmem:s31], [sflag:$0xC], $0x40, s0, s7, $0x2000b8;
	[tilespmem:$0x1F800] =	vst v63  }
0x1ec: {  	s0 =	simm.s32 @p0 $0x200;
	_ =	swait.ge [sflag:s14], $0x2000  }
0x1ed: {  	s0 =	simm.s32 @!p0 $0x200;
	[sflag:s14] =	ssyncset.done $0x0  }
0x1ee: {  	s0 =	sadd.s32 $0x2800, s0;
	[sflag:s14] =	ssyncadd.s32 $0xFFFFE000  }
0x1ef: {  	[spmem:s2] =	stream.indirect.scatter.add.f32 [tilespmem:s30], [sflag:$0xD], $0x40, s0, s7, $0x2000b8;
	[tilespmem:$0x1F800] =	vst v63  }
0x1f0: {  	s0 =	simm.s32 @p0 $0x280;
	_ =	swait.ge [sflag:s16], $0x2000  }
0x1f1: {  	s29 =	simm.s32 $0x9000;
	s0 =	simm.s32 @!p0 $0x280;
	[sflag:s16] =	ssyncset.done $0x0  }
0x1f2: {  	s20 =	simm.s32 $0xF000;
	s0 =	sadd.s32 $0x2800, s0;
	[sflag:s16] =	ssyncadd.s32 $0xFFFFE000  }
0x1f3: {  	[spmem:s2] =	stream.indirect.scatter.add.f32 [tilespmem:s10], [sflag:$0xE], $0x40, s0, s7, $0x2000b8;
	[tilespmem:$0x1F800] =	vst v63  }
0x1f4: {  	s23 =	simm.s32 $0x1000;
	s0 =	simm.s32 $0x300;
	_ =	swait.ge [sflag:s19], $0x2000  }
0x1f5: {  	s22 =	simm.s32 $0x700;
	s0 =	simm.s32 @!p0 $0x300;
	[sflag:s19] =	ssyncset.done $0x0  }
0x1f6: {  	s24 =	simm.s32 $0x2000;
	s0 =	sadd.s32 $0x2800, s0;
	[sflag:s19] =	ssyncadd.s32 $0xFFFFE000  }
0x1f7: {  	[spmem:s2] =	stream.indirect.scatter.add.f32 [tilespmem:s12], [sflag:$0xF], $0x40, s0, s7, $0x2000b8;
	[tilespmem:$0x1F800] =	vst v63  }
0x1f8: {  	s9 =	simm.s32 $0x13000;
	s8 =	simm.s32 $0x5000;
	_ =	swait.ge [sflag:s21], $0x2000  }
0x1f9: {  	p0 =	por $0x1, $0x1;
	s0 =	simm.s32 $0x2B80;
	[sflag:s21] =	ssyncset.done $0x0  }
.LBB2_6:
0x1fa: {  	s1 =	simm.s32 @p0 $0x9  }
0x1fb: {  	[sflag:s21] =	ssyncadd.s32 $0xFFFFE000;
	s25 =	smov.u32 s24;
	s24 =	sadd.s32 $0x1000, s24  }
0x1fc: {  	[spmem:s2] =	stream.indirect.scatter.add.f32 [tilespmem:s9], [sflag:$0x10], $0x40, s0, s7, $0x2000b8;
	[tilespmem:$0x1F800] =	vst v63  }
0x1fd: {  	p1 =	sne.s32 s24, $0xA000;
	_ =	swait.ge @p0 [sflag:s1], $0x2000  }
0x1fe: {  	s5 =	simm.s32 @p0 $0x5000;
	s6 =	simm.s32 @p0 $0xA;
	[sflag:s1] =	ssyncset.done @p0 $0x0  }
0x1ff: {  	s0 =	simm.s32 @p0 $0x80;
	[sflag:s1] =	ssyncadd.s32 @p0 $0xFFFFE000;
	s1 =	sshra.s32 @p0 s23, $0x2  }
0x200: {  	[tilespmem:s5], [sflag:$0x1] =	stream.indirect.gather @p0 [hbm4b:s18+s0], $0x40, s1, s0, $0x2000b8;
	[tilespmem:$0x1F800] =	vst v63  }
0x201: {  	s5 =	sadd.s32 @p0 $0x80, s1;
	s10 =	sadd.s32 @p0 $0x100, s1;
	_ =	swait.ge @p0 [sflag:s6], $0x2000  }
0x202: {  	s12 =	sadd.s32 @p0 $0x180, s1;
	s15 =	sadd.s32 @p0 $0x200, s1;
	[sflag:s6] =	ssyncset.done @p0 $0x0  }
0x203: {  	s17 =	simm.s32 @p0 $0xB;
	[sflag:s6] =	ssyncadd.s32 @p0 $0xFFFFE000;
	s6 =	simm.s32 @p0 $0x7000  }
0x204: {  	[tilespmem:s6], [sflag:$0x2] =	stream.indirect.gather @p0 [hbm4b:s18+s0], $0x40, s5, s0, $0x2000b8;
	[tilespmem:$0x1F800] =	vst v63  }
0x205: {  	s5 =	sadd.s32 @p0 $0x280, s1;
	s1 =	sadd.s32 @p0 $0x300, s1;
	_ =	swait.ge @p0 [sflag:s17], $0x2000  }
0x206: {  	[sflag:s17] =	ssyncset.done @p0 $0x0  }
0x207: {  	s6 =	simm.s32 @p0 $0x9000;
	[sflag:s17] =	ssyncadd.s32 @p0 $0xFFFFE000;
	s17 =	simm.s32 @p0 $0xC  }
0x208: {  	[tilespmem:s6], [sflag:$0x3] =	stream.indirect.gather @p0 [hbm4b:s18+s0], $0x40, s10, s0, $0x2000b8;
	[tilespmem:$0x1F800] =	vst v63  }
0x209: {  	_ =	swait.ge @p0 [sflag:s17], $0x2000  }
0x20a: {  	[sflag:s17] =	ssyncset.done @p0 $0x0  }
0x20b: {  	s6 =	simm.s32 @p0 $0xB000;
	s10 =	simm.s32 @p0 $0xD;
	[sflag:s17] =	ssyncadd.s32 @p0 $0xFFFFE000  }
0x20c: {  	[tilespmem:s6], [sflag:$0x4] =	stream.indirect.gather @p0 [hbm4b:s18+s0], $0x40, s12, s0, $0x2000b8;
	[tilespmem:$0x1F800] =	vst v63  }
0x20d: {  	s12 =	simm.s32 $0x11000  }
0x20e: {  	_ =	swait.ge @p0 [sflag:s10], $0x2000  }
0x20f: {  	[sflag:s10] =	ssyncset.done @p0 $0x0  }
0x210: {  	s6 =	simm.s32 @p0 $0xD000;
	[sflag:s10] =	ssyncadd.s32 @p0 $0xFFFFE000;
	s10 =	simm.s32 @p0 $0xE  }
0x211: {  	[tilespmem:s6], [sflag:$0x5] =	stream.indirect.gather @p0 [hbm4b:s18+s0], $0x40, s15, s0, $0x2000b8;
	[tilespmem:$0x1F800] =	vst v63  }
0x212: {  	_ =	swait.ge @p0 [sflag:s10], $0x2000  }
0x213: {  	[sflag:s10] =	ssyncset.done @p0 $0x0  }
0x214: {  	s6 =	simm.s32 @p0 $0xF000;
	[sflag:s10] =	ssyncadd.s32 @p0 $0xFFFFE000;
	s10 =	simm.s32 @p0 $0xF  }
0x215: {  	[tilespmem:s6], [sflag:$0x6] =	stream.indirect.gather @p0 [hbm4b:s18+s0], $0x40, s5, s0, $0x2000b8;
	[tilespmem:$0x1F800] =	vst v63  }
0x216: {  	_ =	swait.ge @p0 [sflag:s10], $0x2000  }
0x217: {  	[sflag:s10] =	ssyncset.done @p0 $0x0  }
0x218: {  	s5 =	simm.s32 @p0 $0x11000;
	s6 =	simm.s32 @p0 $0x10;
	[sflag:s10] =	ssyncadd.s32 @p0 $0xFFFFE000  }
0x219: {  	[tilespmem:s5], [sflag:$0x7] =	stream.indirect.gather @p0 [hbm4b:s18+s0], $0x40, s1, s0, $0x2000b8;
	[tilespmem:$0x1F800] =	vst v63  }
0x21a: {  	_ =	swait.ge @p0 [sflag:s6], $0x2000  }
0x21b: {  	s0 =	simm.s32 @!p0 $0x5000;
	[sflag:s6] =	ssyncset.done @p0 $0x0  }
0x21c: {  	s1 =	sshra.s32 @!p0 s23, $0x2;
	s5 =	simm.s32 @!p0 $0x80;
	[sflag:s6] =	ssyncadd.s32 @p0 $0xFFFFE000  }
0x21d: {  	[tilespmem:s0], [sflag:$0x1] =	stream.indirect.gather @!p0 [hbm4b:s18+s5], $0x40, s1, s5, $0x2000b8;
	[tilespmem:$0x1F800] =	vst v63  }
0x21e: {  	s0 =	simm.s32 @!p0 $0x7000  }
0x21f: {  	[tilespmem:s0], [sflag:$0x2] =	stream.indirect.gather @!p0 [hbm4b:s18+s5], $0x40, s5, s5, $0x2000b8;
	[tilespmem:$0x1F800] =	vst v63  }
0x220: {  	s1 =	simm.s32 @!p0 $0x9000;
	s0 =	simm.s32 @!p0 $0x100  }
0x221: {  	[tilespmem:s1], [sflag:$0x3] =	stream.indirect.gather @!p0 [hbm4b:s18+s5], $0x40, s0, s5, $0x2000b8;
	[tilespmem:$0x1F800] =	vst v63  }
0x222: {  	s0 =	simm.s32 @!p0 $0x180;
	s1 =	simm.s32 @!p0 $0xB000  }
0x223: {  	[tilespmem:s1], [sflag:$0x4] =	stream.indirect.gather @!p0 [hbm4b:s18+s5], $0x40, s0, s5, $0x2000b8;
	[tilespmem:$0x1F800] =	vst v63  }
0x224: {  	s0 =	simm.s32 @!p0 $0x200;
	s1 =	simm.s32 @!p0 $0xD000  }
0x225: {  	[tilespmem:s1], [sflag:$0x5] =	stream.indirect.gather @!p0 [hbm4b:s18+s5], $0x40, s0, s5, $0x2000b8;
	[tilespmem:$0x1F800] =	vst v63  }
0x226: {  	s0 =	simm.s32 @!p0 $0x280;
	s1 =	simm.s32 @!p0 $0xF000  }
0x227: {  	[tilespmem:s1], [sflag:$0x6] =	stream.indirect.gather @!p0 [hbm4b:s18+s5], $0x40, s0, s5, $0x2000b8;
	[tilespmem:$0x1F800] =	vst v63  }
0x228: {  	s6 =	sshra.s32 s23, $0x2;
	s0 =	simm.s32 @!p0 $0x300;
	s1 =	simm.s32 @!p0 $0x11000  }
0x229: {  	[tilespmem:s1], [sflag:$0x7] =	stream.indirect.gather @!p0 [hbm4b:s18+s5], $0x40, s0, s5, $0x2000b8;
	[tilespmem:$0x1F800] =	vst v63  }
0x22a: {  	s23 =	smov.u32 s25;
	s0 =	sadd.s32 $0x380, s6  }
0x22b: {  	[tilespmem:s9], [sflag:$0x8] =	stream.indirect.gather [hbm4b:s18+s7], $0x40, s0, s7, $0x2000b8;
	[tilespmem:$0x1F800] =	vst v63  }
0x22c: {  	_ =	swait.ge [sflag:s3], $0x2000  }
0x22d: {  	[sflag:s3] =	ssyncset.done $0x0  }
0x22e: {  	s0 =	sadd.s32 $0x2800, s6;
	[sflag:s3] =	ssyncadd.s32 $0xFFFFE000  }
0x22f: {  	[spmem:s2] =	stream.indirect.scatter.add.f32 [tilespmem:s8], [sflag:$0x9], $0x40, s0, s7, $0x2000b8;
	[tilespmem:$0x1F800] =	vst v63  }
0x230: {  	s0 =	sadd.s32 @p0 $0xFFFFFD80, s22;
	_ =	swait.ge [sflag:s4], $0x2000  }
0x231: {  	s0 =	simm.s32 @!p0 $0x80;
	[sflag:s4] =	ssyncset.done $0x0  }
0x232: {  	s0 =	sadd.s32 $0x2800, s0;
	[sflag:s4] =	ssyncadd.s32 $0xFFFFE000  }
0x233: {  	[spmem:s2] =	stream.indirect.scatter.add.f32 [tilespmem:s28], [sflag:$0xA], $0x40, s0, s7, $0x2000b8;
	[tilespmem:$0x1F800] =	vst v63  }
0x234: {  	s0 =	sadd.s32 @p0 $0xFFFFFE00, s22;
	_ =	swait.ge [sflag:s11], $0x2000  }
0x235: {  	s0 =	simm.s32 @!p0 $0x100;
	[sflag:s11] =	ssyncset.done $0x0  }
0x236: {  	s0 =	sadd.s32 $0x2800, s0;
	[sflag:s11] =	ssyncadd.s32 $0xFFFFE000  }
0x237: {  	[spmem:s2] =	stream.indirect.scatter.add.f32 [tilespmem:s29], [sflag:$0xB], $0x40, s0, s7, $0x2000b8;
	[tilespmem:$0x1F800] =	vst v63  }
0x238: {  	s0 =	sadd.s32 @p0 $0xFFFFFE80, s22;
	_ =	swait.ge [sflag:s13], $0x2000  }
0x239: {  	s0 =	simm.s32 @!p0 $0x180;
	[sflag:s13] =	ssyncset.done $0x0  }
0x23a: {  	s0 =	sadd.s32 $0x2800, s0;
	[sflag:s13] =	ssyncadd.s32 $0xFFFFE000  }
0x23b: {  	[spmem:s2] =	stream.indirect.scatter.add.f32 [tilespmem:s31], [sflag:$0xC], $0x40, s0, s7, $0x2000b8;
	[tilespmem:$0x1F800] =	vst v63  }
0x23c: {  	s0 =	sadd.s32 @p0 $0xFFFFFF00, s22;
	_ =	swait.ge [sflag:s14], $0x2000  }
0x23d: {  	s0 =	simm.s32 @!p0 $0x200;
	[sflag:s14] =	ssyncset.done $0x0  }
0x23e: {  	s0 =	sadd.s32 $0x2800, s0;
	[sflag:s14] =	ssyncadd.s32 $0xFFFFE000  }
0x23f: {  	[spmem:s2] =	stream.indirect.scatter.add.f32 [tilespmem:s30], [sflag:$0xD], $0x40, s0, s7, $0x2000b8;
	[tilespmem:$0x1F800] =	vst v63  }
0x240: {  	s0 =	sadd.s32 @p0 $0xFFFFFF80, s22;
	_ =	swait.ge [sflag:s16], $0x2000  }
0x241: {  	s0 =	simm.s32 @!p0 $0x280;
	[sflag:s16] =	ssyncset.done $0x0  }
0x242: {  	s0 =	sadd.s32 $0x2800, s0;
	[sflag:s16] =	ssyncadd.s32 $0xFFFFE000  }
0x243: {  	[spmem:s2] =	stream.indirect.scatter.add.f32 [tilespmem:s20], [sflag:$0xE], $0x40, s0, s7, $0x2000b8;
	[tilespmem:$0x1F800] =	vst v63  }
0x244: {  	s0 =	smov.u32 s22;
	_ =	swait.ge [sflag:s19], $0x2000  }
.Ltmp2:
0x245: {  	s0 =	simm.s32 @!p0 $0x300;
	[sflag:s19] =	ssyncset.done $0x0;
	(pc) =	sbr.rel @p1 .LBB2_6-.Ltmp2, $4  }
0x246: {  	s0 =	sadd.s32 $0x2800, s0;
	[sflag:s19] =	ssyncadd.s32 $0xFFFFE000  }
0x247: {  	[spmem:s2] =	stream.indirect.scatter.add.f32 [tilespmem:s12], [sflag:$0xF], $0x40, s0, s7, $0x2000b8;
	[tilespmem:$0x1F800] =	vst v63  }
0x248: {  	s22 =	sadd.s32 $0x400, s22;
	_ =	swait.ge [sflag:s21], $0x2000  }
0x249: {  	p0 =	sne.s32 s23, $0x0;
	s0 =	sadd.s32 $0x2B80, s6;
	[sflag:s21] =	ssyncset.done $0x0  }
0x24a: {  	s1 =	simm.s32 @p0 $0x9;
	[sflag:s21] =	ssyncadd.s32 $0xFFFFE000  }
0x24b: {  	[spmem:s2] =	stream.indirect.scatter.add.f32 [tilespmem:s9], [sflag:$0x10], $0x40, s0, s7, $0x2000b8;
	[tilespmem:$0x1F800] =	vst v63  }
0x24c: {  	_ =	swait.ge @p0 [sflag:s1], $0x2000  }
0x24d: {  	s5 =	simm.s32 @p0 $0xA;
	s6 =	simm.s32 @p0 $0x80;
	[sflag:s1] =	ssyncset.done @p0 $0x0  }
0x24e: {  	s0 =	simm.s32 @p0 $0x5000;
	[sflag:s1] =	ssyncadd.s32 @p0 $0xFFFFE000;
	s1 =	sshra.s32 @p0 s23, $0x2  }
0x24f: {  	[tilespmem:s0], [sflag:$0x1] =	stream.indirect.gather @p0 [hbm4b:s18+s6], $0x40, s1, s6, $0x2000b8;
	[tilespmem:$0x1F800] =	vst v63  }
0x250: {  	_ =	swait.ge @p0 [sflag:s5], $0x2000  }
0x251: {  	[sflag:s5] =	ssyncset.done @p0 $0x0  }
0x252: {  	s0 =	sadd.s32 @p0 $0x80, s1;
	[sflag:s5] =	ssyncadd.s32 @p0 $0xFFFFE000;
	s5 =	simm.s32 @p0 $0x7000  }
0x253: {  	[tilespmem:s5], [sflag:$0x2] =	stream.indirect.gather @p0 [hbm4b:s18+s6], $0x40, s0, s6, $0x2000b8;
	[tilespmem:$0x1F800] =	vst v63  }
0x254: {  	s0 =	simm.s32 @p0 $0xB  }
0x255: {  	_ =	swait.ge @p0 [sflag:s0], $0x2000  }
0x256: {  	[sflag:s0] =	ssyncset.done @p0 $0x0  }
0x257: {  	s5 =	sadd.s32 @p0 $0x100, s1;
	[sflag:s0] =	ssyncadd.s32 @p0 $0xFFFFE000;
	s0 =	simm.s32 @p0 $0x9000  }
0x258: {  	[tilespmem:s0], [sflag:$0x3] =	stream.indirect.gather @p0 [hbm4b:s18+s6], $0x40, s5, s6, $0x2000b8;
	[tilespmem:$0x1F800] =	vst v63  }
0x259: {  	s0 =	simm.s32 @p0 $0xC  }
0x25a: {  	_ =	swait.ge @p0 [sflag:s0], $0x2000  }
0x25b: {  	[sflag:s0] =	ssyncset.done @p0 $0x0  }
0x25c: {  	s5 =	sadd.s32 @p0 $0x180, s1;
	[sflag:s0] =	ssyncadd.s32 @p0 $0xFFFFE000;
	s0 =	simm.s32 @p0 $0xB000  }
0x25d: {  	[tilespmem:s0], [sflag:$0x4] =	stream.indirect.gather @p0 [hbm4b:s18+s6], $0x40, s5, s6, $0x2000b8;
	[tilespmem:$0x1F800] =	vst v63  }
0x25e: {  	s0 =	simm.s32 @p0 $0xD  }
0x25f: {  	_ =	swait.ge @p0 [sflag:s0], $0x2000  }
0x260: {  	[sflag:s0] =	ssyncset.done @p0 $0x0  }
0x261: {  	s5 =	sadd.s32 @p0 $0x200, s1;
	[sflag:s0] =	ssyncadd.s32 @p0 $0xFFFFE000;
	s0 =	simm.s32 @p0 $0xD000  }
0x262: {  	[tilespmem:s0], [sflag:$0x5] =	stream.indirect.gather @p0 [hbm4b:s18+s6], $0x40, s5, s6, $0x2000b8;
	[tilespmem:$0x1F800] =	vst v63  }
0x263: {  	s0 =	simm.s32 @p0 $0xE  }
0x264: {  	_ =	swait.ge @p0 [sflag:s0], $0x2000  }
0x265: {  	[sflag:s0] =	ssyncset.done @p0 $0x0  }
0x266: {  	s5 =	sadd.s32 @p0 $0x280, s1;
	[sflag:s0] =	ssyncadd.s32 @p0 $0xFFFFE000;
	s0 =	simm.s32 @p0 $0xF000  }
0x267: {  	[tilespmem:s0], [sflag:$0x6] =	stream.indirect.gather @p0 [hbm4b:s18+s6], $0x40, s5, s6, $0x2000b8;
	[tilespmem:$0x1F800] =	vst v63  }
0x268: {  	s0 =	simm.s32 @p0 $0xF  }
0x269: {  	_ =	swait.ge @p0 [sflag:s0], $0x2000  }
0x26a: {  	[sflag:s0] =	ssyncset.done @p0 $0x0  }
0x26b: {  	s1 =	sadd.s32 @p0 $0x300, s1;
	[sflag:s0] =	ssyncadd.s32 @p0 $0xFFFFE000;
	s0 =	simm.s32 @p0 $0x11000  }
0x26c: {  	[tilespmem:s0], [sflag:$0x7] =	stream.indirect.gather @p0 [hbm4b:s18+s6], $0x40, s1, s6, $0x2000b8;
	[tilespmem:$0x1F800] =	vst v63  }
0x26d: {  	s0 =	simm.s32 @p0 $0x10  }
0x26e: {  	_ =	swait.ge @p0 [sflag:s0], $0x2000  }
0x26f: {  	s5 =	simm.s32 @!p0 $0x80;
	[sflag:s0] =	ssyncset.done @p0 $0x0  }
0x270: {  	s1 =	simm.s32 @!p0 $0x5000;
	[sflag:s0] =	ssyncadd.s32 @p0 $0xFFFFE000;
	s0 =	sshra.s32 @!p0 s23, $0x2  }
0x271: {  	[tilespmem:s1], [sflag:$0x1] =	stream.indirect.gather @!p0 [hbm4b:s18+s5], $0x40, s0, s5, $0x2000b8;
	[tilespmem:$0x1F800] =	vst v63  }
0x272: {  	s0 =	simm.s32 @!p0 $0x7000  }
0x273: {  	[tilespmem:s0], [sflag:$0x2] =	stream.indirect.gather @!p0 [hbm4b:s18+s5], $0x40, s5, s5, $0x2000b8;
	[tilespmem:$0x1F800] =	vst v63  }
0x274: {  	s1 =	simm.s32 @!p0 $0x9000;
	s0 =	simm.s32 @!p0 $0x100  }
0x275: {  	[tilespmem:s1], [sflag:$0x3] =	stream.indirect.gather @!p0 [hbm4b:s18+s5], $0x40, s0, s5, $0x2000b8;
	[tilespmem:$0x1F800] =	vst v63  }
0x276: {  	s0 =	simm.s32 @!p0 $0x180;
	s1 =	simm.s32 @!p0 $0xB000  }
0x277: {  	[tilespmem:s1], [sflag:$0x4] =	stream.indirect.gather @!p0 [hbm4b:s18+s5], $0x40, s0, s5, $0x2000b8;
	[tilespmem:$0x1F800] =	vst v63  }
0x278: {  	s0 =	simm.s32 @!p0 $0x200;
	s1 =	simm.s32 @!p0 $0xD000  }
0x279: {  	[tilespmem:s1], [sflag:$0x5] =	stream.indirect.gather @!p0 [hbm4b:s18+s5], $0x40, s0, s5, $0x2000b8;
	[tilespmem:$0x1F800] =	vst v63  }
0x27a: {  	s0 =	simm.s32 @!p0 $0x280;
	s1 =	simm.s32 @!p0 $0xF000  }
0x27b: {  	[tilespmem:s1], [sflag:$0x6] =	stream.indirect.gather @!p0 [hbm4b:s18+s5], $0x40, s0, s5, $0x2000b8;
	[tilespmem:$0x1F800] =	vst v63  }
0x27c: {  	s6 =	sshra.s32 s23, $0x2;
	s0 =	simm.s32 @!p0 $0x300;
	s1 =	simm.s32 @!p0 $0x11000  }
0x27d: {  	[tilespmem:s1], [sflag:$0x7] =	stream.indirect.gather @!p0 [hbm4b:s18+s5], $0x40, s0, s5, $0x2000b8;
	[tilespmem:$0x1F800] =	vst v63  }
0x27e: {  	s10 =	sadd.s32 $0x380, s6  }
0x27f: {  	[tilespmem:s9], [sflag:$0x8] =	stream.indirect.gather [hbm4b:s18+s7], $0x40, s10, s7, $0x2000b8;
	[tilespmem:$0x1F800] =	vst v63  }
0x280: {  	_ =	swait.ge [sflag:s3], $0x2000  }
0x281: {  	[sflag:s3] =	ssyncset.done $0x0  }
0x282: {  	s15 =	sadd.s32 $0x2800, s6;
	[sflag:s3] =	ssyncadd.s32 $0xFFFFE000  }
0x283: {  	[spmem:s2] =	stream.indirect.scatter.add.f32 [tilespmem:s8], [sflag:$0x9], $0x40, s15, s7, $0x2000b8;
	[tilespmem:$0x1F800] =	vst v63  }
0x284: {  	s1 =	sadd.s32 @p0 $0xFFFFFD80, s22;
	_ =	swait.ge [sflag:s4], $0x2000  }
0x285: {  	s1 =	simm.s32 @!p0 $0x80;
	[sflag:s4] =	ssyncset.done $0x0  }
0x286: {  	s1 =	sadd.s32 $0x2800, s1;
	[sflag:s4] =	ssyncadd.s32 $0xFFFFE000  }
0x287: {  	[spmem:s2] =	stream.indirect.scatter.add.f32 [tilespmem:s28], [sflag:$0xA], $0x40, s1, s7, $0x2000b8;
	[tilespmem:$0x1F800] =	vst v63  }
0x288: {  	s1 =	sadd.s32 @p0 $0xFFFFFE00, s22;
	_ =	swait.ge [sflag:s11], $0x2000  }
0x289: {  	s1 =	simm.s32 @!p0 $0x100;
	[sflag:s11] =	ssyncset.done $0x0  }
0x28a: {  	s1 =	sadd.s32 $0x2800, s1;
	[sflag:s11] =	ssyncadd.s32 $0xFFFFE000  }
0x28b: {  	[spmem:s2] =	stream.indirect.scatter.add.f32 [tilespmem:s29], [sflag:$0xB], $0x40, s1, s7, $0x2000b8;
	[tilespmem:$0x1F800] =	vst v63  }
0x28c: {  	s1 =	sadd.s32 @p0 $0xFFFFFE80, s22;
	_ =	swait.ge [sflag:s13], $0x2000  }
0x28d: {  	s1 =	simm.s32 @!p0 $0x180;
	[sflag:s13] =	ssyncset.done $0x0  }
0x28e: {  	s1 =	sadd.s32 $0x2800, s1;
	[sflag:s13] =	ssyncadd.s32 $0xFFFFE000  }
0x28f: {  	[spmem:s2] =	stream.indirect.scatter.add.f32 [tilespmem:s31], [sflag:$0xC], $0x40, s1, s7, $0x2000b8;
	[tilespmem:$0x1F800] =	vst v63  }
0x290: {  	s1 =	sadd.s32 @p0 $0xFFFFFF00, s22;
	_ =	swait.ge [sflag:s14], $0x2000  }
0x291: {  	s1 =	simm.s32 @!p0 $0x200;
	[sflag:s14] =	ssyncset.done $0x0  }
0x292: {  	s1 =	sadd.s32 $0x2800, s1;
	[sflag:s14] =	ssyncadd.s32 $0xFFFFE000  }
0x293: {  	[spmem:s2] =	stream.indirect.scatter.add.f32 [tilespmem:s30], [sflag:$0xD], $0x40, s1, s7, $0x2000b8;
	[tilespmem:$0x1F800] =	vst v63  }
0x294: {  	s1 =	sadd.s32 @p0 $0xFFFFFF80, s22;
	_ =	swait.ge [sflag:s16], $0x2000  }
0x295: {  	s1 =	simm.s32 @!p0 $0x280;
	[sflag:s16] =	ssyncset.done $0x0  }
0x296: {  	s1 =	sadd.s32 $0x2800, s1;
	[sflag:s16] =	ssyncadd.s32 $0xFFFFE000  }
0x297: {  	[spmem:s2] =	stream.indirect.scatter.add.f32 [tilespmem:s20], [sflag:$0xE], $0x40, s1, s7, $0x2000b8;
	[tilespmem:$0x1F800] =	vst v63  }
0x298: {  	_ =	swait.ge [sflag:s19], $0x2000  }
0x299: {  	s22 =	simm.s32 @!p0 $0x300;
	[sflag:s19] =	ssyncset.done $0x0  }
0x29a: {  	s17 =	sadd.s32 $0x2800, s22;
	[sflag:s19] =	ssyncadd.s32 $0xFFFFE000  }
0x29b: {  	[spmem:s2] =	stream.indirect.scatter.add.f32 [tilespmem:s12], [sflag:$0xF], $0x40, s17, s7, $0x2000b8;
	[tilespmem:$0x1F800] =	vst v63  }
0x29c: {  	_ =	swait.ge [sflag:s21], $0x2000  }
0x29d: {  	[sflag:s21] =	ssyncset.done $0x0  }
0x29e: {  	s0 =	sadd.s32 $0x2B80, s6;
	s22 =	simm.s32 $0x9;
	[sflag:s21] =	ssyncadd.s32 $0xFFFFE000  }
0x29f: {  	[spmem:s2] =	stream.indirect.scatter.add.f32 [tilespmem:s9], [sflag:$0x10], $0x40, s0, s7, $0x2000b8;
	[tilespmem:$0x1F800] =	vst v63  }
0x2a0: {  	_ =	swait.ge [sflag:s22], $0x2000  }
0x2a1: {  	[sflag:s22] =	ssyncset.done $0x0  }
0x2a2: {  	s23 =	simm.s32 $0xA;
	[sflag:s22] =	ssyncadd.s32 $0xFFFFE000  }
0x2a3: {  	_ =	swait.ge [sflag:s23], $0x2000  }
0x2a4: {  	[sflag:s23] =	ssyncset.done $0x0  }
0x2a5: {  	s24 =	simm.s32 $0xB;
	[sflag:s23] =	ssyncadd.s32 $0xFFFFE000  }
0x2a6: {  	_ =	swait.ge [sflag:s24], $0x2000  }
0x2a7: {  	[sflag:s24] =	ssyncset.done $0x0  }
0x2a8: {  	s25 =	simm.s32 $0xC;
	[sflag:s24] =	ssyncadd.s32 $0xFFFFE000  }
0x2a9: {  	_ =	swait.ge [sflag:s25], $0x2000  }
0x2aa: {  	[sflag:s25] =	ssyncset.done $0x0  }
0x2ab: {  	s1 =	simm.s32 $0xD;
	[sflag:s25] =	ssyncadd.s32 $0xFFFFE000  }
0x2ac: {  	_ =	swait.ge [sflag:s1], $0x2000  }
0x2ad: {  	[sflag:s1] =	ssyncset.done $0x0  }
0x2ae: {  	s5 =	simm.s32 $0xE;
	[sflag:s1] =	ssyncadd.s32 $0xFFFFE000  }
0x2af: {  	_ =	swait.ge [sflag:s5], $0x2000  }
0x2b0: {  	[sflag:s5] =	ssyncset.done $0x0  }
0x2b1: {  	s6 =	simm.s32 $0xF;
	[sflag:s5] =	ssyncadd.s32 $0xFFFFE000  }
0x2b2: {  	_ =	swait.ge [sflag:s6], $0x2000  }
0x2b3: {  	[sflag:s6] =	ssyncset.done $0x0  }
0x2b4: {  	s10 =	simm.s32 $0x10;
	[sflag:s6] =	ssyncadd.s32 $0xFFFFE000  }
0x2b5: {  	_ =	swait.ge [sflag:s10], $0x2000  }
0x2b6: {  	[sflag:s10] =	ssyncset.done $0x0  }
0x2b7: {  	[sflag:s10] =	ssyncadd.s32 $0xFFFFE000  }
0x2b8: {  	_ =	strace $0x90000049  }
0x2b9: {  	s15 =	stileid.u32;
	[bflag:$0x0] =	sbarrier.arrive $0xFFFF  }
0x2ba: {  	s0 =	sshll.u32 s15, $0x6;
	_ =	strace $0x8000004A  }
0x2bb: {  	s0 =	sor.u32 $0x1C12, s0;
	s10 =	rddreg [dreg:$0x8]  }
0x2bc: {  	s23 =	simm.s32 $0x12;
	s22 =	rddreg [dreg:$0x1e];
	s17 =	sshrl.u32 s10, $0x3  }
0x2bd: {  	[hbm:s22], [sflag:s0] =	dma.local [spmem:s17], $0x1400  }
0x2be: {  	_ =	swait.ge [sflag:s23], $0x1400  }
0x2bf: {  	s24 =	sld [smem:$0x7FD];
	_ =	sdelay $0x2  }
0x2c0: {  	s25 =	rddreg [dreg:$0x1f];
	s1 =	sadd.s32 $0x1, s24  }
0x2c1: {  	p0 =	sne.s32 s1, s25  }
.Ltmp3:
0x2c2: {  	_ = 	snop;
	(pc) =	sbr.rel @p0 .LBB2_1-.Ltmp3, $4  }
0x2c3: {  	_ = 	snop  }
0x2c4: {  	[sflag:s23] =	ssyncset.done $0x0  }
0x2c5: {  	[sflag:s23] =	ssyncadd.s32 $0xFFFFEC00  }
0x2c6: {  	_ =	strace $0x9000004A  }
0x2c7: {  	_ =	sfence.sel $0x180000  }
0x2c8: {  	[bflag:$0x0] =	sbarrier.arrive $0xFFFF  }
0x2c9: {  	_ =	strace $0x90000047  }
0x2ca: {  	s0 =	stileid.u32;
	[bflag:$0x2] =	sbarrier.arrive $0xFFFF  }
0x2cb: {  	p0 =	sne.s32 s0, $0x0;
	s0 =	rddreg [dreg:$0x5]  }
0x2cc: {  	s0 =	sadd.s32 @!p0 $0x100000, s0  }
0x2cd: {  	[sflag:s0] =	ssyncadd.tile.s32 @!p0 $0x1;
	_ =	shalt  }
.Lfunc_end2:
_tile_overlayer_lowered:
.L_overlay_start_2:
0x2ce: {  	(tag) =	ssettag $0x2  }
0x2cf: {  	s0 =	rddreg [dreg:$0x0];
	s2 =	stileid.u32  }
0x2d0: {  	s1 =	rddreg [dreg:$0x1];
	p0 =	sne.s32 s2, $0x0  }
0x2d1: {  	s3 =	rddreg [dreg:$0x2];
	[bflag:$0x3] =	sbarrier.arrive $0xFFFF;
	s2 =	simm.s32 @!p0 $0x1C12  }
0x2d2: {  	[timem:s3], [sflag:s2] =	dma.local @!p0 [hbm:s0], s1  }
0x2d3: {  	s0 =	simm.s32 @!p0 $0x12  }
0x2d4: {  	_ =	swait.ge @!p0 [sflag:s0], s1  }
0x2d5: {  	s1 =	ssub.s32 @!p0 $0x0, s1;
	[sflag:s0] =	ssyncset.done @!p0 $0x0  }
0x2d6: {  	[sflag:s0] =	ssyncadd.s32 @!p0 s1  }
0x2d7: {  	[bflag:$0x3] =	sbarrier.arrive $0xFFFF  }
0x2d8: {  	_ =	shalt  }

</sc_bundles>
